<compile_context>
chip_gen: v7x
topology: tpu7x:2x2x1
jax: 0.10.2.dev20260603
libtpu: 0.0.44.dev20260713+nightly
codegen_flags: <defaults>
</compile_context>

<pallas_src>
import functools

import jax
import jax.numpy as jnp
from jax import lax
from jax.experimental import pallas as pl
from jax.experimental.pallas import tpu as pltpu
from jax.experimental.pallas import tpu_sc as plsc

N = 10000
E = 320000
D_IN = 128
D_HID = 256

NP = 10112
ROWS_PER_TILE = NP // 16
B = 128
NB16 = 160
NB32 = 80
NBG = NB16 // 8
EPAD = 16 * NB16 * B

_CHUNKS = [(0, 128), (128, 128), (256, 128), (384, 128), (512, 120)]

_MESH = plsc.VectorSubcoreMesh(core_axis_name="c", subcore_axis_name="s")



@functools.partial(
    pl.kernel,
    out_type=jax.ShapeDtypeStruct((2, NP, 128), jnp.float32),
    mesh=_MESH,
    scratch_types=[
        pltpu.VMEM_SHARED((NP, 128), jnp.float32),
        pltpu.VMEM((8, B), jnp.int32),
        pltpu.VMEM((B, 128), jnp.float32),
    ],
)
def _sc_degree(dst32, zrow, orow, deg_out, deg_sh, dstv, obuf):
    c = lax.axis_index("c")
    s = lax.axis_index("s")
    w = c * 16 + s
    pltpu.sync_copy(zrow, obuf)
    base = s * ROWS_PER_TILE
    for off, ln in _CHUNKS:
        pltpu.sync_copy(obuf.at[pl.ds(0, ln)], deg_sh.at[pl.ds(base + off, ln)])
    plsc.subcore_barrier()
    pltpu.sync_copy(orow, obuf)

    def body(g, carry):
        pltpu.sync_copy(dst32.at[w].at[pl.ds(g * 8, 8)], dstv)
        for b in range(8):
            pltpu.sync_copy(obuf, deg_sh.at[dstv.at[b]], add=True)
        return carry

    lax.fori_loop(0, NB32 // 8, body, 0)
    plsc.subcore_barrier()
    for off, ln in _CHUNKS:
        pltpu.sync_copy(deg_sh.at[pl.ds(base + off, ln)], obuf.at[pl.ds(0, ln)])
        pltpu.sync_copy(obuf.at[pl.ds(0, ln)], deg_out.at[c].at[pl.ds(base + off, ln)])


@functools.partial(
    pl.kernel,
    out_type=jax.ShapeDtypeStruct((2, NP, 128), jnp.float32),
    mesh=_MESH,
    scratch_types=[
        pltpu.VMEM_SHARED((NP, 128), jnp.float32),
        pltpu.VMEM((8, B), jnp.int32),
        pltpu.VMEM((8, B), jnp.int32),
        pltpu.VMEM((B, 128), jnp.float32),
        pltpu.SemaphoreType.DMA,
    ],
)
def _sc_scatter(y, src16, dst16, zrow, acc_out,
                acc_sh, srcv, dstv, gbuf, sem):
    c = lax.axis_index("c")
    s = lax.axis_index("s")
    pltpu.sync_copy(zrow, gbuf)
    base = s * ROWS_PER_TILE
    for off, ln in _CHUNKS:
        pltpu.sync_copy(gbuf.at[pl.ds(0, ln)], acc_sh.at[pl.ds(base + off, ln)])
    plsc.subcore_barrier()

    def body(g, carry):
        pltpu.sync_copy(src16.at[s].at[pl.ds(g * 8, 8)], srcv)
        pltpu.sync_copy(dst16.at[s].at[pl.ds(g * 8, 8)], dstv)
        for b in range(8):
            pltpu.async_copy(y.at[c].at[srcv.at[b]], gbuf, sem).wait()
            pltpu.sync_copy(gbuf, acc_sh.at[dstv.at[b]], add=True)
        return carry

    lax.fori_loop(0, NBG, body, 0)
    plsc.subcore_barrier()
    for off, ln in _CHUNKS:
        pltpu.sync_copy(acc_sh.at[pl.ds(base + off, ln)], gbuf.at[pl.ds(0, ln)])
        pltpu.sync_copy(gbuf.at[pl.ds(0, ln)], acc_out.at[c].at[pl.ds(base + off, ln)])



_R = 1000


def _dinv_from(deg_ref):
    dtot = 1.0 + deg_ref[0, :, 0] + deg_ref[1, :, 0]
    return lax.rsqrt(dtot)[:, None]


def _k_first(x_ref, w_ref, deg_ref, y_ref):
    dinv = _dinv_from(deg_ref)
    y = jnp.dot(x_ref[...], w_ref[...], preferred_element_type=jnp.float32) * dinv
    y_ref[0] = y[:, :128]
    y_ref[1] = y[:, 128:]


def _k_mid(acc_ref, y_ref, deg_ref, b_ref, w_ref, o_ref):
    dinv = _dinv_from(deg_ref)
    cat = jnp.concatenate(
        [acc_ref[0] + y_ref[0], acc_ref[1] + y_ref[1]], axis=1)
    h = jnp.maximum(cat * dinv + b_ref[0], 0.0)
    y2 = jnp.dot(h, w_ref[...], preferred_element_type=jnp.float32) * dinv
    o_ref[0] = y2[:, :128]
    o_ref[1] = y2[:, 128:]


def _k_last(acc_ref, y_ref, deg_ref, b_ref, o_ref):
    dinv = _dinv_from(deg_ref)
    cat = jnp.concatenate(
        [acc_ref[0] + y_ref[0], acc_ref[1] + y_ref[1]], axis=1)
    o_ref[...] = cat * dinv + b_ref[0]


def _tc_first(x, w, deg2):
    return pl.pallas_call(
        _k_first,
        grid=(N // _R,),
        in_specs=[
            pl.BlockSpec((_R, D_IN), lambda i: (i, 0)),
            pl.BlockSpec((D_IN, D_HID), lambda i: (0, 0)),
            pl.BlockSpec((2, _R, 128), lambda i: (0, i, 0)),
        ],
        out_specs=pl.BlockSpec((2, _R, 128), lambda i: (0, i, 0)),
        out_shape=jax.ShapeDtypeStruct((2, N, 128), jnp.float32),
    )(x, w, deg2)


def _tc_mid(acc, y, deg2, b, w):
    return pl.pallas_call(
        _k_mid,
        grid=(N // _R,),
        in_specs=[
            pl.BlockSpec((2, _R, 128), lambda i: (0, i, 0)),
            pl.BlockSpec((2, _R, 128), lambda i: (0, i, 0)),
            pl.BlockSpec((2, _R, 128), lambda i: (0, i, 0)),
            pl.BlockSpec((1, D_HID), lambda i: (0, 0)),
            pl.BlockSpec((D_HID, D_HID), lambda i: (0, 0)),
        ],
        out_specs=pl.BlockSpec((2, _R, 128), lambda i: (0, i, 0)),
        out_shape=jax.ShapeDtypeStruct((2, N, 128), jnp.float32),
    )(acc, y, deg2, b, w)


def _tc_last(acc, y, deg2, b):
    return pl.pallas_call(
        _k_last,
        grid=(N // _R,),
        in_specs=[
            pl.BlockSpec((2, _R, 128), lambda i: (0, i, 0)),
            pl.BlockSpec((2, _R, 128), lambda i: (0, i, 0)),
            pl.BlockSpec((2, _R, 128), lambda i: (0, i, 0)),
            pl.BlockSpec((1, D_HID), lambda i: (0, 0)),
        ],
        out_specs=pl.BlockSpec((_R, D_HID), lambda i: (i, 0)),
        out_shape=jax.ShapeDtypeStruct((N, D_HID), jnp.float32),
    )(acc, y, deg2, b)



def kernel(X, A, W1, b1, W2, b2, W3, b3):
    a32 = A.astype(jnp.int32)
    src = jnp.concatenate([a32[0], jnp.zeros((EPAD - E,), jnp.int32)])
    dst = jnp.concatenate([a32[1], jnp.full((EPAD - E,), N, jnp.int32)])
    src16 = src.reshape(16, NB16, B)
    dst16 = dst.reshape(16, NB16, B)
    dst32 = dst.reshape(32, NB32, B)

    zrow = jnp.zeros((B, 128), jnp.float32)
    orow = jnp.ones((B, 128), jnp.float32)

    deg2 = _sc_degree(dst32, zrow, orow)

    y1 = _tc_first(X, W1, deg2)
    acc1 = _sc_scatter(y1, src16, dst16, zrow)
    y2 = _tc_mid(acc1, y1, deg2, b1.reshape(1, -1), W2)
    acc2 = _sc_scatter(y2, src16, dst16, zrow)
    y3 = _tc_mid(acc2, y2, deg2, b2.reshape(1, -1), W3)
    acc3 = _sc_scatter(y3, src16, dst16, zrow)
    return _tc_last(acc3, y3, deg2, b3.reshape(1, -1))

# --- scband reference (transcript-rebuilt; emitter-appended) ---
"""Pipeline reference for scband-jump-kgnn-33019708572413 (READ-ONLY COPY).

The authoritative reference and input builder live on the scoring server;
editing this copy changes nothing except your own understanding.
"""

import jax, jax.numpy as jnp
import numpy as np

N = 10000
E = 320000
D_IN = 128
D_HID = 256


def _glorot(key, shape):
    fan_in, fan_out = shape[0], shape[1]
    limit = float(np.sqrt(6.0 / (fan_in + fan_out)))
    return jax.random.uniform(key, shape, jnp.float32, -limit, limit)


def setup_inputs(seed: int = 0) -> dict:
    key = jax.random.key(seed)
    ks = jax.random.split(key, 8)
    X = jax.random.normal(ks[0], (N, D_IN), jnp.float32)
    A = jax.random.randint(ks[1], (2, E), 0, N, dtype=jnp.int64)
    W1 = _glorot(ks[2], (D_IN, D_HID))
    b1 = jnp.zeros((D_HID,), jnp.float32)
    W2 = _glorot(ks[3], (D_HID, D_HID))
    b2 = jnp.zeros((D_HID,), jnp.float32)
    W3 = _glorot(ks[4], (D_HID, D_HID))
    b3 = jnp.zeros((D_HID,), jnp.float32)
    return {"X": X, "A": A, "W1": W1, "b1": b1, "W2": W2, "b2": b2, "W3": W3, "b3": b3}


def _gcn_conv(x, edge_index, W, b):
    # PyG GCNConv: add self loops, symmetric normalization, linear, scatter-add, bias
    n = x.shape[0]
    loop = jnp.arange(n, dtype=edge_index.dtype)
    src = jnp.concatenate([edge_index[0], loop])
    dst = jnp.concatenate([edge_index[1], loop])
    deg = jnp.zeros((n,), x.dtype).at[dst].add(1.0)
    dinv = jnp.where(deg > 0, deg ** -0.5, 0.0)
    norm = dinv[src] * dinv[dst]
    xw = x @ W
    msg = xw[src] * norm[:, None]
    out = jnp.zeros((n, W.shape[1]), x.dtype).at[dst].add(msg)
    return out + b


def reference(X, A, W1, b1, W2, b2, W3, b3):
    h = jax.nn.relu(_gcn_conv(X, A, W1, b1))
    h = jax.nn.relu(_gcn_conv(h, A, W2, b2))
    out = _gcn_conv(h, A, W3, b3)
    return out

if __name__ == "__main__":
    import jax
    _d = setup_inputs()
    print(jax.jit(kernel)(*tuple(_d.values())))

</pallas_src>

<mosaic_0001>
#map = affine_map<(d0, d1) -> (0, 0, 0)>
#map1 = affine_map<(d0, d1) -> (0, 0)>
module attributes {stable_mosaic.version = 14 : i64} {
  func.func @_sc_scatter(%arg0: i32, %arg1: i32, %arg2: memref<2x10000x128xf32, #tpu.memory_space<hbm>>, %arg3: memref<16x160x128xi32, #tpu.memory_space<hbm>>, %arg4: memref<16x160x128xi32, #tpu.memory_space<hbm>>, %arg5: memref<128x128xf32, #tpu.memory_space<hbm>>, %arg6: memref<2x10112x128xf32, #tpu.memory_space<hbm>>, %arg7: memref<10112x128xf32, #tpu.memory_space<vmem_shared>>, %arg8: memref<8x128xi32, #tpu.memory_space<vmem>>, %arg9: memref<8x128xi32, #tpu.memory_space<vmem>>, %arg10: memref<128x128xf32, #tpu.memory_space<vmem>>, %arg11: memref<!tpu.dma_semaphore, #tpu.memory_space<semaphore_mem>>) attributes {dimension_semantics = [#tpu.dimension_semantics<core_parallel>, #tpu.dimension_semantics<subcore_parallel>], iteration_bounds = array<i64: 2, 16>, scalar_prefetch = 0 : i64, scratch_operands = 5 : i64, tpu.core_type = #tpu.core_type<sc_vector_subcore>, window_params = [{transform_indices = #map}, {transform_indices = #map}, {transform_indices = #map}, {transform_indices = #map1}, {transform_indices = #map}]} {
    "tpu.region"() ({
      %run_scoped3A = tpu.sem_alloc : memref<!tpu.dma_semaphore, #tpu.memory_space<semaphore_mem>>
      tpu.enqueue_dma source(%arg5 : memref<128x128xf32, #tpu.memory_space<hbm>>) target(%arg10 : memref<128x128xf32, #tpu.memory_space<vmem>>) target_semaphore(%run_scoped3A : memref<!tpu.dma_semaphore, #tpu.memory_space<semaphore_mem>>)
      tpu.wait_dma2 semaphore(%run_scoped3A : memref<!tpu.dma_semaphore, #tpu.memory_space<semaphore_mem>>) src(%arg5 : memref<128x128xf32, #tpu.memory_space<hbm>>) dst(%arg10 : memref<128x128xf32, #tpu.memory_space<vmem>>)
      tpu.yield
    }) : () -> ()
    %mul3A = arith.constant 632 : i32
    %mul3A_0 = arith.muli %arg1, %mul3A : i32
    %add3A = arith.constant 0 : i32
    %add3A_1 = arith.addi %mul3A_0, %add3A : i32
    "tpu.region"() ({
      %run_scoped3A = tpu.sem_alloc : memref<!tpu.dma_semaphore, #tpu.memory_space<semaphore_mem>>
      %dma_start3A = arith.constant 0 : i32
      %dma_start3A_36 = arith.constant 0 : i32
      %dma_start3A_37 = tpu.memref_slice %arg10[%dma_start3A, %dma_start3A_36] : memref<128x128xf32, #tpu.memory_space<vmem>> -> memref<128x128xf32, #tpu.memory_space<vmem>>
      %dma_start3A_38 = arith.constant 0 : i32
      %dma_start3A_39 = tpu.memref_slice %arg7[%add3A_1, %dma_start3A_38] : memref<10112x128xf32, #tpu.memory_space<vmem_shared>> -> memref<128x128xf32, #tpu.memory_space<vmem_shared>>
      %dma_start3A_40 = arith.constant 0 : i32
      %dma_start3A_41 = tpu.memref_slice %arg7[%add3A_1, %dma_start3A_40] : memref<10112x128xf32, #tpu.memory_space<vmem_shared>> -> memref<128x128xf32, #tpu.memory_space<vmem_shared>>
      %dma_start3A_42 = arith.constant 0 : i32
      %dma_start3A_43 = arith.constant 0 : i32
      %dma_start3A_44 = tpu.memref_slice %arg10[%dma_start3A_42, %dma_start3A_43] : memref<128x128xf32, #tpu.memory_space<vmem>> -> memref<128x128xf32, #tpu.memory_space<vmem>>
      tpu.enqueue_dma source(%dma_start3A_44 : memref<128x128xf32, #tpu.memory_space<vmem>>) target(%dma_start3A_41 : memref<128x128xf32, #tpu.memory_space<vmem_shared>>) target_semaphore(%run_scoped3A : memref<!tpu.dma_semaphore, #tpu.memory_space<semaphore_mem>>)
      %dma_wait3A = arith.constant 0 : i32
      %dma_wait3A_45 = arith.constant 0 : i32
      %dma_wait3A_46 = tpu.memref_slice %arg10[%dma_wait3A, %dma_wait3A_45] : memref<128x128xf32, #tpu.memory_space<vmem>> -> memref<128x128xf32, #tpu.memory_space<vmem>>
      %dma_wait3A_47 = arith.constant 0 : i32
      %dma_wait3A_48 = tpu.memref_slice %arg7[%add3A_1, %dma_wait3A_47] : memref<10112x128xf32, #tpu.memory_space<vmem_shared>> -> memref<128x128xf32, #tpu.memory_space<vmem_shared>>
      %dma_wait3A_49 = arith.constant 0 : i32
      %dma_wait3A_50 = tpu.memref_slice %arg7[%add3A_1, %dma_wait3A_49] : memref<10112x128xf32, #tpu.memory_space<vmem_shared>> -> memref<128x128xf32, #tpu.memory_space<vmem_shared>>
      %dma_wait3A_51 = arith.constant 0 : i32
      %dma_wait3A_52 = arith.constant 0 : i32
      %dma_wait3A_53 = tpu.memref_slice %arg10[%dma_wait3A_51, %dma_wait3A_52] : memref<128x128xf32, #tpu.memory_space<vmem>> -> memref<128x128xf32, #tpu.memory_space<vmem>>
      tpu.wait_dma2 semaphore(%run_scoped3A : memref<!tpu.dma_semaphore, #tpu.memory_space<semaphore_mem>>) src(%dma_wait3A_53 : memref<128x128xf32, #tpu.memory_space<vmem>>) dst(%dma_wait3A_50 : memref<128x128xf32, #tpu.memory_space<vmem_shared>>)
      tpu.yield
    }) : () -> ()
    %add3A_2 = arith.constant 128 : i32
    %add3A_3 = arith.addi %mul3A_0, %add3A_2 : i32
    "tpu.region"() ({
      %run_scoped3A = tpu.sem_alloc : memref<!tpu.dma_semaphore, #tpu.memory_space<semaphore_mem>>
      %dma_start3A = arith.constant 0 : i32
      %dma_start3A_36 = arith.constant 0 : i32
      %dma_start3A_37 = tpu.memref_slice %arg10[%dma_start3A, %dma_start3A_36] : memref<128x128xf32, #tpu.memory_space<vmem>> -> memref<128x128xf32, #tpu.memory_space<vmem>>
      %dma_start3A_38 = arith.constant 0 : i32
      %dma_start3A_39 = tpu.memref_slice %arg7[%add3A_3, %dma_start3A_38] : memref<10112x128xf32, #tpu.memory_space<vmem_shared>> -> memref<128x128xf32, #tpu.memory_space<vmem_shared>>
      %dma_start3A_40 = arith.constant 0 : i32
      %dma_start3A_41 = tpu.memref_slice %arg7[%add3A_3, %dma_start3A_40] : memref<10112x128xf32, #tpu.memory_space<vmem_shared>> -> memref<128x128xf32, #tpu.memory_space<vmem_shared>>
      %dma_start3A_42 = arith.constant 0 : i32
      %dma_start3A_43 = arith.constant 0 : i32
      %dma_start3A_44 = tpu.memref_slice %arg10[%dma_start3A_42, %dma_start3A_43] : memref<128x128xf32, #tpu.memory_space<vmem>> -> memref<128x128xf32, #tpu.memory_space<vmem>>
      tpu.enqueue_dma source(%dma_start3A_44 : memref<128x128xf32, #tpu.memory_space<vmem>>) target(%dma_start3A_41 : memref<128x128xf32, #tpu.memory_space<vmem_shared>>) target_semaphore(%run_scoped3A : memref<!tpu.dma_semaphore, #tpu.memory_space<semaphore_mem>>)
      %dma_wait3A = arith.constant 0 : i32
      %dma_wait3A_45 = arith.constant 0 : i32
      %dma_wait3A_46 = tpu.memref_slice %arg10[%dma_wait3A, %dma_wait3A_45] : memref<128x128xf32, #tpu.memory_space<vmem>> -> memref<128x128xf32, #tpu.memory_space<vmem>>
      %dma_wait3A_47 = arith.constant 0 : i32
      %dma_wait3A_48 = tpu.memref_slice %arg7[%add3A_3, %dma_wait3A_47] : memref<10112x128xf32, #tpu.memory_space<vmem_shared>> -> memref<128x128xf32, #tpu.memory_space<vmem_shared>>
      %dma_wait3A_49 = arith.constant 0 : i32
      %dma_wait3A_50 = tpu.memref_slice %arg7[%add3A_3, %dma_wait3A_49] : memref<10112x128xf32, #tpu.memory_space<vmem_shared>> -> memref<128x128xf32, #tpu.memory_space<vmem_shared>>
      %dma_wait3A_51 = arith.constant 0 : i32
      %dma_wait3A_52 = arith.constant 0 : i32
      %dma_wait3A_53 = tpu.memref_slice %arg10[%dma_wait3A_51, %dma_wait3A_52] : memref<128x128xf32, #tpu.memory_space<vmem>> -> memref<128x128xf32, #tpu.memory_space<vmem>>
      tpu.wait_dma2 semaphore(%run_scoped3A : memref<!tpu.dma_semaphore, #tpu.memory_space<semaphore_mem>>) src(%dma_wait3A_53 : memref<128x128xf32, #tpu.memory_space<vmem>>) dst(%dma_wait3A_50 : memref<128x128xf32, #tpu.memory_space<vmem_shared>>)
      tpu.yield
    }) : () -> ()
    %add3A_4 = arith.constant 256 : i32
    %add3A_5 = arith.addi %mul3A_0, %add3A_4 : i32
    "tpu.region"() ({
      %run_scoped3A = tpu.sem_alloc : memref<!tpu.dma_semaphore, #tpu.memory_space<semaphore_mem>>
      %dma_start3A = arith.constant 0 : i32
      %dma_start3A_36 = arith.constant 0 : i32
      %dma_start3A_37 = tpu.memref_slice %arg10[%dma_start3A, %dma_start3A_36] : memref<128x128xf32, #tpu.memory_space<vmem>> -> memref<128x128xf32, #tpu.memory_space<vmem>>
      %dma_start3A_38 = arith.constant 0 : i32
      %dma_start3A_39 = tpu.memref_slice %arg7[%add3A_5, %dma_start3A_38] : memref<10112x128xf32, #tpu.memory_space<vmem_shared>> -> memref<128x128xf32, #tpu.memory_space<vmem_shared>>
      %dma_start3A_40 = arith.constant 0 : i32
      %dma_start3A_41 = tpu.memref_slice %arg7[%add3A_5, %dma_start3A_40] : memref<10112x128xf32, #tpu.memory_space<vmem_shared>> -> memref<128x128xf32, #tpu.memory_space<vmem_shared>>
      %dma_start3A_42 = arith.constant 0 : i32
      %dma_start3A_43 = arith.constant 0 : i32
      %dma_start3A_44 = tpu.memref_slice %arg10[%dma_start3A_42, %dma_start3A_43] : memref<128x128xf32, #tpu.memory_space<vmem>> -> memref<128x128xf32, #tpu.memory_space<vmem>>
      tpu.enqueue_dma source(%dma_start3A_44 : memref<128x128xf32, #tpu.memory_space<vmem>>) target(%dma_start3A_41 : memref<128x128xf32, #tpu.memory_space<vmem_shared>>) target_semaphore(%run_scoped3A : memref<!tpu.dma_semaphore, #tpu.memory_space<semaphore_mem>>)
      %dma_wait3A = arith.constant 0 : i32
      %dma_wait3A_45 = arith.constant 0 : i32
      %dma_wait3A_46 = tpu.memref_slice %arg10[%dma_wait3A, %dma_wait3A_45] : memref<128x128xf32, #tpu.memory_space<vmem>> -> memref<128x128xf32, #tpu.memory_space<vmem>>
      %dma_wait3A_47 = arith.constant 0 : i32
      %dma_wait3A_48 = tpu.memref_slice %arg7[%add3A_5, %dma_wait3A_47] : memref<10112x128xf32, #tpu.memory_space<vmem_shared>> -> memref<128x128xf32, #tpu.memory_space<vmem_shared>>
      %dma_wait3A_49 = arith.constant 0 : i32
      %dma_wait3A_50 = tpu.memref_slice %arg7[%add3A_5, %dma_wait3A_49] : memref<10112x128xf32, #tpu.memory_space<vmem_shared>> -> memref<128x128xf32, #tpu.memory_space<vmem_shared>>
      %dma_wait3A_51 = arith.constant 0 : i32
      %dma_wait3A_52 = arith.constant 0 : i32
      %dma_wait3A_53 = tpu.memref_slice %arg10[%dma_wait3A_51, %dma_wait3A_52] : memref<128x128xf32, #tpu.memory_space<vmem>> -> memref<128x128xf32, #tpu.memory_space<vmem>>
      tpu.wait_dma2 semaphore(%run_scoped3A : memref<!tpu.dma_semaphore, #tpu.memory_space<semaphore_mem>>) src(%dma_wait3A_53 : memref<128x128xf32, #tpu.memory_space<vmem>>) dst(%dma_wait3A_50 : memref<128x128xf32, #tpu.memory_space<vmem_shared>>)
      tpu.yield
    }) : () -> ()
    %add3A_6 = arith.constant 384 : i32
    %add3A_7 = arith.addi %mul3A_0, %add3A_6 : i32
    "tpu.region"() ({
      %run_scoped3A = tpu.sem_alloc : memref<!tpu.dma_semaphore, #tpu.memory_space<semaphore_mem>>
      %dma_start3A = arith.constant 0 : i32
      %dma_start3A_36 = arith.constant 0 : i32
      %dma_start3A_37 = tpu.memref_slice %arg10[%dma_start3A, %dma_start3A_36] : memref<128x128xf32, #tpu.memory_space<vmem>> -> memref<128x128xf32, #tpu.memory_space<vmem>>
      %dma_start3A_38 = arith.constant 0 : i32
      %dma_start3A_39 = tpu.memref_slice %arg7[%add3A_7, %dma_start3A_38] : memref<10112x128xf32, #tpu.memory_space<vmem_shared>> -> memref<128x128xf32, #tpu.memory_space<vmem_shared>>
      %dma_start3A_40 = arith.constant 0 : i32
      %dma_start3A_41 = tpu.memref_slice %arg7[%add3A_7, %dma_start3A_40] : memref<10112x128xf32, #tpu.memory_space<vmem_shared>> -> memref<128x128xf32, #tpu.memory_space<vmem_shared>>
      %dma_start3A_42 = arith.constant 0 : i32
      %dma_start3A_43 = arith.constant 0 : i32
      %dma_start3A_44 = tpu.memref_slice %arg10[%dma_start3A_42, %dma_start3A_43] : memref<128x128xf32, #tpu.memory_space<vmem>> -> memref<128x128xf32, #tpu.memory_space<vmem>>
      tpu.enqueue_dma source(%dma_start3A_44 : memref<128x128xf32, #tpu.memory_space<vmem>>) target(%dma_start3A_41 : memref<128x128xf32, #tpu.memory_space<vmem_shared>>) target_semaphore(%run_scoped3A : memref<!tpu.dma_semaphore, #tpu.memory_space<semaphore_mem>>)
      %dma_wait3A = arith.constant 0 : i32
      %dma_wait3A_45 = arith.constant 0 : i32
      %dma_wait3A_46 = tpu.memref_slice %arg10[%dma_wait3A, %dma_wait3A_45] : memref<128x128xf32, #tpu.memory_space<vmem>> -> memref<128x128xf32, #tpu.memory_space<vmem>>
      %dma_wait3A_47 = arith.constant 0 : i32
      %dma_wait3A_48 = tpu.memref_slice %arg7[%add3A_7, %dma_wait3A_47] : memref<10112x128xf32, #tpu.memory_space<vmem_shared>> -> memref<128x128xf32, #tpu.memory_space<vmem_shared>>
      %dma_wait3A_49 = arith.constant 0 : i32
      %dma_wait3A_50 = tpu.memref_slice %arg7[%add3A_7, %dma_wait3A_49] : memref<10112x128xf32, #tpu.memory_space<vmem_shared>> -> memref<128x128xf32, #tpu.memory_space<vmem_shared>>
      %dma_wait3A_51 = arith.constant 0 : i32
      %dma_wait3A_52 = arith.constant 0 : i32
      %dma_wait3A_53 = tpu.memref_slice %arg10[%dma_wait3A_51, %dma_wait3A_52] : memref<128x128xf32, #tpu.memory_space<vmem>> -> memref<128x128xf32, #tpu.memory_space<vmem>>
      tpu.wait_dma2 semaphore(%run_scoped3A : memref<!tpu.dma_semaphore, #tpu.memory_space<semaphore_mem>>) src(%dma_wait3A_53 : memref<128x128xf32, #tpu.memory_space<vmem>>) dst(%dma_wait3A_50 : memref<128x128xf32, #tpu.memory_space<vmem_shared>>)
      tpu.yield
    }) : () -> ()
    %add3A_8 = arith.constant 512 : i32
    %add3A_9 = arith.addi %mul3A_0, %add3A_8 : i32
    "tpu.region"() ({
      %run_scoped3A = tpu.sem_alloc : memref<!tpu.dma_semaphore, #tpu.memory_space<semaphore_mem>>
      %dma_start3A = arith.constant 0 : i32
      %dma_start3A_36 = arith.constant 0 : i32
      %dma_start3A_37 = tpu.memref_slice %arg10[%dma_start3A, %dma_start3A_36] : memref<128x128xf32, #tpu.memory_space<vmem>> -> memref<120x128xf32, #tpu.memory_space<vmem>>
      %dma_start3A_38 = arith.constant 0 : i32
      %dma_start3A_39 = tpu.memref_slice %arg7[%add3A_9, %dma_start3A_38] : memref<10112x128xf32, #tpu.memory_space<vmem_shared>> -> memref<120x128xf32, #tpu.memory_space<vmem_shared>>
      %dma_start3A_40 = arith.constant 0 : i32
      %dma_start3A_41 = tpu.memref_slice %arg7[%add3A_9, %dma_start3A_40] : memref<10112x128xf32, #tpu.memory_space<vmem_shared>> -> memref<120x128xf32, #tpu.memory_space<vmem_shared>>
      %dma_start3A_42 = arith.constant 0 : i32
      %dma_start3A_43 = arith.constant 0 : i32
      %dma_start3A_44 = tpu.memref_slice %arg10[%dma_start3A_42, %dma_start3A_43] : memref<128x128xf32, #tpu.memory_space<vmem>> -> memref<120x128xf32, #tpu.memory_space<vmem>>
      tpu.enqueue_dma source(%dma_start3A_44 : memref<120x128xf32, #tpu.memory_space<vmem>>) target(%dma_start3A_41 : memref<120x128xf32, #tpu.memory_space<vmem_shared>>) target_semaphore(%run_scoped3A : memref<!tpu.dma_semaphore, #tpu.memory_space<semaphore_mem>>)
      %dma_wait3A = arith.constant 0 : i32
      %dma_wait3A_45 = arith.constant 0 : i32
      %dma_wait3A_46 = tpu.memref_slice %arg10[%dma_wait3A, %dma_wait3A_45] : memref<128x128xf32, #tpu.memory_space<vmem>> -> memref<120x128xf32, #tpu.memory_space<vmem>>
      %dma_wait3A_47 = arith.constant 0 : i32
      %dma_wait3A_48 = tpu.memref_slice %arg7[%add3A_9, %dma_wait3A_47] : memref<10112x128xf32, #tpu.memory_space<vmem_shared>> -> memref<120x128xf32, #tpu.memory_space<vmem_shared>>
      %dma_wait3A_49 = arith.constant 0 : i32
      %dma_wait3A_50 = tpu.memref_slice %arg7[%add3A_9, %dma_wait3A_49] : memref<10112x128xf32, #tpu.memory_space<vmem_shared>> -> memref<120x128xf32, #tpu.memory_space<vmem_shared>>
      %dma_wait3A_51 = arith.constant 0 : i32
      %dma_wait3A_52 = arith.constant 0 : i32
      %dma_wait3A_53 = tpu.memref_slice %arg10[%dma_wait3A_51, %dma_wait3A_52] : memref<128x128xf32, #tpu.memory_space<vmem>> -> memref<120x128xf32, #tpu.memory_space<vmem>>
      tpu.wait_dma2 semaphore(%run_scoped3A : memref<!tpu.dma_semaphore, #tpu.memory_space<semaphore_mem>>) src(%dma_wait3A_53 : memref<120x128xf32, #tpu.memory_space<vmem>>) dst(%dma_wait3A_50 : memref<120x128xf32, #tpu.memory_space<vmem_shared>>)
      tpu.yield
    }) : () -> ()
    %barrier3A = arith.constant 0 : index
    tpu.barrier barrier_id(%barrier3A)
    %scan3A = arith.constant 0 : i32
    %scan3A_10 = arith.constant 0 : i32
    %scan3A_11 = arith.constant 20 : i32
    %scan3A_12 = arith.addi %scan3A_10, %scan3A_11 : i32
    %scan3A_13 = arith.constant 1 : i32
    scf.for %scan3A_36 = %scan3A_10 to %scan3A_12 step %scan3A_13  : i32 {
      %mul3A_37 = arith.constant 8 : i32
      %mul3A_38 = arith.muli %scan3A_36, %mul3A_37 : i32
      "tpu.region"() ({
        %run_scoped3A_222 = tpu.sem_alloc : memref<!tpu.dma_semaphore, #tpu.memory_space<semaphore_mem>>
        %dma_start3A_223 = arith.constant 0 : i32
        %dma_start3A_224 = arith.constant 0 : i32
        %dma_start3A_225 = tpu.memref_slice %arg3[%arg1, %dma_start3A_223, %dma_start3A_224] : memref<16x160x128xi32, #tpu.memory_space<hbm>> -> memref<1x160x128xi32, #tpu.memory_space<hbm>>
        %dma_start3A_226 = tpu.memref_squeeze %dma_start3A_225 : memref<1x160x128xi32, #tpu.memory_space<hbm>> -> memref<160x128xi32, #tpu.memory_space<hbm>>
        %dma_start3A_227 = arith.constant 0 : i32
        %dma_start3A_228 = tpu.memref_slice %dma_start3A_226[%mul3A_38, %dma_start3A_227] : memref<160x128xi32, #tpu.memory_space<hbm>> -> memref<8x128xi32, #tpu.memory_space<hbm>>
        %dma_start3A_229 = arith.constant 0 : i32
        %dma_start3A_230 = arith.constant 0 : i32
        %dma_start3A_231 = tpu.memref_slice %arg3[%arg1, %dma_start3A_229, %dma_start3A_230] : memref<16x160x128xi32, #tpu.memory_space<hbm>> -> memref<1x160x128xi32, #tpu.memory_space<hbm>>
        %dma_start3A_232 = tpu.memref_squeeze %dma_start3A_231 : memref<1x160x128xi32, #tpu.memory_space<hbm>> -> memref<160x128xi32, #tpu.memory_space<hbm>>
        %dma_start3A_233 = arith.constant 0 : i32
        %dma_start3A_234 = tpu.memref_slice %dma_start3A_232[%mul3A_38, %dma_start3A_233] : memref<160x128xi32, #tpu.memory_space<hbm>> -> memref<8x128xi32, #tpu.memory_space<hbm>>
        tpu.enqueue_dma source(%dma_start3A_234 : memref<8x128xi32, #tpu.memory_space<hbm>>) target(%arg8 : memref<8x128xi32, #tpu.memory_space<vmem>>) target_semaphore(%run_scoped3A_222 : memref<!tpu.dma_semaphore, #tpu.memory_space<semaphore_mem>>)
        %dma_wait3A_235 = arith.constant 0 : i32
        %dma_wait3A_236 = arith.constant 0 : i32
        %dma_wait3A_237 = tpu.memref_slice %arg3[%arg1, %dma_wait3A_235, %dma_wait3A_236] : memref<16x160x128xi32, #tpu.memory_space<hbm>> -> memref<1x160x128xi32, #tpu.memory_space<hbm>>
        %dma_wait3A_238 = tpu.memref_squeeze %dma_wait3A_237 : memref<1x160x128xi32, #tpu.memory_space<hbm>> -> memref<160x128xi32, #tpu.memory_space<hbm>>
        %dma_wait3A_239 = arith.constant 0 : i32
        %dma_wait3A_240 = tpu.memref_slice %dma_wait3A_238[%mul3A_38, %dma_wait3A_239] : memref<160x128xi32, #tpu.memory_space<hbm>> -> memref<8x128xi32, #tpu.memory_space<hbm>>
        %dma_wait3A_241 = arith.constant 0 : i32
        %dma_wait3A_242 = arith.constant 0 : i32
        %dma_wait3A_243 = tpu.memref_slice %arg3[%arg1, %dma_wait3A_241, %dma_wait3A_242] : memref<16x160x128xi32, #tpu.memory_space<hbm>> -> memref<1x160x128xi32, #tpu.memory_space<hbm>>
        %dma_wait3A_244 = tpu.memref_squeeze %dma_wait3A_243 : memref<1x160x128xi32, #tpu.memory_space<hbm>> -> memref<160x128xi32, #tpu.memory_space<hbm>>
        %dma_wait3A_245 = arith.constant 0 : i32
        %dma_wait3A_246 = tpu.memref_slice %dma_wait3A_244[%mul3A_38, %dma_wait3A_245] : memref<160x128xi32, #tpu.memory_space<hbm>> -> memref<8x128xi32, #tpu.memory_space<hbm>>
        tpu.wait_dma2 semaphore(%run_scoped3A_222 : memref<!tpu.dma_semaphore, #tpu.memory_space<semaphore_mem>>) src(%dma_wait3A_246 : memref<8x128xi32, #tpu.memory_space<hbm>>) dst(%arg8 : memref<8x128xi32, #tpu.memory_space<vmem>>)
        tpu.yield
      }) : () -> ()
      %mul3A_39 = arith.constant 8 : i32
      %mul3A_40 = arith.muli %scan3A_36, %mul3A_39 : i32
      "tpu.region"() ({
        %run_scoped3A_222 = tpu.sem_alloc : memref<!tpu.dma_semaphore, #tpu.memory_space<semaphore_mem>>
        %dma_start3A_223 = arith.constant 0 : i32
        %dma_start3A_224 = arith.constant 0 : i32
        %dma_start3A_225 = tpu.memref_slice %arg4[%arg1, %dma_start3A_223, %dma_start3A_224] : memref<16x160x128xi32, #tpu.memory_space<hbm>> -> memref<1x160x128xi32, #tpu.memory_space<hbm>>
        %dma_start3A_226 = tpu.memref_squeeze %dma_start3A_225 : memref<1x160x128xi32, #tpu.memory_space<hbm>> -> memref<160x128xi32, #tpu.memory_space<hbm>>
        %dma_start3A_227 = arith.constant 0 : i32
        %dma_start3A_228 = tpu.memref_slice %dma_start3A_226[%mul3A_40, %dma_start3A_227] : memref<160x128xi32, #tpu.memory_space<hbm>> -> memref<8x128xi32, #tpu.memory_space<hbm>>
        %dma_start3A_229 = arith.constant 0 : i32
        %dma_start3A_230 = arith.constant 0 : i32
        %dma_start3A_231 = tpu.memref_slice %arg4[%arg1, %dma_start3A_229, %dma_start3A_230] : memref<16x160x128xi32, #tpu.memory_space<hbm>> -> memref<1x160x128xi32, #tpu.memory_space<hbm>>
        %dma_start3A_232 = tpu.memref_squeeze %dma_start3A_231 : memref<1x160x128xi32, #tpu.memory_space<hbm>> -> memref<160x128xi32, #tpu.memory_space<hbm>>
        %dma_start3A_233 = arith.constant 0 : i32
        %dma_start3A_234 = tpu.memref_slice %dma_start3A_232[%mul3A_40, %dma_start3A_233] : memref<160x128xi32, #tpu.memory_space<hbm>> -> memref<8x128xi32, #tpu.memory_space<hbm>>
        tpu.enqueue_dma source(%dma_start3A_234 : memref<8x128xi32, #tpu.memory_space<hbm>>) target(%arg9 : memref<8x128xi32, #tpu.memory_space<vmem>>) target_semaphore(%run_scoped3A_222 : memref<!tpu.dma_semaphore, #tpu.memory_space<semaphore_mem>>)
        %dma_wait3A_235 = arith.constant 0 : i32
        %dma_wait3A_236 = arith.constant 0 : i32
        %dma_wait3A_237 = tpu.memref_slice %arg4[%arg1, %dma_wait3A_235, %dma_wait3A_236] : memref<16x160x128xi32, #tpu.memory_space<hbm>> -> memref<1x160x128xi32, #tpu.memory_space<hbm>>
        %dma_wait3A_238 = tpu.memref_squeeze %dma_wait3A_237 : memref<1x160x128xi32, #tpu.memory_space<hbm>> -> memref<160x128xi32, #tpu.memory_space<hbm>>
        %dma_wait3A_239 = arith.constant 0 : i32
        %dma_wait3A_240 = tpu.memref_slice %dma_wait3A_238[%mul3A_40, %dma_wait3A_239] : memref<160x128xi32, #tpu.memory_space<hbm>> -> memref<8x128xi32, #tpu.memory_space<hbm>>
        %dma_wait3A_241 = arith.constant 0 : i32
        %dma_wait3A_242 = arith.constant 0 : i32
        %dma_wait3A_243 = tpu.memref_slice %arg4[%arg1, %dma_wait3A_241, %dma_wait3A_242] : memref<16x160x128xi32, #tpu.memory_space<hbm>> -> memref<1x160x128xi32, #tpu.memory_space<hbm>>
        %dma_wait3A_244 = tpu.memref_squeeze %dma_wait3A_243 : memref<1x160x128xi32, #tpu.memory_space<hbm>> -> memref<160x128xi32, #tpu.memory_space<hbm>>
        %dma_wait3A_245 = arith.constant 0 : i32
        %dma_wait3A_246 = tpu.memref_slice %dma_wait3A_244[%mul3A_40, %dma_wait3A_245] : memref<160x128xi32, #tpu.memory_space<hbm>> -> memref<8x128xi32, #tpu.memory_space<hbm>>
        tpu.wait_dma2 semaphore(%run_scoped3A_222 : memref<!tpu.dma_semaphore, #tpu.memory_space<semaphore_mem>>) src(%dma_wait3A_246 : memref<8x128xi32, #tpu.memory_space<hbm>>) dst(%arg9 : memref<8x128xi32, #tpu.memory_space<vmem>>)
        tpu.yield
      }) : () -> ()
      %dma_start3A = arith.constant 0 : i32
      %dma_start3A_41 = arith.constant 0 : i32
      %dma_start3A_42 = tpu.memref_slice %arg8[%dma_start3A, %dma_start3A_41] : memref<8x128xi32, #tpu.memory_space<vmem>> -> memref<1x128xi32, #tpu.memory_space<vmem>>
      %dma_start3A_43 = tpu.memref_squeeze %dma_start3A_42 : memref<1x128xi32, #tpu.memory_space<vmem>> -> memref<128xi32, #tpu.memory_space<vmem>>
      %dma_start3A_44 = arith.constant 0 : i32
      %dma_start3A_45 = arith.constant 0 : i32
      %dma_start3A_46 = tpu.memref_slice %arg2[%arg0, %dma_start3A_44, %dma_start3A_45] : memref<2x10000x128xf32, #tpu.memory_space<hbm>> -> memref<1x10000x128xf32, #tpu.memory_space<hbm>>
      %dma_start3A_47 = tpu.memref_squeeze %dma_start3A_46 : memref<1x10000x128xf32, #tpu.memory_space<hbm>> -> memref<10000x128xf32, #tpu.memory_space<hbm>>
      %dma_start3A_48 = arith.constant 0 : i32
      %dma_start3A_49 = arith.constant 0 : i32
      %dma_start3A_50 = tpu.memref_slice %dma_start3A_47[%dma_start3A_48, %dma_start3A_49] : memref<10000x128xf32, #tpu.memory_space<hbm>> -> memref<10000x128xf32, #tpu.memory_space<hbm>>
      tpu.enqueue_indirect_dma source(%dma_start3A_50 : memref<10000x128xf32, #tpu.memory_space<hbm>>) target(%arg10 : memref<128x128xf32, #tpu.memory_space<vmem>>) offsets(%dma_start3A_43 : memref<128xi32, #tpu.memory_space<vmem>>) semaphore(%arg11 : memref<!tpu.dma_semaphore, #tpu.memory_space<semaphore_mem>>)
      %dma_wait3A = arith.constant 0 : i32
      %dma_wait3A_51 = arith.constant 0 : i32
      %dma_wait3A_52 = tpu.memref_slice %arg8[%dma_wait3A, %dma_wait3A_51] : memref<8x128xi32, #tpu.memory_space<vmem>> -> memref<1x128xi32, #tpu.memory_space<vmem>>
      %dma_wait3A_53 = tpu.memref_squeeze %dma_wait3A_52 : memref<1x128xi32, #tpu.memory_space<vmem>> -> memref<128xi32, #tpu.memory_space<vmem>>
      %dma_wait3A_54 = arith.constant 0 : i32
      %dma_wait3A_55 = arith.constant 0 : i32
      %dma_wait3A_56 = tpu.memref_slice %arg2[%arg0, %dma_wait3A_54, %dma_wait3A_55] : memref<2x10000x128xf32, #tpu.memory_space<hbm>> -> memref<1x10000x128xf32, #tpu.memory_space<hbm>>
      %dma_wait3A_57 = tpu.memref_squeeze %dma_wait3A_56 : memref<1x10000x128xf32, #tpu.memory_space<hbm>> -> memref<10000x128xf32, #tpu.memory_space<hbm>>
      %dma_wait3A_58 = arith.constant 0 : i32
      %dma_wait3A_59 = arith.constant 0 : i32
      %dma_wait3A_60 = tpu.memref_slice %dma_wait3A_57[%dma_wait3A_58, %dma_wait3A_59] : memref<10000x128xf32, #tpu.memory_space<hbm>> -> memref<10000x128xf32, #tpu.memory_space<hbm>>
      tpu.wait_indirect_dma semaphore(%arg11 : memref<!tpu.dma_semaphore, #tpu.memory_space<semaphore_mem>>) src(%dma_wait3A_60 : memref<10000x128xf32, #tpu.memory_space<hbm>>) dst(%arg10 : memref<128x128xf32, #tpu.memory_space<vmem>>)
      %run_scoped3A = arith.constant 0 : i32
      "tpu.region"() ({
        %run_scoped3A_222 = tpu.sem_alloc : memref<!tpu.dma_semaphore, #tpu.memory_space<semaphore_mem>>
        %dma_start3A_223 = arith.constant 0 : i32
        %dma_start3A_224 = tpu.memref_slice %arg9[%run_scoped3A, %dma_start3A_223] : memref<8x128xi32, #tpu.memory_space<vmem>> -> memref<1x128xi32, #tpu.memory_space<vmem>>
        %dma_start3A_225 = tpu.memref_squeeze %dma_start3A_224 : memref<1x128xi32, #tpu.memory_space<vmem>> -> memref<128xi32, #tpu.memory_space<vmem>>
        %dma_start3A_226 = arith.constant 0 : i32
        %dma_start3A_227 = arith.constant 0 : i32
        %dma_start3A_228 = tpu.memref_slice %arg7[%dma_start3A_226, %dma_start3A_227] : memref<10112x128xf32, #tpu.memory_space<vmem_shared>> -> memref<10112x128xf32, #tpu.memory_space<vmem_shared>>
        tpu.enqueue_indirect_dma source(%arg10 : memref<128x128xf32, #tpu.memory_space<vmem>>) target(%dma_start3A_228 : memref<10112x128xf32, #tpu.memory_space<vmem_shared>>) offsets(%dma_start3A_225 : memref<128xi32, #tpu.memory_space<vmem>>) semaphore(%run_scoped3A_222 : memref<!tpu.dma_semaphore, #tpu.memory_space<semaphore_mem>>) {add = true}
        %dma_wait3A_229 = arith.constant 0 : i32
        %dma_wait3A_230 = tpu.memref_slice %arg9[%run_scoped3A, %dma_wait3A_229] : memref<8x128xi32, #tpu.memory_space<vmem>> -> memref<1x128xi32, #tpu.memory_space<vmem>>
        %dma_wait3A_231 = tpu.memref_squeeze %dma_wait3A_230 : memref<1x128xi32, #tpu.memory_space<vmem>> -> memref<128xi32, #tpu.memory_space<vmem>>
        %dma_wait3A_232 = arith.constant 0 : i32
        %dma_wait3A_233 = arith.constant 0 : i32
        %dma_wait3A_234 = tpu.memref_slice %arg7[%dma_wait3A_232, %dma_wait3A_233] : memref<10112x128xf32, #tpu.memory_space<vmem_shared>> -> memref<10112x128xf32, #tpu.memory_space<vmem_shared>>
        tpu.wait_indirect_dma semaphore(%run_scoped3A_222 : memref<!tpu.dma_semaphore, #tpu.memory_space<semaphore_mem>>) src(%arg10 : memref<128x128xf32, #tpu.memory_space<vmem>>) dst(%dma_wait3A_234 : memref<10112x128xf32, #tpu.memory_space<vmem_shared>>)
        tpu.yield
      }) : () -> ()
      %dma_start3A_61 = arith.constant 1 : i32
      %dma_start3A_62 = arith.constant 0 : i32
      %dma_start3A_63 = tpu.memref_slice %arg8[%dma_start3A_61, %dma_start3A_62] : memref<8x128xi32, #tpu.memory_space<vmem>> -> memref<1x128xi32, #tpu.memory_space<vmem>>
      %dma_start3A_64 = tpu.memref_squeeze %dma_start3A_63 : memref<1x128xi32, #tpu.memory_space<vmem>> -> memref<128xi32, #tpu.memory_space<vmem>>
      %dma_start3A_65 = arith.constant 0 : i32
      %dma_start3A_66 = arith.constant 0 : i32
      %dma_start3A_67 = tpu.memref_slice %arg2[%arg0, %dma_start3A_65, %dma_start3A_66] : memref<2x10000x128xf32, #tpu.memory_space<hbm>> -> memref<1x10000x128xf32, #tpu.memory_space<hbm>>
      %dma_start3A_68 = tpu.memref_squeeze %dma_start3A_67 : memref<1x10000x128xf32, #tpu.memory_space<hbm>> -> memref<10000x128xf32, #tpu.memory_space<hbm>>
      %dma_start3A_69 = arith.constant 0 : i32
      %dma_start3A_70 = arith.constant 0 : i32
      %dma_start3A_71 = tpu.memref_slice %dma_start3A_68[%dma_start3A_69, %dma_start3A_70] : memref<10000x128xf32, #tpu.memory_space<hbm>> -> memref<10000x128xf32, #tpu.memory_space<hbm>>
      tpu.enqueue_indirect_dma source(%dma_start3A_71 : memref<10000x128xf32, #tpu.memory_space<hbm>>) target(%arg10 : memref<128x128xf32, #tpu.memory_space<vmem>>) offsets(%dma_start3A_64 : memref<128xi32, #tpu.memory_space<vmem>>) semaphore(%arg11 : memref<!tpu.dma_semaphore, #tpu.memory_space<semaphore_mem>>)
      %dma_wait3A_72 = arith.constant 1 : i32
      %dma_wait3A_73 = arith.constant 0 : i32
      %dma_wait3A_74 = tpu.memref_slice %arg8[%dma_wait3A_72, %dma_wait3A_73] : memref<8x128xi32, #tpu.memory_space<vmem>> -> memref<1x128xi32, #tpu.memory_space<vmem>>
      %dma_wait3A_75 = tpu.memref_squeeze %dma_wait3A_74 : memref<1x128xi32, #tpu.memory_space<vmem>> -> memref<128xi32, #tpu.memory_space<vmem>>
      %dma_wait3A_76 = arith.constant 0 : i32
      %dma_wait3A_77 = arith.constant 0 : i32
      %dma_wait3A_78 = tpu.memref_slice %arg2[%arg0, %dma_wait3A_76, %dma_wait3A_77] : memref<2x10000x128xf32, #tpu.memory_space<hbm>> -> memref<1x10000x128xf32, #tpu.memory_space<hbm>>
      %dma_wait3A_79 = tpu.memref_squeeze %dma_wait3A_78 : memref<1x10000x128xf32, #tpu.memory_space<hbm>> -> memref<10000x128xf32, #tpu.memory_space<hbm>>
      %dma_wait3A_80 = arith.constant 0 : i32
      %dma_wait3A_81 = arith.constant 0 : i32
      %dma_wait3A_82 = tpu.memref_slice %dma_wait3A_79[%dma_wait3A_80, %dma_wait3A_81] : memref<10000x128xf32, #tpu.memory_space<hbm>> -> memref<10000x128xf32, #tpu.memory_space<hbm>>
      tpu.wait_indirect_dma semaphore(%arg11 : memref<!tpu.dma_semaphore, #tpu.memory_space<semaphore_mem>>) src(%dma_wait3A_82 : memref<10000x128xf32, #tpu.memory_space<hbm>>) dst(%arg10 : memref<128x128xf32, #tpu.memory_space<vmem>>)
      %run_scoped3A_83 = arith.constant 1 : i32
      "tpu.region"() ({
        %run_scoped3A_222 = tpu.sem_alloc : memref<!tpu.dma_semaphore, #tpu.memory_space<semaphore_mem>>
        %dma_start3A_223 = arith.constant 0 : i32
        %dma_start3A_224 = tpu.memref_slice %arg9[%run_scoped3A_83, %dma_start3A_223] : memref<8x128xi32, #tpu.memory_space<vmem>> -> memref<1x128xi32, #tpu.memory_space<vmem>>
        %dma_start3A_225 = tpu.memref_squeeze %dma_start3A_224 : memref<1x128xi32, #tpu.memory_space<vmem>> -> memref<128xi32, #tpu.memory_space<vmem>>
        %dma_start3A_226 = arith.constant 0 : i32
        %dma_start3A_227 = arith.constant 0 : i32
        %dma_start3A_228 = tpu.memref_slice %arg7[%dma_start3A_226, %dma_start3A_227] : memref<10112x128xf32, #tpu.memory_space<vmem_shared>> -> memref<10112x128xf32, #tpu.memory_space<vmem_shared>>
        tpu.enqueue_indirect_dma source(%arg10 : memref<128x128xf32, #tpu.memory_space<vmem>>) target(%dma_start3A_228 : memref<10112x128xf32, #tpu.memory_space<vmem_shared>>) offsets(%dma_start3A_225 : memref<128xi32, #tpu.memory_space<vmem>>) semaphore(%run_scoped3A_222 : memref<!tpu.dma_semaphore, #tpu.memory_space<semaphore_mem>>) {add = true}
        %dma_wait3A_229 = arith.constant 0 : i32
        %dma_wait3A_230 = tpu.memref_slice %arg9[%run_scoped3A_83, %dma_wait3A_229] : memref<8x128xi32, #tpu.memory_space<vmem>> -> memref<1x128xi32, #tpu.memory_space<vmem>>
        %dma_wait3A_231 = tpu.memref_squeeze %dma_wait3A_230 : memref<1x128xi32, #tpu.memory_space<vmem>> -> memref<128xi32, #tpu.memory_space<vmem>>
        %dma_wait3A_232 = arith.constant 0 : i32
        %dma_wait3A_233 = arith.constant 0 : i32
        %dma_wait3A_234 = tpu.memref_slice %arg7[%dma_wait3A_232, %dma_wait3A_233] : memref<10112x128xf32, #tpu.memory_space<vmem_shared>> -> memref<10112x128xf32, #tpu.memory_space<vmem_shared>>
        tpu.wait_indirect_dma semaphore(%run_scoped3A_222 : memref<!tpu.dma_semaphore, #tpu.memory_space<semaphore_mem>>) src(%arg10 : memref<128x128xf32, #tpu.memory_space<vmem>>) dst(%dma_wait3A_234 : memref<10112x128xf32, #tpu.memory_space<vmem_shared>>)
        tpu.yield
      }) : () -> ()
      %dma_start3A_84 = arith.constant 2 : i32
      %dma_start3A_85 = arith.constant 0 : i32
      %dma_start3A_86 = tpu.memref_slice %arg8[%dma_start3A_84, %dma_start3A_85] : memref<8x128xi32, #tpu.memory_space<vmem>> -> memref<1x128xi32, #tpu.memory_space<vmem>>
      %dma_start3A_87 = tpu.memref_squeeze %dma_start3A_86 : memref<1x128xi32, #tpu.memory_space<vmem>> -> memref<128xi32, #tpu.memory_space<vmem>>
      %dma_start3A_88 = arith.constant 0 : i32
      %dma_start3A_89 = arith.constant 0 : i32
      %dma_start3A_90 = tpu.memref_slice %arg2[%arg0, %dma_start3A_88, %dma_start3A_89] : memref<2x10000x128xf32, #tpu.memory_space<hbm>> -> memref<1x10000x128xf32, #tpu.memory_space<hbm>>
      %dma_start3A_91 = tpu.memref_squeeze %dma_start3A_90 : memref<1x10000x128xf32, #tpu.memory_space<hbm>> -> memref<10000x128xf32, #tpu.memory_space<hbm>>
      %dma_start3A_92 = arith.constant 0 : i32
      %dma_start3A_93 = arith.constant 0 : i32
      %dma_start3A_94 = tpu.memref_slice %dma_start3A_91[%dma_start3A_92, %dma_start3A_93] : memref<10000x128xf32, #tpu.memory_space<hbm>> -> memref<10000x128xf32, #tpu.memory_space<hbm>>
      tpu.enqueue_indirect_dma source(%dma_start3A_94 : memref<10000x128xf32, #tpu.memory_space<hbm>>) target(%arg10 : memref<128x128xf32, #tpu.memory_space<vmem>>) offsets(%dma_start3A_87 : memref<128xi32, #tpu.memory_space<vmem>>) semaphore(%arg11 : memref<!tpu.dma_semaphore, #tpu.memory_space<semaphore_mem>>)
      %dma_wait3A_95 = arith.constant 2 : i32
      %dma_wait3A_96 = arith.constant 0 : i32
      %dma_wait3A_97 = tpu.memref_slice %arg8[%dma_wait3A_95, %dma_wait3A_96] : memref<8x128xi32, #tpu.memory_space<vmem>> -> memref<1x128xi32, #tpu.memory_space<vmem>>
      %dma_wait3A_98 = tpu.memref_squeeze %dma_wait3A_97 : memref<1x128xi32, #tpu.memory_space<vmem>> -> memref<128xi32, #tpu.memory_space<vmem>>
      %dma_wait3A_99 = arith.constant 0 : i32
      %dma_wait3A_100 = arith.constant 0 : i32
      %dma_wait3A_101 = tpu.memref_slice %arg2[%arg0, %dma_wait3A_99, %dma_wait3A_100] : memref<2x10000x128xf32, #tpu.memory_space<hbm>> -> memref<1x10000x128xf32, #tpu.memory_space<hbm>>
      %dma_wait3A_102 = tpu.memref_squeeze %dma_wait3A_101 : memref<1x10000x128xf32, #tpu.memory_space<hbm>> -> memref<10000x128xf32, #tpu.memory_space<hbm>>
      %dma_wait3A_103 = arith.constant 0 : i32
      %dma_wait3A_104 = arith.constant 0 : i32
      %dma_wait3A_105 = tpu.memref_slice %dma_wait3A_102[%dma_wait3A_103, %dma_wait3A_104] : memref<10000x128xf32, #tpu.memory_space<hbm>> -> memref<10000x128xf32, #tpu.memory_space<hbm>>
      tpu.wait_indirect_dma semaphore(%arg11 : memref<!tpu.dma_semaphore, #tpu.memory_space<semaphore_mem>>) src(%dma_wait3A_105 : memref<10000x128xf32, #tpu.memory_space<hbm>>) dst(%arg10 : memref<128x128xf32, #tpu.memory_space<vmem>>)
      %run_scoped3A_106 = arith.constant 2 : i32
      "tpu.region"() ({
        %run_scoped3A_222 = tpu.sem_alloc : memref<!tpu.dma_semaphore, #tpu.memory_space<semaphore_mem>>
        %dma_start3A_223 = arith.constant 0 : i32
        %dma_start3A_224 = tpu.memref_slice %arg9[%run_scoped3A_106, %dma_start3A_223] : memref<8x128xi32, #tpu.memory_space<vmem>> -> memref<1x128xi32, #tpu.memory_space<vmem>>
        %dma_start3A_225 = tpu.memref_squeeze %dma_start3A_224 : memref<1x128xi32, #tpu.memory_space<vmem>> -> memref<128xi32, #tpu.memory_space<vmem>>
        %dma_start3A_226 = arith.constant 0 : i32
        %dma_start3A_227 = arith.constant 0 : i32
        %dma_start3A_228 = tpu.memref_slice %arg7[%dma_start3A_226, %dma_start3A_227] : memref<10112x128xf32, #tpu.memory_space<vmem_shared>> -> memref<10112x128xf32, #tpu.memory_space<vmem_shared>>
        tpu.enqueue_indirect_dma source(%arg10 : memref<128x128xf32, #tpu.memory_space<vmem>>) target(%dma_start3A_228 : memref<10112x128xf32, #tpu.memory_space<vmem_shared>>) offsets(%dma_start3A_225 : memref<128xi32, #tpu.memory_space<vmem>>) semaphore(%run_scoped3A_222 : memref<!tpu.dma_semaphore, #tpu.memory_space<semaphore_mem>>) {add = true}
        %dma_wait3A_229 = arith.constant 0 : i32
        %dma_wait3A_230 = tpu.memref_slice %arg9[%run_scoped3A_106, %dma_wait3A_229] : memref<8x128xi32, #tpu.memory_space<vmem>> -> memref<1x128xi32, #tpu.memory_space<vmem>>
        %dma_wait3A_231 = tpu.memref_squeeze %dma_wait3A_230 : memref<1x128xi32, #tpu.memory_space<vmem>> -> memref<128xi32, #tpu.memory_space<vmem>>
        %dma_wait3A_232 = arith.constant 0 : i32
        %dma_wait3A_233 = arith.constant 0 : i32
        %dma_wait3A_234 = tpu.memref_slice %arg7[%dma_wait3A_232, %dma_wait3A_233] : memref<10112x128xf32, #tpu.memory_space<vmem_shared>> -> memref<10112x128xf32, #tpu.memory_space<vmem_shared>>
        tpu.wait_indirect_dma semaphore(%run_scoped3A_222 : memref<!tpu.dma_semaphore, #tpu.memory_space<semaphore_mem>>) src(%arg10 : memref<128x128xf32, #tpu.memory_space<vmem>>) dst(%dma_wait3A_234 : memref<10112x128xf32, #tpu.memory_space<vmem_shared>>)
        tpu.yield
      }) : () -> ()
      %dma_start3A_107 = arith.constant 3 : i32
      %dma_start3A_108 = arith.constant 0 : i32
      %dma_start3A_109 = tpu.memref_slice %arg8[%dma_start3A_107, %dma_start3A_108] : memref<8x128xi32, #tpu.memory_space<vmem>> -> memref<1x128xi32, #tpu.memory_space<vmem>>
      %dma_start3A_110 = tpu.memref_squeeze %dma_start3A_109 : memref<1x128xi32, #tpu.memory_space<vmem>> -> memref<128xi32, #tpu.memory_space<vmem>>
      %dma_start3A_111 = arith.constant 0 : i32
      %dma_start3A_112 = arith.constant 0 : i32
      %dma_start3A_113 = tpu.memref_slice %arg2[%arg0, %dma_start3A_111, %dma_start3A_112] : memref<2x10000x128xf32, #tpu.memory_space<hbm>> -> memref<1x10000x128xf32, #tpu.memory_space<hbm>>
      %dma_start3A_114 = tpu.memref_squeeze %dma_start3A_113 : memref<1x10000x128xf32, #tpu.memory_space<hbm>> -> memref<10000x128xf32, #tpu.memory_space<hbm>>
      %dma_start3A_115 = arith.constant 0 : i32
      %dma_start3A_116 = arith.constant 0 : i32
      %dma_start3A_117 = tpu.memref_slice %dma_start3A_114[%dma_start3A_115, %dma_start3A_116] : memref<10000x128xf32, #tpu.memory_space<hbm>> -> memref<10000x128xf32, #tpu.memory_space<hbm>>
      tpu.enqueue_indirect_dma source(%dma_start3A_117 : memref<10000x128xf32, #tpu.memory_space<hbm>>) target(%arg10 : memref<128x128xf32, #tpu.memory_space<vmem>>) offsets(%dma_start3A_110 : memref<128xi32, #tpu.memory_space<vmem>>) semaphore(%arg11 : memref<!tpu.dma_semaphore, #tpu.memory_space<semaphore_mem>>)
      %dma_wait3A_118 = arith.constant 3 : i32
      %dma_wait3A_119 = arith.constant 0 : i32
      %dma_wait3A_120 = tpu.memref_slice %arg8[%dma_wait3A_118, %dma_wait3A_119] : memref<8x128xi32, #tpu.memory_space<vmem>> -> memref<1x128xi32, #tpu.memory_space<vmem>>
      %dma_wait3A_121 = tpu.memref_squeeze %dma_wait3A_120 : memref<1x128xi32, #tpu.memory_space<vmem>> -> memref<128xi32, #tpu.memory_space<vmem>>
      %dma_wait3A_122 = arith.constant 0 : i32
      %dma_wait3A_123 = arith.constant 0 : i32
      %dma_wait3A_124 = tpu.memref_slice %arg2[%arg0, %dma_wait3A_122, %dma_wait3A_123] : memref<2x10000x128xf32, #tpu.memory_space<hbm>> -> memref<1x10000x128xf32, #tpu.memory_space<hbm>>
      %dma_wait3A_125 = tpu.memref_squeeze %dma_wait3A_124 : memref<1x10000x128xf32, #tpu.memory_space<hbm>> -> memref<10000x128xf32, #tpu.memory_space<hbm>>
      %dma_wait3A_126 = arith.constant 0 : i32
      %dma_wait3A_127 = arith.constant 0 : i32
      %dma_wait3A_128 = tpu.memref_slice %dma_wait3A_125[%dma_wait3A_126, %dma_wait3A_127] : memref<10000x128xf32, #tpu.memory_space<hbm>> -> memref<10000x128xf32, #tpu.memory_space<hbm>>
      tpu.wait_indirect_dma semaphore(%arg11 : memref<!tpu.dma_semaphore, #tpu.memory_space<semaphore_mem>>) src(%dma_wait3A_128 : memref<10000x128xf32, #tpu.memory_space<hbm>>) dst(%arg10 : memref<128x128xf32, #tpu.memory_space<vmem>>)
      %run_scoped3A_129 = arith.constant 3 : i32
      "tpu.region"() ({
        %run_scoped3A_222 = tpu.sem_alloc : memref<!tpu.dma_semaphore, #tpu.memory_space<semaphore_mem>>
        %dma_start3A_223 = arith.constant 0 : i32
        %dma_start3A_224 = tpu.memref_slice %arg9[%run_scoped3A_129, %dma_start3A_223] : memref<8x128xi32, #tpu.memory_space<vmem>> -> memref<1x128xi32, #tpu.memory_space<vmem>>
        %dma_start3A_225 = tpu.memref_squeeze %dma_start3A_224 : memref<1x128xi32, #tpu.memory_space<vmem>> -> memref<128xi32, #tpu.memory_space<vmem>>
        %dma_start3A_226 = arith.constant 0 : i32
        %dma_start3A_227 = arith.constant 0 : i32
        %dma_start3A_228 = tpu.memref_slice %arg7[%dma_start3A_226, %dma_start3A_227] : memref<10112x128xf32, #tpu.memory_space<vmem_shared>> -> memref<10112x128xf32, #tpu.memory_space<vmem_shared>>
        tpu.enqueue_indirect_dma source(%arg10 : memref<128x128xf32, #tpu.memory_space<vmem>>) target(%dma_start3A_228 : memref<10112x128xf32, #tpu.memory_space<vmem_shared>>) offsets(%dma_start3A_225 : memref<128xi32, #tpu.memory_space<vmem>>) semaphore(%run_scoped3A_222 : memref<!tpu.dma_semaphore, #tpu.memory_space<semaphore_mem>>) {add = true}
        %dma_wait3A_229 = arith.constant 0 : i32
        %dma_wait3A_230 = tpu.memref_slice %arg9[%run_scoped3A_129, %dma_wait3A_229] : memref<8x128xi32, #tpu.memory_space<vmem>> -> memref<1x128xi32, #tpu.memory_space<vmem>>
        %dma_wait3A_231 = tpu.memref_squeeze %dma_wait3A_230 : memref<1x128xi32, #tpu.memory_space<vmem>> -> memref<128xi32, #tpu.memory_space<vmem>>
        %dma_wait3A_232 = arith.constant 0 : i32
        %dma_wait3A_233 = arith.constant 0 : i32
        %dma_wait3A_234 = tpu.memref_slice %arg7[%dma_wait3A_232, %dma_wait3A_233] : memref<10112x128xf32, #tpu.memory_space<vmem_shared>> -> memref<10112x128xf32, #tpu.memory_space<vmem_shared>>
        tpu.wait_indirect_dma semaphore(%run_scoped3A_222 : memref<!tpu.dma_semaphore, #tpu.memory_space<semaphore_mem>>) src(%arg10 : memref<128x128xf32, #tpu.memory_space<vmem>>) dst(%dma_wait3A_234 : memref<10112x128xf32, #tpu.memory_space<vmem_shared>>)
        tpu.yield
      }) : () -> ()
      %dma_start3A_130 = arith.constant 4 : i32
      %dma_start3A_131 = arith.constant 0 : i32
      %dma_start3A_132 = tpu.memref_slice %arg8[%dma_start3A_130, %dma_start3A_131] : memref<8x128xi32, #tpu.memory_space<vmem>> -> memref<1x128xi32, #tpu.memory_space<vmem>>
      %dma_start3A_133 = tpu.memref_squeeze %dma_start3A_132 : memref<1x128xi32, #tpu.memory_space<vmem>> -> memref<128xi32, #tpu.memory_space<vmem>>
      %dma_start3A_134 = arith.constant 0 : i32
      %dma_start3A_135 = arith.constant 0 : i32
      %dma_start3A_136 = tpu.memref_slice %arg2[%arg0, %dma_start3A_134, %dma_start3A_135] : memref<2x10000x128xf32, #tpu.memory_space<hbm>> -> memref<1x10000x128xf32, #tpu.memory_space<hbm>>
      %dma_start3A_137 = tpu.memref_squeeze %dma_start3A_136 : memref<1x10000x128xf32, #tpu.memory_space<hbm>> -> memref<10000x128xf32, #tpu.memory_space<hbm>>
      %dma_start3A_138 = arith.constant 0 : i32
      %dma_start3A_139 = arith.constant 0 : i32
      %dma_start3A_140 = tpu.memref_slice %dma_start3A_137[%dma_start3A_138, %dma_start3A_139] : memref<10000x128xf32, #tpu.memory_space<hbm>> -> memref<10000x128xf32, #tpu.memory_space<hbm>>
      tpu.enqueue_indirect_dma source(%dma_start3A_140 : memref<10000x128xf32, #tpu.memory_space<hbm>>) target(%arg10 : memref<128x128xf32, #tpu.memory_space<vmem>>) offsets(%dma_start3A_133 : memref<128xi32, #tpu.memory_space<vmem>>) semaphore(%arg11 : memref<!tpu.dma_semaphore, #tpu.memory_space<semaphore_mem>>)
      %dma_wait3A_141 = arith.constant 4 : i32
      %dma_wait3A_142 = arith.constant 0 : i32
      %dma_wait3A_143 = tpu.memref_slice %arg8[%dma_wait3A_141, %dma_wait3A_142] : memref<8x128xi32, #tpu.memory_space<vmem>> -> memref<1x128xi32, #tpu.memory_space<vmem>>
      %dma_wait3A_144 = tpu.memref_squeeze %dma_wait3A_143 : memref<1x128xi32, #tpu.memory_space<vmem>> -> memref<128xi32, #tpu.memory_space<vmem>>
      %dma_wait3A_145 = arith.constant 0 : i32
      %dma_wait3A_146 = arith.constant 0 : i32
      %dma_wait3A_147 = tpu.memref_slice %arg2[%arg0, %dma_wait3A_145, %dma_wait3A_146] : memref<2x10000x128xf32, #tpu.memory_space<hbm>> -> memref<1x10000x128xf32, #tpu.memory_space<hbm>>
      %dma_wait3A_148 = tpu.memref_squeeze %dma_wait3A_147 : memref<1x10000x128xf32, #tpu.memory_space<hbm>> -> memref<10000x128xf32, #tpu.memory_space<hbm>>
      %dma_wait3A_149 = arith.constant 0 : i32
      %dma_wait3A_150 = arith.constant 0 : i32
      %dma_wait3A_151 = tpu.memref_slice %dma_wait3A_148[%dma_wait3A_149, %dma_wait3A_150] : memref<10000x128xf32, #tpu.memory_space<hbm>> -> memref<10000x128xf32, #tpu.memory_space<hbm>>
      tpu.wait_indirect_dma semaphore(%arg11 : memref<!tpu.dma_semaphore, #tpu.memory_space<semaphore_mem>>) src(%dma_wait3A_151 : memref<10000x128xf32, #tpu.memory_space<hbm>>) dst(%arg10 : memref<128x128xf32, #tpu.memory_space<vmem>>)
      %run_scoped3A_152 = arith.constant 4 : i32
      "tpu.region"() ({
        %run_scoped3A_222 = tpu.sem_alloc : memref<!tpu.dma_semaphore, #tpu.memory_space<semaphore_mem>>
        %dma_start3A_223 = arith.constant 0 : i32
        %dma_start3A_224 = tpu.memref_slice %arg9[%run_scoped3A_152, %dma_start3A_223] : memref<8x128xi32, #tpu.memory_space<vmem>> -> memref<1x128xi32, #tpu.memory_space<vmem>>
        %dma_start3A_225 = tpu.memref_squeeze %dma_start3A_224 : memref<1x128xi32, #tpu.memory_space<vmem>> -> memref<128xi32, #tpu.memory_space<vmem>>
        %dma_start3A_226 = arith.constant 0 : i32
        %dma_start3A_227 = arith.constant 0 : i32
        %dma_start3A_228 = tpu.memref_slice %arg7[%dma_start3A_226, %dma_start3A_227] : memref<10112x128xf32, #tpu.memory_space<vmem_shared>> -> memref<10112x128xf32, #tpu.memory_space<vmem_shared>>
        tpu.enqueue_indirect_dma source(%arg10 : memref<128x128xf32, #tpu.memory_space<vmem>>) target(%dma_start3A_228 : memref<10112x128xf32, #tpu.memory_space<vmem_shared>>) offsets(%dma_start3A_225 : memref<128xi32, #tpu.memory_space<vmem>>) semaphore(%run_scoped3A_222 : memref<!tpu.dma_semaphore, #tpu.memory_space<semaphore_mem>>) {add = true}
        %dma_wait3A_229 = arith.constant 0 : i32
        %dma_wait3A_230 = tpu.memref_slice %arg9[%run_scoped3A_152, %dma_wait3A_229] : memref<8x128xi32, #tpu.memory_space<vmem>> -> memref<1x128xi32, #tpu.memory_space<vmem>>
        %dma_wait3A_231 = tpu.memref_squeeze %dma_wait3A_230 : memref<1x128xi32, #tpu.memory_space<vmem>> -> memref<128xi32, #tpu.memory_space<vmem>>
        %dma_wait3A_232 = arith.constant 0 : i32
        %dma_wait3A_233 = arith.constant 0 : i32
        %dma_wait3A_234 = tpu.memref_slice %arg7[%dma_wait3A_232, %dma_wait3A_233] : memref<10112x128xf32, #tpu.memory_space<vmem_shared>> -> memref<10112x128xf32, #tpu.memory_space<vmem_shared>>
        tpu.wait_indirect_dma semaphore(%run_scoped3A_222 : memref<!tpu.dma_semaphore, #tpu.memory_space<semaphore_mem>>) src(%arg10 : memref<128x128xf32, #tpu.memory_space<vmem>>) dst(%dma_wait3A_234 : memref<10112x128xf32, #tpu.memory_space<vmem_shared>>)
        tpu.yield
      }) : () -> ()
      %dma_start3A_153 = arith.constant 5 : i32
      %dma_start3A_154 = arith.constant 0 : i32
      %dma_start3A_155 = tpu.memref_slice %arg8[%dma_start3A_153, %dma_start3A_154] : memref<8x128xi32, #tpu.memory_space<vmem>> -> memref<1x128xi32, #tpu.memory_space<vmem>>
      %dma_start3A_156 = tpu.memref_squeeze %dma_start3A_155 : memref<1x128xi32, #tpu.memory_space<vmem>> -> memref<128xi32, #tpu.memory_space<vmem>>
      %dma_start3A_157 = arith.constant 0 : i32
      %dma_start3A_158 = arith.constant 0 : i32
      %dma_start3A_159 = tpu.memref_slice %arg2[%arg0, %dma_start3A_157, %dma_start3A_158] : memref<2x10000x128xf32, #tpu.memory_space<hbm>> -> memref<1x10000x128xf32, #tpu.memory_space<hbm>>
      %dma_start3A_160 = tpu.memref_squeeze %dma_start3A_159 : memref<1x10000x128xf32, #tpu.memory_space<hbm>> -> memref<10000x128xf32, #tpu.memory_space<hbm>>
      %dma_start3A_161 = arith.constant 0 : i32
      %dma_start3A_162 = arith.constant 0 : i32
      %dma_start3A_163 = tpu.memref_slice %dma_start3A_160[%dma_start3A_161, %dma_start3A_162] : memref<10000x128xf32, #tpu.memory_space<hbm>> -> memref<10000x128xf32, #tpu.memory_space<hbm>>
      tpu.enqueue_indirect_dma source(%dma_start3A_163 : memref<10000x128xf32, #tpu.memory_space<hbm>>) target(%arg10 : memref<128x128xf32, #tpu.memory_space<vmem>>) offsets(%dma_start3A_156 : memref<128xi32, #tpu.memory_space<vmem>>) semaphore(%arg11 : memref<!tpu.dma_semaphore, #tpu.memory_space<semaphore_mem>>)
      %dma_wait3A_164 = arith.constant 5 : i32
      %dma_wait3A_165 = arith.constant 0 : i32
      %dma_wait3A_166 = tpu.memref_slice %arg8[%dma_wait3A_164, %dma_wait3A_165] : memref<8x128xi32, #tpu.memory_space<vmem>> -> memref<1x128xi32, #tpu.memory_space<vmem>>
      %dma_wait3A_167 = tpu.memref_squeeze %dma_wait3A_166 : memref<1x128xi32, #tpu.memory_space<vmem>> -> memref<128xi32, #tpu.memory_space<vmem>>
      %dma_wait3A_168 = arith.constant 0 : i32
      %dma_wait3A_169 = arith.constant 0 : i32
      %dma_wait3A_170 = tpu.memref_slice %arg2[%arg0, %dma_wait3A_168, %dma_wait3A_169] : memref<2x10000x128xf32, #tpu.memory_space<hbm>> -> memref<1x10000x128xf32, #tpu.memory_space<hbm>>
      %dma_wait3A_171 = tpu.memref_squeeze %dma_wait3A_170 : memref<1x10000x128xf32, #tpu.memory_space<hbm>> -> memref<10000x128xf32, #tpu.memory_space<hbm>>
      %dma_wait3A_172 = arith.constant 0 : i32
      %dma_wait3A_173 = arith.constant 0 : i32
      %dma_wait3A_174 = tpu.memref_slice %dma_wait3A_171[%dma_wait3A_172, %dma_wait3A_173] : memref<10000x128xf32, #tpu.memory_space<hbm>> -> memref<10000x128xf32, #tpu.memory_space<hbm>>
      tpu.wait_indirect_dma semaphore(%arg11 : memref<!tpu.dma_semaphore, #tpu.memory_space<semaphore_mem>>) src(%dma_wait3A_174 : memref<10000x128xf32, #tpu.memory_space<hbm>>) dst(%arg10 : memref<128x128xf32, #tpu.memory_space<vmem>>)
      %run_scoped3A_175 = arith.constant 5 : i32
      "tpu.region"() ({
        %run_scoped3A_222 = tpu.sem_alloc : memref<!tpu.dma_semaphore, #tpu.memory_space<semaphore_mem>>
        %dma_start3A_223 = arith.constant 0 : i32
        %dma_start3A_224 = tpu.memref_slice %arg9[%run_scoped3A_175, %dma_start3A_223] : memref<8x128xi32, #tpu.memory_space<vmem>> -> memref<1x128xi32, #tpu.memory_space<vmem>>
        %dma_start3A_225 = tpu.memref_squeeze %dma_start3A_224 : memref<1x128xi32, #tpu.memory_space<vmem>> -> memref<128xi32, #tpu.memory_space<vmem>>
        %dma_start3A_226 = arith.constant 0 : i32
        %dma_start3A_227 = arith.constant 0 : i32
        %dma_start3A_228 = tpu.memref_slice %arg7[%dma_start3A_226, %dma_start3A_227] : memref<10112x128xf32, #tpu.memory_space<vmem_shared>> -> memref<10112x128xf32, #tpu.memory_space<vmem_shared>>
        tpu.enqueue_indirect_dma source(%arg10 : memref<128x128xf32, #tpu.memory_space<vmem>>) target(%dma_start3A_228 : memref<10112x128xf32, #tpu.memory_space<vmem_shared>>) offsets(%dma_start3A_225 : memref<128xi32, #tpu.memory_space<vmem>>) semaphore(%run_scoped3A_222 : memref<!tpu.dma_semaphore, #tpu.memory_space<semaphore_mem>>) {add = true}
        %dma_wait3A_229 = arith.constant 0 : i32
        %dma_wait3A_230 = tpu.memref_slice %arg9[%run_scoped3A_175, %dma_wait3A_229] : memref<8x128xi32, #tpu.memory_space<vmem>> -> memref<1x128xi32, #tpu.memory_space<vmem>>
        %dma_wait3A_231 = tpu.memref_squeeze %dma_wait3A_230 : memref<1x128xi32, #tpu.memory_space<vmem>> -> memref<128xi32, #tpu.memory_space<vmem>>
        %dma_wait3A_232 = arith.constant 0 : i32
        %dma_wait3A_233 = arith.constant 0 : i32
        %dma_wait3A_234 = tpu.memref_slice %arg7[%dma_wait3A_232, %dma_wait3A_233] : memref<10112x128xf32, #tpu.memory_space<vmem_shared>> -> memref<10112x128xf32, #tpu.memory_space<vmem_shared>>
        tpu.wait_indirect_dma semaphore(%run_scoped3A_222 : memref<!tpu.dma_semaphore, #tpu.memory_space<semaphore_mem>>) src(%arg10 : memref<128x128xf32, #tpu.memory_space<vmem>>) dst(%dma_wait3A_234 : memref<10112x128xf32, #tpu.memory_space<vmem_shared>>)
        tpu.yield
      }) : () -> ()
      %dma_start3A_176 = arith.constant 6 : i32
      %dma_start3A_177 = arith.constant 0 : i32
      %dma_start3A_178 = tpu.memref_slice %arg8[%dma_start3A_176, %dma_start3A_177] : memref<8x128xi32, #tpu.memory_space<vmem>> -> memref<1x128xi32, #tpu.memory_space<vmem>>
      %dma_start3A_179 = tpu.memref_squeeze %dma_start3A_178 : memref<1x128xi32, #tpu.memory_space<vmem>> -> memref<128xi32, #tpu.memory_space<vmem>>
      %dma_start3A_180 = arith.constant 0 : i32
      %dma_start3A_181 = arith.constant 0 : i32
      %dma_start3A_182 = tpu.memref_slice %arg2[%arg0, %dma_start3A_180, %dma_start3A_181] : memref<2x10000x128xf32, #tpu.memory_space<hbm>> -> memref<1x10000x128xf32, #tpu.memory_space<hbm>>
      %dma_start3A_183 = tpu.memref_squeeze %dma_start3A_182 : memref<1x10000x128xf32, #tpu.memory_space<hbm>> -> memref<10000x128xf32, #tpu.memory_space<hbm>>
      %dma_start3A_184 = arith.constant 0 : i32
      %dma_start3A_185 = arith.constant 0 : i32
      %dma_start3A_186 = tpu.memref_slice %dma_start3A_183[%dma_start3A_184, %dma_start3A_185] : memref<10000x128xf32, #tpu.memory_space<hbm>> -> memref<10000x128xf32, #tpu.memory_space<hbm>>
      tpu.enqueue_indirect_dma source(%dma_start3A_186 : memref<10000x128xf32, #tpu.memory_space<hbm>>) target(%arg10 : memref<128x128xf32, #tpu.memory_space<vmem>>) offsets(%dma_start3A_179 : memref<128xi32, #tpu.memory_space<vmem>>) semaphore(%arg11 : memref<!tpu.dma_semaphore, #tpu.memory_space<semaphore_mem>>)
      %dma_wait3A_187 = arith.constant 6 : i32
      %dma_wait3A_188 = arith.constant 0 : i32
      %dma_wait3A_189 = tpu.memref_slice %arg8[%dma_wait3A_187, %dma_wait3A_188] : memref<8x128xi32, #tpu.memory_space<vmem>> -> memref<1x128xi32, #tpu.memory_space<vmem>>
      %dma_wait3A_190 = tpu.memref_squeeze %dma_wait3A_189 : memref<1x128xi32, #tpu.memory_space<vmem>> -> memref<128xi32, #tpu.memory_space<vmem>>
      %dma_wait3A_191 = arith.constant 0 : i32
      %dma_wait3A_192 = arith.constant 0 : i32
      %dma_wait3A_193 = tpu.memref_slice %arg2[%arg0, %dma_wait3A_191, %dma_wait3A_192] : memref<2x10000x128xf32, #tpu.memory_space<hbm>> -> memref<1x10000x128xf32, #tpu.memory_space<hbm>>
      %dma_wait3A_194 = tpu.memref_squeeze %dma_wait3A_193 : memref<1x10000x128xf32, #tpu.memory_space<hbm>> -> memref<10000x128xf32, #tpu.memory_space<hbm>>
      %dma_wait3A_195 = arith.constant 0 : i32
      %dma_wait3A_196 = arith.constant 0 : i32
      %dma_wait3A_197 = tpu.memref_slice %dma_wait3A_194[%dma_wait3A_195, %dma_wait3A_196] : memref<10000x128xf32, #tpu.memory_space<hbm>> -> memref<10000x128xf32, #tpu.memory_space<hbm>>
      tpu.wait_indirect_dma semaphore(%arg11 : memref<!tpu.dma_semaphore, #tpu.memory_space<semaphore_mem>>) src(%dma_wait3A_197 : memref<10000x128xf32, #tpu.memory_space<hbm>>) dst(%arg10 : memref<128x128xf32, #tpu.memory_space<vmem>>)
      %run_scoped3A_198 = arith.constant 6 : i32
      "tpu.region"() ({
        %run_scoped3A_222 = tpu.sem_alloc : memref<!tpu.dma_semaphore, #tpu.memory_space<semaphore_mem>>
        %dma_start3A_223 = arith.constant 0 : i32
        %dma_start3A_224 = tpu.memref_slice %arg9[%run_scoped3A_198, %dma_start3A_223] : memref<8x128xi32, #tpu.memory_space<vmem>> -> memref<1x128xi32, #tpu.memory_space<vmem>>
        %dma_start3A_225 = tpu.memref_squeeze %dma_start3A_224 : memref<1x128xi32, #tpu.memory_space<vmem>> -> memref<128xi32, #tpu.memory_space<vmem>>
        %dma_start3A_226 = arith.constant 0 : i32
        %dma_start3A_227 = arith.constant 0 : i32
        %dma_start3A_228 = tpu.memref_slice %arg7[%dma_start3A_226, %dma_start3A_227] : memref<10112x128xf32, #tpu.memory_space<vmem_shared>> -> memref<10112x128xf32, #tpu.memory_space<vmem_shared>>
        tpu.enqueue_indirect_dma source(%arg10 : memref<128x128xf32, #tpu.memory_space<vmem>>) target(%dma_start3A_228 : memref<10112x128xf32, #tpu.memory_space<vmem_shared>>) offsets(%dma_start3A_225 : memref<128xi32, #tpu.memory_space<vmem>>) semaphore(%run_scoped3A_222 : memref<!tpu.dma_semaphore, #tpu.memory_space<semaphore_mem>>) {add = true}
        %dma_wait3A_229 = arith.constant 0 : i32
        %dma_wait3A_230 = tpu.memref_slice %arg9[%run_scoped3A_198, %dma_wait3A_229] : memref<8x128xi32, #tpu.memory_space<vmem>> -> memref<1x128xi32, #tpu.memory_space<vmem>>
        %dma_wait3A_231 = tpu.memref_squeeze %dma_wait3A_230 : memref<1x128xi32, #tpu.memory_space<vmem>> -> memref<128xi32, #tpu.memory_space<vmem>>
        %dma_wait3A_232 = arith.constant 0 : i32
        %dma_wait3A_233 = arith.constant 0 : i32
        %dma_wait3A_234 = tpu.memref_slice %arg7[%dma_wait3A_232, %dma_wait3A_233] : memref<10112x128xf32, #tpu.memory_space<vmem_shared>> -> memref<10112x128xf32, #tpu.memory_space<vmem_shared>>
        tpu.wait_indirect_dma semaphore(%run_scoped3A_222 : memref<!tpu.dma_semaphore, #tpu.memory_space<semaphore_mem>>) src(%arg10 : memref<128x128xf32, #tpu.memory_space<vmem>>) dst(%dma_wait3A_234 : memref<10112x128xf32, #tpu.memory_space<vmem_shared>>)
        tpu.yield
      }) : () -> ()
      %dma_start3A_199 = arith.constant 7 : i32
      %dma_start3A_200 = arith.constant 0 : i32
      %dma_start3A_201 = tpu.memref_slice %arg8[%dma_start3A_199, %dma_start3A_200] : memref<8x128xi32, #tpu.memory_space<vmem>> -> memref<1x128xi32, #tpu.memory_space<vmem>>
      %dma_start3A_202 = tpu.memref_squeeze %dma_start3A_201 : memref<1x128xi32, #tpu.memory_space<vmem>> -> memref<128xi32, #tpu.memory_space<vmem>>
      %dma_start3A_203 = arith.constant 0 : i32
      %dma_start3A_204 = arith.constant 0 : i32
      %dma_start3A_205 = tpu.memref_slice %arg2[%arg0, %dma_start3A_203, %dma_start3A_204] : memref<2x10000x128xf32, #tpu.memory_space<hbm>> -> memref<1x10000x128xf32, #tpu.memory_space<hbm>>
      %dma_start3A_206 = tpu.memref_squeeze %dma_start3A_205 : memref<1x10000x128xf32, #tpu.memory_space<hbm>> -> memref<10000x128xf32, #tpu.memory_space<hbm>>
      %dma_start3A_207 = arith.constant 0 : i32
      %dma_start3A_208 = arith.constant 0 : i32
      %dma_start3A_209 = tpu.memref_slice %dma_start3A_206[%dma_start3A_207, %dma_start3A_208] : memref<10000x128xf32, #tpu.memory_space<hbm>> -> memref<10000x128xf32, #tpu.memory_space<hbm>>
      tpu.enqueue_indirect_dma source(%dma_start3A_209 : memref<10000x128xf32, #tpu.memory_space<hbm>>) target(%arg10 : memref<128x128xf32, #tpu.memory_space<vmem>>) offsets(%dma_start3A_202 : memref<128xi32, #tpu.memory_space<vmem>>) semaphore(%arg11 : memref<!tpu.dma_semaphore, #tpu.memory_space<semaphore_mem>>)
      %dma_wait3A_210 = arith.constant 7 : i32
      %dma_wait3A_211 = arith.constant 0 : i32
      %dma_wait3A_212 = tpu.memref_slice %arg8[%dma_wait3A_210, %dma_wait3A_211] : memref<8x128xi32, #tpu.memory_space<vmem>> -> memref<1x128xi32, #tpu.memory_space<vmem>>
      %dma_wait3A_213 = tpu.memref_squeeze %dma_wait3A_212 : memref<1x128xi32, #tpu.memory_space<vmem>> -> memref<128xi32, #tpu.memory_space<vmem>>
      %dma_wait3A_214 = arith.constant 0 : i32
      %dma_wait3A_215 = arith.constant 0 : i32
      %dma_wait3A_216 = tpu.memref_slice %arg2[%arg0, %dma_wait3A_214, %dma_wait3A_215] : memref<2x10000x128xf32, #tpu.memory_space<hbm>> -> memref<1x10000x128xf32, #tpu.memory_space<hbm>>
      %dma_wait3A_217 = tpu.memref_squeeze %dma_wait3A_216 : memref<1x10000x128xf32, #tpu.memory_space<hbm>> -> memref<10000x128xf32, #tpu.memory_space<hbm>>
      %dma_wait3A_218 = arith.constant 0 : i32
      %dma_wait3A_219 = arith.constant 0 : i32
      %dma_wait3A_220 = tpu.memref_slice %dma_wait3A_217[%dma_wait3A_218, %dma_wait3A_219] : memref<10000x128xf32, #tpu.memory_space<hbm>> -> memref<10000x128xf32, #tpu.memory_space<hbm>>
      tpu.wait_indirect_dma semaphore(%arg11 : memref<!tpu.dma_semaphore, #tpu.memory_space<semaphore_mem>>) src(%dma_wait3A_220 : memref<10000x128xf32, #tpu.memory_space<hbm>>) dst(%arg10 : memref<128x128xf32, #tpu.memory_space<vmem>>)
      %run_scoped3A_221 = arith.constant 7 : i32
      "tpu.region"() ({
        %run_scoped3A_222 = tpu.sem_alloc : memref<!tpu.dma_semaphore, #tpu.memory_space<semaphore_mem>>
        %dma_start3A_223 = arith.constant 0 : i32
        %dma_start3A_224 = tpu.memref_slice %arg9[%run_scoped3A_221, %dma_start3A_223] : memref<8x128xi32, #tpu.memory_space<vmem>> -> memref<1x128xi32, #tpu.memory_space<vmem>>
        %dma_start3A_225 = tpu.memref_squeeze %dma_start3A_224 : memref<1x128xi32, #tpu.memory_space<vmem>> -> memref<128xi32, #tpu.memory_space<vmem>>
        %dma_start3A_226 = arith.constant 0 : i32
        %dma_start3A_227 = arith.constant 0 : i32
        %dma_start3A_228 = tpu.memref_slice %arg7[%dma_start3A_226, %dma_start3A_227] : memref<10112x128xf32, #tpu.memory_space<vmem_shared>> -> memref<10112x128xf32, #tpu.memory_space<vmem_shared>>
        tpu.enqueue_indirect_dma source(%arg10 : memref<128x128xf32, #tpu.memory_space<vmem>>) target(%dma_start3A_228 : memref<10112x128xf32, #tpu.memory_space<vmem_shared>>) offsets(%dma_start3A_225 : memref<128xi32, #tpu.memory_space<vmem>>) semaphore(%run_scoped3A_222 : memref<!tpu.dma_semaphore, #tpu.memory_space<semaphore_mem>>) {add = true}
        %dma_wait3A_229 = arith.constant 0 : i32
        %dma_wait3A_230 = tpu.memref_slice %arg9[%run_scoped3A_221, %dma_wait3A_229] : memref<8x128xi32, #tpu.memory_space<vmem>> -> memref<1x128xi32, #tpu.memory_space<vmem>>
        %dma_wait3A_231 = tpu.memref_squeeze %dma_wait3A_230 : memref<1x128xi32, #tpu.memory_space<vmem>> -> memref<128xi32, #tpu.memory_space<vmem>>
        %dma_wait3A_232 = arith.constant 0 : i32
        %dma_wait3A_233 = arith.constant 0 : i32
        %dma_wait3A_234 = tpu.memref_slice %arg7[%dma_wait3A_232, %dma_wait3A_233] : memref<10112x128xf32, #tpu.memory_space<vmem_shared>> -> memref<10112x128xf32, #tpu.memory_space<vmem_shared>>
        tpu.wait_indirect_dma semaphore(%run_scoped3A_222 : memref<!tpu.dma_semaphore, #tpu.memory_space<semaphore_mem>>) src(%arg10 : memref<128x128xf32, #tpu.memory_space<vmem>>) dst(%dma_wait3A_234 : memref<10112x128xf32, #tpu.memory_space<vmem_shared>>)
        tpu.yield
      }) : () -> ()
    }
    %scan3A_14 = arith.constant 20 : i32
    %barrier3A_15 = arith.constant 0 : index
    tpu.barrier barrier_id(%barrier3A_15)
    %add3A_16 = arith.constant 0 : i32
    %add3A_17 = arith.addi %mul3A_0, %add3A_16 : i32
    "tpu.region"() ({
      %run_scoped3A = tpu.sem_alloc : memref<!tpu.dma_semaphore, #tpu.memory_space<semaphore_mem>>
      %dma_start3A = arith.constant 0 : i32
      %dma_start3A_36 = arith.constant 0 : i32
      %dma_start3A_37 = tpu.memref_slice %arg10[%dma_start3A, %dma_start3A_36] : memref<128x128xf32, #tpu.memory_space<vmem>> -> memref<128x128xf32, #tpu.memory_space<vmem>>
      %dma_start3A_38 = arith.constant 0 : i32
      %dma_start3A_39 = tpu.memref_slice %arg7[%add3A_17, %dma_start3A_38] : memref<10112x128xf32, #tpu.memory_space<vmem_shared>> -> memref<128x128xf32, #tpu.memory_space<vmem_shared>>
      %dma_start3A_40 = arith.constant 0 : i32
      %dma_start3A_41 = arith.constant 0 : i32
      %dma_start3A_42 = tpu.memref_slice %arg10[%dma_start3A_40, %dma_start3A_41] : memref<128x128xf32, #tpu.memory_space<vmem>> -> memref<128x128xf32, #tpu.memory_space<vmem>>
      %dma_start3A_43 = arith.constant 0 : i32
      %dma_start3A_44 = tpu.memref_slice %arg7[%add3A_17, %dma_start3A_43] : memref<10112x128xf32, #tpu.memory_space<vmem_shared>> -> memref<128x128xf32, #tpu.memory_space<vmem_shared>>
      tpu.enqueue_dma source(%dma_start3A_44 : memref<128x128xf32, #tpu.memory_space<vmem_shared>>) target(%dma_start3A_42 : memref<128x128xf32, #tpu.memory_space<vmem>>) target_semaphore(%run_scoped3A : memref<!tpu.dma_semaphore, #tpu.memory_space<semaphore_mem>>)
      %dma_wait3A = arith.constant 0 : i32
      %dma_wait3A_45 = arith.constant 0 : i32
      %dma_wait3A_46 = tpu.memref_slice %arg10[%dma_wait3A, %dma_wait3A_45] : memref<128x128xf32, #tpu.memory_space<vmem>> -> memref<128x128xf32, #tpu.memory_space<vmem>>
      %dma_wait3A_47 = arith.constant 0 : i32
      %dma_wait3A_48 = tpu.memref_slice %arg7[%add3A_17, %dma_wait3A_47] : memref<10112x128xf32, #tpu.memory_space<vmem_shared>> -> memref<128x128xf32, #tpu.memory_space<vmem_shared>>
      %dma_wait3A_49 = arith.constant 0 : i32
      %dma_wait3A_50 = arith.constant 0 : i32
      %dma_wait3A_51 = tpu.memref_slice %arg10[%dma_wait3A_49, %dma_wait3A_50] : memref<128x128xf32, #tpu.memory_space<vmem>> -> memref<128x128xf32, #tpu.memory_space<vmem>>
      %dma_wait3A_52 = arith.constant 0 : i32
      %dma_wait3A_53 = tpu.memref_slice %arg7[%add3A_17, %dma_wait3A_52] : memref<10112x128xf32, #tpu.memory_space<vmem_shared>> -> memref<128x128xf32, #tpu.memory_space<vmem_shared>>
      tpu.wait_dma2 semaphore(%run_scoped3A : memref<!tpu.dma_semaphore, #tpu.memory_space<semaphore_mem>>) src(%dma_wait3A_53 : memref<128x128xf32, #tpu.memory_space<vmem_shared>>) dst(%dma_wait3A_51 : memref<128x128xf32, #tpu.memory_space<vmem>>)
      tpu.yield
    }) : () -> ()
    %add3A_18 = arith.constant 0 : i32
    %add3A_19 = arith.addi %mul3A_0, %add3A_18 : i32
    "tpu.region"() ({
      %run_scoped3A = tpu.sem_alloc : memref<!tpu.dma_semaphore, #tpu.memory_space<semaphore_mem>>
      %dma_start3A = arith.constant 0 : i32
      %dma_start3A_36 = arith.constant 0 : i32
      %dma_start3A_37 = tpu.memref_slice %arg10[%dma_start3A, %dma_start3A_36] : memref<128x128xf32, #tpu.memory_space<vmem>> -> memref<128x128xf32, #tpu.memory_space<vmem>>
      %dma_start3A_38 = arith.constant 0 : i32
      %dma_start3A_39 = arith.constant 0 : i32
      %dma_start3A_40 = tpu.memref_slice %arg6[%arg0, %dma_start3A_38, %dma_start3A_39] : memref<2x10112x128xf32, #tpu.memory_space<hbm>> -> memref<1x10112x128xf32, #tpu.memory_space<hbm>>
      %dma_start3A_41 = tpu.memref_squeeze %dma_start3A_40 : memref<1x10112x128xf32, #tpu.memory_space<hbm>> -> memref<10112x128xf32, #tpu.memory_space<hbm>>
      %dma_start3A_42 = arith.constant 0 : i32
      %dma_start3A_43 = tpu.memref_slice %dma_start3A_41[%add3A_19, %dma_start3A_42] : memref<10112x128xf32, #tpu.memory_space<hbm>> -> memref<128x128xf32, #tpu.memory_space<hbm>>
      %dma_start3A_44 = arith.constant 0 : i32
      %dma_start3A_45 = arith.constant 0 : i32
      %dma_start3A_46 = tpu.memref_slice %arg6[%arg0, %dma_start3A_44, %dma_start3A_45] : memref<2x10112x128xf32, #tpu.memory_space<hbm>> -> memref<1x10112x128xf32, #tpu.memory_space<hbm>>
      %dma_start3A_47 = tpu.memref_squeeze %dma_start3A_46 : memref<1x10112x128xf32, #tpu.memory_space<hbm>> -> memref<10112x128xf32, #tpu.memory_space<hbm>>
      %dma_start3A_48 = arith.constant 0 : i32
      %dma_start3A_49 = tpu.memref_slice %dma_start3A_47[%add3A_19, %dma_start3A_48] : memref<10112x128xf32, #tpu.memory_space<hbm>> -> memref<128x128xf32, #tpu.memory_space<hbm>>
      %dma_start3A_50 = arith.constant 0 : i32
      %dma_start3A_51 = arith.constant 0 : i32
      %dma_start3A_52 = tpu.memref_slice %arg10[%dma_start3A_50, %dma_start3A_51] : memref<128x128xf32, #tpu.memory_space<vmem>> -> memref<128x128xf32, #tpu.memory_space<vmem>>
      tpu.enqueue_dma source(%dma_start3A_52 : memref<128x128xf32, #tpu.memory_space<vmem>>) target(%dma_start3A_49 : memref<128x128xf32, #tpu.memory_space<hbm>>) target_semaphore(%run_scoped3A : memref<!tpu.dma_semaphore, #tpu.memory_space<semaphore_mem>>)
      %dma_wait3A = arith.constant 0 : i32
      %dma_wait3A_53 = arith.constant 0 : i32
      %dma_wait3A_54 = tpu.memref_slice %arg10[%dma_wait3A, %dma_wait3A_53] : memref<128x128xf32, #tpu.memory_space<vmem>> -> memref<128x128xf32, #tpu.memory_space<vmem>>
      %dma_wait3A_55 = arith.constant 0 : i32
      %dma_wait3A_56 = arith.constant 0 : i32
      %dma_wait3A_57 = tpu.memref_slice %arg6[%arg0, %dma_wait3A_55, %dma_wait3A_56] : memref<2x10112x128xf32, #tpu.memory_space<hbm>> -> memref<1x10112x128xf32, #tpu.memory_space<hbm>>
      %dma_wait3A_58 = tpu.memref_squeeze %dma_wait3A_57 : memref<1x10112x128xf32, #tpu.memory_space<hbm>> -> memref<10112x128xf32, #tpu.memory_space<hbm>>
      %dma_wait3A_59 = arith.constant 0 : i32
      %dma_wait3A_60 = tpu.memref_slice %dma_wait3A_58[%add3A_19, %dma_wait3A_59] : memref<10112x128xf32, #tpu.memory_space<hbm>> -> memref<128x128xf32, #tpu.memory_space<hbm>>
      %dma_wait3A_61 = arith.constant 0 : i32
      %dma_wait3A_62 = arith.constant 0 : i32
      %dma_wait3A_63 = tpu.memref_slice %arg6[%arg0, %dma_wait3A_61, %dma_wait3A_62] : memref<2x10112x128xf32, #tpu.memory_space<hbm>> -> memref<1x10112x128xf32, #tpu.memory_space<hbm>>
      %dma_wait3A_64 = tpu.memref_squeeze %dma_wait3A_63 : memref<1x10112x128xf32, #tpu.memory_space<hbm>> -> memref<10112x128xf32, #tpu.memory_space<hbm>>
      %dma_wait3A_65 = arith.constant 0 : i32
      %dma_wait3A_66 = tpu.memref_slice %dma_wait3A_64[%add3A_19, %dma_wait3A_65] : memref<10112x128xf32, #tpu.memory_space<hbm>> -> memref<128x128xf32, #tpu.memory_space<hbm>>
      %dma_wait3A_67 = arith.constant 0 : i32
      %dma_wait3A_68 = arith.constant 0 : i32
      %dma_wait3A_69 = tpu.memref_slice %arg10[%dma_wait3A_67, %dma_wait3A_68] : memref<128x128xf32, #tpu.memory_space<vmem>> -> memref<128x128xf32, #tpu.memory_space<vmem>>
      tpu.wait_dma2 semaphore(%run_scoped3A : memref<!tpu.dma_semaphore, #tpu.memory_space<semaphore_mem>>) src(%dma_wait3A_69 : memref<128x128xf32, #tpu.memory_space<vmem>>) dst(%dma_wait3A_66 : memref<128x128xf32, #tpu.memory_space<hbm>>)
      tpu.yield
    }) : () -> ()
    %add3A_20 = arith.constant 128 : i32
    %add3A_21 = arith.addi %mul3A_0, %add3A_20 : i32
    "tpu.region"() ({
      %run_scoped3A = tpu.sem_alloc : memref<!tpu.dma_semaphore, #tpu.memory_space<semaphore_mem>>
      %dma_start3A = arith.constant 0 : i32
      %dma_start3A_36 = arith.constant 0 : i32
      %dma_start3A_37 = tpu.memref_slice %arg10[%dma_start3A, %dma_start3A_36] : memref<128x128xf32, #tpu.memory_space<vmem>> -> memref<128x128xf32, #tpu.memory_space<vmem>>
      %dma_start3A_38 = arith.constant 0 : i32
      %dma_start3A_39 = tpu.memref_slice %arg7[%add3A_21, %dma_start3A_38] : memref<10112x128xf32, #tpu.memory_space<vmem_shared>> -> memref<128x128xf32, #tpu.memory_space<vmem_shared>>
      %dma_start3A_40 = arith.constant 0 : i32
      %dma_start3A_41 = arith.constant 0 : i32
      %dma_start3A_42 = tpu.memref_slice %arg10[%dma_start3A_40, %dma_start3A_41] : memref<128x128xf32, #tpu.memory_space<vmem>> -> memref<128x128xf32, #tpu.memory_space<vmem>>
      %dma_start3A_43 = arith.constant 0 : i32
      %dma_start3A_44 = tpu.memref_slice %arg7[%add3A_21, %dma_start3A_43] : memref<10112x128xf32, #tpu.memory_space<vmem_shared>> -> memref<128x128xf32, #tpu.memory_space<vmem_shared>>
      tpu.enqueue_dma source(%dma_start3A_44 : memref<128x128xf32, #tpu.memory_space<vmem_shared>>) target(%dma_start3A_42 : memref<128x128xf32, #tpu.memory_space<vmem>>) target_semaphore(%run_scoped3A : memref<!tpu.dma_semaphore, #tpu.memory_space<semaphore_mem>>)
      %dma_wait3A = arith.constant 0 : i32
      %dma_wait3A_45 = arith.constant 0 : i32
      %dma_wait3A_46 = tpu.memref_slice %arg10[%dma_wait3A, %dma_wait3A_45] : memref<128x128xf32, #tpu.memory_space<vmem>> -> memref<128x128xf32, #tpu.memory_space<vmem>>
      %dma_wait3A_47 = arith.constant 0 : i32
      %dma_wait3A_48 = tpu.memref_slice %arg7[%add3A_21, %dma_wait3A_47] : memref<10112x128xf32, #tpu.memory_space<vmem_shared>> -> memref<128x128xf32, #tpu.memory_space<vmem_shared>>
      %dma_wait3A_49 = arith.constant 0 : i32
      %dma_wait3A_50 = arith.constant 0 : i32
      %dma_wait3A_51 = tpu.memref_slice %arg10[%dma_wait3A_49, %dma_wait3A_50] : memref<128x128xf32, #tpu.memory_space<vmem>> -> memref<128x128xf32, #tpu.memory_space<vmem>>
      %dma_wait3A_52 = arith.constant 0 : i32
      %dma_wait3A_53 = tpu.memref_slice %arg7[%add3A_21, %dma_wait3A_52] : memref<10112x128xf32, #tpu.memory_space<vmem_shared>> -> memref<128x128xf32, #tpu.memory_space<vmem_shared>>
      tpu.wait_dma2 semaphore(%run_scoped3A : memref<!tpu.dma_semaphore, #tpu.memory_space<semaphore_mem>>) src(%dma_wait3A_53 : memref<128x128xf32, #tpu.memory_space<vmem_shared>>) dst(%dma_wait3A_51 : memref<128x128xf32, #tpu.memory_space<vmem>>)
      tpu.yield
    }) : () -> ()
    %add3A_22 = arith.constant 128 : i32
    %add3A_23 = arith.addi %mul3A_0, %add3A_22 : i32
    "tpu.region"() ({
      %run_scoped3A = tpu.sem_alloc : memref<!tpu.dma_semaphore, #tpu.memory_space<semaphore_mem>>
      %dma_start3A = arith.constant 0 : i32
      %dma_start3A_36 = arith.constant 0 : i32
      %dma_start3A_37 = tpu.memref_slice %arg10[%dma_start3A, %dma_start3A_36] : memref<128x128xf32, #tpu.memory_space<vmem>> -> memref<128x128xf32, #tpu.memory_space<vmem>>
      %dma_start3A_38 = arith.constant 0 : i32
      %dma_start3A_39 = arith.constant 0 : i32
      %dma_start3A_40 = tpu.memref_slice %arg6[%arg0, %dma_start3A_38, %dma_start3A_39] : memref<2x10112x128xf32, #tpu.memory_space<hbm>> -> memref<1x10112x128xf32, #tpu.memory_space<hbm>>
      %dma_start3A_41 = tpu.memref_squeeze %dma_start3A_40 : memref<1x10112x128xf32, #tpu.memory_space<hbm>> -> memref<10112x128xf32, #tpu.memory_space<hbm>>
      %dma_start3A_42 = arith.constant 0 : i32
      %dma_start3A_43 = tpu.memref_slice %dma_start3A_41[%add3A_23, %dma_start3A_42] : memref<10112x128xf32, #tpu.memory_space<hbm>> -> memref<128x128xf32, #tpu.memory_space<hbm>>
      %dma_start3A_44 = arith.constant 0 : i32
      %dma_start3A_45 = arith.constant 0 : i32
      %dma_start3A_46 = tpu.memref_slice %arg6[%arg0, %dma_start3A_44, %dma_start3A_45] : memref<2x10112x128xf32, #tpu.memory_space<hbm>> -> memref<1x10112x128xf32, #tpu.memory_space<hbm>>
      %dma_start3A_47 = tpu.memref_squeeze %dma_start3A_46 : memref<1x10112x128xf32, #tpu.memory_space<hbm>> -> memref<10112x128xf32, #tpu.memory_space<hbm>>
      %dma_start3A_48 = arith.constant 0 : i32
      %dma_start3A_49 = tpu.memref_slice %dma_start3A_47[%add3A_23, %dma_start3A_48] : memref<10112x128xf32, #tpu.memory_space<hbm>> -> memref<128x128xf32, #tpu.memory_space<hbm>>
      %dma_start3A_50 = arith.constant 0 : i32
      %dma_start3A_51 = arith.constant 0 : i32
      %dma_start3A_52 = tpu.memref_slice %arg10[%dma_start3A_50, %dma_start3A_51] : memref<128x128xf32, #tpu.memory_space<vmem>> -> memref<128x128xf32, #tpu.memory_space<vmem>>
      tpu.enqueue_dma source(%dma_start3A_52 : memref<128x128xf32, #tpu.memory_space<vmem>>) target(%dma_start3A_49 : memref<128x128xf32, #tpu.memory_space<hbm>>) target_semaphore(%run_scoped3A : memref<!tpu.dma_semaphore, #tpu.memory_space<semaphore_mem>>)
      %dma_wait3A = arith.constant 0 : i32
      %dma_wait3A_53 = arith.constant 0 : i32
      %dma_wait3A_54 = tpu.memref_slice %arg10[%dma_wait3A, %dma_wait3A_53] : memref<128x128xf32, #tpu.memory_space<vmem>> -> memref<128x128xf32, #tpu.memory_space<vmem>>
      %dma_wait3A_55 = arith.constant 0 : i32
      %dma_wait3A_56 = arith.constant 0 : i32
      %dma_wait3A_57 = tpu.memref_slice %arg6[%arg0, %dma_wait3A_55, %dma_wait3A_56] : memref<2x10112x128xf32, #tpu.memory_space<hbm>> -> memref<1x10112x128xf32, #tpu.memory_space<hbm>>
      %dma_wait3A_58 = tpu.memref_squeeze %dma_wait3A_57 : memref<1x10112x128xf32, #tpu.memory_space<hbm>> -> memref<10112x128xf32, #tpu.memory_space<hbm>>
      %dma_wait3A_59 = arith.constant 0 : i32
      %dma_wait3A_60 = tpu.memref_slice %dma_wait3A_58[%add3A_23, %dma_wait3A_59] : memref<10112x128xf32, #tpu.memory_space<hbm>> -> memref<128x128xf32, #tpu.memory_space<hbm>>
      %dma_wait3A_61 = arith.constant 0 : i32
      %dma_wait3A_62 = arith.constant 0 : i32
      %dma_wait3A_63 = tpu.memref_slice %arg6[%arg0, %dma_wait3A_61, %dma_wait3A_62] : memref<2x10112x128xf32, #tpu.memory_space<hbm>> -> memref<1x10112x128xf32, #tpu.memory_space<hbm>>
      %dma_wait3A_64 = tpu.memref_squeeze %dma_wait3A_63 : memref<1x10112x128xf32, #tpu.memory_space<hbm>> -> memref<10112x128xf32, #tpu.memory_space<hbm>>
      %dma_wait3A_65 = arith.constant 0 : i32
      %dma_wait3A_66 = tpu.memref_slice %dma_wait3A_64[%add3A_23, %dma_wait3A_65] : memref<10112x128xf32, #tpu.memory_space<hbm>> -> memref<128x128xf32, #tpu.memory_space<hbm>>
      %dma_wait3A_67 = arith.constant 0 : i32
      %dma_wait3A_68 = arith.constant 0 : i32
      %dma_wait3A_69 = tpu.memref_slice %arg10[%dma_wait3A_67, %dma_wait3A_68] : memref<128x128xf32, #tpu.memory_space<vmem>> -> memref<128x128xf32, #tpu.memory_space<vmem>>
      tpu.wait_dma2 semaphore(%run_scoped3A : memref<!tpu.dma_semaphore, #tpu.memory_space<semaphore_mem>>) src(%dma_wait3A_69 : memref<128x128xf32, #tpu.memory_space<vmem>>) dst(%dma_wait3A_66 : memref<128x128xf32, #tpu.memory_space<hbm>>)
      tpu.yield
    }) : () -> ()
    %add3A_24 = arith.constant 256 : i32
    %add3A_25 = arith.addi %mul3A_0, %add3A_24 : i32
    "tpu.region"() ({
      %run_scoped3A = tpu.sem_alloc : memref<!tpu.dma_semaphore, #tpu.memory_space<semaphore_mem>>
      %dma_start3A = arith.constant 0 : i32
      %dma_start3A_36 = arith.constant 0 : i32
      %dma_start3A_37 = tpu.memref_slice %arg10[%dma_start3A, %dma_start3A_36] : memref<128x128xf32, #tpu.memory_space<vmem>> -> memref<128x128xf32, #tpu.memory_space<vmem>>
      %dma_start3A_38 = arith.constant 0 : i32
      %dma_start3A_39 = tpu.memref_slice %arg7[%add3A_25, %dma_start3A_38] : memref<10112x128xf32, #tpu.memory_space<vmem_shared>> -> memref<128x128xf32, #tpu.memory_space<vmem_shared>>
      %dma_start3A_40 = arith.constant 0 : i32
      %dma_start3A_41 = arith.constant 0 : i32
      %dma_start3A_42 = tpu.memref_slice %arg10[%dma_start3A_40, %dma_start3A_41] : memref<128x128xf32, #tpu.memory_space<vmem>> -> memref<128x128xf32, #tpu.memory_space<vmem>>
      %dma_start3A_43 = arith.constant 0 : i32
      %dma_start3A_44 = tpu.memref_slice %arg7[%add3A_25, %dma_start3A_43] : memref<10112x128xf32, #tpu.memory_space<vmem_shared>> -> memref<128x128xf32, #tpu.memory_space<vmem_shared>>
      tpu.enqueue_dma source(%dma_start3A_44 : memref<128x128xf32, #tpu.memory_space<vmem_shared>>) target(%dma_start3A_42 : memref<128x128xf32, #tpu.memory_space<vmem>>) target_semaphore(%run_scoped3A : memref<!tpu.dma_semaphore, #tpu.memory_space<semaphore_mem>>)
      %dma_wait3A = arith.constant 0 : i32
      %dma_wait3A_45 = arith.constant 0 : i32
      %dma_wait3A_46 = tpu.memref_slice %arg10[%dma_wait3A, %dma_wait3A_45] : memref<128x128xf32, #tpu.memory_space<vmem>> -> memref<128x128xf32, #tpu.memory_space<vmem>>
      %dma_wait3A_47 = arith.constant 0 : i32
      %dma_wait3A_48 = tpu.memref_slice %arg7[%add3A_25, %dma_wait3A_47] : memref<10112x128xf32, #tpu.memory_space<vmem_shared>> -> memref<128x128xf32, #tpu.memory_space<vmem_shared>>
      %dma_wait3A_49 = arith.constant 0 : i32
      %dma_wait3A_50 = arith.constant 0 : i32
      %dma_wait3A_51 = tpu.memref_slice %arg10[%dma_wait3A_49, %dma_wait3A_50] : memref<128x128xf32, #tpu.memory_space<vmem>> -> memref<128x128xf32, #tpu.memory_space<vmem>>
      %dma_wait3A_52 = arith.constant 0 : i32
      %dma_wait3A_53 = tpu.memref_slice %arg7[%add3A_25, %dma_wait3A_52] : memref<10112x128xf32, #tpu.memory_space<vmem_shared>> -> memref<128x128xf32, #tpu.memory_space<vmem_shared>>
      tpu.wait_dma2 semaphore(%run_scoped3A : memref<!tpu.dma_semaphore, #tpu.memory_space<semaphore_mem>>) src(%dma_wait3A_53 : memref<128x128xf32, #tpu.memory_space<vmem_shared>>) dst(%dma_wait3A_51 : memref<128x128xf32, #tpu.memory_space<vmem>>)
      tpu.yield
    }) : () -> ()
    %add3A_26 = arith.constant 256 : i32
    %add3A_27 = arith.addi %mul3A_0, %add3A_26 : i32
    "tpu.region"() ({
      %run_scoped3A = tpu.sem_alloc : memref<!tpu.dma_semaphore, #tpu.memory_space<semaphore_mem>>
      %dma_start3A = arith.constant 0 : i32
      %dma_start3A_36 = arith.constant 0 : i32
      %dma_start3A_37 = tpu.memref_slice %arg10[%dma_start3A, %dma_start3A_36] : memref<128x128xf32, #tpu.memory_space<vmem>> -> memref<128x128xf32, #tpu.memory_space<vmem>>
      %dma_start3A_38 = arith.constant 0 : i32
      %dma_start3A_39 = arith.constant 0 : i32
      %dma_start3A_40 = tpu.memref_slice %arg6[%arg0, %dma_start3A_38, %dma_start3A_39] : memref<2x10112x128xf32, #tpu.memory_space<hbm>> -> memref<1x10112x128xf32, #tpu.memory_space<hbm>>
      %dma_start3A_41 = tpu.memref_squeeze %dma_start3A_40 : memref<1x10112x128xf32, #tpu.memory_space<hbm>> -> memref<10112x128xf32, #tpu.memory_space<hbm>>
      %dma_start3A_42 = arith.constant 0 : i32
      %dma_start3A_43 = tpu.memref_slice %dma_start3A_41[%add3A_27, %dma_start3A_42] : memref<10112x128xf32, #tpu.memory_space<hbm>> -> memref<128x128xf32, #tpu.memory_space<hbm>>
      %dma_start3A_44 = arith.constant 0 : i32
      %dma_start3A_45 = arith.constant 0 : i32
      %dma_start3A_46 = tpu.memref_slice %arg6[%arg0, %dma_start3A_44, %dma_start3A_45] : memref<2x10112x128xf32, #tpu.memory_space<hbm>> -> memref<1x10112x128xf32, #tpu.memory_space<hbm>>
      %dma_start3A_47 = tpu.memref_squeeze %dma_start3A_46 : memref<1x10112x128xf32, #tpu.memory_space<hbm>> -> memref<10112x128xf32, #tpu.memory_space<hbm>>
      %dma_start3A_48 = arith.constant 0 : i32
      %dma_start3A_49 = tpu.memref_slice %dma_start3A_47[%add3A_27, %dma_start3A_48] : memref<10112x128xf32, #tpu.memory_space<hbm>> -> memref<128x128xf32, #tpu.memory_space<hbm>>
      %dma_start3A_50 = arith.constant 0 : i32
      %dma_start3A_51 = arith.constant 0 : i32
      %dma_start3A_52 = tpu.memref_slice %arg10[%dma_start3A_50, %dma_start3A_51] : memref<128x128xf32, #tpu.memory_space<vmem>> -> memref<128x128xf32, #tpu.memory_space<vmem>>
      tpu.enqueue_dma source(%dma_start3A_52 : memref<128x128xf32, #tpu.memory_space<vmem>>) target(%dma_start3A_49 : memref<128x128xf32, #tpu.memory_space<hbm>>) target_semaphore(%run_scoped3A : memref<!tpu.dma_semaphore, #tpu.memory_space<semaphore_mem>>)
      %dma_wait3A = arith.constant 0 : i32
      %dma_wait3A_53 = arith.constant 0 : i32
      %dma_wait3A_54 = tpu.memref_slice %arg10[%dma_wait3A, %dma_wait3A_53] : memref<128x128xf32, #tpu.memory_space<vmem>> -> memref<128x128xf32, #tpu.memory_space<vmem>>
      %dma_wait3A_55 = arith.constant 0 : i32
      %dma_wait3A_56 = arith.constant 0 : i32
      %dma_wait3A_57 = tpu.memref_slice %arg6[%arg0, %dma_wait3A_55, %dma_wait3A_56] : memref<2x10112x128xf32, #tpu.memory_space<hbm>> -> memref<1x10112x128xf32, #tpu.memory_space<hbm>>
      %dma_wait3A_58 = tpu.memref_squeeze %dma_wait3A_57 : memref<1x10112x128xf32, #tpu.memory_space<hbm>> -> memref<10112x128xf32, #tpu.memory_space<hbm>>
      %dma_wait3A_59 = arith.constant 0 : i32
      %dma_wait3A_60 = tpu.memref_slice %dma_wait3A_58[%add3A_27, %dma_wait3A_59] : memref<10112x128xf32, #tpu.memory_space<hbm>> -> memref<128x128xf32, #tpu.memory_space<hbm>>
      %dma_wait3A_61 = arith.constant 0 : i32
      %dma_wait3A_62 = arith.constant 0 : i32
      %dma_wait3A_63 = tpu.memref_slice %arg6[%arg0, %dma_wait3A_61, %dma_wait3A_62] : memref<2x10112x128xf32, #tpu.memory_space<hbm>> -> memref<1x10112x128xf32, #tpu.memory_space<hbm>>
      %dma_wait3A_64 = tpu.memref_squeeze %dma_wait3A_63 : memref<1x10112x128xf32, #tpu.memory_space<hbm>> -> memref<10112x128xf32, #tpu.memory_space<hbm>>
      %dma_wait3A_65 = arith.constant 0 : i32
      %dma_wait3A_66 = tpu.memref_slice %dma_wait3A_64[%add3A_27, %dma_wait3A_65] : memref<10112x128xf32, #tpu.memory_space<hbm>> -> memref<128x128xf32, #tpu.memory_space<hbm>>
      %dma_wait3A_67 = arith.constant 0 : i32
      %dma_wait3A_68 = arith.constant 0 : i32
      %dma_wait3A_69 = tpu.memref_slice %arg10[%dma_wait3A_67, %dma_wait3A_68] : memref<128x128xf32, #tpu.memory_space<vmem>> -> memref<128x128xf32, #tpu.memory_space<vmem>>
      tpu.wait_dma2 semaphore(%run_scoped3A : memref<!tpu.dma_semaphore, #tpu.memory_space<semaphore_mem>>) src(%dma_wait3A_69 : memref<128x128xf32, #tpu.memory_space<vmem>>) dst(%dma_wait3A_66 : memref<128x128xf32, #tpu.memory_space<hbm>>)
      tpu.yield
    }) : () -> ()
    %add3A_28 = arith.constant 384 : i32
    %add3A_29 = arith.addi %mul3A_0, %add3A_28 : i32
    "tpu.region"() ({
      %run_scoped3A = tpu.sem_alloc : memref<!tpu.dma_semaphore, #tpu.memory_space<semaphore_mem>>
      %dma_start3A = arith.constant 0 : i32
      %dma_start3A_36 = arith.constant 0 : i32
      %dma_start3A_37 = tpu.memref_slice %arg10[%dma_start3A, %dma_start3A_36] : memref<128x128xf32, #tpu.memory_space<vmem>> -> memref<128x128xf32, #tpu.memory_space<vmem>>
      %dma_start3A_38 = arith.constant 0 : i32
      %dma_start3A_39 = tpu.memref_slice %arg7[%add3A_29, %dma_start3A_38] : memref<10112x128xf32, #tpu.memory_space<vmem_shared>> -> memref<128x128xf32, #tpu.memory_space<vmem_shared>>
      %dma_start3A_40 = arith.constant 0 : i32
      %dma_start3A_41 = arith.constant 0 : i32
      %dma_start3A_42 = tpu.memref_slice %arg10[%dma_start3A_40, %dma_start3A_41] : memref<128x128xf32, #tpu.memory_space<vmem>> -> memref<128x128xf32, #tpu.memory_space<vmem>>
      %dma_start3A_43 = arith.constant 0 : i32
      %dma_start3A_44 = tpu.memref_slice %arg7[%add3A_29, %dma_start3A_43] : memref<10112x128xf32, #tpu.memory_space<vmem_shared>> -> memref<128x128xf32, #tpu.memory_space<vmem_shared>>
      tpu.enqueue_dma source(%dma_start3A_44 : memref<128x128xf32, #tpu.memory_space<vmem_shared>>) target(%dma_start3A_42 : memref<128x128xf32, #tpu.memory_space<vmem>>) target_semaphore(%run_scoped3A : memref<!tpu.dma_semaphore, #tpu.memory_space<semaphore_mem>>)
      %dma_wait3A = arith.constant 0 : i32
      %dma_wait3A_45 = arith.constant 0 : i32
      %dma_wait3A_46 = tpu.memref_slice %arg10[%dma_wait3A, %dma_wait3A_45] : memref<128x128xf32, #tpu.memory_space<vmem>> -> memref<128x128xf32, #tpu.memory_space<vmem>>
      %dma_wait3A_47 = arith.constant 0 : i32
      %dma_wait3A_48 = tpu.memref_slice %arg7[%add3A_29, %dma_wait3A_47] : memref<10112x128xf32, #tpu.memory_space<vmem_shared>> -> memref<128x128xf32, #tpu.memory_space<vmem_shared>>
      %dma_wait3A_49 = arith.constant 0 : i32
      %dma_wait3A_50 = arith.constant 0 : i32
      %dma_wait3A_51 = tpu.memref_slice %arg10[%dma_wait3A_49, %dma_wait3A_50] : memref<128x128xf32, #tpu.memory_space<vmem>> -> memref<128x128xf32, #tpu.memory_space<vmem>>
      %dma_wait3A_52 = arith.constant 0 : i32
      %dma_wait3A_53 = tpu.memref_slice %arg7[%add3A_29, %dma_wait3A_52] : memref<10112x128xf32, #tpu.memory_space<vmem_shared>> -> memref<128x128xf32, #tpu.memory_space<vmem_shared>>
      tpu.wait_dma2 semaphore(%run_scoped3A : memref<!tpu.dma_semaphore, #tpu.memory_space<semaphore_mem>>) src(%dma_wait3A_53 : memref<128x128xf32, #tpu.memory_space<vmem_shared>>) dst(%dma_wait3A_51 : memref<128x128xf32, #tpu.memory_space<vmem>>)
      tpu.yield
    }) : () -> ()
    %add3A_30 = arith.constant 384 : i32
    %add3A_31 = arith.addi %mul3A_0, %add3A_30 : i32
    "tpu.region"() ({
      %run_scoped3A = tpu.sem_alloc : memref<!tpu.dma_semaphore, #tpu.memory_space<semaphore_mem>>
      %dma_start3A = arith.constant 0 : i32
      %dma_start3A_36 = arith.constant 0 : i32
      %dma_start3A_37 = tpu.memref_slice %arg10[%dma_start3A, %dma_start3A_36] : memref<128x128xf32, #tpu.memory_space<vmem>> -> memref<128x128xf32, #tpu.memory_space<vmem>>
      %dma_start3A_38 = arith.constant 0 : i32
      %dma_start3A_39 = arith.constant 0 : i32
      %dma_start3A_40 = tpu.memref_slice %arg6[%arg0, %dma_start3A_38, %dma_start3A_39] : memref<2x10112x128xf32, #tpu.memory_space<hbm>> -> memref<1x10112x128xf32, #tpu.memory_space<hbm>>
      %dma_start3A_41 = tpu.memref_squeeze %dma_start3A_40 : memref<1x10112x128xf32, #tpu.memory_space<hbm>> -> memref<10112x128xf32, #tpu.memory_space<hbm>>
      %dma_start3A_42 = arith.constant 0 : i32
      %dma_start3A_43 = tpu.memref_slice %dma_start3A_41[%add3A_31, %dma_start3A_42] : memref<10112x128xf32, #tpu.memory_space<hbm>> -> memref<128x128xf32, #tpu.memory_space<hbm>>
      %dma_start3A_44 = arith.constant 0 : i32
      %dma_start3A_45 = arith.constant 0 : i32
      %dma_start3A_46 = tpu.memref_slice %arg6[%arg0, %dma_start3A_44, %dma_start3A_45] : memref<2x10112x128xf32, #tpu.memory_space<hbm>> -> memref<1x10112x128xf32, #tpu.memory_space<hbm>>
      %dma_start3A_47 = tpu.memref_squeeze %dma_start3A_46 : memref<1x10112x128xf32, #tpu.memory_space<hbm>> -> memref<10112x128xf32, #tpu.memory_space<hbm>>
      %dma_start3A_48 = arith.constant 0 : i32
      %dma_start3A_49 = tpu.memref_slice %dma_start3A_47[%add3A_31, %dma_start3A_48] : memref<10112x128xf32, #tpu.memory_space<hbm>> -> memref<128x128xf32, #tpu.memory_space<hbm>>
      %dma_start3A_50 = arith.constant 0 : i32
      %dma_start3A_51 = arith.constant 0 : i32
      %dma_start3A_52 = tpu.memref_slice %arg10[%dma_start3A_50, %dma_start3A_51] : memref<128x128xf32, #tpu.memory_space<vmem>> -> memref<128x128xf32, #tpu.memory_space<vmem>>
      tpu.enqueue_dma source(%dma_start3A_52 : memref<128x128xf32, #tpu.memory_space<vmem>>) target(%dma_start3A_49 : memref<128x128xf32, #tpu.memory_space<hbm>>) target_semaphore(%run_scoped3A : memref<!tpu.dma_semaphore, #tpu.memory_space<semaphore_mem>>)
      %dma_wait3A = arith.constant 0 : i32
      %dma_wait3A_53 = arith.constant 0 : i32
      %dma_wait3A_54 = tpu.memref_slice %arg10[%dma_wait3A, %dma_wait3A_53] : memref<128x128xf32, #tpu.memory_space<vmem>> -> memref<128x128xf32, #tpu.memory_space<vmem>>
      %dma_wait3A_55 = arith.constant 0 : i32
      %dma_wait3A_56 = arith.constant 0 : i32
      %dma_wait3A_57 = tpu.memref_slice %arg6[%arg0, %dma_wait3A_55, %dma_wait3A_56] : memref<2x10112x128xf32, #tpu.memory_space<hbm>> -> memref<1x10112x128xf32, #tpu.memory_space<hbm>>
      %dma_wait3A_58 = tpu.memref_squeeze %dma_wait3A_57 : memref<1x10112x128xf32, #tpu.memory_space<hbm>> -> memref<10112x128xf32, #tpu.memory_space<hbm>>
      %dma_wait3A_59 = arith.constant 0 : i32
      %dma_wait3A_60 = tpu.memref_slice %dma_wait3A_58[%add3A_31, %dma_wait3A_59] : memref<10112x128xf32, #tpu.memory_space<hbm>> -> memref<128x128xf32, #tpu.memory_space<hbm>>
      %dma_wait3A_61 = arith.constant 0 : i32
      %dma_wait3A_62 = arith.constant 0 : i32
      %dma_wait3A_63 = tpu.memref_slice %arg6[%arg0, %dma_wait3A_61, %dma_wait3A_62] : memref<2x10112x128xf32, #tpu.memory_space<hbm>> -> memref<1x10112x128xf32, #tpu.memory_space<hbm>>
      %dma_wait3A_64 = tpu.memref_squeeze %dma_wait3A_63 : memref<1x10112x128xf32, #tpu.memory_space<hbm>> -> memref<10112x128xf32, #tpu.memory_space<hbm>>
      %dma_wait3A_65 = arith.constant 0 : i32
      %dma_wait3A_66 = tpu.memref_slice %dma_wait3A_64[%add3A_31, %dma_wait3A_65] : memref<10112x128xf32, #tpu.memory_space<hbm>> -> memref<128x128xf32, #tpu.memory_space<hbm>>
      %dma_wait3A_67 = arith.constant 0 : i32
      %dma_wait3A_68 = arith.constant 0 : i32
      %dma_wait3A_69 = tpu.memref_slice %arg10[%dma_wait3A_67, %dma_wait3A_68] : memref<128x128xf32, #tpu.memory_space<vmem>> -> memref<128x128xf32, #tpu.memory_space<vmem>>
      tpu.wait_dma2 semaphore(%run_scoped3A : memref<!tpu.dma_semaphore, #tpu.memory_space<semaphore_mem>>) src(%dma_wait3A_69 : memref<128x128xf32, #tpu.memory_space<vmem>>) dst(%dma_wait3A_66 : memref<128x128xf32, #tpu.memory_space<hbm>>)
      tpu.yield
    }) : () -> ()
    %add3A_32 = arith.constant 512 : i32
    %add3A_33 = arith.addi %mul3A_0, %add3A_32 : i32
    "tpu.region"() ({
      %run_scoped3A = tpu.sem_alloc : memref<!tpu.dma_semaphore, #tpu.memory_space<semaphore_mem>>
      %dma_start3A = arith.constant 0 : i32
      %dma_start3A_36 = arith.constant 0 : i32
      %dma_start3A_37 = tpu.memref_slice %arg10[%dma_start3A, %dma_start3A_36] : memref<128x128xf32, #tpu.memory_space<vmem>> -> memref<120x128xf32, #tpu.memory_space<vmem>>
      %dma_start3A_38 = arith.constant 0 : i32
      %dma_start3A_39 = tpu.memref_slice %arg7[%add3A_33, %dma_start3A_38] : memref<10112x128xf32, #tpu.memory_space<vmem_shared>> -> memref<120x128xf32, #tpu.memory_space<vmem_shared>>
      %dma_start3A_40 = arith.constant 0 : i32
      %dma_start3A_41 = arith.constant 0 : i32
      %dma_start3A_42 = tpu.memref_slice %arg10[%dma_start3A_40, %dma_start3A_41] : memref<128x128xf32, #tpu.memory_space<vmem>> -> memref<120x128xf32, #tpu.memory_space<vmem>>
      %dma_start3A_43 = arith.constant 0 : i32
      %dma_start3A_44 = tpu.memref_slice %arg7[%add3A_33, %dma_start3A_43] : memref<10112x128xf32, #tpu.memory_space<vmem_shared>> -> memref<120x128xf32, #tpu.memory_space<vmem_shared>>
      tpu.enqueue_dma source(%dma_start3A_44 : memref<120x128xf32, #tpu.memory_space<vmem_shared>>) target(%dma_start3A_42 : memref<120x128xf32, #tpu.memory_space<vmem>>) target_semaphore(%run_scoped3A : memref<!tpu.dma_semaphore, #tpu.memory_space<semaphore_mem>>)
      %dma_wait3A = arith.constant 0 : i32
      %dma_wait3A_45 = arith.constant 0 : i32
      %dma_wait3A_46 = tpu.memref_slice %arg10[%dma_wait3A, %dma_wait3A_45] : memref<128x128xf32, #tpu.memory_space<vmem>> -> memref<120x128xf32, #tpu.memory_space<vmem>>
      %dma_wait3A_47 = arith.constant 0 : i32
      %dma_wait3A_48 = tpu.memref_slice %arg7[%add3A_33, %dma_wait3A_47] : memref<10112x128xf32, #tpu.memory_space<vmem_shared>> -> memref<120x128xf32, #tpu.memory_space<vmem_shared>>
      %dma_wait3A_49 = arith.constant 0 : i32
      %dma_wait3A_50 = arith.constant 0 : i32
      %dma_wait3A_51 = tpu.memref_slice %arg10[%dma_wait3A_49, %dma_wait3A_50] : memref<128x128xf32, #tpu.memory_space<vmem>> -> memref<120x128xf32, #tpu.memory_space<vmem>>
      %dma_wait3A_52 = arith.constant 0 : i32
      %dma_wait3A_53 = tpu.memref_slice %arg7[%add3A_33, %dma_wait3A_52] : memref<10112x128xf32, #tpu.memory_space<vmem_shared>> -> memref<120x128xf32, #tpu.memory_space<vmem_shared>>
      tpu.wait_dma2 semaphore(%run_scoped3A : memref<!tpu.dma_semaphore, #tpu.memory_space<semaphore_mem>>) src(%dma_wait3A_53 : memref<120x128xf32, #tpu.memory_space<vmem_shared>>) dst(%dma_wait3A_51 : memref<120x128xf32, #tpu.memory_space<vmem>>)
      tpu.yield
    }) : () -> ()
    %add3A_34 = arith.constant 512 : i32
    %add3A_35 = arith.addi %mul3A_0, %add3A_34 : i32
    "tpu.region"() ({
      %run_scoped3A = tpu.sem_alloc : memref<!tpu.dma_semaphore, #tpu.memory_space<semaphore_mem>>
      %dma_start3A = arith.constant 0 : i32
      %dma_start3A_36 = arith.constant 0 : i32
      %dma_start3A_37 = tpu.memref_slice %arg10[%dma_start3A, %dma_start3A_36] : memref<128x128xf32, #tpu.memory_space<vmem>> -> memref<120x128xf32, #tpu.memory_space<vmem>>
      %dma_start3A_38 = arith.constant 0 : i32
      %dma_start3A_39 = arith.constant 0 : i32
      %dma_start3A_40 = tpu.memref_slice %arg6[%arg0, %dma_start3A_38, %dma_start3A_39] : memref<2x10112x128xf32, #tpu.memory_space<hbm>> -> memref<1x10112x128xf32, #tpu.memory_space<hbm>>
      %dma_start3A_41 = tpu.memref_squeeze %dma_start3A_40 : memref<1x10112x128xf32, #tpu.memory_space<hbm>> -> memref<10112x128xf32, #tpu.memory_space<hbm>>
      %dma_start3A_42 = arith.constant 0 : i32
      %dma_start3A_43 = tpu.memref_slice %dma_start3A_41[%add3A_35, %dma_start3A_42] : memref<10112x128xf32, #tpu.memory_space<hbm>> -> memref<120x128xf32, #tpu.memory_space<hbm>>
      %dma_start3A_44 = arith.constant 0 : i32
      %dma_start3A_45 = arith.constant 0 : i32
      %dma_start3A_46 = tpu.memref_slice %arg6[%arg0, %dma_start3A_44, %dma_start3A_45] : memref<2x10112x128xf32, #tpu.memory_space<hbm>> -> memref<1x10112x128xf32, #tpu.memory_space<hbm>>
      %dma_start3A_47 = tpu.memref_squeeze %dma_start3A_46 : memref<1x10112x128xf32, #tpu.memory_space<hbm>> -> memref<10112x128xf32, #tpu.memory_space<hbm>>
      %dma_start3A_48 = arith.constant 0 : i32
      %dma_start3A_49 = tpu.memref_slice %dma_start3A_47[%add3A_35, %dma_start3A_48] : memref<10112x128xf32, #tpu.memory_space<hbm>> -> memref<120x128xf32, #tpu.memory_space<hbm>>
      %dma_start3A_50 = arith.constant 0 : i32
      %dma_start3A_51 = arith.constant 0 : i32
      %dma_start3A_52 = tpu.memref_slice %arg10[%dma_start3A_50, %dma_start3A_51] : memref<128x128xf32, #tpu.memory_space<vmem>> -> memref<120x128xf32, #tpu.memory_space<vmem>>
      tpu.enqueue_dma source(%dma_start3A_52 : memref<120x128xf32, #tpu.memory_space<vmem>>) target(%dma_start3A_49 : memref<120x128xf32, #tpu.memory_space<hbm>>) target_semaphore(%run_scoped3A : memref<!tpu.dma_semaphore, #tpu.memory_space<semaphore_mem>>)
      %dma_wait3A = arith.constant 0 : i32
      %dma_wait3A_53 = arith.constant 0 : i32
      %dma_wait3A_54 = tpu.memref_slice %arg10[%dma_wait3A, %dma_wait3A_53] : memref<128x128xf32, #tpu.memory_space<vmem>> -> memref<120x128xf32, #tpu.memory_space<vmem>>
      %dma_wait3A_55 = arith.constant 0 : i32
      %dma_wait3A_56 = arith.constant 0 : i32
      %dma_wait3A_57 = tpu.memref_slice %arg6[%arg0, %dma_wait3A_55, %dma_wait3A_56] : memref<2x10112x128xf32, #tpu.memory_space<hbm>> -> memref<1x10112x128xf32, #tpu.memory_space<hbm>>
      %dma_wait3A_58 = tpu.memref_squeeze %dma_wait3A_57 : memref<1x10112x128xf32, #tpu.memory_space<hbm>> -> memref<10112x128xf32, #tpu.memory_space<hbm>>
      %dma_wait3A_59 = arith.constant 0 : i32
      %dma_wait3A_60 = tpu.memref_slice %dma_wait3A_58[%add3A_35, %dma_wait3A_59] : memref<10112x128xf32, #tpu.memory_space<hbm>> -> memref<120x128xf32, #tpu.memory_space<hbm>>
      %dma_wait3A_61 = arith.constant 0 : i32
      %dma_wait3A_62 = arith.constant 0 : i32
      %dma_wait3A_63 = tpu.memref_slice %arg6[%arg0, %dma_wait3A_61, %dma_wait3A_62] : memref<2x10112x128xf32, #tpu.memory_space<hbm>> -> memref<1x10112x128xf32, #tpu.memory_space<hbm>>
      %dma_wait3A_64 = tpu.memref_squeeze %dma_wait3A_63 : memref<1x10112x128xf32, #tpu.memory_space<hbm>> -> memref<10112x128xf32, #tpu.memory_space<hbm>>
      %dma_wait3A_65 = arith.constant 0 : i32
      %dma_wait3A_66 = tpu.memref_slice %dma_wait3A_64[%add3A_35, %dma_wait3A_65] : memref<10112x128xf32, #tpu.memory_space<hbm>> -> memref<120x128xf32, #tpu.memory_space<hbm>>
      %dma_wait3A_67 = arith.constant 0 : i32
      %dma_wait3A_68 = arith.constant 0 : i32
      %dma_wait3A_69 = tpu.memref_slice %arg10[%dma_wait3A_67, %dma_wait3A_68] : memref<128x128xf32, #tpu.memory_space<vmem>> -> memref<120x128xf32, #tpu.memory_space<vmem>>
      tpu.wait_dma2 semaphore(%run_scoped3A : memref<!tpu.dma_semaphore, #tpu.memory_space<semaphore_mem>>) src(%dma_wait3A_69 : memref<120x128xf32, #tpu.memory_space<vmem>>) dst(%dma_wait3A_66 : memref<120x128xf32, #tpu.memory_space<hbm>>)
      tpu.yield
    }) : () -> ()
    return
  }
}

#map = affine_map<(d0, d1) -> (0, 0, 0)>
#map1 = affine_map<(d0, d1) -> (0, 0)>
module attributes {stable_mosaic.version = 14 : i64} {
  func.func @_sc_scatter(%arg0: i32, %arg1: i32, %arg2: memref<2x10000x128xf32, #tpu.memory_space<hbm>>, %arg3: memref<16x160x128xi32, #tpu.memory_space<hbm>>, %arg4: memref<16x160x128xi32, #tpu.memory_space<hbm>>, %arg5: memref<128x128xf32, #tpu.memory_space<hbm>>, %arg6: memref<2x10112x128xf32, #tpu.memory_space<hbm>>, %arg7: memref<10112x128xf32, #tpu.memory_space<vmem_shared>>, %arg8: memref<8x128xi32, #tpu.memory_space<vmem>>, %arg9: memref<8x128xi32, #tpu.memory_space<vmem>>, %arg10: memref<128x128xf32, #tpu.memory_space<vmem>>, %arg11: memref<!tpu.dma_semaphore, #tpu.memory_space<semaphore_mem>>) attributes {dimension_semantics = [#tpu.dimension_semantics<core_parallel>, #tpu.dimension_semantics<subcore_parallel>], iteration_bounds = array<i64: 2, 16>, scalar_prefetch = 0 : i64, scratch_operands = 5 : i64, tpu.core_type = #tpu.core_type<sc_vector_subcore>, window_params = [{transform_indices = #map}, {transform_indices = #map}, {transform_indices = #map}, {transform_indices = #map1}, {transform_indices = #map}]} {
    "tpu.region"() ({
      %run_scoped3A = tpu.sem_alloc : memref<!tpu.dma_semaphore, #tpu.memory_space<semaphore_mem>>
      tpu.enqueue_dma source(%arg5 : memref<128x128xf32, #tpu.memory_space<hbm>>) target(%arg10 : memref<128x128xf32, #tpu.memory_space<vmem>>) target_semaphore(%run_scoped3A : memref<!tpu.dma_semaphore, #tpu.memory_space<semaphore_mem>>)
      tpu.wait_dma2 semaphore(%run_scoped3A : memref<!tpu.dma_semaphore, #tpu.memory_space<semaphore_mem>>) src(%arg5 : memref<128x128xf32, #tpu.memory_space<hbm>>) dst(%arg10 : memref<128x128xf32, #tpu.memory_space<vmem>>)
      tpu.yield
    }) : () -> ()
    %mul3A = arith.constant 632 : i32
    %mul3A_0 = arith.muli %arg1, %mul3A : i32
    %add3A = arith.constant 0 : i32
    %add3A_1 = arith.addi %mul3A_0, %add3A : i32
    "tpu.region"() ({
      %run_scoped3A = tpu.sem_alloc : memref<!tpu.dma_semaphore, #tpu.memory_space<semaphore_mem>>
      %dma_start3A = arith.constant 0 : i32
      %dma_start3A_36 = arith.constant 0 : i32
      %dma_start3A_37 = tpu.memref_slice %arg10[%dma_start3A, %dma_start3A_36] : memref<128x128xf32, #tpu.memory_space<vmem>> -> memref<128x128xf32, #tpu.memory_space<vmem>>
      %dma_start3A_38 = arith.constant 0 : i32
      %dma_start3A_39 = tpu.memref_slice %arg7[%add3A_1, %dma_start3A_38] : memref<10112x128xf32, #tpu.memory_space<vmem_shared>> -> memref<128x128xf32, #tpu.memory_space<vmem_shared>>
      %dma_start3A_40 = arith.constant 0 : i32
      %dma_start3A_41 = tpu.memref_slice %arg7[%add3A_1, %dma_start3A_40] : memref<10112x128xf32, #tpu.memory_space<vmem_shared>> -> memref<128x128xf32, #tpu.memory_space<vmem_shared>>
      %dma_start3A_42 = arith.constant 0 : i32
      %dma_start3A_43 = arith.constant 0 : i32
      %dma_start3A_44 = tpu.memref_slice %arg10[%dma_start3A_42, %dma_start3A_43] : memref<128x128xf32, #tpu.memory_space<vmem>> -> memref<128x128xf32, #tpu.memory_space<vmem>>
      tpu.enqueue_dma source(%dma_start3A_44 : memref<128x128xf32, #tpu.memory_space<vmem>>) target(%dma_start3A_41 : memref<128x128xf32, #tpu.memory_space<vmem_shared>>) target_semaphore(%run_scoped3A : memref<!tpu.dma_semaphore, #tpu.memory_space<semaphore_mem>>)
      %dma_wait3A = arith.constant 0 : i32
      %dma_wait3A_45 = arith.constant 0 : i32
      %dma_wait3A_46 = tpu.memref_slice %arg10[%dma_wait3A, %dma_wait3A_45] : memref<128x128xf32, #tpu.memory_space<vmem>> -> memref<128x128xf32, #tpu.memory_space<vmem>>
      %dma_wait3A_47 = arith.constant 0 : i32
      %dma_wait3A_48 = tpu.memref_slice %arg7[%add3A_1, %dma_wait3A_47] : memref<10112x128xf32, #tpu.memory_space<vmem_shared>> -> memref<128x128xf32, #tpu.memory_space<vmem_shared>>
      %dma_wait3A_49 = arith.constant 0 : i32
      %dma_wait3A_50 = tpu.memref_slice %arg7[%add3A_1, %dma_wait3A_49] : memref<10112x128xf32, #tpu.memory_space<vmem_shared>> -> memref<128x128xf32, #tpu.memory_space<vmem_shared>>
      %dma_wait3A_51 = arith.constant 0 : i32
      %dma_wait3A_52 = arith.constant 0 : i32
      %dma_wait3A_53 = tpu.memref_slice %arg10[%dma_wait3A_51, %dma_wait3A_52] : memref<128x128xf32, #tpu.memory_space<vmem>> -> memref<128x128xf32, #tpu.memory_space<vmem>>
      tpu.wait_dma2 semaphore(%run_scoped3A : memref<!tpu.dma_semaphore, #tpu.memory_space<semaphore_mem>>) src(%dma_wait3A_53 : memref<128x128xf32, #tpu.memory_space<vmem>>) dst(%dma_wait3A_50 : memref<128x128xf32, #tpu.memory_space<vmem_shared>>)
      tpu.yield
    }) : () -> ()
    %add3A_2 = arith.constant 128 : i32
    %add3A_3 = arith.addi %mul3A_0, %add3A_2 : i32
    "tpu.region"() ({
      %run_scoped3A = tpu.sem_alloc : memref<!tpu.dma_semaphore, #tpu.memory_space<semaphore_mem>>
      %dma_start3A = arith.constant 0 : i32
      %dma_start3A_36 = arith.constant 0 : i32
      %dma_start3A_37 = tpu.memref_slice %arg10[%dma_start3A, %dma_start3A_36] : memref<128x128xf32, #tpu.memory_space<vmem>> -> memref<128x128xf32, #tpu.memory_space<vmem>>
      %dma_start3A_38 = arith.constant 0 : i32
      %dma_start3A_39 = tpu.memref_slice %arg7[%add3A_3, %dma_start3A_38] : memref<10112x128xf32, #tpu.memory_space<vmem_shared>> -> memref<128x128xf32, #tpu.memory_space<vmem_shared>>
      %dma_start3A_40 = arith.constant 0 : i32
      %dma_start3A_41 = tpu.memref_slice %arg7[%add3A_3, %dma_start3A_40] : memref<10112x128xf32, #tpu.memory_space<vmem_shared>> -> memref<128x128xf32, #tpu.memory_space<vmem_shared>>
      %dma_start3A_42 = arith.constant 0 : i32
      %dma_start3A_43 = arith.constant 0 : i32
      %dma_start3A_44 = tpu.memref_slice %arg10[%dma_start3A_42, %dma_start3A_43] : memref<128x128xf32, #tpu.memory_space<vmem>> -> memref<128x128xf32, #tpu.memory_space<vmem>>
      tpu.enqueue_dma source(%dma_start3A_44 : memref<128x128xf32, #tpu.memory_space<vmem>>) target(%dma_start3A_41 : memref<128x128xf32, #tpu.memory_space<vmem_shared>>) target_semaphore(%run_scoped3A : memref<!tpu.dma_semaphore, #tpu.memory_space<semaphore_mem>>)
      %dma_wait3A = arith.constant 0 : i32
      %dma_wait3A_45 = arith.constant 0 : i32
      %dma_wait3A_46 = tpu.memref_slice %arg10[%dma_wait3A, %dma_wait3A_45] : memref<128x128xf32, #tpu.memory_space<vmem>> -> memref<128x128xf32, #tpu.memory_space<vmem>>
      %dma_wait3A_47 = arith.constant 0 : i32
      %dma_wait3A_48 = tpu.memref_slice %arg7[%add3A_3, %dma_wait3A_47] : memref<10112x128xf32, #tpu.memory_space<vmem_shared>> -> memref<128x128xf32, #tpu.memory_space<vmem_shared>>
      %dma_wait3A_49 = arith.constant 0 : i32
      %dma_wait3A_50 = tpu.memref_slice %arg7[%add3A_3, %dma_wait3A_49] : memref<10112x128xf32, #tpu.memory_space<vmem_shared>> -> memref<128x128xf32, #tpu.memory_space<vmem_shared>>
      %dma_wait3A_51 = arith.constant 0 : i32
      %dma_wait3A_52 = arith.constant 0 : i32
      %dma_wait3A_53 = tpu.memref_slice %arg10[%dma_wait3A_51, %dma_wait3A_52] : memref<128x128xf32, #tpu.memory_space<vmem>> -> memref<128x128xf32, #tpu.memory_space<vmem>>
      tpu.wait_dma2 semaphore(%run_scoped3A : memref<!tpu.dma_semaphore, #tpu.memory_space<semaphore_mem>>) src(%dma_wait3A_53 : memref<128x128xf32, #tpu.memory_space<vmem>>) dst(%dma_wait3A_50 : memref<128x128xf32, #tpu.memory_space<vmem_shared>>)
      tpu.yield
    }) : () -> ()
    %add3A_4 = arith.constant 256 : i32
    %add3A_5 = arith.addi %mul3A_0, %add3A_4 : i32
    "tpu.region"() ({
      %run_scoped3A = tpu.sem_alloc : memref<!tpu.dma_semaphore, #tpu.memory_space<semaphore_mem>>
      %dma_start3A = arith.constant 0 : i32
      %dma_start3A_36 = arith.constant 0 : i32
      %dma_start3A_37 = tpu.memref_slice %arg10[%dma_start3A, %dma_start3A_36] : memref<128x128xf32, #tpu.memory_space<vmem>> -> memref<128x128xf32, #tpu.memory_space<vmem>>
      %dma_start3A_38 = arith.constant 0 : i32
      %dma_start3A_39 = tpu.memref_slice %arg7[%add3A_5, %dma_start3A_38] : memref<10112x128xf32, #tpu.memory_space<vmem_shared>> -> memref<128x128xf32, #tpu.memory_space<vmem_shared>>
      %dma_start3A_40 = arith.constant 0 : i32
      %dma_start3A_41 = tpu.memref_slice %arg7[%add3A_5, %dma_start3A_40] : memref<10112x128xf32, #tpu.memory_space<vmem_shared>> -> memref<128x128xf32, #tpu.memory_space<vmem_shared>>
      %dma_start3A_42 = arith.constant 0 : i32
      %dma_start3A_43 = arith.constant 0 : i32
      %dma_start3A_44 = tpu.memref_slice %arg10[%dma_start3A_42, %dma_start3A_43] : memref<128x128xf32, #tpu.memory_space<vmem>> -> memref<128x128xf32, #tpu.memory_space<vmem>>
      tpu.enqueue_dma source(%dma_start3A_44 : memref<128x128xf32, #tpu.memory_space<vmem>>) target(%dma_start3A_41 : memref<128x128xf32, #tpu.memory_space<vmem_shared>>) target_semaphore(%run_scoped3A : memref<!tpu.dma_semaphore, #tpu.memory_space<semaphore_mem>>)
      %dma_wait3A = arith.constant 0 : i32
      %dma_wait3A_45 = arith.constant 0 : i32
      %dma_wait3A_46 = tpu.memref_slice %arg10[%dma_wait3A, %dma_wait3A_45] : memref<128x128xf32, #tpu.memory_space<vmem>> -> memref<128x128xf32, #tpu.memory_space<vmem>>
      %dma_wait3A_47 = arith.constant 0 : i32
      %dma_wait3A_48 = tpu.memref_slice %arg7[%add3A_5, %dma_wait3A_47] : memref<10112x128xf32, #tpu.memory_space<vmem_shared>> -> memref<128x128xf32, #tpu.memory_space<vmem_shared>>
      %dma_wait3A_49 = arith.constant 0 : i32
      %dma_wait3A_50 = tpu.memref_slice %arg7[%add3A_5, %dma_wait3A_49] : memref<10112x128xf32, #tpu.memory_space<vmem_shared>> -> memref<128x128xf32, #tpu.memory_space<vmem_shared>>
      %dma_wait3A_51 = arith.constant 0 : i32
      %dma_wait3A_52 = arith.constant 0 : i32
      %dma_wait3A_53 = tpu.memref_slice %arg10[%dma_wait3A_51, %dma_wait3A_52] : memref<128x128xf32, #tpu.memory_space<vmem>> -> memref<128x128xf32, #tpu.memory_space<vmem>>
      tpu.wait_dma2 semaphore(%run_scoped3A : memref<!tpu.dma_semaphore, #tpu.memory_space<semaphore_mem>>) src(%dma_wait3A_53 : memref<128x128xf32, #tpu.memory_space<vmem>>) dst(%dma_wait3A_50 : memref<128x128xf32, #tpu.memory_space<vmem_shared>>)
      tpu.yield
    }) : () -> ()
    %add3A_6 = arith.constant 384 : i32
    %add3A_7 = arith.addi %mul3A_0, %add3A_6 : i32
    "tpu.region"() ({
      %run_scoped3A = tpu.sem_alloc : memref<!tpu.dma_semaphore, #tpu.memory_space<semaphore_mem>>
      %dma_start3A = arith.constant 0 : i32
      %dma_start3A_36 = arith.constant 0 : i32
      %dma_start3A_37 = tpu.memref_slice %arg10[%dma_start3A, %dma_start3A_36] : memref<128x128xf32, #tpu.memory_space<vmem>> -> memref<128x128xf32, #tpu.memory_space<vmem>>
      %dma_start3A_38 = arith.constant 0 : i32
      %dma_start3A_39 = tpu.memref_slice %arg7[%add3A_7, %dma_start3A_38] : memref<10112x128xf32, #tpu.memory_space<vmem_shared>> -> memref<128x128xf32, #tpu.memory_space<vmem_shared>>
      %dma_start3A_40 = arith.constant 0 : i32
      %dma_start3A_41 = tpu.memref_slice %arg7[%add3A_7, %dma_start3A_40] : memref<10112x128xf32, #tpu.memory_space<vmem_shared>> -> memref<128x128xf32, #tpu.memory_space<vmem_shared>>
      %dma_start3A_42 = arith.constant 0 : i32
      %dma_start3A_43 = arith.constant 0 : i32
      %dma_start3A_44 = tpu.memref_slice %arg10[%dma_start3A_42, %dma_start3A_43] : memref<128x128xf32, #tpu.memory_space<vmem>> -> memref<128x128xf32, #tpu.memory_space<vmem>>
      tpu.enqueue_dma source(%dma_start3A_44 : memref<128x128xf32, #tpu.memory_space<vmem>>) target(%dma_start3A_41 : memref<128x128xf32, #tpu.memory_space<vmem_shared>>) target_semaphore(%run_scoped3A : memref<!tpu.dma_semaphore, #tpu.memory_space<semaphore_mem>>)
      %dma_wait3A = arith.constant 0 : i32
      %dma_wait3A_45 = arith.constant 0 : i32
      %dma_wait3A_46 = tpu.memref_slice %arg10[%dma_wait3A, %dma_wait3A_45] : memref<128x128xf32, #tpu.memory_space<vmem>> -> memref<128x128xf32, #tpu.memory_space<vmem>>
      %dma_wait3A_47 = arith.constant 0 : i32
      %dma_wait3A_48 = tpu.memref_slice %arg7[%add3A_7, %dma_wait3A_47] : memref<10112x128xf32, #tpu.memory_space<vmem_shared>> -> memref<128x128xf32, #tpu.memory_space<vmem_shared>>
      %dma_wait3A_49 = arith.constant 0 : i32
      %dma_wait3A_50 = tpu.memref_slice %arg7[%add3A_7, %dma_wait3A_49] : memref<10112x128xf32, #tpu.memory_space<vmem_shared>> -> memref<128x128xf32, #tpu.memory_space<vmem_shared>>
      %dma_wait3A_51 = arith.constant 0 : i32
      %dma_wait3A_52 = arith.constant 0 : i32
      %dma_wait3A_53 = tpu.memref_slice %arg10[%dma_wait3A_51, %dma_wait3A_52] : memref<128x128xf32, #tpu.memory_space<vmem>> -> memref<128x128xf32, #tpu.memory_space<vmem>>
      tpu.wait_dma2 semaphore(%run_scoped3A : memref<!tpu.dma_semaphore, #tpu.memory_space<semaphore_mem>>) src(%dma_wait3A_53 : memref<128x128xf32, #tpu.memory_space<vmem>>) dst(%dma_wait3A_50 : memref<128x128xf32, #tpu.memory_space<vmem_shared>>)
      tpu.yield
    }) : () -> ()
    %add3A_8 = arith.constant 512 : i32
    %add3A_9 = arith.addi %mul3A_0, %add3A_8 : i32
    "tpu.region"() ({
      %run_scoped3A = tpu.sem_alloc : memref<!tpu.dma_semaphore, #tpu.memory_space<semaphore_mem>>
      %dma_start3A = arith.constant 0 : i32
      %dma_start3A_36 = arith.constant 0 : i32
      %dma_start3A_37 = tpu.memref_slice %arg10[%dma_start3A, %dma_start3A_36] : memref<128x128xf32, #tpu.memory_space<vmem>> -> memref<120x128xf32, #tpu.memory_space<vmem>>
      %dma_start3A_38 = arith.constant 0 : i32
      %dma_start3A_39 = tpu.memref_slice %arg7[%add3A_9, %dma_start3A_38] : memref<10112x128xf32, #tpu.memory_space<vmem_shared>> -> memref<120x128xf32, #tpu.memory_space<vmem_shared>>
      %dma_start3A_40 = arith.constant 0 : i32
      %dma_start3A_41 = tpu.memref_slice %arg7[%add3A_9, %dma_start3A_40] : memref<10112x128xf32, #tpu.memory_space<vmem_shared>> -> memref<120x128xf32, #tpu.memory_space<vmem_shared>>
      %dma_start3A_42 = arith.constant 0 : i32
      %dma_start3A_43 = arith.constant 0 : i32
      %dma_start3A_44 = tpu.memref_slice %arg10[%dma_start3A_42, %dma_start3A_43] : memref<128x128xf32, #tpu.memory_space<vmem>> -> memref<120x128xf32, #tpu.memory_space<vmem>>
      tpu.enqueue_dma source(%dma_start3A_44 : memref<120x128xf32, #tpu.memory_space<vmem>>) target(%dma_start3A_41 : memref<120x128xf32, #tpu.memory_space<vmem_shared>>) target_semaphore(%run_scoped3A : memref<!tpu.dma_semaphore, #tpu.memory_space<semaphore_mem>>)
      %dma_wait3A = arith.constant 0 : i32
      %dma_wait3A_45 = arith.constant 0 : i32
      %dma_wait3A_46 = tpu.memref_slice %arg10[%dma_wait3A, %dma_wait3A_45] : memref<128x128xf32, #tpu.memory_space<vmem>> -> memref<120x128xf32, #tpu.memory_space<vmem>>
      %dma_wait3A_47 = arith.constant 0 : i32
      %dma_wait3A_48 = tpu.memref_slice %arg7[%add3A_9, %dma_wait3A_47] : memref<10112x128xf32, #tpu.memory_space<vmem_shared>> -> memref<120x128xf32, #tpu.memory_space<vmem_shared>>
      %dma_wait3A_49 = arith.constant 0 : i32
      %dma_wait3A_50 = tpu.memref_slice %arg7[%add3A_9, %dma_wait3A_49] : memref<10112x128xf32, #tpu.memory_space<vmem_shared>> -> memref<120x128xf32, #tpu.memory_space<vmem_shared>>
      %dma_wait3A_51 = arith.constant 0 : i32
      %dma_wait3A_52 = arith.constant 0 : i32
      %dma_wait3A_53 = tpu.memref_slice %arg10[%dma_wait3A_51, %dma_wait3A_52] : memref<128x128xf32, #tpu.memory_space<vmem>> -> memref<120x128xf32, #tpu.memory_space<vmem>>
      tpu.wait_dma2 semaphore(%run_scoped3A : memref<!tpu.dma_semaphore, #tpu.memory_space<semaphore_mem>>) src(%dma_wait3A_53 : memref<120x128xf32, #tpu.memory_space<vmem>>) dst(%dma_wait3A_50 : memref<120x128xf32, #tpu.memory_space<vmem_shared>>)
      tpu.yield
    }) : () -> ()
    %barrier3A = arith.constant 0 : index
    tpu.barrier barrier_id(%barrier3A)
    %scan3A = arith.constant 0 : i32
    %scan3A_10 = arith.constant 0 : i32
    %scan3A_11 = arith.constant 20 : i32
    %scan3A_12 = arith.addi %scan3A_10, %scan3A_11 : i32
    %scan3A_13 = arith.constant 1 : i32
    scf.for %scan3A_36 = %scan3A_10 to %scan3A_12 step %scan3A_13  : i32 {
      %mul3A_37 = arith.constant 8 : i32
      %mul3A_38 = arith.muli %scan3A_36, %mul3A_37 : i32
      "tpu.region"() ({
        %run_scoped3A_222 = tpu.sem_alloc : memref<!tpu.dma_semaphore, #tpu.memory_space<semaphore_mem>>
        %dma_start3A_223 = arith.constant 0 : i32
        %dma_start3A_224 = arith.constant 0 : i32
        %dma_start3A_225 = tpu.memref_slice %arg3[%arg1, %dma_start3A_223, %dma_start3A_224] : memref<16x160x128xi32, #tpu.memory_space<hbm>> -> memref<1x160x128xi32, #tpu.memory_space<hbm>>
        %dma_start3A_226 = tpu.memref_squeeze %dma_start3A_225 : memref<1x160x128xi32, #tpu.memory_space<hbm>> -> memref<160x128xi32, #tpu.memory_space<hbm>>
        %dma_start3A_227 = arith.constant 0 : i32
        %dma_start3A_228 = tpu.memref_slice %dma_start3A_226[%mul3A_38, %dma_start3A_227] : memref<160x128xi32, #tpu.memory_space<hbm>> -> memref<8x128xi32, #tpu.memory_space<hbm>>
        %dma_start3A_229 = arith.constant 0 : i32
        %dma_start3A_230 = arith.constant 0 : i32
        %dma_start3A_231 = tpu.memref_slice %arg3[%arg1, %dma_start3A_229, %dma_start3A_230] : memref<16x160x128xi32, #tpu.memory_space<hbm>> -> memref<1x160x128xi32, #tpu.memory_space<hbm>>
        %dma_start3A_232 = tpu.memref_squeeze %dma_start3A_231 : memref<1x160x128xi32, #tpu.memory_space<hbm>> -> memref<160x128xi32, #tpu.memory_space<hbm>>
        %dma_start3A_233 = arith.constant 0 : i32
        %dma_start3A_234 = tpu.memref_slice %dma_start3A_232[%mul3A_38, %dma_start3A_233] : memref<160x128xi32, #tpu.memory_space<hbm>> -> memref<8x128xi32, #tpu.memory_space<hbm>>
        tpu.enqueue_dma source(%dma_start3A_234 : memref<8x128xi32, #tpu.memory_space<hbm>>) target(%arg8 : memref<8x128xi32, #tpu.memory_space<vmem>>) target_semaphore(%run_scoped3A_222 : memref<!tpu.dma_semaphore, #tpu.memory_space<semaphore_mem>>)
        %dma_wait3A_235 = arith.constant 0 : i32
        %dma_wait3A_236 = arith.constant 0 : i32
        %dma_wait3A_237 = tpu.memref_slice %arg3[%arg1, %dma_wait3A_235, %dma_wait3A_236] : memref<16x160x128xi32, #tpu.memory_space<hbm>> -> memref<1x160x128xi32, #tpu.memory_space<hbm>>
        %dma_wait3A_238 = tpu.memref_squeeze %dma_wait3A_237 : memref<1x160x128xi32, #tpu.memory_space<hbm>> -> memref<160x128xi32, #tpu.memory_space<hbm>>
        %dma_wait3A_239 = arith.constant 0 : i32
        %dma_wait3A_240 = tpu.memref_slice %dma_wait3A_238[%mul3A_38, %dma_wait3A_239] : memref<160x128xi32, #tpu.memory_space<hbm>> -> memref<8x128xi32, #tpu.memory_space<hbm>>
        %dma_wait3A_241 = arith.constant 0 : i32
        %dma_wait3A_242 = arith.constant 0 : i32
        %dma_wait3A_243 = tpu.memref_slice %arg3[%arg1, %dma_wait3A_241, %dma_wait3A_242] : memref<16x160x128xi32, #tpu.memory_space<hbm>> -> memref<1x160x128xi32, #tpu.memory_space<hbm>>
        %dma_wait3A_244 = tpu.memref_squeeze %dma_wait3A_243 : memref<1x160x128xi32, #tpu.memory_space<hbm>> -> memref<160x128xi32, #tpu.memory_space<hbm>>
        %dma_wait3A_245 = arith.constant 0 : i32
        %dma_wait3A_246 = tpu.memref_slice %dma_wait3A_244[%mul3A_38, %dma_wait3A_245] : memref<160x128xi32, #tpu.memory_space<hbm>> -> memref<8x128xi32, #tpu.memory_space<hbm>>
        tpu.wait_dma2 semaphore(%run_scoped3A_222 : memref<!tpu.dma_semaphore, #tpu.memory_space<semaphore_mem>>) src(%dma_wait3A_246 : memref<8x128xi32, #tpu.memory_space<hbm>>) dst(%arg8 : memref<8x128xi32, #tpu.memory_space<vmem>>)
        tpu.yield
      }) : () -> ()
      %mul3A_39 = arith.constant 8 : i32
      %mul3A_40 = arith.muli %scan3A_36, %mul3A_39 : i32
      "tpu.region"() ({
        %run_scoped3A_222 = tpu.sem_alloc : memref<!tpu.dma_semaphore, #tpu.memory_space<semaphore_mem>>
        %dma_start3A_223 = arith.constant 0 : i32
        %dma_start3A_224 = arith.constant 0 : i32
        %dma_start3A_225 = tpu.memref_slice %arg4[%arg1, %dma_start3A_223, %dma_start3A_224] : memref<16x160x128xi32, #tpu.memory_space<hbm>> -> memref<1x160x128xi32, #tpu.memory_space<hbm>>
        %dma_start3A_226 = tpu.memref_squeeze %dma_start3A_225 : memref<1x160x128xi32, #tpu.memory_space<hbm>> -> memref<160x128xi32, #tpu.memory_space<hbm>>
        %dma_start3A_227 = arith.constant 0 : i32
        %dma_start3A_228 = tpu.memref_slice %dma_start3A_226[%mul3A_40, %dma_start3A_227] : memref<160x128xi32, #tpu.memory_space<hbm>> -> memref<8x128xi32, #tpu.memory_space<hbm>>
        %dma_start3A_229 = arith.constant 0 : i32
        %dma_start3A_230 = arith.constant 0 : i32
        %dma_start3A_231 = tpu.memref_slice %arg4[%arg1, %dma_start3A_229, %dma_start3A_230] : memref<16x160x128xi32, #tpu.memory_space<hbm>> -> memref<1x160x128xi32, #tpu.memory_space<hbm>>
        %dma_start3A_232 = tpu.memref_squeeze %dma_start3A_231 : memref<1x160x128xi32, #tpu.memory_space<hbm>> -> memref<160x128xi32, #tpu.memory_space<hbm>>
        %dma_start3A_233 = arith.constant 0 : i32
        %dma_start3A_234 = tpu.memref_slice %dma_start3A_232[%mul3A_40, %dma_start3A_233] : memref<160x128xi32, #tpu.memory_space<hbm>> -> memref<8x128xi32, #tpu.memory_space<hbm>>
        tpu.enqueue_dma source(%dma_start3A_234 : memref<8x128xi32, #tpu.memory_space<hbm>>) target(%arg9 : memref<8x128xi32, #tpu.memory_space<vmem>>) target_semaphore(%run_scoped3A_222 : memref<!tpu.dma_semaphore, #tpu.memory_space<semaphore_mem>>)
        %dma_wait3A_235 = arith.constant 0 : i32
        %dma_wait3A_236 = arith.constant 0 : i32
        %dma_wait3A_237 = tpu.memref_slice %arg4[%arg1, %dma_wait3A_235, %dma_wait3A_236] : memref<16x160x128xi32, #tpu.memory_space<hbm>> -> memref<1x160x128xi32, #tpu.memory_space<hbm>>
        %dma_wait3A_238 = tpu.memref_squeeze %dma_wait3A_237 : memref<1x160x128xi32, #tpu.memory_space<hbm>> -> memref<160x128xi32, #tpu.memory_space<hbm>>
        %dma_wait3A_239 = arith.constant 0 : i32
        %dma_wait3A_240 = tpu.memref_slice %dma_wait3A_238[%mul3A_40, %dma_wait3A_239] : memref<160x128xi32, #tpu.memory_space<hbm>> -> memref<8x128xi32, #tpu.memory_space<hbm>>
        %dma_wait3A_241 = arith.constant 0 : i32
        %dma_wait3A_242 = arith.constant 0 : i32
        %dma_wait3A_243 = tpu.memref_slice %arg4[%arg1, %dma_wait3A_241, %dma_wait3A_242] : memref<16x160x128xi32, #tpu.memory_space<hbm>> -> memref<1x160x128xi32, #tpu.memory_space<hbm>>
        %dma_wait3A_244 = tpu.memref_squeeze %dma_wait3A_243 : memref<1x160x128xi32, #tpu.memory_space<hbm>> -> memref<160x128xi32, #tpu.memory_space<hbm>>
        %dma_wait3A_245 = arith.constant 0 : i32
        %dma_wait3A_246 = tpu.memref_slice %dma_wait3A_244[%mul3A_40, %dma_wait3A_245] : memref<160x128xi32, #tpu.memory_space<hbm>> -> memref<8x128xi32, #tpu.memory_space<hbm>>
        tpu.wait_dma2 semaphore(%run_scoped3A_222 : memref<!tpu.dma_semaphore, #tpu.memory_space<semaphore_mem>>) src(%dma_wait3A_246 : memref<8x128xi32, #tpu.memory_space<hbm>>) dst(%arg9 : memref<8x128xi32, #tpu.memory_space<vmem>>)
        tpu.yield
      }) : () -> ()
      %dma_start3A = arith.constant 0 : i32
      %dma_start3A_41 = arith.constant 0 : i32
      %dma_start3A_42 = tpu.memref_slice %arg8[%dma_start3A, %dma_start3A_41] : memref<8x128xi32, #tpu.memory_space<vmem>> -> memref<1x128xi32, #tpu.memory_space<vmem>>
      %dma_start3A_43 = tpu.memref_squeeze %dma_start3A_42 : memref<1x128xi32, #tpu.memory_space<vmem>> -> memref<128xi32, #tpu.memory_space<vmem>>
      %dma_start3A_44 = arith.constant 0 : i32
      %dma_start3A_45 = arith.constant 0 : i32
      %dma_start3A_46 = tpu.memref_slice %arg2[%arg0, %dma_start3A_44, %dma_start3A_45] : memref<2x10000x128xf32, #tpu.memory_space<hbm>> -> memref<1x10000x128xf32, #tpu.memory_space<hbm>>
      %dma_start3A_47 = tpu.memref_squeeze %dma_start3A_46 : memref<1x10000x128xf32, #tpu.memory_space<hbm>> -> memref<10000x128xf32, #tpu.memory_space<hbm>>
      %dma_start3A_48 = arith.constant 0 : i32
      %dma_start3A_49 = arith.constant 0 : i32
      %dma_start3A_50 = tpu.memref_slice %dma_start3A_47[%dma_start3A_48, %dma_start3A_49] : memref<10000x128xf32, #tpu.memory_space<hbm>> -> memref<10000x128xf32, #tpu.memory_space<hbm>>
      tpu.enqueue_indirect_dma source(%dma_start3A_50 : memref<10000x128xf32, #tpu.memory_space<hbm>>) target(%arg10 : memref<128x128xf32, #tpu.memory_space<vmem>>) offsets(%dma_start3A_43 : memref<128xi32, #tpu.memory_space<vmem>>) semaphore(%arg11 : memref<!tpu.dma_semaphore, #tpu.memory_space<semaphore_mem>>)
      %dma_wait3A = arith.constant 0 : i32
      %dma_wait3A_51 = arith.constant 0 : i32
      %dma_wait3A_52 = tpu.memref_slice %arg8[%dma_wait3A, %dma_wait3A_51] : memref<8x128xi32, #tpu.memory_space<vmem>> -> memref<1x128xi32, #tpu.memory_space<vmem>>
      %dma_wait3A_53 = tpu.memref_squeeze %dma_wait3A_52 : memref<1x128xi32, #tpu.memory_space<vmem>> -> memref<128xi32, #tpu.memory_space<vmem>>
      %dma_wait3A_54 = arith.constant 0 : i32
      %dma_wait3A_55 = arith.constant 0 : i32
      %dma_wait3A_56 = tpu.memref_slice %arg2[%arg0, %dma_wait3A_54, %dma_wait3A_55] : memref<2x10000x128xf32, #tpu.memory_space<hbm>> -> memref<1x10000x128xf32, #tpu.memory_space<hbm>>
      %dma_wait3A_57 = tpu.memref_squeeze %dma_wait3A_56 : memref<1x10000x128xf32, #tpu.memory_space<hbm>> -> memref<10000x128xf32, #tpu.memory_space<hbm>>
      %dma_wait3A_58 = arith.constant 0 : i32
      %dma_wait3A_59 = arith.constant 0 : i32
      %dma_wait3A_60 = tpu.memref_slice %dma_wait3A_57[%dma_wait3A_58, %dma_wait3A_59] : memref<10000x128xf32, #tpu.memory_space<hbm>> -> memref<10000x128xf32, #tpu.memory_space<hbm>>
      tpu.wait_indirect_dma semaphore(%arg11 : memref<!tpu.dma_semaphore, #tpu.memory_space<semaphore_mem>>) src(%dma_wait3A_60 : memref<10000x128xf32, #tpu.memory_space<hbm>>) dst(%arg10 : memref<128x128xf32, #tpu.memory_space<vmem>>)
      %run_scoped3A = arith.constant 0 : i32
      "tpu.region"() ({
        %run_scoped3A_222 = tpu.sem_alloc : memref<!tpu.dma_semaphore, #tpu.memory_space<semaphore_mem>>
        %dma_start3A_223 = arith.constant 0 : i32
        %dma_start3A_224 = tpu.memref_slice %arg9[%run_scoped3A, %dma_start3A_223] : memref<8x128xi32, #tpu.memory_space<vmem>> -> memref<1x128xi32, #tpu.memory_space<vmem>>
        %dma_start3A_225 = tpu.memref_squeeze %dma_start3A_224 : memref<1x128xi32, #tpu.memory_space<vmem>> -> memref<128xi32, #tpu.memory_space<vmem>>
        %dma_start3A_226 = arith.constant 0 : i32
        %dma_start3A_227 = arith.constant 0 : i32
        %dma_start3A_228 = tpu.memref_slice %arg7[%dma_start3A_226, %dma_start3A_227] : memref<10112x128xf32, #tpu.memory_space<vmem_shared>> -> memref<10112x128xf32, #tpu.memory_space<vmem_shared>>
        tpu.enqueue_indirect_dma source(%arg10 : memref<128x128xf32, #tpu.memory_space<vmem>>) target(%dma_start3A_228 : memref<10112x128xf32, #tpu.memory_space<vmem_shared>>) offsets(%dma_start3A_225 : memref<128xi32, #tpu.memory_space<vmem>>) semaphore(%run_scoped3A_222 : memref<!tpu.dma_semaphore, #tpu.memory_space<semaphore_mem>>) {add = true}
        %dma_wait3A_229 = arith.constant 0 : i32
        %dma_wait3A_230 = tpu.memref_slice %arg9[%run_scoped3A, %dma_wait3A_229] : memref<8x128xi32, #tpu.memory_space<vmem>> -> memref<1x128xi32, #tpu.memory_space<vmem>>
        %dma_wait3A_231 = tpu.memref_squeeze %dma_wait3A_230 : memref<1x128xi32, #tpu.memory_space<vmem>> -> memref<128xi32, #tpu.memory_space<vmem>>
        %dma_wait3A_232 = arith.constant 0 : i32
        %dma_wait3A_233 = arith.constant 0 : i32
        %dma_wait3A_234 = tpu.memref_slice %arg7[%dma_wait3A_232, %dma_wait3A_233] : memref<10112x128xf32, #tpu.memory_space<vmem_shared>> -> memref<10112x128xf32, #tpu.memory_space<vmem_shared>>
        tpu.wait_indirect_dma semaphore(%run_scoped3A_222 : memref<!tpu.dma_semaphore, #tpu.memory_space<semaphore_mem>>) src(%arg10 : memref<128x128xf32, #tpu.memory_space<vmem>>) dst(%dma_wait3A_234 : memref<10112x128xf32, #tpu.memory_space<vmem_shared>>)
        tpu.yield
      }) : () -> ()
      %dma_start3A_61 = arith.constant 1 : i32
      %dma_start3A_62 = arith.constant 0 : i32
      %dma_start3A_63 = tpu.memref_slice %arg8[%dma_start3A_61, %dma_start3A_62] : memref<8x128xi32, #tpu.memory_space<vmem>> -> memref<1x128xi32, #tpu.memory_space<vmem>>
      %dma_start3A_64 = tpu.memref_squeeze %dma_start3A_63 : memref<1x128xi32, #tpu.memory_space<vmem>> -> memref<128xi32, #tpu.memory_space<vmem>>
      %dma_start3A_65 = arith.constant 0 : i32
      %dma_start3A_66 = arith.constant 0 : i32
      %dma_start3A_67 = tpu.memref_slice %arg2[%arg0, %dma_start3A_65, %dma_start3A_66] : memref<2x10000x128xf32, #tpu.memory_space<hbm>> -> memref<1x10000x128xf32, #tpu.memory_space<hbm>>
      %dma_start3A_68 = tpu.memref_squeeze %dma_start3A_67 : memref<1x10000x128xf32, #tpu.memory_space<hbm>> -> memref<10000x128xf32, #tpu.memory_space<hbm>>
      %dma_start3A_69 = arith.constant 0 : i32
      %dma_start3A_70 = arith.constant 0 : i32
      %dma_start3A_71 = tpu.memref_slice %dma_start3A_68[%dma_start3A_69, %dma_start3A_70] : memref<10000x128xf32, #tpu.memory_space<hbm>> -> memref<10000x128xf32, #tpu.memory_space<hbm>>
      tpu.enqueue_indirect_dma source(%dma_start3A_71 : memref<10000x128xf32, #tpu.memory_space<hbm>>) target(%arg10 : memref<128x128xf32, #tpu.memory_space<vmem>>) offsets(%dma_start3A_64 : memref<128xi32, #tpu.memory_space<vmem>>) semaphore(%arg11 : memref<!tpu.dma_semaphore, #tpu.memory_space<semaphore_mem>>)
      %dma_wait3A_72 = arith.constant 1 : i32
      %dma_wait3A_73 = arith.constant 0 : i32
      %dma_wait3A_74 = tpu.memref_slice %arg8[%dma_wait3A_72, %dma_wait3A_73] : memref<8x128xi32, #tpu.memory_space<vmem>> -> memref<1x128xi32, #tpu.memory_space<vmem>>
      %dma_wait3A_75 = tpu.memref_squeeze %dma_wait3A_74 : memref<1x128xi32, #tpu.memory_space<vmem>> -> memref<128xi32, #tpu.memory_space<vmem>>
      %dma_wait3A_76 = arith.constant 0 : i32
      %dma_wait3A_77 = arith.constant 0 : i32
      %dma_wait3A_78 = tpu.memref_slice %arg2[%arg0, %dma_wait3A_76, %dma_wait3A_77] : memref<2x10000x128xf32, #tpu.memory_space<hbm>> -> memref<1x10000x128xf32, #tpu.memory_space<hbm>>
      %dma_wait3A_79 = tpu.memref_squeeze %dma_wait3A_78 : memref<1x10000x128xf32, #tpu.memory_space<hbm>> -> memref<10000x128xf32, #tpu.memory_space<hbm>>
      %dma_wait3A_80 = arith.constant 0 : i32
      %dma_wait3A_81 = arith.constant 0 : i32
      %dma_wait3A_82 = tpu.memref_slice %dma_wait3A_79[%dma_wait3A_80, %dma_wait3A_81] : memref<10000x128xf32, #tpu.memory_space<hbm>> -> memref<10000x128xf32, #tpu.memory_space<hbm>>
      tpu.wait_indirect_dma semaphore(%arg11 : memref<!tpu.dma_semaphore, #tpu.memory_space<semaphore_mem>>) src(%dma_wait3A_82 : memref<10000x128xf32, #tpu.memory_space<hbm>>) dst(%arg10 : memref<128x128xf32, #tpu.memory_space<vmem>>)
      %run_scoped3A_83 = arith.constant 1 : i32
      "tpu.region"() ({
        %run_scoped3A_222 = tpu.sem_alloc : memref<!tpu.dma_semaphore, #tpu.memory_space<semaphore_mem>>
        %dma_start3A_223 = arith.constant 0 : i32
        %dma_start3A_224 = tpu.memref_slice %arg9[%run_scoped3A_83, %dma_start3A_223] : memref<8x128xi32, #tpu.memory_space<vmem>> -> memref<1x128xi32, #tpu.memory_space<vmem>>
        %dma_start3A_225 = tpu.memref_squeeze %dma_start3A_224 : memref<1x128xi32, #tpu.memory_space<vmem>> -> memref<128xi32, #tpu.memory_space<vmem>>
        %dma_start3A_226 = arith.constant 0 : i32
        %dma_start3A_227 = arith.constant 0 : i32
        %dma_start3A_228 = tpu.memref_slice %arg7[%dma_start3A_226, %dma_start3A_227] : memref<10112x128xf32, #tpu.memory_space<vmem_shared>> -> memref<10112x128xf32, #tpu.memory_space<vmem_shared>>
        tpu.enqueue_indirect_dma source(%arg10 : memref<128x128xf32, #tpu.memory_space<vmem>>) target(%dma_start3A_228 : memref<10112x128xf32, #tpu.memory_space<vmem_shared>>) offsets(%dma_start3A_225 : memref<128xi32, #tpu.memory_space<vmem>>) semaphore(%run_scoped3A_222 : memref<!tpu.dma_semaphore, #tpu.memory_space<semaphore_mem>>) {add = true}
        %dma_wait3A_229 = arith.constant 0 : i32
        %dma_wait3A_230 = tpu.memref_slice %arg9[%run_scoped3A_83, %dma_wait3A_229] : memref<8x128xi32, #tpu.memory_space<vmem>> -> memref<1x128xi32, #tpu.memory_space<vmem>>
        %dma_wait3A_231 = tpu.memref_squeeze %dma_wait3A_230 : memref<1x128xi32, #tpu.memory_space<vmem>> -> memref<128xi32, #tpu.memory_space<vmem>>
        %dma_wait3A_232 = arith.constant 0 : i32
        %dma_wait3A_233 = arith.constant 0 : i32
        %dma_wait3A_234 = tpu.memref_slice %arg7[%dma_wait3A_232, %dma_wait3A_233] : memref<10112x128xf32, #tpu.memory_space<vmem_shared>> -> memref<10112x128xf32, #tpu.memory_space<vmem_shared>>
        tpu.wait_indirect_dma semaphore(%run_scoped3A_222 : memref<!tpu.dma_semaphore, #tpu.memory_space<semaphore_mem>>) src(%arg10 : memref<128x128xf32, #tpu.memory_space<vmem>>) dst(%dma_wait3A_234 : memref<10112x128xf32, #tpu.memory_space<vmem_shared>>)
        tpu.yield
      }) : () -> ()
      %dma_start3A_84 = arith.constant 2 : i32
      %dma_start3A_85 = arith.constant 0 : i32
      %dma_start3A_86 = tpu.memref_slice %arg8[%dma_start3A_84, %dma_start3A_85] : memref<8x128xi32, #tpu.memory_space<vmem>> -> memref<1x128xi32, #tpu.memory_space<vmem>>
      %dma_start3A_87 = tpu.memref_squeeze %dma_start3A_86 : memref<1x128xi32, #tpu.memory_space<vmem>> -> memref<128xi32, #tpu.memory_space<vmem>>
      %dma_start3A_88 = arith.constant 0 : i32
      %dma_start3A_89 = arith.constant 0 : i32
      %dma_start3A_90 = tpu.memref_slice %arg2[%arg0, %dma_start3A_88, %dma_start3A_89] : memref<2x10000x128xf32, #tpu.memory_space<hbm>> -> memref<1x10000x128xf32, #tpu.memory_space<hbm>>
      %dma_start3A_91 = tpu.memref_squeeze %dma_start3A_90 : memref<1x10000x128xf32, #tpu.memory_space<hbm>> -> memref<10000x128xf32, #tpu.memory_space<hbm>>
      %dma_start3A_92 = arith.constant 0 : i32
      %dma_start3A_93 = arith.constant 0 : i32
      %dma_start3A_94 = tpu.memref_slice %dma_start3A_91[%dma_start3A_92, %dma_start3A_93] : memref<10000x128xf32, #tpu.memory_space<hbm>> -> memref<10000x128xf32, #tpu.memory_space<hbm>>
      tpu.enqueue_indirect_dma source(%dma_start3A_94 : memref<10000x128xf32, #tpu.memory_space<hbm>>) target(%arg10 : memref<128x128xf32, #tpu.memory_space<vmem>>) offsets(%dma_start3A_87 : memref<128xi32, #tpu.memory_space<vmem>>) semaphore(%arg11 : memref<!tpu.dma_semaphore, #tpu.memory_space<semaphore_mem>>)
      %dma_wait3A_95 = arith.constant 2 : i32
      %dma_wait3A_96 = arith.constant 0 : i32
      %dma_wait3A_97 = tpu.memref_slice %arg8[%dma_wait3A_95, %dma_wait3A_96] : memref<8x128xi32, #tpu.memory_space<vmem>> -> memref<1x128xi32, #tpu.memory_space<vmem>>
      %dma_wait3A_98 = tpu.memref_squeeze %dma_wait3A_97 : memref<1x128xi32, #tpu.memory_space<vmem>> -> memref<128xi32, #tpu.memory_space<vmem>>
      %dma_wait3A_99 = arith.constant 0 : i32
      %dma_wait3A_100 = arith.constant 0 : i32
      %dma_wait3A_101 = tpu.memref_slice %arg2[%arg0, %dma_wait3A_99, %dma_wait3A_100] : memref<2x10000x128xf32, #tpu.memory_space<hbm>> -> memref<1x10000x128xf32, #tpu.memory_space<hbm>>
      %dma_wait3A_102 = tpu.memref_squeeze %dma_wait3A_101 : memref<1x10000x128xf32, #tpu.memory_space<hbm>> -> memref<10000x128xf32, #tpu.memory_space<hbm>>
      %dma_wait3A_103 = arith.constant 0 : i32
      %dma_wait3A_104 = arith.constant 0 : i32
      %dma_wait3A_105 = tpu.memref_slice %dma_wait3A_102[%dma_wait3A_103, %dma_wait3A_104] : memref<10000x128xf32, #tpu.memory_space<hbm>> -> memref<10000x128xf32, #tpu.memory_space<hbm>>
      tpu.wait_indirect_dma semaphore(%arg11 : memref<!tpu.dma_semaphore, #tpu.memory_space<semaphore_mem>>) src(%dma_wait3A_105 : memref<10000x128xf32, #tpu.memory_space<hbm>>) dst(%arg10 : memref<128x128xf32, #tpu.memory_space<vmem>>)
      %run_scoped3A_106 = arith.constant 2 : i32
      "tpu.region"() ({
        %run_scoped3A_222 = tpu.sem_alloc : memref<!tpu.dma_semaphore, #tpu.memory_space<semaphore_mem>>
        %dma_start3A_223 = arith.constant 0 : i32
        %dma_start3A_224 = tpu.memref_slice %arg9[%run_scoped3A_106, %dma_start3A_223] : memref<8x128xi32, #tpu.memory_space<vmem>> -> memref<1x128xi32, #tpu.memory_space<vmem>>
        %dma_start3A_225 = tpu.memref_squeeze %dma_start3A_224 : memref<1x128xi32, #tpu.memory_space<vmem>> -> memref<128xi32, #tpu.memory_space<vmem>>
        %dma_start3A_226 = arith.constant 0 : i32
        %dma_start3A_227 = arith.constant 0 : i32
        %dma_start3A_228 = tpu.memref_slice %arg7[%dma_start3A_226, %dma_start3A_227] : memref<10112x128xf32, #tpu.memory_space<vmem_shared>> -> memref<10112x128xf32, #tpu.memory_space<vmem_shared>>
        tpu.enqueue_indirect_dma source(%arg10 : memref<128x128xf32, #tpu.memory_space<vmem>>) target(%dma_start3A_228 : memref<10112x128xf32, #tpu.memory_space<vmem_shared>>) offsets(%dma_start3A_225 : memref<128xi32, #tpu.memory_space<vmem>>) semaphore(%run_scoped3A_222 : memref<!tpu.dma_semaphore, #tpu.memory_space<semaphore_mem>>) {add = true}
        %dma_wait3A_229 = arith.constant 0 : i32
        %dma_wait3A_230 = tpu.memref_slice %arg9[%run_scoped3A_106, %dma_wait3A_229] : memref<8x128xi32, #tpu.memory_space<vmem>> -> memref<1x128xi32, #tpu.memory_space<vmem>>
        %dma_wait3A_231 = tpu.memref_squeeze %dma_wait3A_230 : memref<1x128xi32, #tpu.memory_space<vmem>> -> memref<128xi32, #tpu.memory_space<vmem>>
        %dma_wait3A_232 = arith.constant 0 : i32
        %dma_wait3A_233 = arith.constant 0 : i32
        %dma_wait3A_234 = tpu.memref_slice %arg7[%dma_wait3A_232, %dma_wait3A_233] : memref<10112x128xf32, #tpu.memory_space<vmem_shared>> -> memref<10112x128xf32, #tpu.memory_space<vmem_shared>>
        tpu.wait_indirect_dma semaphore(%run_scoped3A_222 : memref<!tpu.dma_semaphore, #tpu.memory_space<semaphore_mem>>) src(%arg10 : memref<128x128xf32, #tpu.memory_space<vmem>>) dst(%dma_wait3A_234 : memref<10112x128xf32, #tpu.memory_space<vmem_shared>>)
        tpu.yield
      }) : () -> ()
      %dma_start3A_107 = arith.constant 3 : i32
      %dma_start3A_108 = arith.constant 0 : i32
      %dma_start3A_109 = tpu.memref_slice %arg8[%dma_start3A_107, %dma_start3A_108] : memref<8x128xi32, #tpu.memory_space<vmem>> -> memref<1x128xi32, #tpu.memory_space<vmem>>
      %dma_start3A_110 = tpu.memref_squeeze %dma_start3A_109 : memref<1x128xi32, #tpu.memory_space<vmem>> -> memref<128xi32, #tpu.memory_space<vmem>>
      %dma_start3A_111 = arith.constant 0 : i32
      %dma_start3A_112 = arith.constant 0 : i32
      %dma_start3A_113 = tpu.memref_slice %arg2[%arg0, %dma_start3A_111, %dma_start3A_112] : memref<2x10000x128xf32, #tpu.memory_space<hbm>> -> memref<1x10000x128xf32, #tpu.memory_space<hbm>>
      %dma_start3A_114 = tpu.memref_squeeze %dma_start3A_113 : memref<1x10000x128xf32, #tpu.memory_space<hbm>> -> memref<10000x128xf32, #tpu.memory_space<hbm>>
      %dma_start3A_115 = arith.constant 0 : i32
      %dma_start3A_116 = arith.constant 0 : i32
      %dma_start3A_117 = tpu.memref_slice %dma_start3A_114[%dma_start3A_115, %dma_start3A_116] : memref<10000x128xf32, #tpu.memory_space<hbm>> -> memref<10000x128xf32, #tpu.memory_space<hbm>>
      tpu.enqueue_indirect_dma source(%dma_start3A_117 : memref<10000x128xf32, #tpu.memory_space<hbm>>) target(%arg10 : memref<128x128xf32, #tpu.memory_space<vmem>>) offsets(%dma_start3A_110 : memref<128xi32, #tpu.memory_space<vmem>>) semaphore(%arg11 : memref<!tpu.dma_semaphore, #tpu.memory_space<semaphore_mem>>)
      %dma_wait3A_118 = arith.constant 3 : i32
      %dma_wait3A_119 = arith.constant 0 : i32
      %dma_wait3A_120 = tpu.memref_slice %arg8[%dma_wait3A_118, %dma_wait3A_119] : memref<8x128xi32, #tpu.memory_space<vmem>> -> memref<1x128xi32, #tpu.memory_space<vmem>>
      %dma_wait3A_121 = tpu.memref_squeeze %dma_wait3A_120 : memref<1x128xi32, #tpu.memory_space<vmem>> -> memref<128xi32, #tpu.memory_space<vmem>>
      %dma_wait3A_122 = arith.constant 0 : i32
      %dma_wait3A_123 = arith.constant 0 : i32
      %dma_wait3A_124 = tpu.memref_slice %arg2[%arg0, %dma_wait3A_122, %dma_wait3A_123] : memref<2x10000x128xf32, #tpu.memory_space<hbm>> -> memref<1x10000x128xf32, #tpu.memory_space<hbm>>
      %dma_wait3A_125 = tpu.memref_squeeze %dma_wait3A_124 : memref<1x10000x128xf32, #tpu.memory_space<hbm>> -> memref<10000x128xf32, #tpu.memory_space<hbm>>
      %dma_wait3A_126 = arith.constant 0 : i32
      %dma_wait3A_127 = arith.constant 0 : i32
      %dma_wait3A_128 = tpu.memref_slice %dma_wait3A_125[%dma_wait3A_126, %dma_wait3A_127] : memref<10000x128xf32, #tpu.memory_space<hbm>> -> memref<10000x128xf32, #tpu.memory_space<hbm>>
      tpu.wait_indirect_dma semaphore(%arg11 : memref<!tpu.dma_semaphore, #tpu.memory_space<semaphore_mem>>) src(%dma_wait3A_128 : memref<10000x128xf32, #tpu.memory_space<hbm>>) dst(%arg10 : memref<128x128xf32, #tpu.memory_space<vmem>>)
      %run_scoped3A_129 = arith.constant 3 : i32
      "tpu.region"() ({
        %run_scoped3A_222 = tpu.sem_alloc : memref<!tpu.dma_semaphore, #tpu.memory_space<semaphore_mem>>
        %dma_start3A_223 = arith.constant 0 : i32
        %dma_start3A_224 = tpu.memref_slice %arg9[%run_scoped3A_129, %dma_start3A_223] : memref<8x128xi32, #tpu.memory_space<vmem>> -> memref<1x128xi32, #tpu.memory_space<vmem>>
        %dma_start3A_225 = tpu.memref_squeeze %dma_start3A_224 : memref<1x128xi32, #tpu.memory_space<vmem>> -> memref<128xi32, #tpu.memory_space<vmem>>
        %dma_start3A_226 = arith.constant 0 : i32
        %dma_start3A_227 = arith.constant 0 : i32
        %dma_start3A_228 = tpu.memref_slice %arg7[%dma_start3A_226, %dma_start3A_227] : memref<10112x128xf32, #tpu.memory_space<vmem_shared>> -> memref<10112x128xf32, #tpu.memory_space<vmem_shared>>
        tpu.enqueue_indirect_dma source(%arg10 : memref<128x128xf32, #tpu.memory_space<vmem>>) target(%dma_start3A_228 : memref<10112x128xf32, #tpu.memory_space<vmem_shared>>) offsets(%dma_start3A_225 : memref<128xi32, #tpu.memory_space<vmem>>) semaphore(%run_scoped3A_222 : memref<!tpu.dma_semaphore, #tpu.memory_space<semaphore_mem>>) {add = true}
        %dma_wait3A_229 = arith.constant 0 : i32
        %dma_wait3A_230 = tpu.memref_slice %arg9[%run_scoped3A_129, %dma_wait3A_229] : memref<8x128xi32, #tpu.memory_space<vmem>> -> memref<1x128xi32, #tpu.memory_space<vmem>>
        %dma_wait3A_231 = tpu.memref_squeeze %dma_wait3A_230 : memref<1x128xi32, #tpu.memory_space<vmem>> -> memref<128xi32, #tpu.memory_space<vmem>>
        %dma_wait3A_232 = arith.constant 0 : i32
        %dma_wait3A_233 = arith.constant 0 : i32
        %dma_wait3A_234 = tpu.memref_slice %arg7[%dma_wait3A_232, %dma_wait3A_233] : memref<10112x128xf32, #tpu.memory_space<vmem_shared>> -> memref<10112x128xf32, #tpu.memory_space<vmem_shared>>
        tpu.wait_indirect_dma semaphore(%run_scoped3A_222 : memref<!tpu.dma_semaphore, #tpu.memory_space<semaphore_mem>>) src(%arg10 : memref<128x128xf32, #tpu.memory_space<vmem>>) dst(%dma_wait3A_234 : memref<10112x128xf32, #tpu.memory_space<vmem_shared>>)
        tpu.yield
      }) : () -> ()
      %dma_start3A_130 = arith.constant 4 : i32
      %dma_start3A_131 = arith.constant 0 : i32
      %dma_start3A_132 = tpu.memref_slice %arg8[%dma_start3A_130, %dma_start3A_131] : memref<8x128xi32, #tpu.memory_space<vmem>> -> memref<1x128xi32, #tpu.memory_space<vmem>>
      %dma_start3A_133 = tpu.memref_squeeze %dma_start3A_132 : memref<1x128xi32, #tpu.memory_space<vmem>> -> memref<128xi32, #tpu.memory_space<vmem>>
      %dma_start3A_134 = arith.constant 0 : i32
      %dma_start3A_135 = arith.constant 0 : i32
      %dma_start3A_136 = tpu.memref_slice %arg2[%arg0, %dma_start3A_134, %dma_start3A_135] : memref<2x10000x128xf32, #tpu.memory_space<hbm>> -> memref<1x10000x128xf32, #tpu.memory_space<hbm>>
      %dma_start3A_137 = tpu.memref_squeeze %dma_start3A_136 : memref<1x10000x128xf32, #tpu.memory_space<hbm>> -> memref<10000x128xf32, #tpu.memory_space<hbm>>
      %dma_start3A_138 = arith.constant 0 : i32
      %dma_start3A_139 = arith.constant 0 : i32
      %dma_start3A_140 = tpu.memref_slice %dma_start3A_137[%dma_start3A_138, %dma_start3A_139] : memref<10000x128xf32, #tpu.memory_space<hbm>> -> memref<10000x128xf32, #tpu.memory_space<hbm>>
      tpu.enqueue_indirect_dma source(%dma_start3A_140 : memref<10000x128xf32, #tpu.memory_space<hbm>>) target(%arg10 : memref<128x128xf32, #tpu.memory_space<vmem>>) offsets(%dma_start3A_133 : memref<128xi32, #tpu.memory_space<vmem>>) semaphore(%arg11 : memref<!tpu.dma_semaphore, #tpu.memory_space<semaphore_mem>>)
      %dma_wait3A_141 = arith.constant 4 : i32
      %dma_wait3A_142 = arith.constant 0 : i32
      %dma_wait3A_143 = tpu.memref_slice %arg8[%dma_wait3A_141, %dma_wait3A_142] : memref<8x128xi32, #tpu.memory_space<vmem>> -> memref<1x128xi32, #tpu.memory_space<vmem>>
      %dma_wait3A_144 = tpu.memref_squeeze %dma_wait3A_143 : memref<1x128xi32, #tpu.memory_space<vmem>> -> memref<128xi32, #tpu.memory_space<vmem>>
      %dma_wait3A_145 = arith.constant 0 : i32
      %dma_wait3A_146 = arith.constant 0 : i32
      %dma_wait3A_147 = tpu.memref_slice %arg2[%arg0, %dma_wait3A_145, %dma_wait3A_146] : memref<2x10000x128xf32, #tpu.memory_space<hbm>> -> memref<1x10000x128xf32, #tpu.memory_space<hbm>>
      %dma_wait3A_148 = tpu.memref_squeeze %dma_wait3A_147 : memref<1x10000x128xf32, #tpu.memory_space<hbm>> -> memref<10000x128xf32, #tpu.memory_space<hbm>>
      %dma_wait3A_149 = arith.constant 0 : i32
      %dma_wait3A_150 = arith.constant 0 : i32
      %dma_wait3A_151 = tpu.memref_slice %dma_wait3A_148[%dma_wait3A_149, %dma_wait3A_150] : memref<10000x128xf32, #tpu.memory_space<hbm>> -> memref<10000x128xf32, #tpu.memory_space<hbm>>
      tpu.wait_indirect_dma semaphore(%arg11 : memref<!tpu.dma_semaphore, #tpu.memory_space<semaphore_mem>>) src(%dma_wait3A_151 : memref<10000x128xf32, #tpu.memory_space<hbm>>) dst(%arg10 : memref<128x128xf32, #tpu.memory_space<vmem>>)
      %run_scoped3A_152 = arith.constant 4 : i32
      "tpu.region"() ({
        %run_scoped3A_222 = tpu.sem_alloc : memref<!tpu.dma_semaphore, #tpu.memory_space<semaphore_mem>>
        %dma_start3A_223 = arith.constant 0 : i32
        %dma_start3A_224 = tpu.memref_slice %arg9[%run_scoped3A_152, %dma_start3A_223] : memref<8x128xi32, #tpu.memory_space<vmem>> -> memref<1x128xi32, #tpu.memory_space<vmem>>
        %dma_start3A_225 = tpu.memref_squeeze %dma_start3A_224 : memref<1x128xi32, #tpu.memory_space<vmem>> -> memref<128xi32, #tpu.memory_space<vmem>>
        %dma_start3A_226 = arith.constant 0 : i32
        %dma_start3A_227 = arith.constant 0 : i32
        %dma_start3A_228 = tpu.memref_slice %arg7[%dma_start3A_226, %dma_start3A_227] : memref<10112x128xf32, #tpu.memory_space<vmem_shared>> -> memref<10112x128xf32, #tpu.memory_space<vmem_shared>>
        tpu.enqueue_indirect_dma source(%arg10 : memref<128x128xf32, #tpu.memory_space<vmem>>) target(%dma_start3A_228 : memref<10112x128xf32, #tpu.memory_space<vmem_shared>>) offsets(%dma_start3A_225 : memref<128xi32, #tpu.memory_space<vmem>>) semaphore(%run_scoped3A_222 : memref<!tpu.dma_semaphore, #tpu.memory_space<semaphore_mem>>) {add = true}
        %dma_wait3A_229 = arith.constant 0 : i32
        %dma_wait3A_230 = tpu.memref_slice %arg9[%run_scoped3A_152, %dma_wait3A_229] : memref<8x128xi32, #tpu.memory_space<vmem>> -> memref<1x128xi32, #tpu.memory_space<vmem>>
        %dma_wait3A_231 = tpu.memref_squeeze %dma_wait3A_230 : memref<1x128xi32, #tpu.memory_space<vmem>> -> memref<128xi32, #tpu.memory_space<vmem>>
        %dma_wait3A_232 = arith.constant 0 : i32
        %dma_wait3A_233 = arith.constant 0 : i32
        %dma_wait3A_234 = tpu.memref_slice %arg7[%dma_wait3A_232, %dma_wait3A_233] : memref<10112x128xf32, #tpu.memory_space<vmem_shared>> -> memref<10112x128xf32, #tpu.memory_space<vmem_shared>>
        tpu.wait_indirect_dma semaphore(%run_scoped3A_222 : memref<!tpu.dma_semaphore, #tpu.memory_space<semaphore_mem>>) src(%arg10 : memref<128x128xf32, #tpu.memory_space<vmem>>) dst(%dma_wait3A_234 : memref<10112x128xf32, #tpu.memory_space<vmem_shared>>)
        tpu.yield
      }) : () -> ()
      %dma_start3A_153 = arith.constant 5 : i32
      %dma_start3A_154 = arith.constant 0 : i32
      %dma_start3A_155 = tpu.memref_slice %arg8[%dma_start3A_153, %dma_start3A_154] : memref<8x128xi32, #tpu.memory_space<vmem>> -> memref<1x128xi32, #tpu.memory_space<vmem>>
      %dma_start3A_156 = tpu.memref_squeeze %dma_start3A_155 : memref<1x128xi32, #tpu.memory_space<vmem>> -> memref<128xi32, #tpu.memory_space<vmem>>
      %dma_start3A_157 = arith.constant 0 : i32
      %dma_start3A_158 = arith.constant 0 : i32
      %dma_start3A_159 = tpu.memref_slice %arg2[%arg0, %dma_start3A_157, %dma_start3A_158] : memref<2x10000x128xf32, #tpu.memory_space<hbm>> -> memref<1x10000x128xf32, #tpu.memory_space<hbm>>
      %dma_start3A_160 = tpu.memref_squeeze %dma_start3A_159 : memref<1x10000x128xf32, #tpu.memory_space<hbm>> -> memref<10000x128xf32, #tpu.memory_space<hbm>>
      %dma_start3A_161 = arith.constant 0 : i32
      %dma_start3A_162 = arith.constant 0 : i32
      %dma_start3A_163 = tpu.memref_slice %dma_start3A_160[%dma_start3A_161, %dma_start3A_162] : memref<10000x128xf32, #tpu.memory_space<hbm>> -> memref<10000x128xf32, #tpu.memory_space<hbm>>
      tpu.enqueue_indirect_dma source(%dma_start3A_163 : memref<10000x128xf32, #tpu.memory_space<hbm>>) target(%arg10 : memref<128x128xf32, #tpu.memory_space<vmem>>) offsets(%dma_start3A_156 : memref<128xi32, #tpu.memory_space<vmem>>) semaphore(%arg11 : memref<!tpu.dma_semaphore, #tpu.memory_space<semaphore_mem>>)
      %dma_wait3A_164 = arith.constant 5 : i32
      %dma_wait3A_165 = arith.constant 0 : i32
      %dma_wait3A_166 = tpu.memref_slice %arg8[%dma_wait3A_164, %dma_wait3A_165] : memref<8x128xi32, #tpu.memory_space<vmem>> -> memref<1x128xi32, #tpu.memory_space<vmem>>
      %dma_wait3A_167 = tpu.memref_squeeze %dma_wait3A_166 : memref<1x128xi32, #tpu.memory_space<vmem>> -> memref<128xi32, #tpu.memory_space<vmem>>
      %dma_wait3A_168 = arith.constant 0 : i32
      %dma_wait3A_169 = arith.constant 0 : i32
      %dma_wait3A_170 = tpu.memref_slice %arg2[%arg0, %dma_wait3A_168, %dma_wait3A_169] : memref<2x10000x128xf32, #tpu.memory_space<hbm>> -> memref<1x10000x128xf32, #tpu.memory_space<hbm>>
      %dma_wait3A_171 = tpu.memref_squeeze %dma_wait3A_170 : memref<1x10000x128xf32, #tpu.memory_space<hbm>> -> memref<10000x128xf32, #tpu.memory_space<hbm>>
      %dma_wait3A_172 = arith.constant 0 : i32
      %dma_wait3A_173 = arith.constant 0 : i32
      %dma_wait3A_174 = tpu.memref_slice %dma_wait3A_171[%dma_wait3A_172, %dma_wait3A_173] : memref<10000x128xf32, #tpu.memory_space<hbm>> -> memref<10000x128xf32, #tpu.memory_space<hbm>>
      tpu.wait_indirect_dma semaphore(%arg11 : memref<!tpu.dma_semaphore, #tpu.memory_space<semaphore_mem>>) src(%dma_wait3A_174 : memref<10000x128xf32, #tpu.memory_space<hbm>>) dst(%arg10 : memref<128x128xf32, #tpu.memory_space<vmem>>)
      %run_scoped3A_175 = arith.constant 5 : i32
      "tpu.region"() ({
        %run_scoped3A_222 = tpu.sem_alloc : memref<!tpu.dma_semaphore, #tpu.memory_space<semaphore_mem>>
        %dma_start3A_223 = arith.constant 0 : i32
        %dma_start3A_224 = tpu.memref_slice %arg9[%run_scoped3A_175, %dma_start3A_223] : memref<8x128xi32, #tpu.memory_space<vmem>> -> memref<1x128xi32, #tpu.memory_space<vmem>>
        %dma_start3A_225 = tpu.memref_squeeze %dma_start3A_224 : memref<1x128xi32, #tpu.memory_space<vmem>> -> memref<128xi32, #tpu.memory_space<vmem>>
        %dma_start3A_226 = arith.constant 0 : i32
        %dma_start3A_227 = arith.constant 0 : i32
        %dma_start3A_228 = tpu.memref_slice %arg7[%dma_start3A_226, %dma_start3A_227] : memref<10112x128xf32, #tpu.memory_space<vmem_shared>> -> memref<10112x128xf32, #tpu.memory_space<vmem_shared>>
        tpu.enqueue_indirect_dma source(%arg10 : memref<128x128xf32, #tpu.memory_space<vmem>>) target(%dma_start3A_228 : memref<10112x128xf32, #tpu.memory_space<vmem_shared>>) offsets(%dma_start3A_225 : memref<128xi32, #tpu.memory_space<vmem>>) semaphore(%run_scoped3A_222 : memref<!tpu.dma_semaphore, #tpu.memory_space<semaphore_mem>>) {add = true}
        %dma_wait3A_229 = arith.constant 0 : i32
        %dma_wait3A_230 = tpu.memref_slice %arg9[%run_scoped3A_175, %dma_wait3A_229] : memref<8x128xi32, #tpu.memory_space<vmem>> -> memref<1x128xi32, #tpu.memory_space<vmem>>
        %dma_wait3A_231 = tpu.memref_squeeze %dma_wait3A_230 : memref<1x128xi32, #tpu.memory_space<vmem>> -> memref<128xi32, #tpu.memory_space<vmem>>
        %dma_wait3A_232 = arith.constant 0 : i32
        %dma_wait3A_233 = arith.constant 0 : i32
        %dma_wait3A_234 = tpu.memref_slice %arg7[%dma_wait3A_232, %dma_wait3A_233] : memref<10112x128xf32, #tpu.memory_space<vmem_shared>> -> memref<10112x128xf32, #tpu.memory_space<vmem_shared>>
        tpu.wait_indirect_dma semaphore(%run_scoped3A_222 : memref<!tpu.dma_semaphore, #tpu.memory_space<semaphore_mem>>) src(%arg10 : memref<128x128xf32, #tpu.memory_space<vmem>>) dst(%dma_wait3A_234 : memref<10112x128xf32, #tpu.memory_space<vmem_shared>>)
        tpu.yield
      }) : () -> ()
      %dma_start3A_176 = arith.constant 6 : i32
      %dma_start3A_177 = arith.constant 0 : i32
      %dma_start3A_178 = tpu.memref_slice %arg8[%dma_start3A_176, %dma_start3A_177] : memref<8x128xi32, #tpu.memory_space<vmem>> -> memref<1x128xi32, #tpu.memory_space<vmem>>
      %dma_start3A_179 = tpu.memref_squeeze %dma_start3A_178 : memref<1x128xi32, #tpu.memory_space<vmem>> -> memref<128xi32, #tpu.memory_space<vmem>>
      %dma_start3A_180 = arith.constant 0 : i32
      %dma_start3A_181 = arith.constant 0 : i32
      %dma_start3A_182 = tpu.memref_slice %arg2[%arg0, %dma_start3A_180, %dma_start3A_181] : memref<2x10000x128xf32, #tpu.memory_space<hbm>> -> memref<1x10000x128xf32, #tpu.memory_space<hbm>>
      %dma_start3A_183 = tpu.memref_squeeze %dma_start3A_182 : memref<1x10000x128xf32, #tpu.memory_space<hbm>> -> memref<10000x128xf32, #tpu.memory_space<hbm>>
      %dma_start3A_184 = arith.constant 0 : i32
      %dma_start3A_185 = arith.constant 0 : i32
      %dma_start3A_186 = tpu.memref_slice %dma_start3A_183[%dma_start3A_184, %dma_start3A_185] : memref<10000x128xf32, #tpu.memory_space<hbm>> -> memref<10000x128xf32, #tpu.memory_space<hbm>>
      tpu.enqueue_indirect_dma source(%dma_start3A_186 : memref<10000x128xf32, #tpu.memory_space<hbm>>) target(%arg10 : memref<128x128xf32, #tpu.memory_space<vmem>>) offsets(%dma_start3A_179 : memref<128xi32, #tpu.memory_space<vmem>>) semaphore(%arg11 : memref<!tpu.dma_semaphore, #tpu.memory_space<semaphore_mem>>)
      %dma_wait3A_187 = arith.constant 6 : i32
      %dma_wait3A_188 = arith.constant 0 : i32
      %dma_wait3A_189 = tpu.memref_slice %arg8[%dma_wait3A_187, %dma_wait3A_188] : memref<8x128xi32, #tpu.memory_space<vmem>> -> memref<1x128xi32, #tpu.memory_space<vmem>>
      %dma_wait3A_190 = tpu.memref_squeeze %dma_wait3A_189 : memref<1x128xi32, #tpu.memory_space<vmem>> -> memref<128xi32, #tpu.memory_space<vmem>>
      %dma_wait3A_191 = arith.constant 0 : i32
      %dma_wait3A_192 = arith.constant 0 : i32
      %dma_wait3A_193 = tpu.memref_slice %arg2[%arg0, %dma_wait3A_191, %dma_wait3A_192] : memref<2x10000x128xf32, #tpu.memory_space<hbm>> -> memref<1x10000x128xf32, #tpu.memory_space<hbm>>
      %dma_wait3A_194 = tpu.memref_squeeze %dma_wait3A_193 : memref<1x10000x128xf32, #tpu.memory_space<hbm>> -> memref<10000x128xf32, #tpu.memory_space<hbm>>
      %dma_wait3A_195 = arith.constant 0 : i32
      %dma_wait3A_196 = arith.constant 0 : i32
      %dma_wait3A_197 = tpu.memref_slice %dma_wait3A_194[%dma_wait3A_195, %dma_wait3A_196] : memref<10000x128xf32, #tpu.memory_space<hbm>> -> memref<10000x128xf32, #tpu.memory_space<hbm>>
      tpu.wait_indirect_dma semaphore(%arg11 : memref<!tpu.dma_semaphore, #tpu.memory_space<semaphore_mem>>) src(%dma_wait3A_197 : memref<10000x128xf32, #tpu.memory_space<hbm>>) dst(%arg10 : memref<128x128xf32, #tpu.memory_space<vmem>>)
      %run_scoped3A_198 = arith.constant 6 : i32
      "tpu.region"() ({
        %run_scoped3A_222 = tpu.sem_alloc : memref<!tpu.dma_semaphore, #tpu.memory_space<semaphore_mem>>
        %dma_start3A_223 = arith.constant 0 : i32
        %dma_start3A_224 = tpu.memref_slice %arg9[%run_scoped3A_198, %dma_start3A_223] : memref<8x128xi32, #tpu.memory_space<vmem>> -> memref<1x128xi32, #tpu.memory_space<vmem>>
        %dma_start3A_225 = tpu.memref_squeeze %dma_start3A_224 : memref<1x128xi32, #tpu.memory_space<vmem>> -> memref<128xi32, #tpu.memory_space<vmem>>
        %dma_start3A_226 = arith.constant 0 : i32
        %dma_start3A_227 = arith.constant 0 : i32
        %dma_start3A_228 = tpu.memref_slice %arg7[%dma_start3A_226, %dma_start3A_227] : memref<10112x128xf32, #tpu.memory_space<vmem_shared>> -> memref<10112x128xf32, #tpu.memory_space<vmem_shared>>
        tpu.enqueue_indirect_dma source(%arg10 : memref<128x128xf32, #tpu.memory_space<vmem>>) target(%dma_start3A_228 : memref<10112x128xf32, #tpu.memory_space<vmem_shared>>) offsets(%dma_start3A_225 : memref<128xi32, #tpu.memory_space<vmem>>) semaphore(%run_scoped3A_222 : memref<!tpu.dma_semaphore, #tpu.memory_space<semaphore_mem>>) {add = true}
        %dma_wait3A_229 = arith.constant 0 : i32
        %dma_wait3A_230 = tpu.memref_slice %arg9[%run_scoped3A_198, %dma_wait3A_229] : memref<8x128xi32, #tpu.memory_space<vmem>> -> memref<1x128xi32, #tpu.memory_space<vmem>>
        %dma_wait3A_231 = tpu.memref_squeeze %dma_wait3A_230 : memref<1x128xi32, #tpu.memory_space<vmem>> -> memref<128xi32, #tpu.memory_space<vmem>>
        %dma_wait3A_232 = arith.constant 0 : i32
        %dma_wait3A_233 = arith.constant 0 : i32
        %dma_wait3A_234 = tpu.memref_slice %arg7[%dma_wait3A_232, %dma_wait3A_233] : memref<10112x128xf32, #tpu.memory_space<vmem_shared>> -> memref<10112x128xf32, #tpu.memory_space<vmem_shared>>
        tpu.wait_indirect_dma semaphore(%run_scoped3A_222 : memref<!tpu.dma_semaphore, #tpu.memory_space<semaphore_mem>>) src(%arg10 : memref<128x128xf32, #tpu.memory_space<vmem>>) dst(%dma_wait3A_234 : memref<10112x128xf32, #tpu.memory_space<vmem_shared>>)
        tpu.yield
      }) : () -> ()
      %dma_start3A_199 = arith.constant 7 : i32
      %dma_start3A_200 = arith.constant 0 : i32
      %dma_start3A_201 = tpu.memref_slice %arg8[%dma_start3A_199, %dma_start3A_200] : memref<8x128xi32, #tpu.memory_space<vmem>> -> memref<1x128xi32, #tpu.memory_space<vmem>>
      %dma_start3A_202 = tpu.memref_squeeze %dma_start3A_201 : memref<1x128xi32, #tpu.memory_space<vmem>> -> memref<128xi32, #tpu.memory_space<vmem>>
      %dma_start3A_203 = arith.constant 0 : i32
      %dma_start3A_204 = arith.constant 0 : i32
      %dma_start3A_205 = tpu.memref_slice %arg2[%arg0, %dma_start3A_203, %dma_start3A_204] : memref<2x10000x128xf32, #tpu.memory_space<hbm>> -> memref<1x10000x128xf32, #tpu.memory_space<hbm>>
      %dma_start3A_206 = tpu.memref_squeeze %dma_start3A_205 : memref<1x10000x128xf32, #tpu.memory_space<hbm>> -> memref<10000x128xf32, #tpu.memory_space<hbm>>
      %dma_start3A_207 = arith.constant 0 : i32
      %dma_start3A_208 = arith.constant 0 : i32
      %dma_start3A_209 = tpu.memref_slice %dma_start3A_206[%dma_start3A_207, %dma_start3A_208] : memref<10000x128xf32, #tpu.memory_space<hbm>> -> memref<10000x128xf32, #tpu.memory_space<hbm>>
      tpu.enqueue_indirect_dma source(%dma_start3A_209 : memref<10000x128xf32, #tpu.memory_space<hbm>>) target(%arg10 : memref<128x128xf32, #tpu.memory_space<vmem>>) offsets(%dma_start3A_202 : memref<128xi32, #tpu.memory_space<vmem>>) semaphore(%arg11 : memref<!tpu.dma_semaphore, #tpu.memory_space<semaphore_mem>>)
      %dma_wait3A_210 = arith.constant 7 : i32
      %dma_wait3A_211 = arith.constant 0 : i32
      %dma_wait3A_212 = tpu.memref_slice %arg8[%dma_wait3A_210, %dma_wait3A_211] : memref<8x128xi32, #tpu.memory_space<vmem>> -> memref<1x128xi32, #tpu.memory_space<vmem>>
      %dma_wait3A_213 = tpu.memref_squeeze %dma_wait3A_212 : memref<1x128xi32, #tpu.memory_space<vmem>> -> memref<128xi32, #tpu.memory_space<vmem>>
      %dma_wait3A_214 = arith.constant 0 : i32
      %dma_wait3A_215 = arith.constant 0 : i32
      %dma_wait3A_216 = tpu.memref_slice %arg2[%arg0, %dma_wait3A_214, %dma_wait3A_215] : memref<2x10000x128xf32, #tpu.memory_space<hbm>> -> memref<1x10000x128xf32, #tpu.memory_space<hbm>>
      %dma_wait3A_217 = tpu.memref_squeeze %dma_wait3A_216 : memref<1x10000x128xf32, #tpu.memory_space<hbm>> -> memref<10000x128xf32, #tpu.memory_space<hbm>>
      %dma_wait3A_218 = arith.constant 0 : i32
      %dma_wait3A_219 = arith.constant 0 : i32
      %dma_wait3A_220 = tpu.memref_slice %dma_wait3A_217[%dma_wait3A_218, %dma_wait3A_219] : memref<10000x128xf32, #tpu.memory_space<hbm>> -> memref<10000x128xf32, #tpu.memory_space<hbm>>
      tpu.wait_indirect_dma semaphore(%arg11 : memref<!tpu.dma_semaphore, #tpu.memory_space<semaphore_mem>>) src(%dma_wait3A_220 : memref<10000x128xf32, #tpu.memory_space<hbm>>) dst(%arg10 : memref<128x128xf32, #tpu.memory_space<vmem>>)
      %run_scoped3A_221 = arith.constant 7 : i32
      "tpu.region"() ({
        %run_scoped3A_222 = tpu.sem_alloc : memref<!tpu.dma_semaphore, #tpu.memory_space<semaphore_mem>>
        %dma_start3A_223 = arith.constant 0 : i32
        %dma_start3A_224 = tpu.memref_slice %arg9[%run_scoped3A_221, %dma_start3A_223] : memref<8x128xi32, #tpu.memory_space<vmem>> -> memref<1x128xi32, #tpu.memory_space<vmem>>
        %dma_start3A_225 = tpu.memref_squeeze %dma_start3A_224 : memref<1x128xi32, #tpu.memory_space<vmem>> -> memref<128xi32, #tpu.memory_space<vmem>>
        %dma_start3A_226 = arith.constant 0 : i32
        %dma_start3A_227 = arith.constant 0 : i32
        %dma_start3A_228 = tpu.memref_slice %arg7[%dma_start3A_226, %dma_start3A_227] : memref<10112x128xf32, #tpu.memory_space<vmem_shared>> -> memref<10112x128xf32, #tpu.memory_space<vmem_shared>>
        tpu.enqueue_indirect_dma source(%arg10 : memref<128x128xf32, #tpu.memory_space<vmem>>) target(%dma_start3A_228 : memref<10112x128xf32, #tpu.memory_space<vmem_shared>>) offsets(%dma_start3A_225 : memref<128xi32, #tpu.memory_space<vmem>>) semaphore(%run_scoped3A_222 : memref<!tpu.dma_semaphore, #tpu.memory_space<semaphore_mem>>) {add = true}
        %dma_wait3A_229 = arith.constant 0 : i32
        %dma_wait3A_230 = tpu.memref_slice %arg9[%run_scoped3A_221, %dma_wait3A_229] : memref<8x128xi32, #tpu.memory_space<vmem>> -> memref<1x128xi32, #tpu.memory_space<vmem>>
        %dma_wait3A_231 = tpu.memref_squeeze %dma_wait3A_230 : memref<1x128xi32, #tpu.memory_space<vmem>> -> memref<128xi32, #tpu.memory_space<vmem>>
        %dma_wait3A_232 = arith.constant 0 : i32
        %dma_wait3A_233 = arith.constant 0 : i32
        %dma_wait3A_234 = tpu.memref_slice %arg7[%dma_wait3A_232, %dma_wait3A_233] : memref<10112x128xf32, #tpu.memory_space<vmem_shared>> -> memref<10112x128xf32, #tpu.memory_space<vmem_shared>>
        tpu.wait_indirect_dma semaphore(%run_scoped3A_222 : memref<!tpu.dma_semaphore, #tpu.memory_space<semaphore_mem>>) src(%arg10 : memref<128x128xf32, #tpu.memory_space<vmem>>) dst(%dma_wait3A_234 : memref<10112x128xf32, #tpu.memory_space<vmem_shared>>)
        tpu.yield
      }) : () -> ()
    }
    %scan3A_14 = arith.constant 20 : i32
    %barrier3A_15 = arith.constant 0 : index
    tpu.barrier barrier_id(%barrier3A_15)
    %add3A_16 = arith.constant 0 : i32
    %add3A_17 = arith.addi %mul3A_0, %add3A_16 : i32
    "tpu.region"() ({
      %run_scoped3A = tpu.sem_alloc : memref<!tpu.dma_semaphore, #tpu.memory_space<semaphore_mem>>
      %dma_start3A = arith.constant 0 : i32
      %dma_start3A_36 = arith.constant 0 : i32
      %dma_start3A_37 = tpu.memref_slice %arg10[%dma_start3A, %dma_start3A_36] : memref<128x128xf32, #tpu.memory_space<vmem>> -> memref<128x128xf32, #tpu.memory_space<vmem>>
      %dma_start3A_38 = arith.constant 0 : i32
      %dma_start3A_39 = tpu.memref_slice %arg7[%add3A_17, %dma_start3A_38] : memref<10112x128xf32, #tpu.memory_space<vmem_shared>> -> memref<128x128xf32, #tpu.memory_space<vmem_shared>>
      %dma_start3A_40 = arith.constant 0 : i32
      %dma_start3A_41 = arith.constant 0 : i32
      %dma_start3A_42 = tpu.memref_slice %arg10[%dma_start3A_40, %dma_start3A_41] : memref<128x128xf32, #tpu.memory_space<vmem>> -> memref<128x128xf32, #tpu.memory_space<vmem>>
      %dma_start3A_43 = arith.constant 0 : i32
      %dma_start3A_44 = tpu.memref_slice %arg7[%add3A_17, %dma_start3A_43] : memref<10112x128xf32, #tpu.memory_space<vmem_shared>> -> memref<128x128xf32, #tpu.memory_space<vmem_shared>>
      tpu.enqueue_dma source(%dma_start3A_44 : memref<128x128xf32, #tpu.memory_space<vmem_shared>>) target(%dma_start3A_42 : memref<128x128xf32, #tpu.memory_space<vmem>>) target_semaphore(%run_scoped3A : memref<!tpu.dma_semaphore, #tpu.memory_space<semaphore_mem>>)
      %dma_wait3A = arith.constant 0 : i32
      %dma_wait3A_45 = arith.constant 0 : i32
      %dma_wait3A_46 = tpu.memref_slice %arg10[%dma_wait3A, %dma_wait3A_45] : memref<128x128xf32, #tpu.memory_space<vmem>> -> memref<128x128xf32, #tpu.memory_space<vmem>>
      %dma_wait3A_47 = arith.constant 0 : i32
      %dma_wait3A_48 = tpu.memref_slice %arg7[%add3A_17, %dma_wait3A_47] : memref<10112x128xf32, #tpu.memory_space<vmem_shared>> -> memref<128x128xf32, #tpu.memory_space<vmem_shared>>
      %dma_wait3A_49 = arith.constant 0 : i32
      %dma_wait3A_50 = arith.constant 0 : i32
      %dma_wait3A_51 = tpu.memref_slice %arg10[%dma_wait3A_49, %dma_wait3A_50] : memref<128x128xf32, #tpu.memory_space<vmem>> -> memref<128x128xf32, #tpu.memory_space<vmem>>
      %dma_wait3A_52 = arith.constant 0 : i32
      %dma_wait3A_53 = tpu.memref_slice %arg7[%add3A_17, %dma_wait3A_52] : memref<10112x128xf32, #tpu.memory_space<vmem_shared>> -> memref<128x128xf32, #tpu.memory_space<vmem_shared>>
      tpu.wait_dma2 semaphore(%run_scoped3A : memref<!tpu.dma_semaphore, #tpu.memory_space<semaphore_mem>>) src(%dma_wait3A_53 : memref<128x128xf32, #tpu.memory_space<vmem_shared>>) dst(%dma_wait3A_51 : memref<128x128xf32, #tpu.memory_space<vmem>>)
      tpu.yield
    }) : () -> ()
    %add3A_18 = arith.constant 0 : i32
    %add3A_19 = arith.addi %mul3A_0, %add3A_18 : i32
    "tpu.region"() ({
      %run_scoped3A = tpu.sem_alloc : memref<!tpu.dma_semaphore, #tpu.memory_space<semaphore_mem>>
      %dma_start3A = arith.constant 0 : i32
      %dma_start3A_36 = arith.constant 0 : i32
      %dma_start3A_37 = tpu.memref_slice %arg10[%dma_start3A, %dma_start3A_36] : memref<128x128xf32, #tpu.memory_space<vmem>> -> memref<128x128xf32, #tpu.memory_space<vmem>>
      %dma_start3A_38 = arith.constant 0 : i32
      %dma_start3A_39 = arith.constant 0 : i32
      %dma_start3A_40 = tpu.memref_slice %arg6[%arg0, %dma_start3A_38, %dma_start3A_39] : memref<2x10112x128xf32, #tpu.memory_space<hbm>> -> memref<1x10112x128xf32, #tpu.memory_space<hbm>>
      %dma_start3A_41 = tpu.memref_squeeze %dma_start3A_40 : memref<1x10112x128xf32, #tpu.memory_space<hbm>> -> memref<10112x128xf32, #tpu.memory_space<hbm>>
      %dma_start3A_42 = arith.constant 0 : i32
      %dma_start3A_43 = tpu.memref_slice %dma_start3A_41[%add3A_19, %dma_start3A_42] : memref<10112x128xf32, #tpu.memory_space<hbm>> -> memref<128x128xf32, #tpu.memory_space<hbm>>
      %dma_start3A_44 = arith.constant 0 : i32
      %dma_start3A_45 = arith.constant 0 : i32
      %dma_start3A_46 = tpu.memref_slice %arg6[%arg0, %dma_start3A_44, %dma_start3A_45] : memref<2x10112x128xf32, #tpu.memory_space<hbm>> -> memref<1x10112x128xf32, #tpu.memory_space<hbm>>
      %dma_start3A_47 = tpu.memref_squeeze %dma_start3A_46 : memref<1x10112x128xf32, #tpu.memory_space<hbm>> -> memref<10112x128xf32, #tpu.memory_space<hbm>>
      %dma_start3A_48 = arith.constant 0 : i32
      %dma_start3A_49 = tpu.memref_slice %dma_start3A_47[%add3A_19, %dma_start3A_48] : memref<10112x128xf32, #tpu.memory_space<hbm>> -> memref<128x128xf32, #tpu.memory_space<hbm>>
      %dma_start3A_50 = arith.constant 0 : i32
      %dma_start3A_51 = arith.constant 0 : i32
      %dma_start3A_52 = tpu.memref_slice %arg10[%dma_start3A_50, %dma_start3A_51] : memref<128x128xf32, #tpu.memory_space<vmem>> -> memref<128x128xf32, #tpu.memory_space<vmem>>
      tpu.enqueue_dma source(%dma_start3A_52 : memref<128x128xf32, #tpu.memory_space<vmem>>) target(%dma_start3A_49 : memref<128x128xf32, #tpu.memory_space<hbm>>) target_semaphore(%run_scoped3A : memref<!tpu.dma_semaphore, #tpu.memory_space<semaphore_mem>>)
      %dma_wait3A = arith.constant 0 : i32
      %dma_wait3A_53 = arith.constant 0 : i32
      %dma_wait3A_54 = tpu.memref_slice %arg10[%dma_wait3A, %dma_wait3A_53] : memref<128x128xf32, #tpu.memory_space<vmem>> -> memref<128x128xf32, #tpu.memory_space<vmem>>
      %dma_wait3A_55 = arith.constant 0 : i32
      %dma_wait3A_56 = arith.constant 0 : i32
      %dma_wait3A_57 = tpu.memref_slice %arg6[%arg0, %dma_wait3A_55, %dma_wait3A_56] : memref<2x10112x128xf32, #tpu.memory_space<hbm>> -> memref<1x10112x128xf32, #tpu.memory_space<hbm>>
      %dma_wait3A_58 = tpu.memref_squeeze %dma_wait3A_57 : memref<1x10112x128xf32, #tpu.memory_space<hbm>> -> memref<10112x128xf32, #tpu.memory_space<hbm>>
      %dma_wait3A_59 = arith.constant 0 : i32
      %dma_wait3A_60 = tpu.memref_slice %dma_wait3A_58[%add3A_19, %dma_wait3A_59] : memref<10112x128xf32, #tpu.memory_space<hbm>> -> memref<128x128xf32, #tpu.memory_space<hbm>>
      %dma_wait3A_61 = arith.constant 0 : i32
      %dma_wait3A_62 = arith.constant 0 : i32
      %dma_wait3A_63 = tpu.memref_slice %arg6[%arg0, %dma_wait3A_61, %dma_wait3A_62] : memref<2x10112x128xf32, #tpu.memory_space<hbm>> -> memref<1x10112x128xf32, #tpu.memory_space<hbm>>
      %dma_wait3A_64 = tpu.memref_squeeze %dma_wait3A_63 : memref<1x10112x128xf32, #tpu.memory_space<hbm>> -> memref<10112x128xf32, #tpu.memory_space<hbm>>
      %dma_wait3A_65 = arith.constant 0 : i32
      %dma_wait3A_66 = tpu.memref_slice %dma_wait3A_64[%add3A_19, %dma_wait3A_65] : memref<10112x128xf32, #tpu.memory_space<hbm>> -> memref<128x128xf32, #tpu.memory_space<hbm>>
      %dma_wait3A_67 = arith.constant 0 : i32
      %dma_wait3A_68 = arith.constant 0 : i32
      %dma_wait3A_69 = tpu.memref_slice %arg10[%dma_wait3A_67, %dma_wait3A_68] : memref<128x128xf32, #tpu.memory_space<vmem>> -> memref<128x128xf32, #tpu.memory_space<vmem>>
      tpu.wait_dma2 semaphore(%run_scoped3A : memref<!tpu.dma_semaphore, #tpu.memory_space<semaphore_mem>>) src(%dma_wait3A_69 : memref<128x128xf32, #tpu.memory_space<vmem>>) dst(%dma_wait3A_66 : memref<128x128xf32, #tpu.memory_space<hbm>>)
      tpu.yield
    }) : () -> ()
    %add3A_20 = arith.constant 128 : i32
    %add3A_21 = arith.addi %mul3A_0, %add3A_20 : i32
    "tpu.region"() ({
      %run_scoped3A = tpu.sem_alloc : memref<!tpu.dma_semaphore, #tpu.memory_space<semaphore_mem>>
      %dma_start3A = arith.constant 0 : i32
      %dma_start3A_36 = arith.constant 0 : i32
      %dma_start3A_37 = tpu.memref_slice %arg10[%dma_start3A, %dma_start3A_36] : memref<128x128xf32, #tpu.memory_space<vmem>> -> memref<128x128xf32, #tpu.memory_space<vmem>>
      %dma_start3A_38 = arith.constant 0 : i32
      %dma_start3A_39 = tpu.memref_slice %arg7[%add3A_21, %dma_start3A_38] : memref<10112x128xf32, #tpu.memory_space<vmem_shared>> -> memref<128x128xf32, #tpu.memory_space<vmem_shared>>
      %dma_start3A_40 = arith.constant 0 : i32
      %dma_start3A_41 = arith.constant 0 : i32
      %dma_start3A_42 = tpu.memref_slice %arg10[%dma_start3A_40, %dma_start3A_41] : memref<128x128xf32, #tpu.memory_space<vmem>> -> memref<128x128xf32, #tpu.memory_space<vmem>>
      %dma_start3A_43 = arith.constant 0 : i32
      %dma_start3A_44 = tpu.memref_slice %arg7[%add3A_21, %dma_start3A_43] : memref<10112x128xf32, #tpu.memory_space<vmem_shared>> -> memref<128x128xf32, #tpu.memory_space<vmem_shared>>
      tpu.enqueue_dma source(%dma_start3A_44 : memref<128x128xf32, #tpu.memory_space<vmem_shared>>) target(%dma_start3A_42 : memref<128x128xf32, #tpu.memory_space<vmem>>) target_semaphore(%run_scoped3A : memref<!tpu.dma_semaphore, #tpu.memory_space<semaphore_mem>>)
      %dma_wait3A = arith.constant 0 : i32
      %dma_wait3A_45 = arith.constant 0 : i32
      %dma_wait3A_46 = tpu.memref_slice %arg10[%dma_wait3A, %dma_wait3A_45] : memref<128x128xf32, #tpu.memory_space<vmem>> -> memref<128x128xf32, #tpu.memory_space<vmem>>
      %dma_wait3A_47 = arith.constant 0 : i32
      %dma_wait3A_48 = tpu.memref_slice %arg7[%add3A_21, %dma_wait3A_47] : memref<10112x128xf32, #tpu.memory_space<vmem_shared>> -> memref<128x128xf32, #tpu.memory_space<vmem_shared>>
      %dma_wait3A_49 = arith.constant 0 : i32
      %dma_wait3A_50 = arith.constant 0 : i32
      %dma_wait3A_51 = tpu.memref_slice %arg10[%dma_wait3A_49, %dma_wait3A_50] : memref<128x128xf32, #tpu.memory_space<vmem>> -> memref<128x128xf32, #tpu.memory_space<vmem>>
      %dma_wait3A_52 = arith.constant 0 : i32
      %dma_wait3A_53 = tpu.memref_slice %arg7[%add3A_21, %dma_wait3A_52] : memref<10112x128xf32, #tpu.memory_space<vmem_shared>> -> memref<128x128xf32, #tpu.memory_space<vmem_shared>>
      tpu.wait_dma2 semaphore(%run_scoped3A : memref<!tpu.dma_semaphore, #tpu.memory_space<semaphore_mem>>) src(%dma_wait3A_53 : memref<128x128xf32, #tpu.memory_space<vmem_shared>>) dst(%dma_wait3A_51 : memref<128x128xf32, #tpu.memory_space<vmem>>)
      tpu.yield
    }) : () -> ()
    %add3A_22 = arith.constant 128 : i32
    %add3A_23 = arith.addi %mul3A_0, %add3A_22 : i32
    "tpu.region"() ({
      %run_scoped3A = tpu.sem_alloc : memref<!tpu.dma_semaphore, #tpu.memory_space<semaphore_mem>>
      %dma_start3A = arith.constant 0 : i32
      %dma_start3A_36 = arith.constant 0 : i32
      %dma_start3A_37 = tpu.memref_slice %arg10[%dma_start3A, %dma_start3A_36] : memref<128x128xf32, #tpu.memory_space<vmem>> -> memref<128x128xf32, #tpu.memory_space<vmem>>
      %dma_start3A_38 = arith.constant 0 : i32
      %dma_start3A_39 = arith.constant 0 : i32
      %dma_start3A_40 = tpu.memref_slice %arg6[%arg0, %dma_start3A_38, %dma_start3A_39] : memref<2x10112x128xf32, #tpu.memory_space<hbm>> -> memref<1x10112x128xf32, #tpu.memory_space<hbm>>
      %dma_start3A_41 = tpu.memref_squeeze %dma_start3A_40 : memref<1x10112x128xf32, #tpu.memory_space<hbm>> -> memref<10112x128xf32, #tpu.memory_space<hbm>>
      %dma_start3A_42 = arith.constant 0 : i32
      %dma_start3A_43 = tpu.memref_slice %dma_start3A_41[%add3A_23, %dma_start3A_42] : memref<10112x128xf32, #tpu.memory_space<hbm>> -> memref<128x128xf32, #tpu.memory_space<hbm>>
      %dma_start3A_44 = arith.constant 0 : i32
      %dma_start3A_45 = arith.constant 0 : i32
      %dma_start3A_46 = tpu.memref_slice %arg6[%arg0, %dma_start3A_44, %dma_start3A_45] : memref<2x10112x128xf32, #tpu.memory_space<hbm>> -> memref<1x10112x128xf32, #tpu.memory_space<hbm>>
      %dma_start3A_47 = tpu.memref_squeeze %dma_start3A_46 : memref<1x10112x128xf32, #tpu.memory_space<hbm>> -> memref<10112x128xf32, #tpu.memory_space<hbm>>
      %dma_start3A_48 = arith.constant 0 : i32
      %dma_start3A_49 = tpu.memref_slice %dma_start3A_47[%add3A_23, %dma_start3A_48] : memref<10112x128xf32, #tpu.memory_space<hbm>> -> memref<128x128xf32, #tpu.memory_space<hbm>>
      %dma_start3A_50 = arith.constant 0 : i32
      %dma_start3A_51 = arith.constant 0 : i32
      %dma_start3A_52 = tpu.memref_slice %arg10[%dma_start3A_50, %dma_start3A_51] : memref<128x128xf32, #tpu.memory_space<vmem>> -> memref<128x128xf32, #tpu.memory_space<vmem>>
      tpu.enqueue_dma source(%dma_start3A_52 : memref<128x128xf32, #tpu.memory_space<vmem>>) target(%dma_start3A_49 : memref<128x128xf32, #tpu.memory_space<hbm>>) target_semaphore(%run_scoped3A : memref<!tpu.dma_semaphore, #tpu.memory_space<semaphore_mem>>)
      %dma_wait3A = arith.constant 0 : i32
      %dma_wait3A_53 = arith.constant 0 : i32
      %dma_wait3A_54 = tpu.memref_slice %arg10[%dma_wait3A, %dma_wait3A_53] : memref<128x128xf32, #tpu.memory_space<vmem>> -> memref<128x128xf32, #tpu.memory_space<vmem>>
      %dma_wait3A_55 = arith.constant 0 : i32
      %dma_wait3A_56 = arith.constant 0 : i32
      %dma_wait3A_57 = tpu.memref_slice %arg6[%arg0, %dma_wait3A_55, %dma_wait3A_56] : memref<2x10112x128xf32, #tpu.memory_space<hbm>> -> memref<1x10112x128xf32, #tpu.memory_space<hbm>>
      %dma_wait3A_58 = tpu.memref_squeeze %dma_wait3A_57 : memref<1x10112x128xf32, #tpu.memory_space<hbm>> -> memref<10112x128xf32, #tpu.memory_space<hbm>>
      %dma_wait3A_59 = arith.constant 0 : i32
      %dma_wait3A_60 = tpu.memref_slice %dma_wait3A_58[%add3A_23, %dma_wait3A_59] : memref<10112x128xf32, #tpu.memory_space<hbm>> -> memref<128x128xf32, #tpu.memory_space<hbm>>
      %dma_wait3A_61 = arith.constant 0 : i32
      %dma_wait3A_62 = arith.constant 0 : i32
      %dma_wait3A_63 = tpu.memref_slice %arg6[%arg0, %dma_wait3A_61, %dma_wait3A_62] : memref<2x10112x128xf32, #tpu.memory_space<hbm>> -> memref<1x10112x128xf32, #tpu.memory_space<hbm>>
      %dma_wait3A_64 = tpu.memref_squeeze %dma_wait3A_63 : memref<1x10112x128xf32, #tpu.memory_space<hbm>> -> memref<10112x128xf32, #tpu.memory_space<hbm>>
      %dma_wait3A_65 = arith.constant 0 : i32
      %dma_wait3A_66 = tpu.memref_slice %dma_wait3A_64[%add3A_23, %dma_wait3A_65] : memref<10112x128xf32, #tpu.memory_space<hbm>> -> memref<128x128xf32, #tpu.memory_space<hbm>>
      %dma_wait3A_67 = arith.constant 0 : i32
      %dma_wait3A_68 = arith.constant 0 : i32
      %dma_wait3A_69 = tpu.memref_slice %arg10[%dma_wait3A_67, %dma_wait3A_68] : memref<128x128xf32, #tpu.memory_space<vmem>> -> memref<128x128xf32, #tpu.memory_space<vmem>>
      tpu.wait_dma2 semaphore(%run_scoped3A : memref<!tpu.dma_semaphore, #tpu.memory_space<semaphore_mem>>) src(%dma_wait3A_69 : memref<128x128xf32, #tpu.memory_space<vmem>>) dst(%dma_wait3A_66 : memref<128x128xf32, #tpu.memory_space<hbm>>)
      tpu.yield
    }) : () -> ()
    %add3A_24 = arith.constant 256 : i32
    %add3A_25 = arith.addi %mul3A_0, %add3A_24 : i32
    "tpu.region"() ({
      %run_scoped3A = tpu.sem_alloc : memref<!tpu.dma_semaphore, #tpu.memory_space<semaphore_mem>>
      %dma_start3A = arith.constant 0 : i32
      %dma_start3A_36 = arith.constant 0 : i32
      %dma_start3A_37 = tpu.memref_slice %arg10[%dma_start3A, %dma_start3A_36] : memref<128x128xf32, #tpu.memory_space<vmem>> -> memref<128x128xf32, #tpu.memory_space<vmem>>
      %dma_start3A_38 = arith.constant 0 : i32
      %dma_start3A_39 = tpu.memref_slice %arg7[%add3A_25, %dma_start3A_38] : memref<10112x128xf32, #tpu.memory_space<vmem_shared>> -> memref<128x128xf32, #tpu.memory_space<vmem_shared>>
      %dma_start3A_40 = arith.constant 0 : i32
      %dma_start3A_41 = arith.constant 0 : i32
      %dma_start3A_42 = tpu.memref_slice %arg10[%dma_start3A_40, %dma_start3A_41] : memref<128x128xf32, #tpu.memory_space<vmem>> -> memref<128x128xf32, #tpu.memory_space<vmem>>
      %dma_start3A_43 = arith.constant 0 : i32
      %dma_start3A_44 = tpu.memref_slice %arg7[%add3A_25, %dma_start3A_43] : memref<10112x128xf32, #tpu.memory_space<vmem_shared>> -> memref<128x128xf32, #tpu.memory_space<vmem_shared>>
      tpu.enqueue_dma source(%dma_start3A_44 : memref<128x128xf32, #tpu.memory_space<vmem_shared>>) target(%dma_start3A_42 : memref<128x128xf32, #tpu.memory_space<vmem>>) target_semaphore(%run_scoped3A : memref<!tpu.dma_semaphore, #tpu.memory_space<semaphore_mem>>)
      %dma_wait3A = arith.constant 0 : i32
      %dma_wait3A_45 = arith.constant 0 : i32
      %dma_wait3A_46 = tpu.memref_slice %arg10[%dma_wait3A, %dma_wait3A_45] : memref<128x128xf32, #tpu.memory_space<vmem>> -> memref<128x128xf32, #tpu.memory_space<vmem>>
      %dma_wait3A_47 = arith.constant 0 : i32
      %dma_wait3A_48 = tpu.memref_slice %arg7[%add3A_25, %dma_wait3A_47] : memref<10112x128xf32, #tpu.memory_space<vmem_shared>> -> memref<128x128xf32, #tpu.memory_space<vmem_shared>>
      %dma_wait3A_49 = arith.constant 0 : i32
      %dma_wait3A_50 = arith.constant 0 : i32
      %dma_wait3A_51 = tpu.memref_slice %arg10[%dma_wait3A_49, %dma_wait3A_50] : memref<128x128xf32, #tpu.memory_space<vmem>> -> memref<128x128xf32, #tpu.memory_space<vmem>>
      %dma_wait3A_52 = arith.constant 0 : i32
      %dma_wait3A_53 = tpu.memref_slice %arg7[%add3A_25, %dma_wait3A_52] : memref<10112x128xf32, #tpu.memory_space<vmem_shared>> -> memref<128x128xf32, #tpu.memory_space<vmem_shared>>
      tpu.wait_dma2 semaphore(%run_scoped3A : memref<!tpu.dma_semaphore, #tpu.memory_space<semaphore_mem>>) src(%dma_wait3A_53 : memref<128x128xf32, #tpu.memory_space<vmem_shared>>) dst(%dma_wait3A_51 : memref<128x128xf32, #tpu.memory_space<vmem>>)
      tpu.yield
    }) : () -> ()
    %add3A_26 = arith.constant 256 : i32
    %add3A_27 = arith.addi %mul3A_0, %add3A_26 : i32
    "tpu.region"() ({
      %run_scoped3A = tpu.sem_alloc : memref<!tpu.dma_semaphore, #tpu.memory_space<semaphore_mem>>
      %dma_start3A = arith.constant 0 : i32
      %dma_start3A_36 = arith.constant 0 : i32
      %dma_start3A_37 = tpu.memref_slice %arg10[%dma_start3A, %dma_start3A_36] : memref<128x128xf32, #tpu.memory_space<vmem>> -> memref<128x128xf32, #tpu.memory_space<vmem>>
      %dma_start3A_38 = arith.constant 0 : i32
      %dma_start3A_39 = arith.constant 0 : i32
      %dma_start3A_40 = tpu.memref_slice %arg6[%arg0, %dma_start3A_38, %dma_start3A_39] : memref<2x10112x128xf32, #tpu.memory_space<hbm>> -> memref<1x10112x128xf32, #tpu.memory_space<hbm>>
      %dma_start3A_41 = tpu.memref_squeeze %dma_start3A_40 : memref<1x10112x128xf32, #tpu.memory_space<hbm>> -> memref<10112x128xf32, #tpu.memory_space<hbm>>
      %dma_start3A_42 = arith.constant 0 : i32
      %dma_start3A_43 = tpu.memref_slice %dma_start3A_41[%add3A_27, %dma_start3A_42] : memref<10112x128xf32, #tpu.memory_space<hbm>> -> memref<128x128xf32, #tpu.memory_space<hbm>>
      %dma_start3A_44 = arith.constant 0 : i32
      %dma_start3A_45 = arith.constant 0 : i32
      %dma_start3A_46 = tpu.memref_slice %arg6[%arg0, %dma_start3A_44, %dma_start3A_45] : memref<2x10112x128xf32, #tpu.memory_space<hbm>> -> memref<1x10112x128xf32, #tpu.memory_space<hbm>>
      %dma_start3A_47 = tpu.memref_squeeze %dma_start3A_46 : memref<1x10112x128xf32, #tpu.memory_space<hbm>> -> memref<10112x128xf32, #tpu.memory_space<hbm>>
      %dma_start3A_48 = arith.constant 0 : i32
      %dma_start3A_49 = tpu.memref_slice %dma_start3A_47[%add3A_27, %dma_start3A_48] : memref<10112x128xf32, #tpu.memory_space<hbm>> -> memref<128x128xf32, #tpu.memory_space<hbm>>
      %dma_start3A_50 = arith.constant 0 : i32
      %dma_start3A_51 = arith.constant 0 : i32
      %dma_start3A_52 = tpu.memref_slice %arg10[%dma_start3A_50, %dma_start3A_51] : memref<128x128xf32, #tpu.memory_space<vmem>> -> memref<128x128xf32, #tpu.memory_space<vmem>>
      tpu.enqueue_dma source(%dma_start3A_52 : memref<128x128xf32, #tpu.memory_space<vmem>>) target(%dma_start3A_49 : memref<128x128xf32, #tpu.memory_space<hbm>>) target_semaphore(%run_scoped3A : memref<!tpu.dma_semaphore, #tpu.memory_space<semaphore_mem>>)
      %dma_wait3A = arith.constant 0 : i32
      %dma_wait3A_53 = arith.constant 0 : i32
      %dma_wait3A_54 = tpu.memref_slice %arg10[%dma_wait3A, %dma_wait3A_53] : memref<128x128xf32, #tpu.memory_space<vmem>> -> memref<128x128xf32, #tpu.memory_space<vmem>>
      %dma_wait3A_55 = arith.constant 0 : i32
      %dma_wait3A_56 = arith.constant 0 : i32
      %dma_wait3A_57 = tpu.memref_slice %arg6[%arg0, %dma_wait3A_55, %dma_wait3A_56] : memref<2x10112x128xf32, #tpu.memory_space<hbm>> -> memref<1x10112x128xf32, #tpu.memory_space<hbm>>
      %dma_wait3A_58 = tpu.memref_squeeze %dma_wait3A_57 : memref<1x10112x128xf32, #tpu.memory_space<hbm>> -> memref<10112x128xf32, #tpu.memory_space<hbm>>
      %dma_wait3A_59 = arith.constant 0 : i32
      %dma_wait3A_60 = tpu.memref_slice %dma_wait3A_58[%add3A_27, %dma_wait3A_59] : memref<10112x128xf32, #tpu.memory_space<hbm>> -> memref<128x128xf32, #tpu.memory_space<hbm>>
      %dma_wait3A_61 = arith.constant 0 : i32
      %dma_wait3A_62 = arith.constant 0 : i32
      %dma_wait3A_63 = tpu.memref_slice %arg6[%arg0, %dma_wait3A_61, %dma_wait3A_62] : memref<2x10112x128xf32, #tpu.memory_space<hbm>> -> memref<1x10112x128xf32, #tpu.memory_space<hbm>>
      %dma_wait3A_64 = tpu.memref_squeeze %dma_wait3A_63 : memref<1x10112x128xf32, #tpu.memory_space<hbm>> -> memref<10112x128xf32, #tpu.memory_space<hbm>>
      %dma_wait3A_65 = arith.constant 0 : i32
      %dma_wait3A_66 = tpu.memref_slice %dma_wait3A_64[%add3A_27, %dma_wait3A_65] : memref<10112x128xf32, #tpu.memory_space<hbm>> -> memref<128x128xf32, #tpu.memory_space<hbm>>
      %dma_wait3A_67 = arith.constant 0 : i32
      %dma_wait3A_68 = arith.constant 0 : i32
      %dma_wait3A_69 = tpu.memref_slice %arg10[%dma_wait3A_67, %dma_wait3A_68] : memref<128x128xf32, #tpu.memory_space<vmem>> -> memref<128x128xf32, #tpu.memory_space<vmem>>
      tpu.wait_dma2 semaphore(%run_scoped3A : memref<!tpu.dma_semaphore, #tpu.memory_space<semaphore_mem>>) src(%dma_wait3A_69 : memref<128x128xf32, #tpu.memory_space<vmem>>) dst(%dma_wait3A_66 : memref<128x128xf32, #tpu.memory_space<hbm>>)
      tpu.yield
    }) : () -> ()
    %add3A_28 = arith.constant 384 : i32
    %add3A_29 = arith.addi %mul3A_0, %add3A_28 : i32
    "tpu.region"() ({
      %run_scoped3A = tpu.sem_alloc : memref<!tpu.dma_semaphore, #tpu.memory_space<semaphore_mem>>
      %dma_start3A = arith.constant 0 : i32
      %dma_start3A_36 = arith.constant 0 : i32
      %dma_start3A_37 = tpu.memref_slice %arg10[%dma_start3A, %dma_start3A_36] : memref<128x128xf32, #tpu.memory_space<vmem>> -> memref<128x128xf32, #tpu.memory_space<vmem>>
      %dma_start3A_38 = arith.constant 0 : i32
      %dma_start3A_39 = tpu.memref_slice %arg7[%add3A_29, %dma_start3A_38] : memref<10112x128xf32, #tpu.memory_space<vmem_shared>> -> memref<128x128xf32, #tpu.memory_space<vmem_shared>>
      %dma_start3A_40 = arith.constant 0 : i32
      %dma_start3A_41 = arith.constant 0 : i32
      %dma_start3A_42 = tpu.memref_slice %arg10[%dma_start3A_40, %dma_start3A_41] : memref<128x128xf32, #tpu.memory_space<vmem>> -> memref<128x128xf32, #tpu.memory_space<vmem>>
      %dma_start3A_43 = arith.constant 0 : i32
      %dma_start3A_44 = tpu.memref_slice %arg7[%add3A_29, %dma_start3A_43] : memref<10112x128xf32, #tpu.memory_space<vmem_shared>> -> memref<128x128xf32, #tpu.memory_space<vmem_shared>>
      tpu.enqueue_dma source(%dma_start3A_44 : memref<128x128xf32, #tpu.memory_space<vmem_shared>>) target(%dma_start3A_42 : memref<128x128xf32, #tpu.memory_space<vmem>>) target_semaphore(%run_scoped3A : memref<!tpu.dma_semaphore, #tpu.memory_space<semaphore_mem>>)
      %dma_wait3A = arith.constant 0 : i32
      %dma_wait3A_45 = arith.constant 0 : i32
      %dma_wait3A_46 = tpu.memref_slice %arg10[%dma_wait3A, %dma_wait3A_45] : memref<128x128xf32, #tpu.memory_space<vmem>> -> memref<128x128xf32, #tpu.memory_space<vmem>>
      %dma_wait3A_47 = arith.constant 0 : i32
      %dma_wait3A_48 = tpu.memref_slice %arg7[%add3A_29, %dma_wait3A_47] : memref<10112x128xf32, #tpu.memory_space<vmem_shared>> -> memref<128x128xf32, #tpu.memory_space<vmem_shared>>
      %dma_wait3A_49 = arith.constant 0 : i32
      %dma_wait3A_50 = arith.constant 0 : i32
      %dma_wait3A_51 = tpu.memref_slice %arg10[%dma_wait3A_49, %dma_wait3A_50] : memref<128x128xf32, #tpu.memory_space<vmem>> -> memref<128x128xf32, #tpu.memory_space<vmem>>
      %dma_wait3A_52 = arith.constant 0 : i32
      %dma_wait3A_53 = tpu.memref_slice %arg7[%add3A_29, %dma_wait3A_52] : memref<10112x128xf32, #tpu.memory_space<vmem_shared>> -> memref<128x128xf32, #tpu.memory_space<vmem_shared>>
      tpu.wait_dma2 semaphore(%run_scoped3A : memref<!tpu.dma_semaphore, #tpu.memory_space<semaphore_mem>>) src(%dma_wait3A_53 : memref<128x128xf32, #tpu.memory_space<vmem_shared>>) dst(%dma_wait3A_51 : memref<128x128xf32, #tpu.memory_space<vmem>>)
      tpu.yield
    }) : () -> ()
    %add3A_30 = arith.constant 384 : i32
    %add3A_31 = arith.addi %mul3A_0, %add3A_30 : i32
    "tpu.region"() ({
      %run_scoped3A = tpu.sem_alloc : memref<!tpu.dma_semaphore, #tpu.memory_space<semaphore_mem>>
      %dma_start3A = arith.constant 0 : i32
      %dma_start3A_36 = arith.constant 0 : i32
      %dma_start3A_37 = tpu.memref_slice %arg10[%dma_start3A, %dma_start3A_36] : memref<128x128xf32, #tpu.memory_space<vmem>> -> memref<128x128xf32, #tpu.memory_space<vmem>>
      %dma_start3A_38 = arith.constant 0 : i32
      %dma_start3A_39 = arith.constant 0 : i32
      %dma_start3A_40 = tpu.memref_slice %arg6[%arg0, %dma_start3A_38, %dma_start3A_39] : memref<2x10112x128xf32, #tpu.memory_space<hbm>> -> memref<1x10112x128xf32, #tpu.memory_space<hbm>>
      %dma_start3A_41 = tpu.memref_squeeze %dma_start3A_40 : memref<1x10112x128xf32, #tpu.memory_space<hbm>> -> memref<10112x128xf32, #tpu.memory_space<hbm>>
      %dma_start3A_42 = arith.constant 0 : i32
      %dma_start3A_43 = tpu.memref_slice %dma_start3A_41[%add3A_31, %dma_start3A_42] : memref<10112x128xf32, #tpu.memory_space<hbm>> -> memref<128x128xf32, #tpu.memory_space<hbm>>
      %dma_start3A_44 = arith.constant 0 : i32
      %dma_start3A_45 = arith.constant 0 : i32
      %dma_start3A_46 = tpu.memref_slice %arg6[%arg0, %dma_start3A_44, %dma_start3A_45] : memref<2x10112x128xf32, #tpu.memory_space<hbm>> -> memref<1x10112x128xf32, #tpu.memory_space<hbm>>
      %dma_start3A_47 = tpu.memref_squeeze %dma_start3A_46 : memref<1x10112x128xf32, #tpu.memory_space<hbm>> -> memref<10112x128xf32, #tpu.memory_space<hbm>>
      %dma_start3A_48 = arith.constant 0 : i32
      %dma_start3A_49 = tpu.memref_slice %dma_start3A_47[%add3A_31, %dma_start3A_48] : memref<10112x128xf32, #tpu.memory_space<hbm>> -> memref<128x128xf32, #tpu.memory_space<hbm>>
      %dma_start3A_50 = arith.constant 0 : i32
      %dma_start3A_51 = arith.constant 0 : i32
      %dma_start3A_52 = tpu.memref_slice %arg10[%dma_start3A_50, %dma_start3A_51] : memref<128x128xf32, #tpu.memory_space<vmem>> -> memref<128x128xf32, #tpu.memory_space<vmem>>
      tpu.enqueue_dma source(%dma_start3A_52 : memref<128x128xf32, #tpu.memory_space<vmem>>) target(%dma_start3A_49 : memref<128x128xf32, #tpu.memory_space<hbm>>) target_semaphore(%run_scoped3A : memref<!tpu.dma_semaphore, #tpu.memory_space<semaphore_mem>>)
      %dma_wait3A = arith.constant 0 : i32
      %dma_wait3A_53 = arith.constant 0 : i32
      %dma_wait3A_54 = tpu.memref_slice %arg10[%dma_wait3A, %dma_wait3A_53] : memref<128x128xf32, #tpu.memory_space<vmem>> -> memref<128x128xf32, #tpu.memory_space<vmem>>
      %dma_wait3A_55 = arith.constant 0 : i32
      %dma_wait3A_56 = arith.constant 0 : i32
      %dma_wait3A_57 = tpu.memref_slice %arg6[%arg0, %dma_wait3A_55, %dma_wait3A_56] : memref<2x10112x128xf32, #tpu.memory_space<hbm>> -> memref<1x10112x128xf32, #tpu.memory_space<hbm>>
      %dma_wait3A_58 = tpu.memref_squeeze %dma_wait3A_57 : memref<1x10112x128xf32, #tpu.memory_space<hbm>> -> memref<10112x128xf32, #tpu.memory_space<hbm>>
      %dma_wait3A_59 = arith.constant 0 : i32
      %dma_wait3A_60 = tpu.memref_slice %dma_wait3A_58[%add3A_31, %dma_wait3A_59] : memref<10112x128xf32, #tpu.memory_space<hbm>> -> memref<128x128xf32, #tpu.memory_space<hbm>>
      %dma_wait3A_61 = arith.constant 0 : i32
      %dma_wait3A_62 = arith.constant 0 : i32
      %dma_wait3A_63 = tpu.memref_slice %arg6[%arg0, %dma_wait3A_61, %dma_wait3A_62] : memref<2x10112x128xf32, #tpu.memory_space<hbm>> -> memref<1x10112x128xf32, #tpu.memory_space<hbm>>
      %dma_wait3A_64 = tpu.memref_squeeze %dma_wait3A_63 : memref<1x10112x128xf32, #tpu.memory_space<hbm>> -> memref<10112x128xf32, #tpu.memory_space<hbm>>
      %dma_wait3A_65 = arith.constant 0 : i32
      %dma_wait3A_66 = tpu.memref_slice %dma_wait3A_64[%add3A_31, %dma_wait3A_65] : memref<10112x128xf32, #tpu.memory_space<hbm>> -> memref<128x128xf32, #tpu.memory_space<hbm>>
      %dma_wait3A_67 = arith.constant 0 : i32
      %dma_wait3A_68 = arith.constant 0 : i32
      %dma_wait3A_69 = tpu.memref_slice %arg10[%dma_wait3A_67, %dma_wait3A_68] : memref<128x128xf32, #tpu.memory_space<vmem>> -> memref<128x128xf32, #tpu.memory_space<vmem>>
      tpu.wait_dma2 semaphore(%run_scoped3A : memref<!tpu.dma_semaphore, #tpu.memory_space<semaphore_mem>>) src(%dma_wait3A_69 : memref<128x128xf32, #tpu.memory_space<vmem>>) dst(%dma_wait3A_66 : memref<128x128xf32, #tpu.memory_space<hbm>>)
      tpu.yield
    }) : () -> ()
    %add3A_32 = arith.constant 512 : i32
    %add3A_33 = arith.addi %mul3A_0, %add3A_32 : i32
    "tpu.region"() ({
      %run_scoped3A = tpu.sem_alloc : memref<!tpu.dma_semaphore, #tpu.memory_space<semaphore_mem>>
      %dma_start3A = arith.constant 0 : i32
      %dma_start3A_36 = arith.constant 0 : i32
      %dma_start3A_37 = tpu.memref_slice %arg10[%dma_start3A, %dma_start3A_36] : memref<128x128xf32, #tpu.memory_space<vmem>> -> memref<120x128xf32, #tpu.memory_space<vmem>>
      %dma_start3A_38 = arith.constant 0 : i32
      %dma_start3A_39 = tpu.memref_slice %arg7[%add3A_33, %dma_start3A_38] : memref<10112x128xf32, #tpu.memory_space<vmem_shared>> -> memref<120x128xf32, #tpu.memory_space<vmem_shared>>
      %dma_start3A_40 = arith.constant 0 : i32
      %dma_start3A_41 = arith.constant 0 : i32
      %dma_start3A_42 = tpu.memref_slice %arg10[%dma_start3A_40, %dma_start3A_41] : memref<128x128xf32, #tpu.memory_space<vmem>> -> memref<120x128xf32, #tpu.memory_space<vmem>>
      %dma_start3A_43 = arith.constant 0 : i32
      %dma_start3A_44 = tpu.memref_slice %arg7[%add3A_33, %dma_start3A_43] : memref<10112x128xf32, #tpu.memory_space<vmem_shared>> -> memref<120x128xf32, #tpu.memory_space<vmem_shared>>
      tpu.enqueue_dma source(%dma_start3A_44 : memref<120x128xf32, #tpu.memory_space<vmem_shared>>) target(%dma_start3A_42 : memref<120x128xf32, #tpu.memory_space<vmem>>) target_semaphore(%run_scoped3A : memref<!tpu.dma_semaphore, #tpu.memory_space<semaphore_mem>>)
      %dma_wait3A = arith.constant 0 : i32
      %dma_wait3A_45 = arith.constant 0 : i32
      %dma_wait3A_46 = tpu.memref_slice %arg10[%dma_wait3A, %dma_wait3A_45] : memref<128x128xf32, #tpu.memory_space<vmem>> -> memref<120x128xf32, #tpu.memory_space<vmem>>
      %dma_wait3A_47 = arith.constant 0 : i32
      %dma_wait3A_48 = tpu.memref_slice %arg7[%add3A_33, %dma_wait3A_47] : memref<10112x128xf32, #tpu.memory_space<vmem_shared>> -> memref<120x128xf32, #tpu.memory_space<vmem_shared>>
      %dma_wait3A_49 = arith.constant 0 : i32
      %dma_wait3A_50 = arith.constant 0 : i32
      %dma_wait3A_51 = tpu.memref_slice %arg10[%dma_wait3A_49, %dma_wait3A_50] : memref<128x128xf32, #tpu.memory_space<vmem>> -> memref<120x128xf32, #tpu.memory_space<vmem>>
      %dma_wait3A_52 = arith.constant 0 : i32
      %dma_wait3A_53 = tpu.memref_slice %arg7[%add3A_33, %dma_wait3A_52] : memref<10112x128xf32, #tpu.memory_space<vmem_shared>> -> memref<120x128xf32, #tpu.memory_space<vmem_shared>>
      tpu.wait_dma2 semaphore(%run_scoped3A : memref<!tpu.dma_semaphore, #tpu.memory_space<semaphore_mem>>) src(%dma_wait3A_53 : memref<120x128xf32, #tpu.memory_space<vmem_shared>>) dst(%dma_wait3A_51 : memref<120x128xf32, #tpu.memory_space<vmem>>)
      tpu.yield
    }) : () -> ()
    %add3A_34 = arith.constant 512 : i32
    %add3A_35 = arith.addi %mul3A_0, %add3A_34 : i32
    "tpu.region"() ({
      %run_scoped3A = tpu.sem_alloc : memref<!tpu.dma_semaphore, #tpu.memory_space<semaphore_mem>>
      %dma_start3A = arith.constant 0 : i32
      %dma_start3A_36 = arith.constant 0 : i32
      %dma_start3A_37 = tpu.memref_slice %arg10[%dma_start3A, %dma_start3A_36] : memref<128x128xf32, #tpu.memory_space<vmem>> -> memref<120x128xf32, #tpu.memory_space<vmem>>
      %dma_start3A_38 = arith.constant 0 : i32
      %dma_start3A_39 = arith.constant 0 : i32
      %dma_start3A_40 = tpu.memref_slice %arg6[%arg0, %dma_start3A_38, %dma_start3A_39] : memref<2x10112x128xf32, #tpu.memory_space<hbm>> -> memref<1x10112x128xf32, #tpu.memory_space<hbm>>
      %dma_start3A_41 = tpu.memref_squeeze %dma_start3A_40 : memref<1x10112x128xf32, #tpu.memory_space<hbm>> -> memref<10112x128xf32, #tpu.memory_space<hbm>>
      %dma_start3A_42 = arith.constant 0 : i32
      %dma_start3A_43 = tpu.memref_slice %dma_start3A_41[%add3A_35, %dma_start3A_42] : memref<10112x128xf32, #tpu.memory_space<hbm>> -> memref<120x128xf32, #tpu.memory_space<hbm>>
      %dma_start3A_44 = arith.constant 0 : i32
      %dma_start3A_45 = arith.constant 0 : i32
      %dma_start3A_46 = tpu.memref_slice %arg6[%arg0, %dma_start3A_44, %dma_start3A_45] : memref<2x10112x128xf32, #tpu.memory_space<hbm>> -> memref<1x10112x128xf32, #tpu.memory_space<hbm>>
      %dma_start3A_47 = tpu.memref_squeeze %dma_start3A_46 : memref<1x10112x128xf32, #tpu.memory_space<hbm>> -> memref<10112x128xf32, #tpu.memory_space<hbm>>
      %dma_start3A_48 = arith.constant 0 : i32
      %dma_start3A_49 = tpu.memref_slice %dma_start3A_47[%add3A_35, %dma_start3A_48] : memref<10112x128xf32, #tpu.memory_space<hbm>> -> memref<120x128xf32, #tpu.memory_space<hbm>>
      %dma_start3A_50 = arith.constant 0 : i32
      %dma_start3A_51 = arith.constant 0 : i32
      %dma_start3A_52 = tpu.memref_slice %arg10[%dma_start3A_50, %dma_start3A_51] : memref<128x128xf32, #tpu.memory_space<vmem>> -> memref<120x128xf32, #tpu.memory_space<vmem>>
      tpu.enqueue_dma source(%dma_start3A_52 : memref<120x128xf32, #tpu.memory_space<vmem>>) target(%dma_start3A_49 : memref<120x128xf32, #tpu.memory_space<hbm>>) target_semaphore(%run_scoped3A : memref<!tpu.dma_semaphore, #tpu.memory_space<semaphore_mem>>)
      %dma_wait3A = arith.constant 0 : i32
      %dma_wait3A_53 = arith.constant 0 : i32
      %dma_wait3A_54 = tpu.memref_slice %arg10[%dma_wait3A, %dma_wait3A_53] : memref<128x128xf32, #tpu.memory_space<vmem>> -> memref<120x128xf32, #tpu.memory_space<vmem>>
      %dma_wait3A_55 = arith.constant 0 : i32
      %dma_wait3A_56 = arith.constant 0 : i32
      %dma_wait3A_57 = tpu.memref_slice %arg6[%arg0, %dma_wait3A_55, %dma_wait3A_56] : memref<2x10112x128xf32, #tpu.memory_space<hbm>> -> memref<1x10112x128xf32, #tpu.memory_space<hbm>>
      %dma_wait3A_58 = tpu.memref_squeeze %dma_wait3A_57 : memref<1x10112x128xf32, #tpu.memory_space<hbm>> -> memref<10112x128xf32, #tpu.memory_space<hbm>>
      %dma_wait3A_59 = arith.constant 0 : i32
      %dma_wait3A_60 = tpu.memref_slice %dma_wait3A_58[%add3A_35, %dma_wait3A_59] : memref<10112x128xf32, #tpu.memory_space<hbm>> -> memref<120x128xf32, #tpu.memory_space<hbm>>
      %dma_wait3A_61 = arith.constant 0 : i32
      %dma_wait3A_62 = arith.constant 0 : i32
      %dma_wait3A_63 = tpu.memref_slice %arg6[%arg0, %dma_wait3A_61, %dma_wait3A_62] : memref<2x10112x128xf32, #tpu.memory_space<hbm>> -> memref<1x10112x128xf32, #tpu.memory_space<hbm>>
      %dma_wait3A_64 = tpu.memref_squeeze %dma_wait3A_63 : memref<1x10112x128xf32, #tpu.memory_space<hbm>> -> memref<10112x128xf32, #tpu.memory_space<hbm>>
      %dma_wait3A_65 = arith.constant 0 : i32
      %dma_wait3A_66 = tpu.memref_slice %dma_wait3A_64[%add3A_35, %dma_wait3A_65] : memref<10112x128xf32, #tpu.memory_space<hbm>> -> memref<120x128xf32, #tpu.memory_space<hbm>>
      %dma_wait3A_67 = arith.constant 0 : i32
      %dma_wait3A_68 = arith.constant 0 : i32
      %dma_wait3A_69 = tpu.memref_slice %arg10[%dma_wait3A_67, %dma_wait3A_68] : memref<128x128xf32, #tpu.memory_space<vmem>> -> memref<120x128xf32, #tpu.memory_space<vmem>>
      tpu.wait_dma2 semaphore(%run_scoped3A : memref<!tpu.dma_semaphore, #tpu.memory_space<semaphore_mem>>) src(%dma_wait3A_69 : memref<120x128xf32, #tpu.memory_space<vmem>>) dst(%dma_wait3A_66 : memref<120x128xf32, #tpu.memory_space<hbm>>)
      tpu.yield
    }) : () -> ()
    return
  }
}

#map = affine_map<(d0, d1) -> (0, 0, 0)>
#map1 = affine_map<(d0, d1) -> (0, 0)>
module attributes {stable_mosaic.version = 14 : i64} {
  func.func @_sc_degree(%arg0: i32, %arg1: i32, %arg2: memref<32x80x128xi32, #tpu.memory_space<hbm>>, %arg3: memref<128x128xf32, #tpu.memory_space<hbm>>, %arg4: memref<128x128xf32, #tpu.memory_space<hbm>>, %arg5: memref<2x10112x128xf32, #tpu.memory_space<hbm>>, %arg6: memref<10112x128xf32, #tpu.memory_space<vmem_shared>>, %arg7: memref<8x128xi32, #tpu.memory_space<vmem>>, %arg8: memref<128x128xf32, #tpu.memory_space<vmem>>) attributes {dimension_semantics = [#tpu.dimension_semantics<core_parallel>, #tpu.dimension_semantics<subcore_parallel>], iteration_bounds = array<i64: 2, 16>, scalar_prefetch = 0 : i64, scratch_operands = 3 : i64, tpu.core_type = #tpu.core_type<sc_vector_subcore>, window_params = [{transform_indices = #map}, {transform_indices = #map1}, {transform_indices = #map1}, {transform_indices = #map}]} {
    %mul3A = arith.constant 16 : i32
    %mul3A_0 = arith.muli %arg0, %mul3A : i32
    %add3A = arith.addi %mul3A_0, %arg1 : i32
    "tpu.region"() ({
      %run_scoped3A = tpu.sem_alloc : memref<!tpu.dma_semaphore, #tpu.memory_space<semaphore_mem>>
      tpu.enqueue_dma source(%arg3 : memref<128x128xf32, #tpu.memory_space<hbm>>) target(%arg8 : memref<128x128xf32, #tpu.memory_space<vmem>>) target_semaphore(%run_scoped3A : memref<!tpu.dma_semaphore, #tpu.memory_space<semaphore_mem>>)
      tpu.wait_dma2 semaphore(%run_scoped3A : memref<!tpu.dma_semaphore, #tpu.memory_space<semaphore_mem>>) src(%arg3 : memref<128x128xf32, #tpu.memory_space<hbm>>) dst(%arg8 : memref<128x128xf32, #tpu.memory_space<vmem>>)
      tpu.yield
    }) : () -> ()
    %mul3A_1 = arith.constant 632 : i32
    %mul3A_2 = arith.muli %arg1, %mul3A_1 : i32
    %add3A_3 = arith.constant 0 : i32
    %add3A_4 = arith.addi %mul3A_2, %add3A_3 : i32
    "tpu.region"() ({
      %run_scoped3A = tpu.sem_alloc : memref<!tpu.dma_semaphore, #tpu.memory_space<semaphore_mem>>
      %dma_start3A = arith.constant 0 : i32
      %dma_start3A_39 = arith.constant 0 : i32
      %dma_start3A_40 = tpu.memref_slice %arg8[%dma_start3A, %dma_start3A_39] : memref<128x128xf32, #tpu.memory_space<vmem>> -> memref<128x128xf32, #tpu.memory_space<vmem>>
      %dma_start3A_41 = arith.constant 0 : i32
      %dma_start3A_42 = tpu.memref_slice %arg6[%add3A_4, %dma_start3A_41] : memref<10112x128xf32, #tpu.memory_space<vmem_shared>> -> memref<128x128xf32, #tpu.memory_space<vmem_shared>>
      %dma_start3A_43 = arith.constant 0 : i32
      %dma_start3A_44 = tpu.memref_slice %arg6[%add3A_4, %dma_start3A_43] : memref<10112x128xf32, #tpu.memory_space<vmem_shared>> -> memref<128x128xf32, #tpu.memory_space<vmem_shared>>
      %dma_start3A_45 = arith.constant 0 : i32
      %dma_start3A_46 = arith.constant 0 : i32
      %dma_start3A_47 = tpu.memref_slice %arg8[%dma_start3A_45, %dma_start3A_46] : memref<128x128xf32, #tpu.memory_space<vmem>> -> memref<128x128xf32, #tpu.memory_space<vmem>>
      tpu.enqueue_dma source(%dma_start3A_47 : memref<128x128xf32, #tpu.memory_space<vmem>>) target(%dma_start3A_44 : memref<128x128xf32, #tpu.memory_space<vmem_shared>>) target_semaphore(%run_scoped3A : memref<!tpu.dma_semaphore, #tpu.memory_space<semaphore_mem>>)
      %dma_wait3A = arith.constant 0 : i32
      %dma_wait3A_48 = arith.constant 0 : i32
      %dma_wait3A_49 = tpu.memref_slice %arg8[%dma_wait3A, %dma_wait3A_48] : memref<128x128xf32, #tpu.memory_space<vmem>> -> memref<128x128xf32, #tpu.memory_space<vmem>>
      %dma_wait3A_50 = arith.constant 0 : i32
      %dma_wait3A_51 = tpu.memref_slice %arg6[%add3A_4, %dma_wait3A_50] : memref<10112x128xf32, #tpu.memory_space<vmem_shared>> -> memref<128x128xf32, #tpu.memory_space<vmem_shared>>
      %dma_wait3A_52 = arith.constant 0 : i32
      %dma_wait3A_53 = tpu.memref_slice %arg6[%add3A_4, %dma_wait3A_52] : memref<10112x128xf32, #tpu.memory_space<vmem_shared>> -> memref<128x128xf32, #tpu.memory_space<vmem_shared>>
      %dma_wait3A_54 = arith.constant 0 : i32
      %dma_wait3A_55 = arith.constant 0 : i32
      %dma_wait3A_56 = tpu.memref_slice %arg8[%dma_wait3A_54, %dma_wait3A_55] : memref<128x128xf32, #tpu.memory_space<vmem>> -> memref<128x128xf32, #tpu.memory_space<vmem>>
      tpu.wait_dma2 semaphore(%run_scoped3A : memref<!tpu.dma_semaphore, #tpu.memory_space<semaphore_mem>>) src(%dma_wait3A_56 : memref<128x128xf32, #tpu.memory_space<vmem>>) dst(%dma_wait3A_53 : memref<128x128xf32, #tpu.memory_space<vmem_shared>>)
      tpu.yield
    }) : () -> ()
    %add3A_5 = arith.constant 128 : i32
    %add3A_6 = arith.addi %mul3A_2, %add3A_5 : i32
    "tpu.region"() ({
      %run_scoped3A = tpu.sem_alloc : memref<!tpu.dma_semaphore, #tpu.memory_space<semaphore_mem>>
      %dma_start3A = arith.constant 0 : i32
      %dma_start3A_39 = arith.constant 0 : i32
      %dma_start3A_40 = tpu.memref_slice %arg8[%dma_start3A, %dma_start3A_39] : memref<128x128xf32, #tpu.memory_space<vmem>> -> memref<128x128xf32, #tpu.memory_space<vmem>>
      %dma_start3A_41 = arith.constant 0 : i32
      %dma_start3A_42 = tpu.memref_slice %arg6[%add3A_6, %dma_start3A_41] : memref<10112x128xf32, #tpu.memory_space<vmem_shared>> -> memref<128x128xf32, #tpu.memory_space<vmem_shared>>
      %dma_start3A_43 = arith.constant 0 : i32
      %dma_start3A_44 = tpu.memref_slice %arg6[%add3A_6, %dma_start3A_43] : memref<10112x128xf32, #tpu.memory_space<vmem_shared>> -> memref<128x128xf32, #tpu.memory_space<vmem_shared>>
      %dma_start3A_45 = arith.constant 0 : i32
      %dma_start3A_46 = arith.constant 0 : i32
      %dma_start3A_47 = tpu.memref_slice %arg8[%dma_start3A_45, %dma_start3A_46] : memref<128x128xf32, #tpu.memory_space<vmem>> -> memref<128x128xf32, #tpu.memory_space<vmem>>
      tpu.enqueue_dma source(%dma_start3A_47 : memref<128x128xf32, #tpu.memory_space<vmem>>) target(%dma_start3A_44 : memref<128x128xf32, #tpu.memory_space<vmem_shared>>) target_semaphore(%run_scoped3A : memref<!tpu.dma_semaphore, #tpu.memory_space<semaphore_mem>>)
      %dma_wait3A = arith.constant 0 : i32
      %dma_wait3A_48 = arith.constant 0 : i32
      %dma_wait3A_49 = tpu.memref_slice %arg8[%dma_wait3A, %dma_wait3A_48] : memref<128x128xf32, #tpu.memory_space<vmem>> -> memref<128x128xf32, #tpu.memory_space<vmem>>
      %dma_wait3A_50 = arith.constant 0 : i32
      %dma_wait3A_51 = tpu.memref_slice %arg6[%add3A_6, %dma_wait3A_50] : memref<10112x128xf32, #tpu.memory_space<vmem_shared>> -> memref<128x128xf32, #tpu.memory_space<vmem_shared>>
      %dma_wait3A_52 = arith.constant 0 : i32
      %dma_wait3A_53 = tpu.memref_slice %arg6[%add3A_6, %dma_wait3A_52] : memref<10112x128xf32, #tpu.memory_space<vmem_shared>> -> memref<128x128xf32, #tpu.memory_space<vmem_shared>>
      %dma_wait3A_54 = arith.constant 0 : i32
      %dma_wait3A_55 = arith.constant 0 : i32
      %dma_wait3A_56 = tpu.memref_slice %arg8[%dma_wait3A_54, %dma_wait3A_55] : memref<128x128xf32, #tpu.memory_space<vmem>> -> memref<128x128xf32, #tpu.memory_space<vmem>>
      tpu.wait_dma2 semaphore(%run_scoped3A : memref<!tpu.dma_semaphore, #tpu.memory_space<semaphore_mem>>) src(%dma_wait3A_56 : memref<128x128xf32, #tpu.memory_space<vmem>>) dst(%dma_wait3A_53 : memref<128x128xf32, #tpu.memory_space<vmem_shared>>)
      tpu.yield
    }) : () -> ()
    %add3A_7 = arith.constant 256 : i32
    %add3A_8 = arith.addi %mul3A_2, %add3A_7 : i32
    "tpu.region"() ({
      %run_scoped3A = tpu.sem_alloc : memref<!tpu.dma_semaphore, #tpu.memory_space<semaphore_mem>>
      %dma_start3A = arith.constant 0 : i32
      %dma_start3A_39 = arith.constant 0 : i32
      %dma_start3A_40 = tpu.memref_slice %arg8[%dma_start3A, %dma_start3A_39] : memref<128x128xf32, #tpu.memory_space<vmem>> -> memref<128x128xf32, #tpu.memory_space<vmem>>
      %dma_start3A_41 = arith.constant 0 : i32
      %dma_start3A_42 = tpu.memref_slice %arg6[%add3A_8, %dma_start3A_41] : memref<10112x128xf32, #tpu.memory_space<vmem_shared>> -> memref<128x128xf32, #tpu.memory_space<vmem_shared>>
      %dma_start3A_43 = arith.constant 0 : i32
      %dma_start3A_44 = tpu.memref_slice %arg6[%add3A_8, %dma_start3A_43] : memref<10112x128xf32, #tpu.memory_space<vmem_shared>> -> memref<128x128xf32, #tpu.memory_space<vmem_shared>>
      %dma_start3A_45 = arith.constant 0 : i32
      %dma_start3A_46 = arith.constant 0 : i32
      %dma_start3A_47 = tpu.memref_slice %arg8[%dma_start3A_45, %dma_start3A_46] : memref<128x128xf32, #tpu.memory_space<vmem>> -> memref<128x128xf32, #tpu.memory_space<vmem>>
      tpu.enqueue_dma source(%dma_start3A_47 : memref<128x128xf32, #tpu.memory_space<vmem>>) target(%dma_start3A_44 : memref<128x128xf32, #tpu.memory_space<vmem_shared>>) target_semaphore(%run_scoped3A : memref<!tpu.dma_semaphore, #tpu.memory_space<semaphore_mem>>)
      %dma_wait3A = arith.constant 0 : i32
      %dma_wait3A_48 = arith.constant 0 : i32
      %dma_wait3A_49 = tpu.memref_slice %arg8[%dma_wait3A, %dma_wait3A_48] : memref<128x128xf32, #tpu.memory_space<vmem>> -> memref<128x128xf32, #tpu.memory_space<vmem>>
      %dma_wait3A_50 = arith.constant 0 : i32
      %dma_wait3A_51 = tpu.memref_slice %arg6[%add3A_8, %dma_wait3A_50] : memref<10112x128xf32, #tpu.memory_space<vmem_shared>> -> memref<128x128xf32, #tpu.memory_space<vmem_shared>>
      %dma_wait3A_52 = arith.constant 0 : i32
      %dma_wait3A_53 = tpu.memref_slice %arg6[%add3A_8, %dma_wait3A_52] : memref<10112x128xf32, #tpu.memory_space<vmem_shared>> -> memref<128x128xf32, #tpu.memory_space<vmem_shared>>
      %dma_wait3A_54 = arith.constant 0 : i32
      %dma_wait3A_55 = arith.constant 0 : i32
      %dma_wait3A_56 = tpu.memref_slice %arg8[%dma_wait3A_54, %dma_wait3A_55] : memref<128x128xf32, #tpu.memory_space<vmem>> -> memref<128x128xf32, #tpu.memory_space<vmem>>
      tpu.wait_dma2 semaphore(%run_scoped3A : memref<!tpu.dma_semaphore, #tpu.memory_space<semaphore_mem>>) src(%dma_wait3A_56 : memref<128x128xf32, #tpu.memory_space<vmem>>) dst(%dma_wait3A_53 : memref<128x128xf32, #tpu.memory_space<vmem_shared>>)
      tpu.yield
    }) : () -> ()
    %add3A_9 = arith.constant 384 : i32
    %add3A_10 = arith.addi %mul3A_2, %add3A_9 : i32
    "tpu.region"() ({
      %run_scoped3A = tpu.sem_alloc : memref<!tpu.dma_semaphore, #tpu.memory_space<semaphore_mem>>
      %dma_start3A = arith.constant 0 : i32
      %dma_start3A_39 = arith.constant 0 : i32
      %dma_start3A_40 = tpu.memref_slice %arg8[%dma_start3A, %dma_start3A_39] : memref<128x128xf32, #tpu.memory_space<vmem>> -> memref<128x128xf32, #tpu.memory_space<vmem>>
      %dma_start3A_41 = arith.constant 0 : i32
      %dma_start3A_42 = tpu.memref_slice %arg6[%add3A_10, %dma_start3A_41] : memref<10112x128xf32, #tpu.memory_space<vmem_shared>> -> memref<128x128xf32, #tpu.memory_space<vmem_shared>>
      %dma_start3A_43 = arith.constant 0 : i32
      %dma_start3A_44 = tpu.memref_slice %arg6[%add3A_10, %dma_start3A_43] : memref<10112x128xf32, #tpu.memory_space<vmem_shared>> -> memref<128x128xf32, #tpu.memory_space<vmem_shared>>
      %dma_start3A_45 = arith.constant 0 : i32
      %dma_start3A_46 = arith.constant 0 : i32
      %dma_start3A_47 = tpu.memref_slice %arg8[%dma_start3A_45, %dma_start3A_46] : memref<128x128xf32, #tpu.memory_space<vmem>> -> memref<128x128xf32, #tpu.memory_space<vmem>>
      tpu.enqueue_dma source(%dma_start3A_47 : memref<128x128xf32, #tpu.memory_space<vmem>>) target(%dma_start3A_44 : memref<128x128xf32, #tpu.memory_space<vmem_shared>>) target_semaphore(%run_scoped3A : memref<!tpu.dma_semaphore, #tpu.memory_space<semaphore_mem>>)
      %dma_wait3A = arith.constant 0 : i32
      %dma_wait3A_48 = arith.constant 0 : i32
      %dma_wait3A_49 = tpu.memref_slice %arg8[%dma_wait3A, %dma_wait3A_48] : memref<128x128xf32, #tpu.memory_space<vmem>> -> memref<128x128xf32, #tpu.memory_space<vmem>>
      %dma_wait3A_50 = arith.constant 0 : i32
      %dma_wait3A_51 = tpu.memref_slice %arg6[%add3A_10, %dma_wait3A_50] : memref<10112x128xf32, #tpu.memory_space<vmem_shared>> -> memref<128x128xf32, #tpu.memory_space<vmem_shared>>
      %dma_wait3A_52 = arith.constant 0 : i32
      %dma_wait3A_53 = tpu.memref_slice %arg6[%add3A_10, %dma_wait3A_52] : memref<10112x128xf32, #tpu.memory_space<vmem_shared>> -> memref<128x128xf32, #tpu.memory_space<vmem_shared>>
      %dma_wait3A_54 = arith.constant 0 : i32
      %dma_wait3A_55 = arith.constant 0 : i32
      %dma_wait3A_56 = tpu.memref_slice %arg8[%dma_wait3A_54, %dma_wait3A_55] : memref<128x128xf32, #tpu.memory_space<vmem>> -> memref<128x128xf32, #tpu.memory_space<vmem>>
      tpu.wait_dma2 semaphore(%run_scoped3A : memref<!tpu.dma_semaphore, #tpu.memory_space<semaphore_mem>>) src(%dma_wait3A_56 : memref<128x128xf32, #tpu.memory_space<vmem>>) dst(%dma_wait3A_53 : memref<128x128xf32, #tpu.memory_space<vmem_shared>>)
      tpu.yield
    }) : () -> ()
    %add3A_11 = arith.constant 512 : i32
    %add3A_12 = arith.addi %mul3A_2, %add3A_11 : i32
    "tpu.region"() ({
      %run_scoped3A = tpu.sem_alloc : memref<!tpu.dma_semaphore, #tpu.memory_space<semaphore_mem>>
      %dma_start3A = arith.constant 0 : i32
      %dma_start3A_39 = arith.constant 0 : i32
      %dma_start3A_40 = tpu.memref_slice %arg8[%dma_start3A, %dma_start3A_39] : memref<128x128xf32, #tpu.memory_space<vmem>> -> memref<120x128xf32, #tpu.memory_space<vmem>>
      %dma_start3A_41 = arith.constant 0 : i32
      %dma_start3A_42 = tpu.memref_slice %arg6[%add3A_12, %dma_start3A_41] : memref<10112x128xf32, #tpu.memory_space<vmem_shared>> -> memref<120x128xf32, #tpu.memory_space<vmem_shared>>
      %dma_start3A_43 = arith.constant 0 : i32
      %dma_start3A_44 = tpu.memref_slice %arg6[%add3A_12, %dma_start3A_43] : memref<10112x128xf32, #tpu.memory_space<vmem_shared>> -> memref<120x128xf32, #tpu.memory_space<vmem_shared>>
      %dma_start3A_45 = arith.constant 0 : i32
      %dma_start3A_46 = arith.constant 0 : i32
      %dma_start3A_47 = tpu.memref_slice %arg8[%dma_start3A_45, %dma_start3A_46] : memref<128x128xf32, #tpu.memory_space<vmem>> -> memref<120x128xf32, #tpu.memory_space<vmem>>
      tpu.enqueue_dma source(%dma_start3A_47 : memref<120x128xf32, #tpu.memory_space<vmem>>) target(%dma_start3A_44 : memref<120x128xf32, #tpu.memory_space<vmem_shared>>) target_semaphore(%run_scoped3A : memref<!tpu.dma_semaphore, #tpu.memory_space<semaphore_mem>>)
      %dma_wait3A = arith.constant 0 : i32
      %dma_wait3A_48 = arith.constant 0 : i32
      %dma_wait3A_49 = tpu.memref_slice %arg8[%dma_wait3A, %dma_wait3A_48] : memref<128x128xf32, #tpu.memory_space<vmem>> -> memref<120x128xf32, #tpu.memory_space<vmem>>
      %dma_wait3A_50 = arith.constant 0 : i32
      %dma_wait3A_51 = tpu.memref_slice %arg6[%add3A_12, %dma_wait3A_50] : memref<10112x128xf32, #tpu.memory_space<vmem_shared>> -> memref<120x128xf32, #tpu.memory_space<vmem_shared>>
      %dma_wait3A_52 = arith.constant 0 : i32
      %dma_wait3A_53 = tpu.memref_slice %arg6[%add3A_12, %dma_wait3A_52] : memref<10112x128xf32, #tpu.memory_space<vmem_shared>> -> memref<120x128xf32, #tpu.memory_space<vmem_shared>>
      %dma_wait3A_54 = arith.constant 0 : i32
      %dma_wait3A_55 = arith.constant 0 : i32
      %dma_wait3A_56 = tpu.memref_slice %arg8[%dma_wait3A_54, %dma_wait3A_55] : memref<128x128xf32, #tpu.memory_space<vmem>> -> memref<120x128xf32, #tpu.memory_space<vmem>>
      tpu.wait_dma2 semaphore(%run_scoped3A : memref<!tpu.dma_semaphore, #tpu.memory_space<semaphore_mem>>) src(%dma_wait3A_56 : memref<120x128xf32, #tpu.memory_space<vmem>>) dst(%dma_wait3A_53 : memref<120x128xf32, #tpu.memory_space<vmem_shared>>)
      tpu.yield
    }) : () -> ()
    %barrier3A = arith.constant 0 : index
    tpu.barrier barrier_id(%barrier3A)
    "tpu.region"() ({
      %run_scoped3A = tpu.sem_alloc : memref<!tpu.dma_semaphore, #tpu.memory_space<semaphore_mem>>
      tpu.enqueue_dma source(%arg4 : memref<128x128xf32, #tpu.memory_space<hbm>>) target(%arg8 : memref<128x128xf32, #tpu.memory_space<vmem>>) target_semaphore(%run_scoped3A : memref<!tpu.dma_semaphore, #tpu.memory_space<semaphore_mem>>)
      tpu.wait_dma2 semaphore(%run_scoped3A : memref<!tpu.dma_semaphore, #tpu.memory_space<semaphore_mem>>) src(%arg4 : memref<128x128xf32, #tpu.memory_space<hbm>>) dst(%arg8 : memref<128x128xf32, #tpu.memory_space<vmem>>)
      tpu.yield
    }) : () -> ()
    %scan3A = arith.constant 0 : i32
    %scan3A_13 = arith.constant 0 : i32
    %scan3A_14 = arith.constant 10 : i32
    %scan3A_15 = arith.addi %scan3A_13, %scan3A_14 : i32
    %scan3A_16 = arith.constant 1 : i32
    scf.for %scan3A_39 = %scan3A_13 to %scan3A_15 step %scan3A_16  : i32 {
      %mul3A_40 = arith.constant 8 : i32
      %mul3A_41 = arith.muli %scan3A_39, %mul3A_40 : i32
      "tpu.region"() ({
        %run_scoped3A_49 = tpu.sem_alloc : memref<!tpu.dma_semaphore, #tpu.memory_space<semaphore_mem>>
        %dma_start3A = arith.constant 0 : i32
        %dma_start3A_50 = arith.constant 0 : i32
        %dma_start3A_51 = tpu.memref_slice %arg2[%add3A, %dma_start3A, %dma_start3A_50] : memref<32x80x128xi32, #tpu.memory_space<hbm>> -> memref<1x80x128xi32, #tpu.memory_space<hbm>>
        %dma_start3A_52 = tpu.memref_squeeze %dma_start3A_51 : memref<1x80x128xi32, #tpu.memory_space<hbm>> -> memref<80x128xi32, #tpu.memory_space<hbm>>
        %dma_start3A_53 = arith.constant 0 : i32
        %dma_start3A_54 = tpu.memref_slice %dma_start3A_52[%mul3A_41, %dma_start3A_53] : memref<80x128xi32, #tpu.memory_space<hbm>> -> memref<8x128xi32, #tpu.memory_space<hbm>>
        %dma_start3A_55 = arith.constant 0 : i32
        %dma_start3A_56 = arith.constant 0 : i32
        %dma_start3A_57 = tpu.memref_slice %arg2[%add3A, %dma_start3A_55, %dma_start3A_56] : memref<32x80x128xi32, #tpu.memory_space<hbm>> -> memref<1x80x128xi32, #tpu.memory_space<hbm>>
        %dma_start3A_58 = tpu.memref_squeeze %dma_start3A_57 : memref<1x80x128xi32, #tpu.memory_space<hbm>> -> memref<80x128xi32, #tpu.memory_space<hbm>>
        %dma_start3A_59 = arith.constant 0 : i32
        %dma_start3A_60 = tpu.memref_slice %dma_start3A_58[%mul3A_41, %dma_start3A_59] : memref<80x128xi32, #tpu.memory_space<hbm>> -> memref<8x128xi32, #tpu.memory_space<hbm>>
        tpu.enqueue_dma source(%dma_start3A_60 : memref<8x128xi32, #tpu.memory_space<hbm>>) target(%arg7 : memref<8x128xi32, #tpu.memory_space<vmem>>) target_semaphore(%run_scoped3A_49 : memref<!tpu.dma_semaphore, #tpu.memory_space<semaphore_mem>>)
        %dma_wait3A = arith.constant 0 : i32
        %dma_wait3A_61 = arith.constant 0 : i32
        %dma_wait3A_62 = tpu.memref_slice %arg2[%add3A, %dma_wait3A, %dma_wait3A_61] : memref<32x80x128xi32, #tpu.memory_space<hbm>> -> memref<1x80x128xi32, #tpu.memory_space<hbm>>
        %dma_wait3A_63 = tpu.memref_squeeze %dma_wait3A_62 : memref<1x80x128xi32, #tpu.memory_space<hbm>> -> memref<80x128xi32, #tpu.memory_space<hbm>>
        %dma_wait3A_64 = arith.constant 0 : i32
        %dma_wait3A_65 = tpu.memref_slice %dma_wait3A_63[%mul3A_41, %dma_wait3A_64] : memref<80x128xi32, #tpu.memory_space<hbm>> -> memref<8x128xi32, #tpu.memory_space<hbm>>
        %dma_wait3A_66 = arith.constant 0 : i32
        %dma_wait3A_67 = arith.constant 0 : i32
        %dma_wait3A_68 = tpu.memref_slice %arg2[%add3A, %dma_wait3A_66, %dma_wait3A_67] : memref<32x80x128xi32, #tpu.memory_space<hbm>> -> memref<1x80x128xi32, #tpu.memory_space<hbm>>
        %dma_wait3A_69 = tpu.memref_squeeze %dma_wait3A_68 : memref<1x80x128xi32, #tpu.memory_space<hbm>> -> memref<80x128xi32, #tpu.memory_space<hbm>>
        %dma_wait3A_70 = arith.constant 0 : i32
        %dma_wait3A_71 = tpu.memref_slice %dma_wait3A_69[%mul3A_41, %dma_wait3A_70] : memref<80x128xi32, #tpu.memory_space<hbm>> -> memref<8x128xi32, #tpu.memory_space<hbm>>
        tpu.wait_dma2 semaphore(%run_scoped3A_49 : memref<!tpu.dma_semaphore, #tpu.memory_space<semaphore_mem>>) src(%dma_wait3A_71 : memref<8x128xi32, #tpu.memory_space<hbm>>) dst(%arg7 : memref<8x128xi32, #tpu.memory_space<vmem>>)
        tpu.yield
      }) : () -> ()
      %run_scoped3A = arith.constant 0 : i32
      "tpu.region"() ({
        %run_scoped3A_49 = tpu.sem_alloc : memref<!tpu.dma_semaphore, #tpu.memory_space<semaphore_mem>>
        %dma_start3A = arith.constant 0 : i32
        %dma_start3A_50 = tpu.memref_slice %arg7[%run_scoped3A, %dma_start3A] : memref<8x128xi32, #tpu.memory_space<vmem>> -> memref<1x128xi32, #tpu.memory_space<vmem>>
        %dma_start3A_51 = tpu.memref_squeeze %dma_start3A_50 : memref<1x128xi32, #tpu.memory_space<vmem>> -> memref<128xi32, #tpu.memory_space<vmem>>
        %dma_start3A_52 = arith.constant 0 : i32
        %dma_start3A_53 = arith.constant 0 : i32
        %dma_start3A_54 = tpu.memref_slice %arg6[%dma_start3A_52, %dma_start3A_53] : memref<10112x128xf32, #tpu.memory_space<vmem_shared>> -> memref<10112x128xf32, #tpu.memory_space<vmem_shared>>
        tpu.enqueue_indirect_dma source(%arg8 : memref<128x128xf32, #tpu.memory_space<vmem>>) target(%dma_start3A_54 : memref<10112x128xf32, #tpu.memory_space<vmem_shared>>) offsets(%dma_start3A_51 : memref<128xi32, #tpu.memory_space<vmem>>) semaphore(%run_scoped3A_49 : memref<!tpu.dma_semaphore, #tpu.memory_space<semaphore_mem>>) {add = true}
        %dma_wait3A = arith.constant 0 : i32
        %dma_wait3A_55 = tpu.memref_slice %arg7[%run_scoped3A, %dma_wait3A] : memref<8x128xi32, #tpu.memory_space<vmem>> -> memref<1x128xi32, #tpu.memory_space<vmem>>
        %dma_wait3A_56 = tpu.memref_squeeze %dma_wait3A_55 : memref<1x128xi32, #tpu.memory_space<vmem>> -> memref<128xi32, #tpu.memory_space<vmem>>
        %dma_wait3A_57 = arith.constant 0 : i32
        %dma_wait3A_58 = arith.constant 0 : i32
        %dma_wait3A_59 = tpu.memref_slice %arg6[%dma_wait3A_57, %dma_wait3A_58] : memref<10112x128xf32, #tpu.memory_space<vmem_shared>> -> memref<10112x128xf32, #tpu.memory_space<vmem_shared>>
        tpu.wait_indirect_dma semaphore(%run_scoped3A_49 : memref<!tpu.dma_semaphore, #tpu.memory_space<semaphore_mem>>) src(%arg8 : memref<128x128xf32, #tpu.memory_space<vmem>>) dst(%dma_wait3A_59 : memref<10112x128xf32, #tpu.memory_space<vmem_shared>>)
        tpu.yield
      }) : () -> ()
      %run_scoped3A_42 = arith.constant 1 : i32
      "tpu.region"() ({
        %run_scoped3A_49 = tpu.sem_alloc : memref<!tpu.dma_semaphore, #tpu.memory_space<semaphore_mem>>
        %dma_start3A = arith.constant 0 : i32
        %dma_start3A_50 = tpu.memref_slice %arg7[%run_scoped3A_42, %dma_start3A] : memref<8x128xi32, #tpu.memory_space<vmem>> -> memref<1x128xi32, #tpu.memory_space<vmem>>
        %dma_start3A_51 = tpu.memref_squeeze %dma_start3A_50 : memref<1x128xi32, #tpu.memory_space<vmem>> -> memref<128xi32, #tpu.memory_space<vmem>>
        %dma_start3A_52 = arith.constant 0 : i32
        %dma_start3A_53 = arith.constant 0 : i32
        %dma_start3A_54 = tpu.memref_slice %arg6[%dma_start3A_52, %dma_start3A_53] : memref<10112x128xf32, #tpu.memory_space<vmem_shared>> -> memref<10112x128xf32, #tpu.memory_space<vmem_shared>>
        tpu.enqueue_indirect_dma source(%arg8 : memref<128x128xf32, #tpu.memory_space<vmem>>) target(%dma_start3A_54 : memref<10112x128xf32, #tpu.memory_space<vmem_shared>>) offsets(%dma_start3A_51 : memref<128xi32, #tpu.memory_space<vmem>>) semaphore(%run_scoped3A_49 : memref<!tpu.dma_semaphore, #tpu.memory_space<semaphore_mem>>) {add = true}
        %dma_wait3A = arith.constant 0 : i32
        %dma_wait3A_55 = tpu.memref_slice %arg7[%run_scoped3A_42, %dma_wait3A] : memref<8x128xi32, #tpu.memory_space<vmem>> -> memref<1x128xi32, #tpu.memory_space<vmem>>
        %dma_wait3A_56 = tpu.memref_squeeze %dma_wait3A_55 : memref<1x128xi32, #tpu.memory_space<vmem>> -> memref<128xi32, #tpu.memory_space<vmem>>
        %dma_wait3A_57 = arith.constant 0 : i32
        %dma_wait3A_58 = arith.constant 0 : i32
        %dma_wait3A_59 = tpu.memref_slice %arg6[%dma_wait3A_57, %dma_wait3A_58] : memref<10112x128xf32, #tpu.memory_space<vmem_shared>> -> memref<10112x128xf32, #tpu.memory_space<vmem_shared>>
        tpu.wait_indirect_dma semaphore(%run_scoped3A_49 : memref<!tpu.dma_semaphore, #tpu.memory_space<semaphore_mem>>) src(%arg8 : memref<128x128xf32, #tpu.memory_space<vmem>>) dst(%dma_wait3A_59 : memref<10112x128xf32, #tpu.memory_space<vmem_shared>>)
        tpu.yield
      }) : () -> ()
      %run_scoped3A_43 = arith.constant 2 : i32
      "tpu.region"() ({
        %run_scoped3A_49 = tpu.sem_alloc : memref<!tpu.dma_semaphore, #tpu.memory_space<semaphore_mem>>
        %dma_start3A = arith.constant 0 : i32
        %dma_start3A_50 = tpu.memref_slice %arg7[%run_scoped3A_43, %dma_start3A] : memref<8x128xi32, #tpu.memory_space<vmem>> -> memref<1x128xi32, #tpu.memory_space<vmem>>
        %dma_start3A_51 = tpu.memref_squeeze %dma_start3A_50 : memref<1x128xi32, #tpu.memory_space<vmem>> -> memref<128xi32, #tpu.memory_space<vmem>>
        %dma_start3A_52 = arith.constant 0 : i32
        %dma_start3A_53 = arith.constant 0 : i32
        %dma_start3A_54 = tpu.memref_slice %arg6[%dma_start3A_52, %dma_start3A_53] : memref<10112x128xf32, #tpu.memory_space<vmem_shared>> -> memref<10112x128xf32, #tpu.memory_space<vmem_shared>>
        tpu.enqueue_indirect_dma source(%arg8 : memref<128x128xf32, #tpu.memory_space<vmem>>) target(%dma_start3A_54 : memref<10112x128xf32, #tpu.memory_space<vmem_shared>>) offsets(%dma_start3A_51 : memref<128xi32, #tpu.memory_space<vmem>>) semaphore(%run_scoped3A_49 : memref<!tpu.dma_semaphore, #tpu.memory_space<semaphore_mem>>) {add = true}
        %dma_wait3A = arith.constant 0 : i32
        %dma_wait3A_55 = tpu.memref_slice %arg7[%run_scoped3A_43, %dma_wait3A] : memref<8x128xi32, #tpu.memory_space<vmem>> -> memref<1x128xi32, #tpu.memory_space<vmem>>
        %dma_wait3A_56 = tpu.memref_squeeze %dma_wait3A_55 : memref<1x128xi32, #tpu.memory_space<vmem>> -> memref<128xi32, #tpu.memory_space<vmem>>
        %dma_wait3A_57 = arith.constant 0 : i32
        %dma_wait3A_58 = arith.constant 0 : i32
        %dma_wait3A_59 = tpu.memref_slice %arg6[%dma_wait3A_57, %dma_wait3A_58] : memref<10112x128xf32, #tpu.memory_space<vmem_shared>> -> memref<10112x128xf32, #tpu.memory_space<vmem_shared>>
        tpu.wait_indirect_dma semaphore(%run_scoped3A_49 : memref<!tpu.dma_semaphore, #tpu.memory_space<semaphore_mem>>) src(%arg8 : memref<128x128xf32, #tpu.memory_space<vmem>>) dst(%dma_wait3A_59 : memref<10112x128xf32, #tpu.memory_space<vmem_shared>>)
        tpu.yield
      }) : () -> ()
      %run_scoped3A_44 = arith.constant 3 : i32
      "tpu.region"() ({
        %run_scoped3A_49 = tpu.sem_alloc : memref<!tpu.dma_semaphore, #tpu.memory_space<semaphore_mem>>
        %dma_start3A = arith.constant 0 : i32
        %dma_start3A_50 = tpu.memref_slice %arg7[%run_scoped3A_44, %dma_start3A] : memref<8x128xi32, #tpu.memory_space<vmem>> -> memref<1x128xi32, #tpu.memory_space<vmem>>
        %dma_start3A_51 = tpu.memref_squeeze %dma_start3A_50 : memref<1x128xi32, #tpu.memory_space<vmem>> -> memref<128xi32, #tpu.memory_space<vmem>>
        %dma_start3A_52 = arith.constant 0 : i32
        %dma_start3A_53 = arith.constant 0 : i32
        %dma_start3A_54 = tpu.memref_slice %arg6[%dma_start3A_52, %dma_start3A_53] : memref<10112x128xf32, #tpu.memory_space<vmem_shared>> -> memref<10112x128xf32, #tpu.memory_space<vmem_shared>>
        tpu.enqueue_indirect_dma source(%arg8 : memref<128x128xf32, #tpu.memory_space<vmem>>) target(%dma_start3A_54 : memref<10112x128xf32, #tpu.memory_space<vmem_shared>>) offsets(%dma_start3A_51 : memref<128xi32, #tpu.memory_space<vmem>>) semaphore(%run_scoped3A_49 : memref<!tpu.dma_semaphore, #tpu.memory_space<semaphore_mem>>) {add = true}
        %dma_wait3A = arith.constant 0 : i32
        %dma_wait3A_55 = tpu.memref_slice %arg7[%run_scoped3A_44, %dma_wait3A] : memref<8x128xi32, #tpu.memory_space<vmem>> -> memref<1x128xi32, #tpu.memory_space<vmem>>
        %dma_wait3A_56 = tpu.memref_squeeze %dma_wait3A_55 : memref<1x128xi32, #tpu.memory_space<vmem>> -> memref<128xi32, #tpu.memory_space<vmem>>
        %dma_wait3A_57 = arith.constant 0 : i32
        %dma_wait3A_58 = arith.constant 0 : i32
        %dma_wait3A_59 = tpu.memref_slice %arg6[%dma_wait3A_57, %dma_wait3A_58] : memref<10112x128xf32, #tpu.memory_space<vmem_shared>> -> memref<10112x128xf32, #tpu.memory_space<vmem_shared>>
        tpu.wait_indirect_dma semaphore(%run_scoped3A_49 : memref<!tpu.dma_semaphore, #tpu.memory_space<semaphore_mem>>) src(%arg8 : memref<128x128xf32, #tpu.memory_space<vmem>>) dst(%dma_wait3A_59 : memref<10112x128xf32, #tpu.memory_space<vmem_shared>>)
        tpu.yield
      }) : () -> ()
      %run_scoped3A_45 = arith.constant 4 : i32
      "tpu.region"() ({
        %run_scoped3A_49 = tpu.sem_alloc : memref<!tpu.dma_semaphore, #tpu.memory_space<semaphore_mem>>
        %dma_start3A = arith.constant 0 : i32
        %dma_start3A_50 = tpu.memref_slice %arg7[%run_scoped3A_45, %dma_start3A] : memref<8x128xi32, #tpu.memory_space<vmem>> -> memref<1x128xi32, #tpu.memory_space<vmem>>
        %dma_start3A_51 = tpu.memref_squeeze %dma_start3A_50 : memref<1x128xi32, #tpu.memory_space<vmem>> -> memref<128xi32, #tpu.memory_space<vmem>>
        %dma_start3A_52 = arith.constant 0 : i32
        %dma_start3A_53 = arith.constant 0 : i32
        %dma_start3A_54 = tpu.memref_slice %arg6[%dma_start3A_52, %dma_start3A_53] : memref<10112x128xf32, #tpu.memory_space<vmem_shared>> -> memref<10112x128xf32, #tpu.memory_space<vmem_shared>>
        tpu.enqueue_indirect_dma source(%arg8 : memref<128x128xf32, #tpu.memory_space<vmem>>) target(%dma_start3A_54 : memref<10112x128xf32, #tpu.memory_space<vmem_shared>>) offsets(%dma_start3A_51 : memref<128xi32, #tpu.memory_space<vmem>>) semaphore(%run_scoped3A_49 : memref<!tpu.dma_semaphore, #tpu.memory_space<semaphore_mem>>) {add = true}
        %dma_wait3A = arith.constant 0 : i32
        %dma_wait3A_55 = tpu.memref_slice %arg7[%run_scoped3A_45, %dma_wait3A] : memref<8x128xi32, #tpu.memory_space<vmem>> -> memref<1x128xi32, #tpu.memory_space<vmem>>
        %dma_wait3A_56 = tpu.memref_squeeze %dma_wait3A_55 : memref<1x128xi32, #tpu.memory_space<vmem>> -> memref<128xi32, #tpu.memory_space<vmem>>
        %dma_wait3A_57 = arith.constant 0 : i32
        %dma_wait3A_58 = arith.constant 0 : i32
        %dma_wait3A_59 = tpu.memref_slice %arg6[%dma_wait3A_57, %dma_wait3A_58] : memref<10112x128xf32, #tpu.memory_space<vmem_shared>> -> memref<10112x128xf32, #tpu.memory_space<vmem_shared>>
        tpu.wait_indirect_dma semaphore(%run_scoped3A_49 : memref<!tpu.dma_semaphore, #tpu.memory_space<semaphore_mem>>) src(%arg8 : memref<128x128xf32, #tpu.memory_space<vmem>>) dst(%dma_wait3A_59 : memref<10112x128xf32, #tpu.memory_space<vmem_shared>>)
        tpu.yield
      }) : () -> ()
      %run_scoped3A_46 = arith.constant 5 : i32
      "tpu.region"() ({
        %run_scoped3A_49 = tpu.sem_alloc : memref<!tpu.dma_semaphore, #tpu.memory_space<semaphore_mem>>
        %dma_start3A = arith.constant 0 : i32
        %dma_start3A_50 = tpu.memref_slice %arg7[%run_scoped3A_46, %dma_start3A] : memref<8x128xi32, #tpu.memory_space<vmem>> -> memref<1x128xi32, #tpu.memory_space<vmem>>
        %dma_start3A_51 = tpu.memref_squeeze %dma_start3A_50 : memref<1x128xi32, #tpu.memory_space<vmem>> -> memref<128xi32, #tpu.memory_space<vmem>>
        %dma_start3A_52 = arith.constant 0 : i32
        %dma_start3A_53 = arith.constant 0 : i32
        %dma_start3A_54 = tpu.memref_slice %arg6[%dma_start3A_52, %dma_start3A_53] : memref<10112x128xf32, #tpu.memory_space<vmem_shared>> -> memref<10112x128xf32, #tpu.memory_space<vmem_shared>>
        tpu.enqueue_indirect_dma source(%arg8 : memref<128x128xf32, #tpu.memory_space<vmem>>) target(%dma_start3A_54 : memref<10112x128xf32, #tpu.memory_space<vmem_shared>>) offsets(%dma_start3A_51 : memref<128xi32, #tpu.memory_space<vmem>>) semaphore(%run_scoped3A_49 : memref<!tpu.dma_semaphore, #tpu.memory_space<semaphore_mem>>) {add = true}
        %dma_wait3A = arith.constant 0 : i32
        %dma_wait3A_55 = tpu.memref_slice %arg7[%run_scoped3A_46, %dma_wait3A] : memref<8x128xi32, #tpu.memory_space<vmem>> -> memref<1x128xi32, #tpu.memory_space<vmem>>
        %dma_wait3A_56 = tpu.memref_squeeze %dma_wait3A_55 : memref<1x128xi32, #tpu.memory_space<vmem>> -> memref<128xi32, #tpu.memory_space<vmem>>
        %dma_wait3A_57 = arith.constant 0 : i32
        %dma_wait3A_58 = arith.constant 0 : i32
        %dma_wait3A_59 = tpu.memref_slice %arg6[%dma_wait3A_57, %dma_wait3A_58] : memref<10112x128xf32, #tpu.memory_space<vmem_shared>> -> memref<10112x128xf32, #tpu.memory_space<vmem_shared>>
        tpu.wait_indirect_dma semaphore(%run_scoped3A_49 : memref<!tpu.dma_semaphore, #tpu.memory_space<semaphore_mem>>) src(%arg8 : memref<128x128xf32, #tpu.memory_space<vmem>>) dst(%dma_wait3A_59 : memref<10112x128xf32, #tpu.memory_space<vmem_shared>>)
        tpu.yield
      }) : () -> ()
      %run_scoped3A_47 = arith.constant 6 : i32
      "tpu.region"() ({
        %run_scoped3A_49 = tpu.sem_alloc : memref<!tpu.dma_semaphore, #tpu.memory_space<semaphore_mem>>
        %dma_start3A = arith.constant 0 : i32
        %dma_start3A_50 = tpu.memref_slice %arg7[%run_scoped3A_47, %dma_start3A] : memref<8x128xi32, #tpu.memory_space<vmem>> -> memref<1x128xi32, #tpu.memory_space<vmem>>
        %dma_start3A_51 = tpu.memref_squeeze %dma_start3A_50 : memref<1x128xi32, #tpu.memory_space<vmem>> -> memref<128xi32, #tpu.memory_space<vmem>>
        %dma_start3A_52 = arith.constant 0 : i32
        %dma_start3A_53 = arith.constant 0 : i32
        %dma_start3A_54 = tpu.memref_slice %arg6[%dma_start3A_52, %dma_start3A_53] : memref<10112x128xf32, #tpu.memory_space<vmem_shared>> -> memref<10112x128xf32, #tpu.memory_space<vmem_shared>>
        tpu.enqueue_indirect_dma source(%arg8 : memref<128x128xf32, #tpu.memory_space<vmem>>) target(%dma_start3A_54 : memref<10112x128xf32, #tpu.memory_space<vmem_shared>>) offsets(%dma_start3A_51 : memref<128xi32, #tpu.memory_space<vmem>>) semaphore(%run_scoped3A_49 : memref<!tpu.dma_semaphore, #tpu.memory_space<semaphore_mem>>) {add = true}
        %dma_wait3A = arith.constant 0 : i32
        %dma_wait3A_55 = tpu.memref_slice %arg7[%run_scoped3A_47, %dma_wait3A] : memref<8x128xi32, #tpu.memory_space<vmem>> -> memref<1x128xi32, #tpu.memory_space<vmem>>
        %dma_wait3A_56 = tpu.memref_squeeze %dma_wait3A_55 : memref<1x128xi32, #tpu.memory_space<vmem>> -> memref<128xi32, #tpu.memory_space<vmem>>
        %dma_wait3A_57 = arith.constant 0 : i32
        %dma_wait3A_58 = arith.constant 0 : i32
        %dma_wait3A_59 = tpu.memref_slice %arg6[%dma_wait3A_57, %dma_wait3A_58] : memref<10112x128xf32, #tpu.memory_space<vmem_shared>> -> memref<10112x128xf32, #tpu.memory_space<vmem_shared>>
        tpu.wait_indirect_dma semaphore(%run_scoped3A_49 : memref<!tpu.dma_semaphore, #tpu.memory_space<semaphore_mem>>) src(%arg8 : memref<128x128xf32, #tpu.memory_space<vmem>>) dst(%dma_wait3A_59 : memref<10112x128xf32, #tpu.memory_space<vmem_shared>>)
        tpu.yield
      }) : () -> ()
      %run_scoped3A_48 = arith.constant 7 : i32
      "tpu.region"() ({
        %run_scoped3A_49 = tpu.sem_alloc : memref<!tpu.dma_semaphore, #tpu.memory_space<semaphore_mem>>
        %dma_start3A = arith.constant 0 : i32
        %dma_start3A_50 = tpu.memref_slice %arg7[%run_scoped3A_48, %dma_start3A] : memref<8x128xi32, #tpu.memory_space<vmem>> -> memref<1x128xi32, #tpu.memory_space<vmem>>
        %dma_start3A_51 = tpu.memref_squeeze %dma_start3A_50 : memref<1x128xi32, #tpu.memory_space<vmem>> -> memref<128xi32, #tpu.memory_space<vmem>>
        %dma_start3A_52 = arith.constant 0 : i32
        %dma_start3A_53 = arith.constant 0 : i32
        %dma_start3A_54 = tpu.memref_slice %arg6[%dma_start3A_52, %dma_start3A_53] : memref<10112x128xf32, #tpu.memory_space<vmem_shared>> -> memref<10112x128xf32, #tpu.memory_space<vmem_shared>>
        tpu.enqueue_indirect_dma source(%arg8 : memref<128x128xf32, #tpu.memory_space<vmem>>) target(%dma_start3A_54 : memref<10112x128xf32, #tpu.memory_space<vmem_shared>>) offsets(%dma_start3A_51 : memref<128xi32, #tpu.memory_space<vmem>>) semaphore(%run_scoped3A_49 : memref<!tpu.dma_semaphore, #tpu.memory_space<semaphore_mem>>) {add = true}
        %dma_wait3A = arith.constant 0 : i32
        %dma_wait3A_55 = tpu.memref_slice %arg7[%run_scoped3A_48, %dma_wait3A] : memref<8x128xi32, #tpu.memory_space<vmem>> -> memref<1x128xi32, #tpu.memory_space<vmem>>
        %dma_wait3A_56 = tpu.memref_squeeze %dma_wait3A_55 : memref<1x128xi32, #tpu.memory_space<vmem>> -> memref<128xi32, #tpu.memory_space<vmem>>
        %dma_wait3A_57 = arith.constant 0 : i32
        %dma_wait3A_58 = arith.constant 0 : i32
        %dma_wait3A_59 = tpu.memref_slice %arg6[%dma_wait3A_57, %dma_wait3A_58] : memref<10112x128xf32, #tpu.memory_space<vmem_shared>> -> memref<10112x128xf32, #tpu.memory_space<vmem_shared>>
        tpu.wait_indirect_dma semaphore(%run_scoped3A_49 : memref<!tpu.dma_semaphore, #tpu.memory_space<semaphore_mem>>) src(%arg8 : memref<128x128xf32, #tpu.memory_space<vmem>>) dst(%dma_wait3A_59 : memref<10112x128xf32, #tpu.memory_space<vmem_shared>>)
        tpu.yield
      }) : () -> ()
    }
    %scan3A_17 = arith.constant 10 : i32
    %barrier3A_18 = arith.constant 0 : index
    tpu.barrier barrier_id(%barrier3A_18)
    %add3A_19 = arith.constant 0 : i32
    %add3A_20 = arith.addi %mul3A_2, %add3A_19 : i32
    "tpu.region"() ({
      %run_scoped3A = tpu.sem_alloc : memref<!tpu.dma_semaphore, #tpu.memory_space<semaphore_mem>>
      %dma_start3A = arith.constant 0 : i32
      %dma_start3A_39 = arith.constant 0 : i32
      %dma_start3A_40 = tpu.memref_slice %arg8[%dma_start3A, %dma_start3A_39] : memref<128x128xf32, #tpu.memory_space<vmem>> -> memref<128x128xf32, #tpu.memory_space<vmem>>
      %dma_start3A_41 = arith.constant 0 : i32
      %dma_start3A_42 = tpu.memref_slice %arg6[%add3A_20, %dma_start3A_41] : memref<10112x128xf32, #tpu.memory_space<vmem_shared>> -> memref<128x128xf32, #tpu.memory_space<vmem_shared>>
      %dma_start3A_43 = arith.constant 0 : i32
      %dma_start3A_44 = arith.constant 0 : i32
      %dma_start3A_45 = tpu.memref_slice %arg8[%dma_start3A_43, %dma_start3A_44] : memref<128x128xf32, #tpu.memory_space<vmem>> -> memref<128x128xf32, #tpu.memory_space<vmem>>
      %dma_start3A_46 = arith.constant 0 : i32
      %dma_start3A_47 = tpu.memref_slice %arg6[%add3A_20, %dma_start3A_46] : memref<10112x128xf32, #tpu.memory_space<vmem_shared>> -> memref<128x128xf32, #tpu.memory_space<vmem_shared>>
      tpu.enqueue_dma source(%dma_start3A_47 : memref<128x128xf32, #tpu.memory_space<vmem_shared>>) target(%dma_start3A_45 : memref<128x128xf32, #tpu.memory_space<vmem>>) target_semaphore(%run_scoped3A : memref<!tpu.dma_semaphore, #tpu.memory_space<semaphore_mem>>)
      %dma_wait3A = arith.constant 0 : i32
      %dma_wait3A_48 = arith.constant 0 : i32
      %dma_wait3A_49 = tpu.memref_slice %arg8[%dma_wait3A, %dma_wait3A_48] : memref<128x128xf32, #tpu.memory_space<vmem>> -> memref<128x128xf32, #tpu.memory_space<vmem>>
      %dma_wait3A_50 = arith.constant 0 : i32
      %dma_wait3A_51 = tpu.memref_slice %arg6[%add3A_20, %dma_wait3A_50] : memref<10112x128xf32, #tpu.memory_space<vmem_shared>> -> memref<128x128xf32, #tpu.memory_space<vmem_shared>>
      %dma_wait3A_52 = arith.constant 0 : i32
      %dma_wait3A_53 = arith.constant 0 : i32
      %dma_wait3A_54 = tpu.memref_slice %arg8[%dma_wait3A_52, %dma_wait3A_53] : memref<128x128xf32, #tpu.memory_space<vmem>> -> memref<128x128xf32, #tpu.memory_space<vmem>>
      %dma_wait3A_55 = arith.constant 0 : i32
      %dma_wait3A_56 = tpu.memref_slice %arg6[%add3A_20, %dma_wait3A_55] : memref<10112x128xf32, #tpu.memory_space<vmem_shared>> -> memref<128x128xf32, #tpu.memory_space<vmem_shared>>
      tpu.wait_dma2 semaphore(%run_scoped3A : memref<!tpu.dma_semaphore, #tpu.memory_space<semaphore_mem>>) src(%dma_wait3A_56 : memref<128x128xf32, #tpu.memory_space<vmem_shared>>) dst(%dma_wait3A_54 : memref<128x128xf32, #tpu.memory_space<vmem>>)
      tpu.yield
    }) : () -> ()
    %add3A_21 = arith.constant 0 : i32
    %add3A_22 = arith.addi %mul3A_2, %add3A_21 : i32
    "tpu.region"() ({
      %run_scoped3A = tpu.sem_alloc : memref<!tpu.dma_semaphore, #tpu.memory_space<semaphore_mem>>
      %dma_start3A = arith.constant 0 : i32
      %dma_start3A_39 = arith.constant 0 : i32
      %dma_start3A_40 = tpu.memref_slice %arg8[%dma_start3A, %dma_start3A_39] : memref<128x128xf32, #tpu.memory_space<vmem>> -> memref<128x128xf32, #tpu.memory_space<vmem>>
      %dma_start3A_41 = arith.constant 0 : i32
      %dma_start3A_42 = arith.constant 0 : i32
      %dma_start3A_43 = tpu.memref_slice %arg5[%arg0, %dma_start3A_41, %dma_start3A_42] : memref<2x10112x128xf32, #tpu.memory_space<hbm>> -> memref<1x10112x128xf32, #tpu.memory_space<hbm>>
      %dma_start3A_44 = tpu.memref_squeeze %dma_start3A_43 : memref<1x10112x128xf32, #tpu.memory_space<hbm>> -> memref<10112x128xf32, #tpu.memory_space<hbm>>
      %dma_start3A_45 = arith.constant 0 : i32
      %dma_start3A_46 = tpu.memref_slice %dma_start3A_44[%add3A_22, %dma_start3A_45] : memref<10112x128xf32, #tpu.memory_space<hbm>> -> memref<128x128xf32, #tpu.memory_space<hbm>>
      %dma_start3A_47 = arith.constant 0 : i32
      %dma_start3A_48 = arith.constant 0 : i32
      %dma_start3A_49 = tpu.memref_slice %arg5[%arg0, %dma_start3A_47, %dma_start3A_48] : memref<2x10112x128xf32, #tpu.memory_space<hbm>> -> memref<1x10112x128xf32, #tpu.memory_space<hbm>>
      %dma_start3A_50 = tpu.memref_squeeze %dma_start3A_49 : memref<1x10112x128xf32, #tpu.memory_space<hbm>> -> memref<10112x128xf32, #tpu.memory_space<hbm>>
      %dma_start3A_51 = arith.constant 0 : i32
      %dma_start3A_52 = tpu.memref_slice %dma_start3A_50[%add3A_22, %dma_start3A_51] : memref<10112x128xf32, #tpu.memory_space<hbm>> -> memref<128x128xf32, #tpu.memory_space<hbm>>
      %dma_start3A_53 = arith.constant 0 : i32
      %dma_start3A_54 = arith.constant 0 : i32
      %dma_start3A_55 = tpu.memref_slice %arg8[%dma_start3A_53, %dma_start3A_54] : memref<128x128xf32, #tpu.memory_space<vmem>> -> memref<128x128xf32, #tpu.memory_space<vmem>>
      tpu.enqueue_dma source(%dma_start3A_55 : memref<128x128xf32, #tpu.memory_space<vmem>>) target(%dma_start3A_52 : memref<128x128xf32, #tpu.memory_space<hbm>>) target_semaphore(%run_scoped3A : memref<!tpu.dma_semaphore, #tpu.memory_space<semaphore_mem>>)
      %dma_wait3A = arith.constant 0 : i32
      %dma_wait3A_56 = arith.constant 0 : i32
      %dma_wait3A_57 = tpu.memref_slice %arg8[%dma_wait3A, %dma_wait3A_56] : memref<128x128xf32, #tpu.memory_space<vmem>> -> memref<128x128xf32, #tpu.memory_space<vmem>>
      %dma_wait3A_58 = arith.constant 0 : i32
      %dma_wait3A_59 = arith.constant 0 : i32
      %dma_wait3A_60 = tpu.memref_slice %arg5[%arg0, %dma_wait3A_58, %dma_wait3A_59] : memref<2x10112x128xf32, #tpu.memory_space<hbm>> -> memref<1x10112x128xf32, #tpu.memory_space<hbm>>
      %dma_wait3A_61 = tpu.memref_squeeze %dma_wait3A_60 : memref<1x10112x128xf32, #tpu.memory_space<hbm>> -> memref<10112x128xf32, #tpu.memory_space<hbm>>
      %dma_wait3A_62 = arith.constant 0 : i32
      %dma_wait3A_63 = tpu.memref_slice %dma_wait3A_61[%add3A_22, %dma_wait3A_62] : memref<10112x128xf32, #tpu.memory_space<hbm>> -> memref<128x128xf32, #tpu.memory_space<hbm>>
      %dma_wait3A_64 = arith.constant 0 : i32
      %dma_wait3A_65 = arith.constant 0 : i32
      %dma_wait3A_66 = tpu.memref_slice %arg5[%arg0, %dma_wait3A_64, %dma_wait3A_65] : memref<2x10112x128xf32, #tpu.memory_space<hbm>> -> memref<1x10112x128xf32, #tpu.memory_space<hbm>>
      %dma_wait3A_67 = tpu.memref_squeeze %dma_wait3A_66 : memref<1x10112x128xf32, #tpu.memory_space<hbm>> -> memref<10112x128xf32, #tpu.memory_space<hbm>>
      %dma_wait3A_68 = arith.constant 0 : i32
      %dma_wait3A_69 = tpu.memref_slice %dma_wait3A_67[%add3A_22, %dma_wait3A_68] : memref<10112x128xf32, #tpu.memory_space<hbm>> -> memref<128x128xf32, #tpu.memory_space<hbm>>
      %dma_wait3A_70 = arith.constant 0 : i32
      %dma_wait3A_71 = arith.constant 0 : i32
      %dma_wait3A_72 = tpu.memref_slice %arg8[%dma_wait3A_70, %dma_wait3A_71] : memref<128x128xf32, #tpu.memory_space<vmem>> -> memref<128x128xf32, #tpu.memory_space<vmem>>
      tpu.wait_dma2 semaphore(%run_scoped3A : memref<!tpu.dma_semaphore, #tpu.memory_space<semaphore_mem>>) src(%dma_wait3A_72 : memref<128x128xf32, #tpu.memory_space<vmem>>) dst(%dma_wait3A_69 : memref<128x128xf32, #tpu.memory_space<hbm>>)
      tpu.yield
    }) : () -> ()
    %add3A_23 = arith.constant 128 : i32
    %add3A_24 = arith.addi %mul3A_2, %add3A_23 : i32
    "tpu.region"() ({
      %run_scoped3A = tpu.sem_alloc : memref<!tpu.dma_semaphore, #tpu.memory_space<semaphore_mem>>
      %dma_start3A = arith.constant 0 : i32
      %dma_start3A_39 = arith.constant 0 : i32
      %dma_start3A_40 = tpu.memref_slice %arg8[%dma_start3A, %dma_start3A_39] : memref<128x128xf32, #tpu.memory_space<vmem>> -> memref<128x128xf32, #tpu.memory_space<vmem>>
      %dma_start3A_41 = arith.constant 0 : i32
      %dma_start3A_42 = tpu.memref_slice %arg6[%add3A_24, %dma_start3A_41] : memref<10112x128xf32, #tpu.memory_space<vmem_shared>> -> memref<128x128xf32, #tpu.memory_space<vmem_shared>>
      %dma_start3A_43 = arith.constant 0 : i32
      %dma_start3A_44 = arith.constant 0 : i32
      %dma_start3A_45 = tpu.memref_slice %arg8[%dma_start3A_43, %dma_start3A_44] : memref<128x128xf32, #tpu.memory_space<vmem>> -> memref<128x128xf32, #tpu.memory_space<vmem>>
      %dma_start3A_46 = arith.constant 0 : i32
      %dma_start3A_47 = tpu.memref_slice %arg6[%add3A_24, %dma_start3A_46] : memref<10112x128xf32, #tpu.memory_space<vmem_shared>> -> memref<128x128xf32, #tpu.memory_space<vmem_shared>>
      tpu.enqueue_dma source(%dma_start3A_47 : memref<128x128xf32, #tpu.memory_space<vmem_shared>>) target(%dma_start3A_45 : memref<128x128xf32, #tpu.memory_space<vmem>>) target_semaphore(%run_scoped3A : memref<!tpu.dma_semaphore, #tpu.memory_space<semaphore_mem>>)
      %dma_wait3A = arith.constant 0 : i32
      %dma_wait3A_48 = arith.constant 0 : i32
      %dma_wait3A_49 = tpu.memref_slice %arg8[%dma_wait3A, %dma_wait3A_48] : memref<128x128xf32, #tpu.memory_space<vmem>> -> memref<128x128xf32, #tpu.memory_space<vmem>>
      %dma_wait3A_50 = arith.constant 0 : i32
      %dma_wait3A_51 = tpu.memref_slice %arg6[%add3A_24, %dma_wait3A_50] : memref<10112x128xf32, #tpu.memory_space<vmem_shared>> -> memref<128x128xf32, #tpu.memory_space<vmem_shared>>
      %dma_wait3A_52 = arith.constant 0 : i32
      %dma_wait3A_53 = arith.constant 0 : i32
      %dma_wait3A_54 = tpu.memref_slice %arg8[%dma_wait3A_52, %dma_wait3A_53] : memref<128x128xf32, #tpu.memory_space<vmem>> -> memref<128x128xf32, #tpu.memory_space<vmem>>
      %dma_wait3A_55 = arith.constant 0 : i32
      %dma_wait3A_56 = tpu.memref_slice %arg6[%add3A_24, %dma_wait3A_55] : memref<10112x128xf32, #tpu.memory_space<vmem_shared>> -> memref<128x128xf32, #tpu.memory_space<vmem_shared>>
      tpu.wait_dma2 semaphore(%run_scoped3A : memref<!tpu.dma_semaphore, #tpu.memory_space<semaphore_mem>>) src(%dma_wait3A_56 : memref<128x128xf32, #tpu.memory_space<vmem_shared>>) dst(%dma_wait3A_54 : memref<128x128xf32, #tpu.memory_space<vmem>>)
      tpu.yield
    }) : () -> ()
    %add3A_25 = arith.constant 128 : i32
    %add3A_26 = arith.addi %mul3A_2, %add3A_25 : i32
    "tpu.region"() ({
      %run_scoped3A = tpu.sem_alloc : memref<!tpu.dma_semaphore, #tpu.memory_space<semaphore_mem>>
      %dma_start3A = arith.constant 0 : i32
      %dma_start3A_39 = arith.constant 0 : i32
      %dma_start3A_40 = tpu.memref_slice %arg8[%dma_start3A, %dma_start3A_39] : memref<128x128xf32, #tpu.memory_space<vmem>> -> memref<128x128xf32, #tpu.memory_space<vmem>>
      %dma_start3A_41 = arith.constant 0 : i32
      %dma_start3A_42 = arith.constant 0 : i32
      %dma_start3A_43 = tpu.memref_slice %arg5[%arg0, %dma_start3A_41, %dma_start3A_42] : memref<2x10112x128xf32, #tpu.memory_space<hbm>> -> memref<1x10112x128xf32, #tpu.memory_space<hbm>>
      %dma_start3A_44 = tpu.memref_squeeze %dma_start3A_43 : memref<1x10112x128xf32, #tpu.memory_space<hbm>> -> memref<10112x128xf32, #tpu.memory_space<hbm>>
      %dma_start3A_45 = arith.constant 0 : i32
      %dma_start3A_46 = tpu.memref_slice %dma_start3A_44[%add3A_26, %dma_start3A_45] : memref<10112x128xf32, #tpu.memory_space<hbm>> -> memref<128x128xf32, #tpu.memory_space<hbm>>
      %dma_start3A_47 = arith.constant 0 : i32
      %dma_start3A_48 = arith.constant 0 : i32
      %dma_start3A_49 = tpu.memref_slice %arg5[%arg0, %dma_start3A_47, %dma_start3A_48] : memref<2x10112x128xf32, #tpu.memory_space<hbm>> -> memref<1x10112x128xf32, #tpu.memory_space<hbm>>
      %dma_start3A_50 = tpu.memref_squeeze %dma_start3A_49 : memref<1x10112x128xf32, #tpu.memory_space<hbm>> -> memref<10112x128xf32, #tpu.memory_space<hbm>>
      %dma_start3A_51 = arith.constant 0 : i32
      %dma_start3A_52 = tpu.memref_slice %dma_start3A_50[%add3A_26, %dma_start3A_51] : memref<10112x128xf32, #tpu.memory_space<hbm>> -> memref<128x128xf32, #tpu.memory_space<hbm>>
      %dma_start3A_53 = arith.constant 0 : i32
      %dma_start3A_54 = arith.constant 0 : i32
      %dma_start3A_55 = tpu.memref_slice %arg8[%dma_start3A_53, %dma_start3A_54] : memref<128x128xf32, #tpu.memory_space<vmem>> -> memref<128x128xf32, #tpu.memory_space<vmem>>
      tpu.enqueue_dma source(%dma_start3A_55 : memref<128x128xf32, #tpu.memory_space<vmem>>) target(%dma_start3A_52 : memref<128x128xf32, #tpu.memory_space<hbm>>) target_semaphore(%run_scoped3A : memref<!tpu.dma_semaphore, #tpu.memory_space<semaphore_mem>>)
      %dma_wait3A = arith.constant 0 : i32
      %dma_wait3A_56 = arith.constant 0 : i32
      %dma_wait3A_57 = tpu.memref_slice %arg8[%dma_wait3A, %dma_wait3A_56] : memref<128x128xf32, #tpu.memory_space<vmem>> -> memref<128x128xf32, #tpu.memory_space<vmem>>
      %dma_wait3A_58 = arith.constant 0 : i32
      %dma_wait3A_59 = arith.constant 0 : i32
      %dma_wait3A_60 = tpu.memref_slice %arg5[%arg0, %dma_wait3A_58, %dma_wait3A_59] : memref<2x10112x128xf32, #tpu.memory_space<hbm>> -> memref<1x10112x128xf32, #tpu.memory_space<hbm>>
      %dma_wait3A_61 = tpu.memref_squeeze %dma_wait3A_60 : memref<1x10112x128xf32, #tpu.memory_space<hbm>> -> memref<10112x128xf32, #tpu.memory_space<hbm>>
      %dma_wait3A_62 = arith.constant 0 : i32
      %dma_wait3A_63 = tpu.memref_slice %dma_wait3A_61[%add3A_26, %dma_wait3A_62] : memref<10112x128xf32, #tpu.memory_space<hbm>> -> memref<128x128xf32, #tpu.memory_space<hbm>>
      %dma_wait3A_64 = arith.constant 0 : i32
      %dma_wait3A_65 = arith.constant 0 : i32
      %dma_wait3A_66 = tpu.memref_slice %arg5[%arg0, %dma_wait3A_64, %dma_wait3A_65] : memref<2x10112x128xf32, #tpu.memory_space<hbm>> -> memref<1x10112x128xf32, #tpu.memory_space<hbm>>
      %dma_wait3A_67 = tpu.memref_squeeze %dma_wait3A_66 : memref<1x10112x128xf32, #tpu.memory_space<hbm>> -> memref<10112x128xf32, #tpu.memory_space<hbm>>
      %dma_wait3A_68 = arith.constant 0 : i32
      %dma_wait3A_69 = tpu.memref_slice %dma_wait3A_67[%add3A_26, %dma_wait3A_68] : memref<10112x128xf32, #tpu.memory_space<hbm>> -> memref<128x128xf32, #tpu.memory_space<hbm>>
      %dma_wait3A_70 = arith.constant 0 : i32
      %dma_wait3A_71 = arith.constant 0 : i32
      %dma_wait3A_72 = tpu.memref_slice %arg8[%dma_wait3A_70, %dma_wait3A_71] : memref<128x128xf32, #tpu.memory_space<vmem>> -> memref<128x128xf32, #tpu.memory_space<vmem>>
      tpu.wait_dma2 semaphore(%run_scoped3A : memref<!tpu.dma_semaphore, #tpu.memory_space<semaphore_mem>>) src(%dma_wait3A_72 : memref<128x128xf32, #tpu.memory_space<vmem>>) dst(%dma_wait3A_69 : memref<128x128xf32, #tpu.memory_space<hbm>>)
      tpu.yield
    }) : () -> ()
    %add3A_27 = arith.constant 256 : i32
    %add3A_28 = arith.addi %mul3A_2, %add3A_27 : i32
    "tpu.region"() ({
      %run_scoped3A = tpu.sem_alloc : memref<!tpu.dma_semaphore, #tpu.memory_space<semaphore_mem>>
      %dma_start3A = arith.constant 0 : i32
      %dma_start3A_39 = arith.constant 0 : i32
      %dma_start3A_40 = tpu.memref_slice %arg8[%dma_start3A, %dma_start3A_39] : memref<128x128xf32, #tpu.memory_space<vmem>> -> memref<128x128xf32, #tpu.memory_space<vmem>>
      %dma_start3A_41 = arith.constant 0 : i32
      %dma_start3A_42 = tpu.memref_slice %arg6[%add3A_28, %dma_start3A_41] : memref<10112x128xf32, #tpu.memory_space<vmem_shared>> -> memref<128x128xf32, #tpu.memory_space<vmem_shared>>
      %dma_start3A_43 = arith.constant 0 : i32
      %dma_start3A_44 = arith.constant 0 : i32
      %dma_start3A_45 = tpu.memref_slice %arg8[%dma_start3A_43, %dma_start3A_44] : memref<128x128xf32, #tpu.memory_space<vmem>> -> memref<128x128xf32, #tpu.memory_space<vmem>>
      %dma_start3A_46 = arith.constant 0 : i32
      %dma_start3A_47 = tpu.memref_slice %arg6[%add3A_28, %dma_start3A_46] : memref<10112x128xf32, #tpu.memory_space<vmem_shared>> -> memref<128x128xf32, #tpu.memory_space<vmem_shared>>
      tpu.enqueue_dma source(%dma_start3A_47 : memref<128x128xf32, #tpu.memory_space<vmem_shared>>) target(%dma_start3A_45 : memref<128x128xf32, #tpu.memory_space<vmem>>) target_semaphore(%run_scoped3A : memref<!tpu.dma_semaphore, #tpu.memory_space<semaphore_mem>>)
      %dma_wait3A = arith.constant 0 : i32
      %dma_wait3A_48 = arith.constant 0 : i32
      %dma_wait3A_49 = tpu.memref_slice %arg8[%dma_wait3A, %dma_wait3A_48] : memref<128x128xf32, #tpu.memory_space<vmem>> -> memref<128x128xf32, #tpu.memory_space<vmem>>
      %dma_wait3A_50 = arith.constant 0 : i32
      %dma_wait3A_51 = tpu.memref_slice %arg6[%add3A_28, %dma_wait3A_50] : memref<10112x128xf32, #tpu.memory_space<vmem_shared>> -> memref<128x128xf32, #tpu.memory_space<vmem_shared>>
      %dma_wait3A_52 = arith.constant 0 : i32
      %dma_wait3A_53 = arith.constant 0 : i32
      %dma_wait3A_54 = tpu.memref_slice %arg8[%dma_wait3A_52, %dma_wait3A_53] : memref<128x128xf32, #tpu.memory_space<vmem>> -> memref<128x128xf32, #tpu.memory_space<vmem>>
      %dma_wait3A_55 = arith.constant 0 : i32
      %dma_wait3A_56 = tpu.memref_slice %arg6[%add3A_28, %dma_wait3A_55] : memref<10112x128xf32, #tpu.memory_space<vmem_shared>> -> memref<128x128xf32, #tpu.memory_space<vmem_shared>>
      tpu.wait_dma2 semaphore(%run_scoped3A : memref<!tpu.dma_semaphore, #tpu.memory_space<semaphore_mem>>) src(%dma_wait3A_56 : memref<128x128xf32, #tpu.memory_space<vmem_shared>>) dst(%dma_wait3A_54 : memref<128x128xf32, #tpu.memory_space<vmem>>)
      tpu.yield
    }) : () -> ()
    %add3A_29 = arith.constant 256 : i32
    %add3A_30 = arith.addi %mul3A_2, %add3A_29 : i32
    "tpu.region"() ({
      %run_scoped3A = tpu.sem_alloc : memref<!tpu.dma_semaphore, #tpu.memory_space<semaphore_mem>>
      %dma_start3A = arith.constant 0 : i32
      %dma_start3A_39 = arith.constant 0 : i32
      %dma_start3A_40 = tpu.memref_slice %arg8[%dma_start3A, %dma_start3A_39] : memref<128x128xf32, #tpu.memory_space<vmem>> -> memref<128x128xf32, #tpu.memory_space<vmem>>
      %dma_start3A_41 = arith.constant 0 : i32
      %dma_start3A_42 = arith.constant 0 : i32
      %dma_start3A_43 = tpu.memref_slice %arg5[%arg0, %dma_start3A_41, %dma_start3A_42] : memref<2x10112x128xf32, #tpu.memory_space<hbm>> -> memref<1x10112x128xf32, #tpu.memory_space<hbm>>
      %dma_start3A_44 = tpu.memref_squeeze %dma_start3A_43 : memref<1x10112x128xf32, #tpu.memory_space<hbm>> -> memref<10112x128xf32, #tpu.memory_space<hbm>>
      %dma_start3A_45 = arith.constant 0 : i32
      %dma_start3A_46 = tpu.memref_slice %dma_start3A_44[%add3A_30, %dma_start3A_45] : memref<10112x128xf32, #tpu.memory_space<hbm>> -> memref<128x128xf32, #tpu.memory_space<hbm>>
      %dma_start3A_47 = arith.constant 0 : i32
      %dma_start3A_48 = arith.constant 0 : i32
      %dma_start3A_49 = tpu.memref_slice %arg5[%arg0, %dma_start3A_47, %dma_start3A_48] : memref<2x10112x128xf32, #tpu.memory_space<hbm>> -> memref<1x10112x128xf32, #tpu.memory_space<hbm>>
      %dma_start3A_50 = tpu.memref_squeeze %dma_start3A_49 : memref<1x10112x128xf32, #tpu.memory_space<hbm>> -> memref<10112x128xf32, #tpu.memory_space<hbm>>
      %dma_start3A_51 = arith.constant 0 : i32
      %dma_start3A_52 = tpu.memref_slice %dma_start3A_50[%add3A_30, %dma_start3A_51] : memref<10112x128xf32, #tpu.memory_space<hbm>> -> memref<128x128xf32, #tpu.memory_space<hbm>>
      %dma_start3A_53 = arith.constant 0 : i32
      %dma_start3A_54 = arith.constant 0 : i32
      %dma_start3A_55 = tpu.memref_slice %arg8[%dma_start3A_53, %dma_start3A_54] : memref<128x128xf32, #tpu.memory_space<vmem>> -> memref<128x128xf32, #tpu.memory_space<vmem>>
      tpu.enqueue_dma source(%dma_start3A_55 : memref<128x128xf32, #tpu.memory_space<vmem>>) target(%dma_start3A_52 : memref<128x128xf32, #tpu.memory_space<hbm>>) target_semaphore(%run_scoped3A : memref<!tpu.dma_semaphore, #tpu.memory_space<semaphore_mem>>)
      %dma_wait3A = arith.constant 0 : i32
      %dma_wait3A_56 = arith.constant 0 : i32
      %dma_wait3A_57 = tpu.memref_slice %arg8[%dma_wait3A, %dma_wait3A_56] : memref<128x128xf32, #tpu.memory_space<vmem>> -> memref<128x128xf32, #tpu.memory_space<vmem>>
      %dma_wait3A_58 = arith.constant 0 : i32
      %dma_wait3A_59 = arith.constant 0 : i32
      %dma_wait3A_60 = tpu.memref_slice %arg5[%arg0, %dma_wait3A_58, %dma_wait3A_59] : memref<2x10112x128xf32, #tpu.memory_space<hbm>> -> memref<1x10112x128xf32, #tpu.memory_space<hbm>>
      %dma_wait3A_61 = tpu.memref_squeeze %dma_wait3A_60 : memref<1x10112x128xf32, #tpu.memory_space<hbm>> -> memref<10112x128xf32, #tpu.memory_space<hbm>>
      %dma_wait3A_62 = arith.constant 0 : i32
      %dma_wait3A_63 = tpu.memref_slice %dma_wait3A_61[%add3A_30, %dma_wait3A_62] : memref<10112x128xf32, #tpu.memory_space<hbm>> -> memref<128x128xf32, #tpu.memory_space<hbm>>
      %dma_wait3A_64 = arith.constant 0 : i32
      %dma_wait3A_65 = arith.constant 0 : i32
      %dma_wait3A_66 = tpu.memref_slice %arg5[%arg0, %dma_wait3A_64, %dma_wait3A_65] : memref<2x10112x128xf32, #tpu.memory_space<hbm>> -> memref<1x10112x128xf32, #tpu.memory_space<hbm>>
      %dma_wait3A_67 = tpu.memref_squeeze %dma_wait3A_66 : memref<1x10112x128xf32, #tpu.memory_space<hbm>> -> memref<10112x128xf32, #tpu.memory_space<hbm>>
      %dma_wait3A_68 = arith.constant 0 : i32
      %dma_wait3A_69 = tpu.memref_slice %dma_wait3A_67[%add3A_30, %dma_wait3A_68] : memref<10112x128xf32, #tpu.memory_space<hbm>> -> memref<128x128xf32, #tpu.memory_space<hbm>>
      %dma_wait3A_70 = arith.constant 0 : i32
      %dma_wait3A_71 = arith.constant 0 : i32
      %dma_wait3A_72 = tpu.memref_slice %arg8[%dma_wait3A_70, %dma_wait3A_71] : memref<128x128xf32, #tpu.memory_space<vmem>> -> memref<128x128xf32, #tpu.memory_space<vmem>>
      tpu.wait_dma2 semaphore(%run_scoped3A : memref<!tpu.dma_semaphore, #tpu.memory_space<semaphore_mem>>) src(%dma_wait3A_72 : memref<128x128xf32, #tpu.memory_space<vmem>>) dst(%dma_wait3A_69 : memref<128x128xf32, #tpu.memory_space<hbm>>)
      tpu.yield
    }) : () -> ()
    %add3A_31 = arith.constant 384 : i32
    %add3A_32 = arith.addi %mul3A_2, %add3A_31 : i32
    "tpu.region"() ({
      %run_scoped3A = tpu.sem_alloc : memref<!tpu.dma_semaphore, #tpu.memory_space<semaphore_mem>>
      %dma_start3A = arith.constant 0 : i32
      %dma_start3A_39 = arith.constant 0 : i32
      %dma_start3A_40 = tpu.memref_slice %arg8[%dma_start3A, %dma_start3A_39] : memref<128x128xf32, #tpu.memory_space<vmem>> -> memref<128x128xf32, #tpu.memory_space<vmem>>
      %dma_start3A_41 = arith.constant 0 : i32
      %dma_start3A_42 = tpu.memref_slice %arg6[%add3A_32, %dma_start3A_41] : memref<10112x128xf32, #tpu.memory_space<vmem_shared>> -> memref<128x128xf32, #tpu.memory_space<vmem_shared>>
      %dma_start3A_43 = arith.constant 0 : i32
      %dma_start3A_44 = arith.constant 0 : i32
      %dma_start3A_45 = tpu.memref_slice %arg8[%dma_start3A_43, %dma_start3A_44] : memref<128x128xf32, #tpu.memory_space<vmem>> -> memref<128x128xf32, #tpu.memory_space<vmem>>
      %dma_start3A_46 = arith.constant 0 : i32
      %dma_start3A_47 = tpu.memref_slice %arg6[%add3A_32, %dma_start3A_46] : memref<10112x128xf32, #tpu.memory_space<vmem_shared>> -> memref<128x128xf32, #tpu.memory_space<vmem_shared>>
      tpu.enqueue_dma source(%dma_start3A_47 : memref<128x128xf32, #tpu.memory_space<vmem_shared>>) target(%dma_start3A_45 : memref<128x128xf32, #tpu.memory_space<vmem>>) target_semaphore(%run_scoped3A : memref<!tpu.dma_semaphore, #tpu.memory_space<semaphore_mem>>)
      %dma_wait3A = arith.constant 0 : i32
      %dma_wait3A_48 = arith.constant 0 : i32
      %dma_wait3A_49 = tpu.memref_slice %arg8[%dma_wait3A, %dma_wait3A_48] : memref<128x128xf32, #tpu.memory_space<vmem>> -> memref<128x128xf32, #tpu.memory_space<vmem>>
      %dma_wait3A_50 = arith.constant 0 : i32
      %dma_wait3A_51 = tpu.memref_slice %arg6[%add3A_32, %dma_wait3A_50] : memref<10112x128xf32, #tpu.memory_space<vmem_shared>> -> memref<128x128xf32, #tpu.memory_space<vmem_shared>>
      %dma_wait3A_52 = arith.constant 0 : i32
      %dma_wait3A_53 = arith.constant 0 : i32
      %dma_wait3A_54 = tpu.memref_slice %arg8[%dma_wait3A_52, %dma_wait3A_53] : memref<128x128xf32, #tpu.memory_space<vmem>> -> memref<128x128xf32, #tpu.memory_space<vmem>>
      %dma_wait3A_55 = arith.constant 0 : i32
      %dma_wait3A_56 = tpu.memref_slice %arg6[%add3A_32, %dma_wait3A_55] : memref<10112x128xf32, #tpu.memory_space<vmem_shared>> -> memref<128x128xf32, #tpu.memory_space<vmem_shared>>
      tpu.wait_dma2 semaphore(%run_scoped3A : memref<!tpu.dma_semaphore, #tpu.memory_space<semaphore_mem>>) src(%dma_wait3A_56 : memref<128x128xf32, #tpu.memory_space<vmem_shared>>) dst(%dma_wait3A_54 : memref<128x128xf32, #tpu.memory_space<vmem>>)
      tpu.yield
    }) : () -> ()
    %add3A_33 = arith.constant 384 : i32
    %add3A_34 = arith.addi %mul3A_2, %add3A_33 : i32
    "tpu.region"() ({
      %run_scoped3A = tpu.sem_alloc : memref<!tpu.dma_semaphore, #tpu.memory_space<semaphore_mem>>
      %dma_start3A = arith.constant 0 : i32
      %dma_start3A_39 = arith.constant 0 : i32
      %dma_start3A_40 = tpu.memref_slice %arg8[%dma_start3A, %dma_start3A_39] : memref<128x128xf32, #tpu.memory_space<vmem>> -> memref<128x128xf32, #tpu.memory_space<vmem>>
      %dma_start3A_41 = arith.constant 0 : i32
      %dma_start3A_42 = arith.constant 0 : i32
      %dma_start3A_43 = tpu.memref_slice %arg5[%arg0, %dma_start3A_41, %dma_start3A_42] : memref<2x10112x128xf32, #tpu.memory_space<hbm>> -> memref<1x10112x128xf32, #tpu.memory_space<hbm>>
      %dma_start3A_44 = tpu.memref_squeeze %dma_start3A_43 : memref<1x10112x128xf32, #tpu.memory_space<hbm>> -> memref<10112x128xf32, #tpu.memory_space<hbm>>
      %dma_start3A_45 = arith.constant 0 : i32
      %dma_start3A_46 = tpu.memref_slice %dma_start3A_44[%add3A_34, %dma_start3A_45] : memref<10112x128xf32, #tpu.memory_space<hbm>> -> memref<128x128xf32, #tpu.memory_space<hbm>>
      %dma_start3A_47 = arith.constant 0 : i32
      %dma_start3A_48 = arith.constant 0 : i32
      %dma_start3A_49 = tpu.memref_slice %arg5[%arg0, %dma_start3A_47, %dma_start3A_48] : memref<2x10112x128xf32, #tpu.memory_space<hbm>> -> memref<1x10112x128xf32, #tpu.memory_space<hbm>>
      %dma_start3A_50 = tpu.memref_squeeze %dma_start3A_49 : memref<1x10112x128xf32, #tpu.memory_space<hbm>> -> memref<10112x128xf32, #tpu.memory_space<hbm>>
      %dma_start3A_51 = arith.constant 0 : i32
      %dma_start3A_52 = tpu.memref_slice %dma_start3A_50[%add3A_34, %dma_start3A_51] : memref<10112x128xf32, #tpu.memory_space<hbm>> -> memref<128x128xf32, #tpu.memory_space<hbm>>
      %dma_start3A_53 = arith.constant 0 : i32
      %dma_start3A_54 = arith.constant 0 : i32
      %dma_start3A_55 = tpu.memref_slice %arg8[%dma_start3A_53, %dma_start3A_54] : memref<128x128xf32, #tpu.memory_space<vmem>> -> memref<128x128xf32, #tpu.memory_space<vmem>>
      tpu.enqueue_dma source(%dma_start3A_55 : memref<128x128xf32, #tpu.memory_space<vmem>>) target(%dma_start3A_52 : memref<128x128xf32, #tpu.memory_space<hbm>>) target_semaphore(%run_scoped3A : memref<!tpu.dma_semaphore, #tpu.memory_space<semaphore_mem>>)
      %dma_wait3A = arith.constant 0 : i32
      %dma_wait3A_56 = arith.constant 0 : i32
      %dma_wait3A_57 = tpu.memref_slice %arg8[%dma_wait3A, %dma_wait3A_56] : memref<128x128xf32, #tpu.memory_space<vmem>> -> memref<128x128xf32, #tpu.memory_space<vmem>>
      %dma_wait3A_58 = arith.constant 0 : i32
      %dma_wait3A_59 = arith.constant 0 : i32
      %dma_wait3A_60 = tpu.memref_slice %arg5[%arg0, %dma_wait3A_58, %dma_wait3A_59] : memref<2x10112x128xf32, #tpu.memory_space<hbm>> -> memref<1x10112x128xf32, #tpu.memory_space<hbm>>
      %dma_wait3A_61 = tpu.memref_squeeze %dma_wait3A_60 : memref<1x10112x128xf32, #tpu.memory_space<hbm>> -> memref<10112x128xf32, #tpu.memory_space<hbm>>
      %dma_wait3A_62 = arith.constant 0 : i32
      %dma_wait3A_63 = tpu.memref_slice %dma_wait3A_61[%add3A_34, %dma_wait3A_62] : memref<10112x128xf32, #tpu.memory_space<hbm>> -> memref<128x128xf32, #tpu.memory_space<hbm>>
      %dma_wait3A_64 = arith.constant 0 : i32
      %dma_wait3A_65 = arith.constant 0 : i32
      %dma_wait3A_66 = tpu.memref_slice %arg5[%arg0, %dma_wait3A_64, %dma_wait3A_65] : memref<2x10112x128xf32, #tpu.memory_space<hbm>> -> memref<1x10112x128xf32, #tpu.memory_space<hbm>>
      %dma_wait3A_67 = tpu.memref_squeeze %dma_wait3A_66 : memref<1x10112x128xf32, #tpu.memory_space<hbm>> -> memref<10112x128xf32, #tpu.memory_space<hbm>>
      %dma_wait3A_68 = arith.constant 0 : i32
      %dma_wait3A_69 = tpu.memref_slice %dma_wait3A_67[%add3A_34, %dma_wait3A_68] : memref<10112x128xf32, #tpu.memory_space<hbm>> -> memref<128x128xf32, #tpu.memory_space<hbm>>
      %dma_wait3A_70 = arith.constant 0 : i32
      %dma_wait3A_71 = arith.constant 0 : i32
      %dma_wait3A_72 = tpu.memref_slice %arg8[%dma_wait3A_70, %dma_wait3A_71] : memref<128x128xf32, #tpu.memory_space<vmem>> -> memref<128x128xf32, #tpu.memory_space<vmem>>
      tpu.wait_dma2 semaphore(%run_scoped3A : memref<!tpu.dma_semaphore, #tpu.memory_space<semaphore_mem>>) src(%dma_wait3A_72 : memref<128x128xf32, #tpu.memory_space<vmem>>) dst(%dma_wait3A_69 : memref<128x128xf32, #tpu.memory_space<hbm>>)
      tpu.yield
    }) : () -> ()
    %add3A_35 = arith.constant 512 : i32
    %add3A_36 = arith.addi %mul3A_2, %add3A_35 : i32
    "tpu.region"() ({
      %run_scoped3A = tpu.sem_alloc : memref<!tpu.dma_semaphore, #tpu.memory_space<semaphore_mem>>
      %dma_start3A = arith.constant 0 : i32
      %dma_start3A_39 = arith.constant 0 : i32
      %dma_start3A_40 = tpu.memref_slice %arg8[%dma_start3A, %dma_start3A_39] : memref<128x128xf32, #tpu.memory_space<vmem>> -> memref<120x128xf32, #tpu.memory_space<vmem>>
      %dma_start3A_41 = arith.constant 0 : i32
      %dma_start3A_42 = tpu.memref_slice %arg6[%add3A_36, %dma_start3A_41] : memref<10112x128xf32, #tpu.memory_space<vmem_shared>> -> memref<120x128xf32, #tpu.memory_space<vmem_shared>>
      %dma_start3A_43 = arith.constant 0 : i32
      %dma_start3A_44 = arith.constant 0 : i32
      %dma_start3A_45 = tpu.memref_slice %arg8[%dma_start3A_43, %dma_start3A_44] : memref<128x128xf32, #tpu.memory_space<vmem>> -> memref<120x128xf32, #tpu.memory_space<vmem>>
      %dma_start3A_46 = arith.constant 0 : i32
      %dma_start3A_47 = tpu.memref_slice %arg6[%add3A_36, %dma_start3A_46] : memref<10112x128xf32, #tpu.memory_space<vmem_shared>> -> memref<120x128xf32, #tpu.memory_space<vmem_shared>>
      tpu.enqueue_dma source(%dma_start3A_47 : memref<120x128xf32, #tpu.memory_space<vmem_shared>>) target(%dma_start3A_45 : memref<120x128xf32, #tpu.memory_space<vmem>>) target_semaphore(%run_scoped3A : memref<!tpu.dma_semaphore, #tpu.memory_space<semaphore_mem>>)
      %dma_wait3A = arith.constant 0 : i32
      %dma_wait3A_48 = arith.constant 0 : i32
      %dma_wait3A_49 = tpu.memref_slice %arg8[%dma_wait3A, %dma_wait3A_48] : memref<128x128xf32, #tpu.memory_space<vmem>> -> memref<120x128xf32, #tpu.memory_space<vmem>>
      %dma_wait3A_50 = arith.constant 0 : i32
      %dma_wait3A_51 = tpu.memref_slice %arg6[%add3A_36, %dma_wait3A_50] : memref<10112x128xf32, #tpu.memory_space<vmem_shared>> -> memref<120x128xf32, #tpu.memory_space<vmem_shared>>
      %dma_wait3A_52 = arith.constant 0 : i32
      %dma_wait3A_53 = arith.constant 0 : i32
      %dma_wait3A_54 = tpu.memref_slice %arg8[%dma_wait3A_52, %dma_wait3A_53] : memref<128x128xf32, #tpu.memory_space<vmem>> -> memref<120x128xf32, #tpu.memory_space<vmem>>
      %dma_wait3A_55 = arith.constant 0 : i32
      %dma_wait3A_56 = tpu.memref_slice %arg6[%add3A_36, %dma_wait3A_55] : memref<10112x128xf32, #tpu.memory_space<vmem_shared>> -> memref<120x128xf32, #tpu.memory_space<vmem_shared>>
      tpu.wait_dma2 semaphore(%run_scoped3A : memref<!tpu.dma_semaphore, #tpu.memory_space<semaphore_mem>>) src(%dma_wait3A_56 : memref<120x128xf32, #tpu.memory_space<vmem_shared>>) dst(%dma_wait3A_54 : memref<120x128xf32, #tpu.memory_space<vmem>>)
      tpu.yield
    }) : () -> ()
    %add3A_37 = arith.constant 512 : i32
    %add3A_38 = arith.addi %mul3A_2, %add3A_37 : i32
    "tpu.region"() ({
      %run_scoped3A = tpu.sem_alloc : memref<!tpu.dma_semaphore, #tpu.memory_space<semaphore_mem>>
      %dma_start3A = arith.constant 0 : i32
      %dma_start3A_39 = arith.constant 0 : i32
      %dma_start3A_40 = tpu.memref_slice %arg8[%dma_start3A, %dma_start3A_39] : memref<128x128xf32, #tpu.memory_space<vmem>> -> memref<120x128xf32, #tpu.memory_space<vmem>>
      %dma_start3A_41 = arith.constant 0 : i32
      %dma_start3A_42 = arith.constant 0 : i32
      %dma_start3A_43 = tpu.memref_slice %arg5[%arg0, %dma_start3A_41, %dma_start3A_42] : memref<2x10112x128xf32, #tpu.memory_space<hbm>> -> memref<1x10112x128xf32, #tpu.memory_space<hbm>>
      %dma_start3A_44 = tpu.memref_squeeze %dma_start3A_43 : memref<1x10112x128xf32, #tpu.memory_space<hbm>> -> memref<10112x128xf32, #tpu.memory_space<hbm>>
      %dma_start3A_45 = arith.constant 0 : i32
      %dma_start3A_46 = tpu.memref_slice %dma_start3A_44[%add3A_38, %dma_start3A_45] : memref<10112x128xf32, #tpu.memory_space<hbm>> -> memref<120x128xf32, #tpu.memory_space<hbm>>
      %dma_start3A_47 = arith.constant 0 : i32
      %dma_start3A_48 = arith.constant 0 : i32
      %dma_start3A_49 = tpu.memref_slice %arg5[%arg0, %dma_start3A_47, %dma_start3A_48] : memref<2x10112x128xf32, #tpu.memory_space<hbm>> -> memref<1x10112x128xf32, #tpu.memory_space<hbm>>
      %dma_start3A_50 = tpu.memref_squeeze %dma_start3A_49 : memref<1x10112x128xf32, #tpu.memory_space<hbm>> -> memref<10112x128xf32, #tpu.memory_space<hbm>>
      %dma_start3A_51 = arith.constant 0 : i32
      %dma_start3A_52 = tpu.memref_slice %dma_start3A_50[%add3A_38, %dma_start3A_51] : memref<10112x128xf32, #tpu.memory_space<hbm>> -> memref<120x128xf32, #tpu.memory_space<hbm>>
      %dma_start3A_53 = arith.constant 0 : i32
      %dma_start3A_54 = arith.constant 0 : i32
      %dma_start3A_55 = tpu.memref_slice %arg8[%dma_start3A_53, %dma_start3A_54] : memref<128x128xf32, #tpu.memory_space<vmem>> -> memref<120x128xf32, #tpu.memory_space<vmem>>
      tpu.enqueue_dma source(%dma_start3A_55 : memref<120x128xf32, #tpu.memory_space<vmem>>) target(%dma_start3A_52 : memref<120x128xf32, #tpu.memory_space<hbm>>) target_semaphore(%run_scoped3A : memref<!tpu.dma_semaphore, #tpu.memory_space<semaphore_mem>>)
      %dma_wait3A = arith.constant 0 : i32
      %dma_wait3A_56 = arith.constant 0 : i32
      %dma_wait3A_57 = tpu.memref_slice %arg8[%dma_wait3A, %dma_wait3A_56] : memref<128x128xf32, #tpu.memory_space<vmem>> -> memref<120x128xf32, #tpu.memory_space<vmem>>
      %dma_wait3A_58 = arith.constant 0 : i32
      %dma_wait3A_59 = arith.constant 0 : i32
      %dma_wait3A_60 = tpu.memref_slice %arg5[%arg0, %dma_wait3A_58, %dma_wait3A_59] : memref<2x10112x128xf32, #tpu.memory_space<hbm>> -> memref<1x10112x128xf32, #tpu.memory_space<hbm>>
      %dma_wait3A_61 = tpu.memref_squeeze %dma_wait3A_60 : memref<1x10112x128xf32, #tpu.memory_space<hbm>> -> memref<10112x128xf32, #tpu.memory_space<hbm>>
      %dma_wait3A_62 = arith.constant 0 : i32
      %dma_wait3A_63 = tpu.memref_slice %dma_wait3A_61[%add3A_38, %dma_wait3A_62] : memref<10112x128xf32, #tpu.memory_space<hbm>> -> memref<120x128xf32, #tpu.memory_space<hbm>>
      %dma_wait3A_64 = arith.constant 0 : i32
      %dma_wait3A_65 = arith.constant 0 : i32
      %dma_wait3A_66 = tpu.memref_slice %arg5[%arg0, %dma_wait3A_64, %dma_wait3A_65] : memref<2x10112x128xf32, #tpu.memory_space<hbm>> -> memref<1x10112x128xf32, #tpu.memory_space<hbm>>
      %dma_wait3A_67 = tpu.memref_squeeze %dma_wait3A_66 : memref<1x10112x128xf32, #tpu.memory_space<hbm>> -> memref<10112x128xf32, #tpu.memory_space<hbm>>
      %dma_wait3A_68 = arith.constant 0 : i32
      %dma_wait3A_69 = tpu.memref_slice %dma_wait3A_67[%add3A_38, %dma_wait3A_68] : memref<10112x128xf32, #tpu.memory_space<hbm>> -> memref<120x128xf32, #tpu.memory_space<hbm>>
      %dma_wait3A_70 = arith.constant 0 : i32
      %dma_wait3A_71 = arith.constant 0 : i32
      %dma_wait3A_72 = tpu.memref_slice %arg8[%dma_wait3A_70, %dma_wait3A_71] : memref<128x128xf32, #tpu.memory_space<vmem>> -> memref<120x128xf32, #tpu.memory_space<vmem>>
      tpu.wait_dma2 semaphore(%run_scoped3A : memref<!tpu.dma_semaphore, #tpu.memory_space<semaphore_mem>>) src(%dma_wait3A_72 : memref<120x128xf32, #tpu.memory_space<vmem>>) dst(%dma_wait3A_69 : memref<120x128xf32, #tpu.memory_space<hbm>>)
      tpu.yield
    }) : () -> ()
    return
  }
}

#map = affine_map<(d0, d1) -> (0, 0, 0)>
#map1 = affine_map<(d0, d1) -> (0, 0)>
module attributes {stable_mosaic.version = 14 : i64} {
  func.func @_sc_scatter(%arg0: i32, %arg1: i32, %arg2: memref<2x10000x128xf32, #tpu.memory_space<hbm>>, %arg3: memref<16x160x128xi32, #tpu.memory_space<hbm>>, %arg4: memref<16x160x128xi32, #tpu.memory_space<hbm>>, %arg5: memref<128x128xf32, #tpu.memory_space<hbm>>, %arg6: memref<2x10112x128xf32, #tpu.memory_space<hbm>>, %arg7: memref<10112x128xf32, #tpu.memory_space<vmem_shared>>, %arg8: memref<8x128xi32, #tpu.memory_space<vmem>>, %arg9: memref<8x128xi32, #tpu.memory_space<vmem>>, %arg10: memref<128x128xf32, #tpu.memory_space<vmem>>, %arg11: memref<!tpu.dma_semaphore, #tpu.memory_space<semaphore_mem>>) attributes {dimension_semantics = [#tpu.dimension_semantics<core_parallel>, #tpu.dimension_semantics<subcore_parallel>], iteration_bounds = array<i64: 2, 16>, scalar_prefetch = 0 : i64, scratch_operands = 5 : i64, tpu.core_type = #tpu.core_type<sc_vector_subcore>, window_params = [{transform_indices = #map}, {transform_indices = #map}, {transform_indices = #map}, {transform_indices = #map1}, {transform_indices = #map}]} {
    "tpu.region"() ({
      %run_scoped3A = tpu.sem_alloc : memref<!tpu.dma_semaphore, #tpu.memory_space<semaphore_mem>>
      tpu.enqueue_dma source(%arg5 : memref<128x128xf32, #tpu.memory_space<hbm>>) target(%arg10 : memref<128x128xf32, #tpu.memory_space<vmem>>) target_semaphore(%run_scoped3A : memref<!tpu.dma_semaphore, #tpu.memory_space<semaphore_mem>>)
      tpu.wait_dma2 semaphore(%run_scoped3A : memref<!tpu.dma_semaphore, #tpu.memory_space<semaphore_mem>>) src(%arg5 : memref<128x128xf32, #tpu.memory_space<hbm>>) dst(%arg10 : memref<128x128xf32, #tpu.memory_space<vmem>>)
      tpu.yield
    }) : () -> ()
    %mul3A = arith.constant 632 : i32
    %mul3A_0 = arith.muli %arg1, %mul3A : i32
    %add3A = arith.constant 0 : i32
    %add3A_1 = arith.addi %mul3A_0, %add3A : i32
    "tpu.region"() ({
      %run_scoped3A = tpu.sem_alloc : memref<!tpu.dma_semaphore, #tpu.memory_space<semaphore_mem>>
      %dma_start3A = arith.constant 0 : i32
      %dma_start3A_36 = arith.constant 0 : i32
      %dma_start3A_37 = tpu.memref_slice %arg10[%dma_start3A, %dma_start3A_36] : memref<128x128xf32, #tpu.memory_space<vmem>> -> memref<128x128xf32, #tpu.memory_space<vmem>>
      %dma_start3A_38 = arith.constant 0 : i32
      %dma_start3A_39 = tpu.memref_slice %arg7[%add3A_1, %dma_start3A_38] : memref<10112x128xf32, #tpu.memory_space<vmem_shared>> -> memref<128x128xf32, #tpu.memory_space<vmem_shared>>
      %dma_start3A_40 = arith.constant 0 : i32
      %dma_start3A_41 = tpu.memref_slice %arg7[%add3A_1, %dma_start3A_40] : memref<10112x128xf32, #tpu.memory_space<vmem_shared>> -> memref<128x128xf32, #tpu.memory_space<vmem_shared>>
      %dma_start3A_42 = arith.constant 0 : i32
      %dma_start3A_43 = arith.constant 0 : i32
      %dma_start3A_44 = tpu.memref_slice %arg10[%dma_start3A_42, %dma_start3A_43] : memref<128x128xf32, #tpu.memory_space<vmem>> -> memref<128x128xf32, #tpu.memory_space<vmem>>
      tpu.enqueue_dma source(%dma_start3A_44 : memref<128x128xf32, #tpu.memory_space<vmem>>) target(%dma_start3A_41 : memref<128x128xf32, #tpu.memory_space<vmem_shared>>) target_semaphore(%run_scoped3A : memref<!tpu.dma_semaphore, #tpu.memory_space<semaphore_mem>>)
      %dma_wait3A = arith.constant 0 : i32
      %dma_wait3A_45 = arith.constant 0 : i32
      %dma_wait3A_46 = tpu.memref_slice %arg10[%dma_wait3A, %dma_wait3A_45] : memref<128x128xf32, #tpu.memory_space<vmem>> -> memref<128x128xf32, #tpu.memory_space<vmem>>
      %dma_wait3A_47 = arith.constant 0 : i32
      %dma_wait3A_48 = tpu.memref_slice %arg7[%add3A_1, %dma_wait3A_47] : memref<10112x128xf32, #tpu.memory_space<vmem_shared>> -> memref<128x128xf32, #tpu.memory_space<vmem_shared>>
      %dma_wait3A_49 = arith.constant 0 : i32
      %dma_wait3A_50 = tpu.memref_slice %arg7[%add3A_1, %dma_wait3A_49] : memref<10112x128xf32, #tpu.memory_space<vmem_shared>> -> memref<128x128xf32, #tpu.memory_space<vmem_shared>>
      %dma_wait3A_51 = arith.constant 0 : i32
      %dma_wait3A_52 = arith.constant 0 : i32
      %dma_wait3A_53 = tpu.memref_slice %arg10[%dma_wait3A_51, %dma_wait3A_52] : memref<128x128xf32, #tpu.memory_space<vmem>> -> memref<128x128xf32, #tpu.memory_space<vmem>>
      tpu.wait_dma2 semaphore(%run_scoped3A : memref<!tpu.dma_semaphore, #tpu.memory_space<semaphore_mem>>) src(%dma_wait3A_53 : memref<128x128xf32, #tpu.memory_space<vmem>>) dst(%dma_wait3A_50 : memref<128x128xf32, #tpu.memory_space<vmem_shared>>)
      tpu.yield
    }) : () -> ()
    %add3A_2 = arith.constant 128 : i32
    %add3A_3 = arith.addi %mul3A_0, %add3A_2 : i32
    "tpu.region"() ({
      %run_scoped3A = tpu.sem_alloc : memref<!tpu.dma_semaphore, #tpu.memory_space<semaphore_mem>>
      %dma_start3A = arith.constant 0 : i32
      %dma_start3A_36 = arith.constant 0 : i32
      %dma_start3A_37 = tpu.memref_slice %arg10[%dma_start3A, %dma_start3A_36] : memref<128x128xf32, #tpu.memory_space<vmem>> -> memref<128x128xf32, #tpu.memory_space<vmem>>
      %dma_start3A_38 = arith.constant 0 : i32
      %dma_start3A_39 = tpu.memref_slice %arg7[%add3A_3, %dma_start3A_38] : memref<10112x128xf32, #tpu.memory_space<vmem_shared>> -> memref<128x128xf32, #tpu.memory_space<vmem_shared>>
      %dma_start3A_40 = arith.constant 0 : i32
      %dma_start3A_41 = tpu.memref_slice %arg7[%add3A_3, %dma_start3A_40] : memref<10112x128xf32, #tpu.memory_space<vmem_shared>> -> memref<128x128xf32, #tpu.memory_space<vmem_shared>>
      %dma_start3A_42 = arith.constant 0 : i32
      %dma_start3A_43 = arith.constant 0 : i32
      %dma_start3A_44 = tpu.memref_slice %arg10[%dma_start3A_42, %dma_start3A_43] : memref<128x128xf32, #tpu.memory_space<vmem>> -> memref<128x128xf32, #tpu.memory_space<vmem>>
      tpu.enqueue_dma source(%dma_start3A_44 : memref<128x128xf32, #tpu.memory_space<vmem>>) target(%dma_start3A_41 : memref<128x128xf32, #tpu.memory_space<vmem_shared>>) target_semaphore(%run_scoped3A : memref<!tpu.dma_semaphore, #tpu.memory_space<semaphore_mem>>)
      %dma_wait3A = arith.constant 0 : i32
      %dma_wait3A_45 = arith.constant 0 : i32
      %dma_wait3A_46 = tpu.memref_slice %arg10[%dma_wait3A, %dma_wait3A_45] : memref<128x128xf32, #tpu.memory_space<vmem>> -> memref<128x128xf32, #tpu.memory_space<vmem>>
      %dma_wait3A_47 = arith.constant 0 : i32
      %dma_wait3A_48 = tpu.memref_slice %arg7[%add3A_3, %dma_wait3A_47] : memref<10112x128xf32, #tpu.memory_space<vmem_shared>> -> memref<128x128xf32, #tpu.memory_space<vmem_shared>>
      %dma_wait3A_49 = arith.constant 0 : i32
      %dma_wait3A_50 = tpu.memref_slice %arg7[%add3A_3, %dma_wait3A_49] : memref<10112x128xf32, #tpu.memory_space<vmem_shared>> -> memref<128x128xf32, #tpu.memory_space<vmem_shared>>
      %dma_wait3A_51 = arith.constant 0 : i32
      %dma_wait3A_52 = arith.constant 0 : i32
      %dma_wait3A_53 = tpu.memref_slice %arg10[%dma_wait3A_51, %dma_wait3A_52] : memref<128x128xf32, #tpu.memory_space<vmem>> -> memref<128x128xf32, #tpu.memory_space<vmem>>
      tpu.wait_dma2 semaphore(%run_scoped3A : memref<!tpu.dma_semaphore, #tpu.memory_space<semaphore_mem>>) src(%dma_wait3A_53 : memref<128x128xf32, #tpu.memory_space<vmem>>) dst(%dma_wait3A_50 : memref<128x128xf32, #tpu.memory_space<vmem_shared>>)
      tpu.yield
    }) : () -> ()
    %add3A_4 = arith.constant 256 : i32
    %add3A_5 = arith.addi %mul3A_0, %add3A_4 : i32
    "tpu.region"() ({
      %run_scoped3A = tpu.sem_alloc : memref<!tpu.dma_semaphore, #tpu.memory_space<semaphore_mem>>
      %dma_start3A = arith.constant 0 : i32
      %dma_start3A_36 = arith.constant 0 : i32
      %dma_start3A_37 = tpu.memref_slice %arg10[%dma_start3A, %dma_start3A_36] : memref<128x128xf32, #tpu.memory_space<vmem>> -> memref<128x128xf32, #tpu.memory_space<vmem>>
      %dma_start3A_38 = arith.constant 0 : i32
      %dma_start3A_39 = tpu.memref_slice %arg7[%add3A_5, %dma_start3A_38] : memref<10112x128xf32, #tpu.memory_space<vmem_shared>> -> memref<128x128xf32, #tpu.memory_space<vmem_shared>>
      %dma_start3A_40 = arith.constant 0 : i32
      %dma_start3A_41 = tpu.memref_slice %arg7[%add3A_5, %dma_start3A_40] : memref<10112x128xf32, #tpu.memory_space<vmem_shared>> -> memref<128x128xf32, #tpu.memory_space<vmem_shared>>
      %dma_start3A_42 = arith.constant 0 : i32
      %dma_start3A_43 = arith.constant 0 : i32
      %dma_start3A_44 = tpu.memref_slice %arg10[%dma_start3A_42, %dma_start3A_43] : memref<128x128xf32, #tpu.memory_space<vmem>> -> memref<128x128xf32, #tpu.memory_space<vmem>>
      tpu.enqueue_dma source(%dma_start3A_44 : memref<128x128xf32, #tpu.memory_space<vmem>>) target(%dma_start3A_41 : memref<128x128xf32, #tpu.memory_space<vmem_shared>>) target_semaphore(%run_scoped3A : memref<!tpu.dma_semaphore, #tpu.memory_space<semaphore_mem>>)
      %dma_wait3A = arith.constant 0 : i32
      %dma_wait3A_45 = arith.constant 0 : i32
      %dma_wait3A_46 = tpu.memref_slice %arg10[%dma_wait3A, %dma_wait3A_45] : memref<128x128xf32, #tpu.memory_space<vmem>> -> memref<128x128xf32, #tpu.memory_space<vmem>>
      %dma_wait3A_47 = arith.constant 0 : i32
      %dma_wait3A_48 = tpu.memref_slice %arg7[%add3A_5, %dma_wait3A_47] : memref<10112x128xf32, #tpu.memory_space<vmem_shared>> -> memref<128x128xf32, #tpu.memory_space<vmem_shared>>
      %dma_wait3A_49 = arith.constant 0 : i32
      %dma_wait3A_50 = tpu.memref_slice %arg7[%add3A_5, %dma_wait3A_49] : memref<10112x128xf32, #tpu.memory_space<vmem_shared>> -> memref<128x128xf32, #tpu.memory_space<vmem_shared>>
      %dma_wait3A_51 = arith.constant 0 : i32
      %dma_wait3A_52 = arith.constant 0 : i32
      %dma_wait3A_53 = tpu.memref_slice %arg10[%dma_wait3A_51, %dma_wait3A_52] : memref<128x128xf32, #tpu.memory_space<vmem>> -> memref<128x128xf32, #tpu.memory_space<vmem>>
      tpu.wait_dma2 semaphore(%run_scoped3A : memref<!tpu.dma_semaphore, #tpu.memory_space<semaphore_mem>>) src(%dma_wait3A_53 : memref<128x128xf32, #tpu.memory_space<vmem>>) dst(%dma_wait3A_50 : memref<128x128xf32, #tpu.memory_space<vmem_shared>>)
      tpu.yield
    }) : () -> ()
    %add3A_6 = arith.constant 384 : i32
    %add3A_7 = arith.addi %mul3A_0, %add3A_6 : i32
    "tpu.region"() ({
      %run_scoped3A = tpu.sem_alloc : memref<!tpu.dma_semaphore, #tpu.memory_space<semaphore_mem>>
      %dma_start3A = arith.constant 0 : i32
      %dma_start3A_36 = arith.constant 0 : i32
      %dma_start3A_37 = tpu.memref_slice %arg10[%dma_start3A, %dma_start3A_36] : memref<128x128xf32, #tpu.memory_space<vmem>> -> memref<128x128xf32, #tpu.memory_space<vmem>>
      %dma_start3A_38 = arith.constant 0 : i32
      %dma_start3A_39 = tpu.memref_slice %arg7[%add3A_7, %dma_start3A_38] : memref<10112x128xf32, #tpu.memory_space<vmem_shared>> -> memref<128x128xf32, #tpu.memory_space<vmem_shared>>
      %dma_start3A_40 = arith.constant 0 : i32
      %dma_start3A_41 = tpu.memref_slice %arg7[%add3A_7, %dma_start3A_40] : memref<10112x128xf32, #tpu.memory_space<vmem_shared>> -> memref<128x128xf32, #tpu.memory_space<vmem_shared>>
      %dma_start3A_42 = arith.constant 0 : i32
      %dma_start3A_43 = arith.constant 0 : i32
      %dma_start3A_44 = tpu.memref_slice %arg10[%dma_start3A_42, %dma_start3A_43] : memref<128x128xf32, #tpu.memory_space<vmem>> -> memref<128x128xf32, #tpu.memory_space<vmem>>
      tpu.enqueue_dma source(%dma_start3A_44 : memref<128x128xf32, #tpu.memory_space<vmem>>) target(%dma_start3A_41 : memref<128x128xf32, #tpu.memory_space<vmem_shared>>) target_semaphore(%run_scoped3A : memref<!tpu.dma_semaphore, #tpu.memory_space<semaphore_mem>>)
      %dma_wait3A = arith.constant 0 : i32
      %dma_wait3A_45 = arith.constant 0 : i32
      %dma_wait3A_46 = tpu.memref_slice %arg10[%dma_wait3A, %dma_wait3A_45] : memref<128x128xf32, #tpu.memory_space<vmem>> -> memref<128x128xf32, #tpu.memory_space<vmem>>
      %dma_wait3A_47 = arith.constant 0 : i32
      %dma_wait3A_48 = tpu.memref_slice %arg7[%add3A_7, %dma_wait3A_47] : memref<10112x128xf32, #tpu.memory_space<vmem_shared>> -> memref<128x128xf32, #tpu.memory_space<vmem_shared>>
      %dma_wait3A_49 = arith.constant 0 : i32
      %dma_wait3A_50 = tpu.memref_slice %arg7[%add3A_7, %dma_wait3A_49] : memref<10112x128xf32, #tpu.memory_space<vmem_shared>> -> memref<128x128xf32, #tpu.memory_space<vmem_shared>>
      %dma_wait3A_51 = arith.constant 0 : i32
      %dma_wait3A_52 = arith.constant 0 : i32
      %dma_wait3A_53 = tpu.memref_slice %arg10[%dma_wait3A_51, %dma_wait3A_52] : memref<128x128xf32, #tpu.memory_space<vmem>> -> memref<128x128xf32, #tpu.memory_space<vmem>>
      tpu.wait_dma2 semaphore(%run_scoped3A : memref<!tpu.dma_semaphore, #tpu.memory_space<semaphore_mem>>) src(%dma_wait3A_53 : memref<128x128xf32, #tpu.memory_space<vmem>>) dst(%dma_wait3A_50 : memref<128x128xf32, #tpu.memory_space<vmem_shared>>)
      tpu.yield
    }) : () -> ()
    %add3A_8 = arith.constant 512 : i32
    %add3A_9 = arith.addi %mul3A_0, %add3A_8 : i32
    "tpu.region"() ({
      %run_scoped3A = tpu.sem_alloc : memref<!tpu.dma_semaphore, #tpu.memory_space<semaphore_mem>>
      %dma_start3A = arith.constant 0 : i32
      %dma_start3A_36 = arith.constant 0 : i32
      %dma_start3A_37 = tpu.memref_slice %arg10[%dma_start3A, %dma_start3A_36] : memref<128x128xf32, #tpu.memory_space<vmem>> -> memref<120x128xf32, #tpu.memory_space<vmem>>
      %dma_start3A_38 = arith.constant 0 : i32
      %dma_start3A_39 = tpu.memref_slice %arg7[%add3A_9, %dma_start3A_38] : memref<10112x128xf32, #tpu.memory_space<vmem_shared>> -> memref<120x128xf32, #tpu.memory_space<vmem_shared>>
      %dma_start3A_40 = arith.constant 0 : i32
      %dma_start3A_41 = tpu.memref_slice %arg7[%add3A_9, %dma_start3A_40] : memref<10112x128xf32, #tpu.memory_space<vmem_shared>> -> memref<120x128xf32, #tpu.memory_space<vmem_shared>>
      %dma_start3A_42 = arith.constant 0 : i32
      %dma_start3A_43 = arith.constant 0 : i32
      %dma_start3A_44 = tpu.memref_slice %arg10[%dma_start3A_42, %dma_start3A_43] : memref<128x128xf32, #tpu.memory_space<vmem>> -> memref<120x128xf32, #tpu.memory_space<vmem>>
      tpu.enqueue_dma source(%dma_start3A_44 : memref<120x128xf32, #tpu.memory_space<vmem>>) target(%dma_start3A_41 : memref<120x128xf32, #tpu.memory_space<vmem_shared>>) target_semaphore(%run_scoped3A : memref<!tpu.dma_semaphore, #tpu.memory_space<semaphore_mem>>)
      %dma_wait3A = arith.constant 0 : i32
      %dma_wait3A_45 = arith.constant 0 : i32
      %dma_wait3A_46 = tpu.memref_slice %arg10[%dma_wait3A, %dma_wait3A_45] : memref<128x128xf32, #tpu.memory_space<vmem>> -> memref<120x128xf32, #tpu.memory_space<vmem>>
      %dma_wait3A_47 = arith.constant 0 : i32
      %dma_wait3A_48 = tpu.memref_slice %arg7[%add3A_9, %dma_wait3A_47] : memref<10112x128xf32, #tpu.memory_space<vmem_shared>> -> memref<120x128xf32, #tpu.memory_space<vmem_shared>>
      %dma_wait3A_49 = arith.constant 0 : i32
      %dma_wait3A_50 = tpu.memref_slice %arg7[%add3A_9, %dma_wait3A_49] : memref<10112x128xf32, #tpu.memory_space<vmem_shared>> -> memref<120x128xf32, #tpu.memory_space<vmem_shared>>
      %dma_wait3A_51 = arith.constant 0 : i32
      %dma_wait3A_52 = arith.constant 0 : i32
      %dma_wait3A_53 = tpu.memref_slice %arg10[%dma_wait3A_51, %dma_wait3A_52] : memref<128x128xf32, #tpu.memory_space<vmem>> -> memref<120x128xf32, #tpu.memory_space<vmem>>
      tpu.wait_dma2 semaphore(%run_scoped3A : memref<!tpu.dma_semaphore, #tpu.memory_space<semaphore_mem>>) src(%dma_wait3A_53 : memref<120x128xf32, #tpu.memory_space<vmem>>) dst(%dma_wait3A_50 : memref<120x128xf32, #tpu.memory_space<vmem_shared>>)
      tpu.yield
    }) : () -> ()
    %barrier3A = arith.constant 0 : index
    tpu.barrier barrier_id(%barrier3A)
    %scan3A = arith.constant 0 : i32
    %scan3A_10 = arith.constant 0 : i32
    %scan3A_11 = arith.constant 20 : i32
    %scan3A_12 = arith.addi %scan3A_10, %scan3A_11 : i32
    %scan3A_13 = arith.constant 1 : i32
    scf.for %scan3A_36 = %scan3A_10 to %scan3A_12 step %scan3A_13  : i32 {
      %mul3A_37 = arith.constant 8 : i32
      %mul3A_38 = arith.muli %scan3A_36, %mul3A_37 : i32
      "tpu.region"() ({
        %run_scoped3A_222 = tpu.sem_alloc : memref<!tpu.dma_semaphore, #tpu.memory_space<semaphore_mem>>
        %dma_start3A_223 = arith.constant 0 : i32
        %dma_start3A_224 = arith.constant 0 : i32
        %dma_start3A_225 = tpu.memref_slice %arg3[%arg1, %dma_start3A_223, %dma_start3A_224] : memref<16x160x128xi32, #tpu.memory_space<hbm>> -> memref<1x160x128xi32, #tpu.memory_space<hbm>>
        %dma_start3A_226 = tpu.memref_squeeze %dma_start3A_225 : memref<1x160x128xi32, #tpu.memory_space<hbm>> -> memref<160x128xi32, #tpu.memory_space<hbm>>
        %dma_start3A_227 = arith.constant 0 : i32
        %dma_start3A_228 = tpu.memref_slice %dma_start3A_226[%mul3A_38, %dma_start3A_227] : memref<160x128xi32, #tpu.memory_space<hbm>> -> memref<8x128xi32, #tpu.memory_space<hbm>>
        %dma_start3A_229 = arith.constant 0 : i32
        %dma_start3A_230 = arith.constant 0 : i32
        %dma_start3A_231 = tpu.memref_slice %arg3[%arg1, %dma_start3A_229, %dma_start3A_230] : memref<16x160x128xi32, #tpu.memory_space<hbm>> -> memref<1x160x128xi32, #tpu.memory_space<hbm>>
        %dma_start3A_232 = tpu.memref_squeeze %dma_start3A_231 : memref<1x160x128xi32, #tpu.memory_space<hbm>> -> memref<160x128xi32, #tpu.memory_space<hbm>>
        %dma_start3A_233 = arith.constant 0 : i32
        %dma_start3A_234 = tpu.memref_slice %dma_start3A_232[%mul3A_38, %dma_start3A_233] : memref<160x128xi32, #tpu.memory_space<hbm>> -> memref<8x128xi32, #tpu.memory_space<hbm>>
        tpu.enqueue_dma source(%dma_start3A_234 : memref<8x128xi32, #tpu.memory_space<hbm>>) target(%arg8 : memref<8x128xi32, #tpu.memory_space<vmem>>) target_semaphore(%run_scoped3A_222 : memref<!tpu.dma_semaphore, #tpu.memory_space<semaphore_mem>>)
        %dma_wait3A_235 = arith.constant 0 : i32
        %dma_wait3A_236 = arith.constant 0 : i32
        %dma_wait3A_237 = tpu.memref_slice %arg3[%arg1, %dma_wait3A_235, %dma_wait3A_236] : memref<16x160x128xi32, #tpu.memory_space<hbm>> -> memref<1x160x128xi32, #tpu.memory_space<hbm>>
        %dma_wait3A_238 = tpu.memref_squeeze %dma_wait3A_237 : memref<1x160x128xi32, #tpu.memory_space<hbm>> -> memref<160x128xi32, #tpu.memory_space<hbm>>
        %dma_wait3A_239 = arith.constant 0 : i32
        %dma_wait3A_240 = tpu.memref_slice %dma_wait3A_238[%mul3A_38, %dma_wait3A_239] : memref<160x128xi32, #tpu.memory_space<hbm>> -> memref<8x128xi32, #tpu.memory_space<hbm>>
        %dma_wait3A_241 = arith.constant 0 : i32
        %dma_wait3A_242 = arith.constant 0 : i32
        %dma_wait3A_243 = tpu.memref_slice %arg3[%arg1, %dma_wait3A_241, %dma_wait3A_242] : memref<16x160x128xi32, #tpu.memory_space<hbm>> -> memref<1x160x128xi32, #tpu.memory_space<hbm>>
        %dma_wait3A_244 = tpu.memref_squeeze %dma_wait3A_243 : memref<1x160x128xi32, #tpu.memory_space<hbm>> -> memref<160x128xi32, #tpu.memory_space<hbm>>
        %dma_wait3A_245 = arith.constant 0 : i32
        %dma_wait3A_246 = tpu.memref_slice %dma_wait3A_244[%mul3A_38, %dma_wait3A_245] : memref<160x128xi32, #tpu.memory_space<hbm>> -> memref<8x128xi32, #tpu.memory_space<hbm>>
        tpu.wait_dma2 semaphore(%run_scoped3A_222 : memref<!tpu.dma_semaphore, #tpu.memory_space<semaphore_mem>>) src(%dma_wait3A_246 : memref<8x128xi32, #tpu.memory_space<hbm>>) dst(%arg8 : memref<8x128xi32, #tpu.memory_space<vmem>>)
        tpu.yield
      }) : () -> ()
      %mul3A_39 = arith.constant 8 : i32
      %mul3A_40 = arith.muli %scan3A_36, %mul3A_39 : i32
      "tpu.region"() ({
        %run_scoped3A_222 = tpu.sem_alloc : memref<!tpu.dma_semaphore, #tpu.memory_space<semaphore_mem>>
        %dma_start3A_223 = arith.constant 0 : i32
        %dma_start3A_224 = arith.constant 0 : i32
        %dma_start3A_225 = tpu.memref_slice %arg4[%arg1, %dma_start3A_223, %dma_start3A_224] : memref<16x160x128xi32, #tpu.memory_space<hbm>> -> memref<1x160x128xi32, #tpu.memory_space<hbm>>
        %dma_start3A_226 = tpu.memref_squeeze %dma_start3A_225 : memref<1x160x128xi32, #tpu.memory_space<hbm>> -> memref<160x128xi32, #tpu.memory_space<hbm>>
        %dma_start3A_227 = arith.constant 0 : i32
        %dma_start3A_228 = tpu.memref_slice %dma_start3A_226[%mul3A_40, %dma_start3A_227] : memref<160x128xi32, #tpu.memory_space<hbm>> -> memref<8x128xi32, #tpu.memory_space<hbm>>
        %dma_start3A_229 = arith.constant 0 : i32
        %dma_start3A_230 = arith.constant 0 : i32
        %dma_start3A_231 = tpu.memref_slice %arg4[%arg1, %dma_start3A_229, %dma_start3A_230] : memref<16x160x128xi32, #tpu.memory_space<hbm>> -> memref<1x160x128xi32, #tpu.memory_space<hbm>>
        %dma_start3A_232 = tpu.memref_squeeze %dma_start3A_231 : memref<1x160x128xi32, #tpu.memory_space<hbm>> -> memref<160x128xi32, #tpu.memory_space<hbm>>
        %dma_start3A_233 = arith.constant 0 : i32
        %dma_start3A_234 = tpu.memref_slice %dma_start3A_232[%mul3A_40, %dma_start3A_233] : memref<160x128xi32, #tpu.memory_space<hbm>> -> memref<8x128xi32, #tpu.memory_space<hbm>>
        tpu.enqueue_dma source(%dma_start3A_234 : memref<8x128xi32, #tpu.memory_space<hbm>>) target(%arg9 : memref<8x128xi32, #tpu.memory_space<vmem>>) target_semaphore(%run_scoped3A_222 : memref<!tpu.dma_semaphore, #tpu.memory_space<semaphore_mem>>)
        %dma_wait3A_235 = arith.constant 0 : i32
        %dma_wait3A_236 = arith.constant 0 : i32
        %dma_wait3A_237 = tpu.memref_slice %arg4[%arg1, %dma_wait3A_235, %dma_wait3A_236] : memref<16x160x128xi32, #tpu.memory_space<hbm>> -> memref<1x160x128xi32, #tpu.memory_space<hbm>>
        %dma_wait3A_238 = tpu.memref_squeeze %dma_wait3A_237 : memref<1x160x128xi32, #tpu.memory_space<hbm>> -> memref<160x128xi32, #tpu.memory_space<hbm>>
        %dma_wait3A_239 = arith.constant 0 : i32
        %dma_wait3A_240 = tpu.memref_slice %dma_wait3A_238[%mul3A_40, %dma_wait3A_239] : memref<160x128xi32, #tpu.memory_space<hbm>> -> memref<8x128xi32, #tpu.memory_space<hbm>>
        %dma_wait3A_241 = arith.constant 0 : i32
        %dma_wait3A_242 = arith.constant 0 : i32
        %dma_wait3A_243 = tpu.memref_slice %arg4[%arg1, %dma_wait3A_241, %dma_wait3A_242] : memref<16x160x128xi32, #tpu.memory_space<hbm>> -> memref<1x160x128xi32, #tpu.memory_space<hbm>>
        %dma_wait3A_244 = tpu.memref_squeeze %dma_wait3A_243 : memref<1x160x128xi32, #tpu.memory_space<hbm>> -> memref<160x128xi32, #tpu.memory_space<hbm>>
        %dma_wait3A_245 = arith.constant 0 : i32
        %dma_wait3A_246 = tpu.memref_slice %dma_wait3A_244[%mul3A_40, %dma_wait3A_245] : memref<160x128xi32, #tpu.memory_space<hbm>> -> memref<8x128xi32, #tpu.memory_space<hbm>>
        tpu.wait_dma2 semaphore(%run_scoped3A_222 : memref<!tpu.dma_semaphore, #tpu.memory_space<semaphore_mem>>) src(%dma_wait3A_246 : memref<8x128xi32, #tpu.memory_space<hbm>>) dst(%arg9 : memref<8x128xi32, #tpu.memory_space<vmem>>)
        tpu.yield
      }) : () -> ()
      %dma_start3A = arith.constant 0 : i32
      %dma_start3A_41 = arith.constant 0 : i32
      %dma_start3A_42 = tpu.memref_slice %arg8[%dma_start3A, %dma_start3A_41] : memref<8x128xi32, #tpu.memory_space<vmem>> -> memref<1x128xi32, #tpu.memory_space<vmem>>
      %dma_start3A_43 = tpu.memref_squeeze %dma_start3A_42 : memref<1x128xi32, #tpu.memory_space<vmem>> -> memref<128xi32, #tpu.memory_space<vmem>>
      %dma_start3A_44 = arith.constant 0 : i32
      %dma_start3A_45 = arith.constant 0 : i32
      %dma_start3A_46 = tpu.memref_slice %arg2[%arg0, %dma_start3A_44, %dma_start3A_45] : memref<2x10000x128xf32, #tpu.memory_space<hbm>> -> memref<1x10000x128xf32, #tpu.memory_space<hbm>>
      %dma_start3A_47 = tpu.memref_squeeze %dma_start3A_46 : memref<1x10000x128xf32, #tpu.memory_space<hbm>> -> memref<10000x128xf32, #tpu.memory_space<hbm>>
      %dma_start3A_48 = arith.constant 0 : i32
      %dma_start3A_49 = arith.constant 0 : i32
      %dma_start3A_50 = tpu.memref_slice %dma_start3A_47[%dma_start3A_48, %dma_start3A_49] : memref<10000x128xf32, #tpu.memory_space<hbm>> -> memref<10000x128xf32, #tpu.memory_space<hbm>>
      tpu.enqueue_indirect_dma source(%dma_start3A_50 : memref<10000x128xf32, #tpu.memory_space<hbm>>) target(%arg10 : memref<128x128xf32, #tpu.memory_space<vmem>>) offsets(%dma_start3A_43 : memref<128xi32, #tpu.memory_space<vmem>>) semaphore(%arg11 : memref<!tpu.dma_semaphore, #tpu.memory_space<semaphore_mem>>)
      %dma_wait3A = arith.constant 0 : i32
      %dma_wait3A_51 = arith.constant 0 : i32
      %dma_wait3A_52 = tpu.memref_slice %arg8[%dma_wait3A, %dma_wait3A_51] : memref<8x128xi32, #tpu.memory_space<vmem>> -> memref<1x128xi32, #tpu.memory_space<vmem>>
      %dma_wait3A_53 = tpu.memref_squeeze %dma_wait3A_52 : memref<1x128xi32, #tpu.memory_space<vmem>> -> memref<128xi32, #tpu.memory_space<vmem>>
      %dma_wait3A_54 = arith.constant 0 : i32
      %dma_wait3A_55 = arith.constant 0 : i32
      %dma_wait3A_56 = tpu.memref_slice %arg2[%arg0, %dma_wait3A_54, %dma_wait3A_55] : memref<2x10000x128xf32, #tpu.memory_space<hbm>> -> memref<1x10000x128xf32, #tpu.memory_space<hbm>>
      %dma_wait3A_57 = tpu.memref_squeeze %dma_wait3A_56 : memref<1x10000x128xf32, #tpu.memory_space<hbm>> -> memref<10000x128xf32, #tpu.memory_space<hbm>>
      %dma_wait3A_58 = arith.constant 0 : i32
      %dma_wait3A_59 = arith.constant 0 : i32
      %dma_wait3A_60 = tpu.memref_slice %dma_wait3A_57[%dma_wait3A_58, %dma_wait3A_59] : memref<10000x128xf32, #tpu.memory_space<hbm>> -> memref<10000x128xf32, #tpu.memory_space<hbm>>
      tpu.wait_indirect_dma semaphore(%arg11 : memref<!tpu.dma_semaphore, #tpu.memory_space<semaphore_mem>>) src(%dma_wait3A_60 : memref<10000x128xf32, #tpu.memory_space<hbm>>) dst(%arg10 : memref<128x128xf32, #tpu.memory_space<vmem>>)
      %run_scoped3A = arith.constant 0 : i32
      "tpu.region"() ({
        %run_scoped3A_222 = tpu.sem_alloc : memref<!tpu.dma_semaphore, #tpu.memory_space<semaphore_mem>>
        %dma_start3A_223 = arith.constant 0 : i32
        %dma_start3A_224 = tpu.memref_slice %arg9[%run_scoped3A, %dma_start3A_223] : memref<8x128xi32, #tpu.memory_space<vmem>> -> memref<1x128xi32, #tpu.memory_space<vmem>>
        %dma_start3A_225 = tpu.memref_squeeze %dma_start3A_224 : memref<1x128xi32, #tpu.memory_space<vmem>> -> memref<128xi32, #tpu.memory_space<vmem>>
        %dma_start3A_226 = arith.constant 0 : i32
        %dma_start3A_227 = arith.constant 0 : i32
        %dma_start3A_228 = tpu.memref_slice %arg7[%dma_start3A_226, %dma_start3A_227] : memref<10112x128xf32, #tpu.memory_space<vmem_shared>> -> memref<10112x128xf32, #tpu.memory_space<vmem_shared>>
        tpu.enqueue_indirect_dma source(%arg10 : memref<128x128xf32, #tpu.memory_space<vmem>>) target(%dma_start3A_228 : memref<10112x128xf32, #tpu.memory_space<vmem_shared>>) offsets(%dma_start3A_225 : memref<128xi32, #tpu.memory_space<vmem>>) semaphore(%run_scoped3A_222 : memref<!tpu.dma_semaphore, #tpu.memory_space<semaphore_mem>>) {add = true}
        %dma_wait3A_229 = arith.constant 0 : i32
        %dma_wait3A_230 = tpu.memref_slice %arg9[%run_scoped3A, %dma_wait3A_229] : memref<8x128xi32, #tpu.memory_space<vmem>> -> memref<1x128xi32, #tpu.memory_space<vmem>>
        %dma_wait3A_231 = tpu.memref_squeeze %dma_wait3A_230 : memref<1x128xi32, #tpu.memory_space<vmem>> -> memref<128xi32, #tpu.memory_space<vmem>>
        %dma_wait3A_232 = arith.constant 0 : i32
        %dma_wait3A_233 = arith.constant 0 : i32
        %dma_wait3A_234 = tpu.memref_slice %arg7[%dma_wait3A_232, %dma_wait3A_233] : memref<10112x128xf32, #tpu.memory_space<vmem_shared>> -> memref<10112x128xf32, #tpu.memory_space<vmem_shared>>
        tpu.wait_indirect_dma semaphore(%run_scoped3A_222 : memref<!tpu.dma_semaphore, #tpu.memory_space<semaphore_mem>>) src(%arg10 : memref<128x128xf32, #tpu.memory_space<vmem>>) dst(%dma_wait3A_234 : memref<10112x128xf32, #tpu.memory_space<vmem_shared>>)
        tpu.yield
      }) : () -> ()
      %dma_start3A_61 = arith.constant 1 : i32
      %dma_start3A_62 = arith.constant 0 : i32
      %dma_start3A_63 = tpu.memref_slice %arg8[%dma_start3A_61, %dma_start3A_62] : memref<8x128xi32, #tpu.memory_space<vmem>> -> memref<1x128xi32, #tpu.memory_space<vmem>>
      %dma_start3A_64 = tpu.memref_squeeze %dma_start3A_63 : memref<1x128xi32, #tpu.memory_space<vmem>> -> memref<128xi32, #tpu.memory_space<vmem>>
      %dma_start3A_65 = arith.constant 0 : i32
      %dma_start3A_66 = arith.constant 0 : i32
      %dma_start3A_67 = tpu.memref_slice %arg2[%arg0, %dma_start3A_65, %dma_start3A_66] : memref<2x10000x128xf32, #tpu.memory_space<hbm>> -> memref<1x10000x128xf32, #tpu.memory_space<hbm>>
      %dma_start3A_68 = tpu.memref_squeeze %dma_start3A_67 : memref<1x10000x128xf32, #tpu.memory_space<hbm>> -> memref<10000x128xf32, #tpu.memory_space<hbm>>
      %dma_start3A_69 = arith.constant 0 : i32
      %dma_start3A_70 = arith.constant 0 : i32
      %dma_start3A_71 = tpu.memref_slice %dma_start3A_68[%dma_start3A_69, %dma_start3A_70] : memref<10000x128xf32, #tpu.memory_space<hbm>> -> memref<10000x128xf32, #tpu.memory_space<hbm>>
      tpu.enqueue_indirect_dma source(%dma_start3A_71 : memref<10000x128xf32, #tpu.memory_space<hbm>>) target(%arg10 : memref<128x128xf32, #tpu.memory_space<vmem>>) offsets(%dma_start3A_64 : memref<128xi32, #tpu.memory_space<vmem>>) semaphore(%arg11 : memref<!tpu.dma_semaphore, #tpu.memory_space<semaphore_mem>>)
      %dma_wait3A_72 = arith.constant 1 : i32
      %dma_wait3A_73 = arith.constant 0 : i32
      %dma_wait3A_74 = tpu.memref_slice %arg8[%dma_wait3A_72, %dma_wait3A_73] : memref<8x128xi32, #tpu.memory_space<vmem>> -> memref<1x128xi32, #tpu.memory_space<vmem>>
      %dma_wait3A_75 = tpu.memref_squeeze %dma_wait3A_74 : memref<1x128xi32, #tpu.memory_space<vmem>> -> memref<128xi32, #tpu.memory_space<vmem>>
      %dma_wait3A_76 = arith.constant 0 : i32
      %dma_wait3A_77 = arith.constant 0 : i32
      %dma_wait3A_78 = tpu.memref_slice %arg2[%arg0, %dma_wait3A_76, %dma_wait3A_77] : memref<2x10000x128xf32, #tpu.memory_space<hbm>> -> memref<1x10000x128xf32, #tpu.memory_space<hbm>>
      %dma_wait3A_79 = tpu.memref_squeeze %dma_wait3A_78 : memref<1x10000x128xf32, #tpu.memory_space<hbm>> -> memref<10000x128xf32, #tpu.memory_space<hbm>>
      %dma_wait3A_80 = arith.constant 0 : i32
      %dma_wait3A_81 = arith.constant 0 : i32
      %dma_wait3A_82 = tpu.memref_slice %dma_wait3A_79[%dma_wait3A_80, %dma_wait3A_81] : memref<10000x128xf32, #tpu.memory_space<hbm>> -> memref<10000x128xf32, #tpu.memory_space<hbm>>
      tpu.wait_indirect_dma semaphore(%arg11 : memref<!tpu.dma_semaphore, #tpu.memory_space<semaphore_mem>>) src(%dma_wait3A_82 : memref<10000x128xf32, #tpu.memory_space<hbm>>) dst(%arg10 : memref<128x128xf32, #tpu.memory_space<vmem>>)
      %run_scoped3A_83 = arith.constant 1 : i32
      "tpu.region"() ({
        %run_scoped3A_222 = tpu.sem_alloc : memref<!tpu.dma_semaphore, #tpu.memory_space<semaphore_mem>>
        %dma_start3A_223 = arith.constant 0 : i32
        %dma_start3A_224 = tpu.memref_slice %arg9[%run_scoped3A_83, %dma_start3A_223] : memref<8x128xi32, #tpu.memory_space<vmem>> -> memref<1x128xi32, #tpu.memory_space<vmem>>
        %dma_start3A_225 = tpu.memref_squeeze %dma_start3A_224 : memref<1x128xi32, #tpu.memory_space<vmem>> -> memref<128xi32, #tpu.memory_space<vmem>>
        %dma_start3A_226 = arith.constant 0 : i32
        %dma_start3A_227 = arith.constant 0 : i32
        %dma_start3A_228 = tpu.memref_slice %arg7[%dma_start3A_226, %dma_start3A_227] : memref<10112x128xf32, #tpu.memory_space<vmem_shared>> -> memref<10112x128xf32, #tpu.memory_space<vmem_shared>>
        tpu.enqueue_indirect_dma source(%arg10 : memref<128x128xf32, #tpu.memory_space<vmem>>) target(%dma_start3A_228 : memref<10112x128xf32, #tpu.memory_space<vmem_shared>>) offsets(%dma_start3A_225 : memref<128xi32, #tpu.memory_space<vmem>>) semaphore(%run_scoped3A_222 : memref<!tpu.dma_semaphore, #tpu.memory_space<semaphore_mem>>) {add = true}
        %dma_wait3A_229 = arith.constant 0 : i32
        %dma_wait3A_230 = tpu.memref_slice %arg9[%run_scoped3A_83, %dma_wait3A_229] : memref<8x128xi32, #tpu.memory_space<vmem>> -> memref<1x128xi32, #tpu.memory_space<vmem>>
        %dma_wait3A_231 = tpu.memref_squeeze %dma_wait3A_230 : memref<1x128xi32, #tpu.memory_space<vmem>> -> memref<128xi32, #tpu.memory_space<vmem>>
        %dma_wait3A_232 = arith.constant 0 : i32
        %dma_wait3A_233 = arith.constant 0 : i32
        %dma_wait3A_234 = tpu.memref_slice %arg7[%dma_wait3A_232, %dma_wait3A_233] : memref<10112x128xf32, #tpu.memory_space<vmem_shared>> -> memref<10112x128xf32, #tpu.memory_space<vmem_shared>>
        tpu.wait_indirect_dma semaphore(%run_scoped3A_222 : memref<!tpu.dma_semaphore, #tpu.memory_space<semaphore_mem>>) src(%arg10 : memref<128x128xf32, #tpu.memory_space<vmem>>) dst(%dma_wait3A_234 : memref<10112x128xf32, #tpu.memory_space<vmem_shared>>)
        tpu.yield
      }) : () -> ()
      %dma_start3A_84 = arith.constant 2 : i32
      %dma_start3A_85 = arith.constant 0 : i32
      %dma_start3A_86 = tpu.memref_slice %arg8[%dma_start3A_84, %dma_start3A_85] : memref<8x128xi32, #tpu.memory_space<vmem>> -> memref<1x128xi32, #tpu.memory_space<vmem>>
      %dma_start3A_87 = tpu.memref_squeeze %dma_start3A_86 : memref<1x128xi32, #tpu.memory_space<vmem>> -> memref<128xi32, #tpu.memory_space<vmem>>
      %dma_start3A_88 = arith.constant 0 : i32
      %dma_start3A_89 = arith.constant 0 : i32
      %dma_start3A_90 = tpu.memref_slice %arg2[%arg0, %dma_start3A_88, %dma_start3A_89] : memref<2x10000x128xf32, #tpu.memory_space<hbm>> -> memref<1x10000x128xf32, #tpu.memory_space<hbm>>
      %dma_start3A_91 = tpu.memref_squeeze %dma_start3A_90 : memref<1x10000x128xf32, #tpu.memory_space<hbm>> -> memref<10000x128xf32, #tpu.memory_space<hbm>>
      %dma_start3A_92 = arith.constant 0 : i32
      %dma_start3A_93 = arith.constant 0 : i32
      %dma_start3A_94 = tpu.memref_slice %dma_start3A_91[%dma_start3A_92, %dma_start3A_93] : memref<10000x128xf32, #tpu.memory_space<hbm>> -> memref<10000x128xf32, #tpu.memory_space<hbm>>
      tpu.enqueue_indirect_dma source(%dma_start3A_94 : memref<10000x128xf32, #tpu.memory_space<hbm>>) target(%arg10 : memref<128x128xf32, #tpu.memory_space<vmem>>) offsets(%dma_start3A_87 : memref<128xi32, #tpu.memory_space<vmem>>) semaphore(%arg11 : memref<!tpu.dma_semaphore, #tpu.memory_space<semaphore_mem>>)
      %dma_wait3A_95 = arith.constant 2 : i32
      %dma_wait3A_96 = arith.constant 0 : i32
      %dma_wait3A_97 = tpu.memref_slice %arg8[%dma_wait3A_95, %dma_wait3A_96] : memref<8x128xi32, #tpu.memory_space<vmem>> -> memref<1x128xi32, #tpu.memory_space<vmem>>
      %dma_wait3A_98 = tpu.memref_squeeze %dma_wait3A_97 : memref<1x128xi32, #tpu.memory_space<vmem>> -> memref<128xi32, #tpu.memory_space<vmem>>
      %dma_wait3A_99 = arith.constant 0 : i32
      %dma_wait3A_100 = arith.constant 0 : i32
      %dma_wait3A_101 = tpu.memref_slice %arg2[%arg0, %dma_wait3A_99, %dma_wait3A_100] : memref<2x10000x128xf32, #tpu.memory_space<hbm>> -> memref<1x10000x128xf32, #tpu.memory_space<hbm>>
      %dma_wait3A_102 = tpu.memref_squeeze %dma_wait3A_101 : memref<1x10000x128xf32, #tpu.memory_space<hbm>> -> memref<10000x128xf32, #tpu.memory_space<hbm>>
      %dma_wait3A_103 = arith.constant 0 : i32
      %dma_wait3A_104 = arith.constant 0 : i32
      %dma_wait3A_105 = tpu.memref_slice %dma_wait3A_102[%dma_wait3A_103, %dma_wait3A_104] : memref<10000x128xf32, #tpu.memory_space<hbm>> -> memref<10000x128xf32, #tpu.memory_space<hbm>>
      tpu.wait_indirect_dma semaphore(%arg11 : memref<!tpu.dma_semaphore, #tpu.memory_space<semaphore_mem>>) src(%dma_wait3A_105 : memref<10000x128xf32, #tpu.memory_space<hbm>>) dst(%arg10 : memref<128x128xf32, #tpu.memory_space<vmem>>)
      %run_scoped3A_106 = arith.constant 2 : i32
      "tpu.region"() ({
        %run_scoped3A_222 = tpu.sem_alloc : memref<!tpu.dma_semaphore, #tpu.memory_space<semaphore_mem>>
        %dma_start3A_223 = arith.constant 0 : i32
        %dma_start3A_224 = tpu.memref_slice %arg9[%run_scoped3A_106, %dma_start3A_223] : memref<8x128xi32, #tpu.memory_space<vmem>> -> memref<1x128xi32, #tpu.memory_space<vmem>>
        %dma_start3A_225 = tpu.memref_squeeze %dma_start3A_224 : memref<1x128xi32, #tpu.memory_space<vmem>> -> memref<128xi32, #tpu.memory_space<vmem>>
        %dma_start3A_226 = arith.constant 0 : i32
        %dma_start3A_227 = arith.constant 0 : i32
        %dma_start3A_228 = tpu.memref_slice %arg7[%dma_start3A_226, %dma_start3A_227] : memref<10112x128xf32, #tpu.memory_space<vmem_shared>> -> memref<10112x128xf32, #tpu.memory_space<vmem_shared>>
        tpu.enqueue_indirect_dma source(%arg10 : memref<128x128xf32, #tpu.memory_space<vmem>>) target(%dma_start3A_228 : memref<10112x128xf32, #tpu.memory_space<vmem_shared>>) offsets(%dma_start3A_225 : memref<128xi32, #tpu.memory_space<vmem>>) semaphore(%run_scoped3A_222 : memref<!tpu.dma_semaphore, #tpu.memory_space<semaphore_mem>>) {add = true}
        %dma_wait3A_229 = arith.constant 0 : i32
        %dma_wait3A_230 = tpu.memref_slice %arg9[%run_scoped3A_106, %dma_wait3A_229] : memref<8x128xi32, #tpu.memory_space<vmem>> -> memref<1x128xi32, #tpu.memory_space<vmem>>
        %dma_wait3A_231 = tpu.memref_squeeze %dma_wait3A_230 : memref<1x128xi32, #tpu.memory_space<vmem>> -> memref<128xi32, #tpu.memory_space<vmem>>
        %dma_wait3A_232 = arith.constant 0 : i32
        %dma_wait3A_233 = arith.constant 0 : i32
        %dma_wait3A_234 = tpu.memref_slice %arg7[%dma_wait3A_232, %dma_wait3A_233] : memref<10112x128xf32, #tpu.memory_space<vmem_shared>> -> memref<10112x128xf32, #tpu.memory_space<vmem_shared>>
        tpu.wait_indirect_dma semaphore(%run_scoped3A_222 : memref<!tpu.dma_semaphore, #tpu.memory_space<semaphore_mem>>) src(%arg10 : memref<128x128xf32, #tpu.memory_space<vmem>>) dst(%dma_wait3A_234 : memref<10112x128xf32, #tpu.memory_space<vmem_shared>>)
        tpu.yield
      }) : () -> ()
      %dma_start3A_107 = arith.constant 3 : i32
      %dma_start3A_108 = arith.constant 0 : i32
      %dma_start3A_109 = tpu.memref_slice %arg8[%dma_start3A_107, %dma_start3A_108] : memref<8x128xi32, #tpu.memory_space<vmem>> -> memref<1x128xi32, #tpu.memory_space<vmem>>
      %dma_start3A_110 = tpu.memref_squeeze %dma_start3A_109 : memref<1x128xi32, #tpu.memory_space<vmem>> -> memref<128xi32, #tpu.memory_space<vmem>>
      %dma_start3A_111 = arith.constant 0 : i32
      %dma_start3A_112 = arith.constant 0 : i32
      %dma_start3A_113 = tpu.memref_slice %arg2[%arg0, %dma_start3A_111, %dma_start3A_112] : memref<2x10000x128xf32, #tpu.memory_space<hbm>> -> memref<1x10000x128xf32, #tpu.memory_space<hbm>>
      %dma_start3A_114 = tpu.memref_squeeze %dma_start3A_113 : memref<1x10000x128xf32, #tpu.memory_space<hbm>> -> memref<10000x128xf32, #tpu.memory_space<hbm>>
      %dma_start3A_115 = arith.constant 0 : i32
      %dma_start3A_116 = arith.constant 0 : i32
      %dma_start3A_117 = tpu.memref_slice %dma_start3A_114[%dma_start3A_115, %dma_start3A_116] : memref<10000x128xf32, #tpu.memory_space<hbm>> -> memref<10000x128xf32, #tpu.memory_space<hbm>>
      tpu.enqueue_indirect_dma source(%dma_start3A_117 : memref<10000x128xf32, #tpu.memory_space<hbm>>) target(%arg10 : memref<128x128xf32, #tpu.memory_space<vmem>>) offsets(%dma_start3A_110 : memref<128xi32, #tpu.memory_space<vmem>>) semaphore(%arg11 : memref<!tpu.dma_semaphore, #tpu.memory_space<semaphore_mem>>)
      %dma_wait3A_118 = arith.constant 3 : i32
      %dma_wait3A_119 = arith.constant 0 : i32
      %dma_wait3A_120 = tpu.memref_slice %arg8[%dma_wait3A_118, %dma_wait3A_119] : memref<8x128xi32, #tpu.memory_space<vmem>> -> memref<1x128xi32, #tpu.memory_space<vmem>>
      %dma_wait3A_121 = tpu.memref_squeeze %dma_wait3A_120 : memref<1x128xi32, #tpu.memory_space<vmem>> -> memref<128xi32, #tpu.memory_space<vmem>>
      %dma_wait3A_122 = arith.constant 0 : i32
      %dma_wait3A_123 = arith.constant 0 : i32
      %dma_wait3A_124 = tpu.memref_slice %arg2[%arg0, %dma_wait3A_122, %dma_wait3A_123] : memref<2x10000x128xf32, #tpu.memory_space<hbm>> -> memref<1x10000x128xf32, #tpu.memory_space<hbm>>
      %dma_wait3A_125 = tpu.memref_squeeze %dma_wait3A_124 : memref<1x10000x128xf32, #tpu.memory_space<hbm>> -> memref<10000x128xf32, #tpu.memory_space<hbm>>
      %dma_wait3A_126 = arith.constant 0 : i32
      %dma_wait3A_127 = arith.constant 0 : i32
      %dma_wait3A_128 = tpu.memref_slice %dma_wait3A_125[%dma_wait3A_126, %dma_wait3A_127] : memref<10000x128xf32, #tpu.memory_space<hbm>> -> memref<10000x128xf32, #tpu.memory_space<hbm>>
      tpu.wait_indirect_dma semaphore(%arg11 : memref<!tpu.dma_semaphore, #tpu.memory_space<semaphore_mem>>) src(%dma_wait3A_128 : memref<10000x128xf32, #tpu.memory_space<hbm>>) dst(%arg10 : memref<128x128xf32, #tpu.memory_space<vmem>>)
      %run_scoped3A_129 = arith.constant 3 : i32
      "tpu.region"() ({
        %run_scoped3A_222 = tpu.sem_alloc : memref<!tpu.dma_semaphore, #tpu.memory_space<semaphore_mem>>
        %dma_start3A_223 = arith.constant 0 : i32
        %dma_start3A_224 = tpu.memref_slice %arg9[%run_scoped3A_129, %dma_start3A_223] : memref<8x128xi32, #tpu.memory_space<vmem>> -> memref<1x128xi32, #tpu.memory_space<vmem>>
        %dma_start3A_225 = tpu.memref_squeeze %dma_start3A_224 : memref<1x128xi32, #tpu.memory_space<vmem>> -> memref<128xi32, #tpu.memory_space<vmem>>
        %dma_start3A_226 = arith.constant 0 : i32
        %dma_start3A_227 = arith.constant 0 : i32
        %dma_start3A_228 = tpu.memref_slice %arg7[%dma_start3A_226, %dma_start3A_227] : memref<10112x128xf32, #tpu.memory_space<vmem_shared>> -> memref<10112x128xf32, #tpu.memory_space<vmem_shared>>
        tpu.enqueue_indirect_dma source(%arg10 : memref<128x128xf32, #tpu.memory_space<vmem>>) target(%dma_start3A_228 : memref<10112x128xf32, #tpu.memory_space<vmem_shared>>) offsets(%dma_start3A_225 : memref<128xi32, #tpu.memory_space<vmem>>) semaphore(%run_scoped3A_222 : memref<!tpu.dma_semaphore, #tpu.memory_space<semaphore_mem>>) {add = true}
        %dma_wait3A_229 = arith.constant 0 : i32
        %dma_wait3A_230 = tpu.memref_slice %arg9[%run_scoped3A_129, %dma_wait3A_229] : memref<8x128xi32, #tpu.memory_space<vmem>> -> memref<1x128xi32, #tpu.memory_space<vmem>>
        %dma_wait3A_231 = tpu.memref_squeeze %dma_wait3A_230 : memref<1x128xi32, #tpu.memory_space<vmem>> -> memref<128xi32, #tpu.memory_space<vmem>>
        %dma_wait3A_232 = arith.constant 0 : i32
        %dma_wait3A_233 = arith.constant 0 : i32
        %dma_wait3A_234 = tpu.memref_slice %arg7[%dma_wait3A_232, %dma_wait3A_233] : memref<10112x128xf32, #tpu.memory_space<vmem_shared>> -> memref<10112x128xf32, #tpu.memory_space<vmem_shared>>
        tpu.wait_indirect_dma semaphore(%run_scoped3A_222 : memref<!tpu.dma_semaphore, #tpu.memory_space<semaphore_mem>>) src(%arg10 : memref<128x128xf32, #tpu.memory_space<vmem>>) dst(%dma_wait3A_234 : memref<10112x128xf32, #tpu.memory_space<vmem_shared>>)
        tpu.yield
      }) : () -> ()
      %dma_start3A_130 = arith.constant 4 : i32
      %dma_start3A_131 = arith.constant 0 : i32
      %dma_start3A_132 = tpu.memref_slice %arg8[%dma_start3A_130, %dma_start3A_131] : memref<8x128xi32, #tpu.memory_space<vmem>> -> memref<1x128xi32, #tpu.memory_space<vmem>>
      %dma_start3A_133 = tpu.memref_squeeze %dma_start3A_132 : memref<1x128xi32, #tpu.memory_space<vmem>> -> memref<128xi32, #tpu.memory_space<vmem>>
      %dma_start3A_134 = arith.constant 0 : i32
      %dma_start3A_135 = arith.constant 0 : i32
      %dma_start3A_136 = tpu.memref_slice %arg2[%arg0, %dma_start3A_134, %dma_start3A_135] : memref<2x10000x128xf32, #tpu.memory_space<hbm>> -> memref<1x10000x128xf32, #tpu.memory_space<hbm>>
      %dma_start3A_137 = tpu.memref_squeeze %dma_start3A_136 : memref<1x10000x128xf32, #tpu.memory_space<hbm>> -> memref<10000x128xf32, #tpu.memory_space<hbm>>
      %dma_start3A_138 = arith.constant 0 : i32
      %dma_start3A_139 = arith.constant 0 : i32
      %dma_start3A_140 = tpu.memref_slice %dma_start3A_137[%dma_start3A_138, %dma_start3A_139] : memref<10000x128xf32, #tpu.memory_space<hbm>> -> memref<10000x128xf32, #tpu.memory_space<hbm>>
      tpu.enqueue_indirect_dma source(%dma_start3A_140 : memref<10000x128xf32, #tpu.memory_space<hbm>>) target(%arg10 : memref<128x128xf32, #tpu.memory_space<vmem>>) offsets(%dma_start3A_133 : memref<128xi32, #tpu.memory_space<vmem>>) semaphore(%arg11 : memref<!tpu.dma_semaphore, #tpu.memory_space<semaphore_mem>>)
      %dma_wait3A_141 = arith.constant 4 : i32
      %dma_wait3A_142 = arith.constant 0 : i32
      %dma_wait3A_143 = tpu.memref_slice %arg8[%dma_wait3A_141, %dma_wait3A_142] : memref<8x128xi32, #tpu.memory_space<vmem>> -> memref<1x128xi32, #tpu.memory_space<vmem>>
      %dma_wait3A_144 = tpu.memref_squeeze %dma_wait3A_143 : memref<1x128xi32, #tpu.memory_space<vmem>> -> memref<128xi32, #tpu.memory_space<vmem>>
      %dma_wait3A_145 = arith.constant 0 : i32
      %dma_wait3A_146 = arith.constant 0 : i32
      %dma_wait3A_147 = tpu.memref_slice %arg2[%arg0, %dma_wait3A_145, %dma_wait3A_146] : memref<2x10000x128xf32, #tpu.memory_space<hbm>> -> memref<1x10000x128xf32, #tpu.memory_space<hbm>>
      %dma_wait3A_148 = tpu.memref_squeeze %dma_wait3A_147 : memref<1x10000x128xf32, #tpu.memory_space<hbm>> -> memref<10000x128xf32, #tpu.memory_space<hbm>>
      %dma_wait3A_149 = arith.constant 0 : i32
      %dma_wait3A_150 = arith.constant 0 : i32
      %dma_wait3A_151 = tpu.memref_slice %dma_wait3A_148[%dma_wait3A_149, %dma_wait3A_150] : memref<10000x128xf32, #tpu.memory_space<hbm>> -> memref<10000x128xf32, #tpu.memory_space<hbm>>
      tpu.wait_indirect_dma semaphore(%arg11 : memref<!tpu.dma_semaphore, #tpu.memory_space<semaphore_mem>>) src(%dma_wait3A_151 : memref<10000x128xf32, #tpu.memory_space<hbm>>) dst(%arg10 : memref<128x128xf32, #tpu.memory_space<vmem>>)
      %run_scoped3A_152 = arith.constant 4 : i32
      "tpu.region"() ({
        %run_scoped3A_222 = tpu.sem_alloc : memref<!tpu.dma_semaphore, #tpu.memory_space<semaphore_mem>>
        %dma_start3A_223 = arith.constant 0 : i32
        %dma_start3A_224 = tpu.memref_slice %arg9[%run_scoped3A_152, %dma_start3A_223] : memref<8x128xi32, #tpu.memory_space<vmem>> -> memref<1x128xi32, #tpu.memory_space<vmem>>
        %dma_start3A_225 = tpu.memref_squeeze %dma_start3A_224 : memref<1x128xi32, #tpu.memory_space<vmem>> -> memref<128xi32, #tpu.memory_space<vmem>>
        %dma_start3A_226 = arith.constant 0 : i32
        %dma_start3A_227 = arith.constant 0 : i32
        %dma_start3A_228 = tpu.memref_slice %arg7[%dma_start3A_226, %dma_start3A_227] : memref<10112x128xf32, #tpu.memory_space<vmem_shared>> -> memref<10112x128xf32, #tpu.memory_space<vmem_shared>>
        tpu.enqueue_indirect_dma source(%arg10 : memref<128x128xf32, #tpu.memory_space<vmem>>) target(%dma_start3A_228 : memref<10112x128xf32, #tpu.memory_space<vmem_shared>>) offsets(%dma_start3A_225 : memref<128xi32, #tpu.memory_space<vmem>>) semaphore(%run_scoped3A_222 : memref<!tpu.dma_semaphore, #tpu.memory_space<semaphore_mem>>) {add = true}
        %dma_wait3A_229 = arith.constant 0 : i32
        %dma_wait3A_230 = tpu.memref_slice %arg9[%run_scoped3A_152, %dma_wait3A_229] : memref<8x128xi32, #tpu.memory_space<vmem>> -> memref<1x128xi32, #tpu.memory_space<vmem>>
        %dma_wait3A_231 = tpu.memref_squeeze %dma_wait3A_230 : memref<1x128xi32, #tpu.memory_space<vmem>> -> memref<128xi32, #tpu.memory_space<vmem>>
        %dma_wait3A_232 = arith.constant 0 : i32
        %dma_wait3A_233 = arith.constant 0 : i32
        %dma_wait3A_234 = tpu.memref_slice %arg7[%dma_wait3A_232, %dma_wait3A_233] : memref<10112x128xf32, #tpu.memory_space<vmem_shared>> -> memref<10112x128xf32, #tpu.memory_space<vmem_shared>>
        tpu.wait_indirect_dma semaphore(%run_scoped3A_222 : memref<!tpu.dma_semaphore, #tpu.memory_space<semaphore_mem>>) src(%arg10 : memref<128x128xf32, #tpu.memory_space<vmem>>) dst(%dma_wait3A_234 : memref<10112x128xf32, #tpu.memory_space<vmem_shared>>)
        tpu.yield
      }) : () -> ()
      %dma_start3A_153 = arith.constant 5 : i32
      %dma_start3A_154 = arith.constant 0 : i32
      %dma_start3A_155 = tpu.memref_slice %arg8[%dma_start3A_153, %dma_start3A_154] : memref<8x128xi32, #tpu.memory_space<vmem>> -> memref<1x128xi32, #tpu.memory_space<vmem>>
      %dma_start3A_156 = tpu.memref_squeeze %dma_start3A_155 : memref<1x128xi32, #tpu.memory_space<vmem>> -> memref<128xi32, #tpu.memory_space<vmem>>
      %dma_start3A_157 = arith.constant 0 : i32
      %dma_start3A_158 = arith.constant 0 : i32
      %dma_start3A_159 = tpu.memref_slice %arg2[%arg0, %dma_start3A_157, %dma_start3A_158] : memref<2x10000x128xf32, #tpu.memory_space<hbm>> -> memref<1x10000x128xf32, #tpu.memory_space<hbm>>
      %dma_start3A_160 = tpu.memref_squeeze %dma_start3A_159 : memref<1x10000x128xf32, #tpu.memory_space<hbm>> -> memref<10000x128xf32, #tpu.memory_space<hbm>>
      %dma_start3A_161 = arith.constant 0 : i32
      %dma_start3A_162 = arith.constant 0 : i32
      %dma_start3A_163 = tpu.memref_slice %dma_start3A_160[%dma_start3A_161, %dma_start3A_162] : memref<10000x128xf32, #tpu.memory_space<hbm>> -> memref<10000x128xf32, #tpu.memory_space<hbm>>
      tpu.enqueue_indirect_dma source(%dma_start3A_163 : memref<10000x128xf32, #tpu.memory_space<hbm>>) target(%arg10 : memref<128x128xf32, #tpu.memory_space<vmem>>) offsets(%dma_start3A_156 : memref<128xi32, #tpu.memory_space<vmem>>) semaphore(%arg11 : memref<!tpu.dma_semaphore, #tpu.memory_space<semaphore_mem>>)
      %dma_wait3A_164 = arith.constant 5 : i32
      %dma_wait3A_165 = arith.constant 0 : i32
      %dma_wait3A_166 = tpu.memref_slice %arg8[%dma_wait3A_164, %dma_wait3A_165] : memref<8x128xi32, #tpu.memory_space<vmem>> -> memref<1x128xi32, #tpu.memory_space<vmem>>
      %dma_wait3A_167 = tpu.memref_squeeze %dma_wait3A_166 : memref<1x128xi32, #tpu.memory_space<vmem>> -> memref<128xi32, #tpu.memory_space<vmem>>
      %dma_wait3A_168 = arith.constant 0 : i32
      %dma_wait3A_169 = arith.constant 0 : i32
      %dma_wait3A_170 = tpu.memref_slice %arg2[%arg0, %dma_wait3A_168, %dma_wait3A_169] : memref<2x10000x128xf32, #tpu.memory_space<hbm>> -> memref<1x10000x128xf32, #tpu.memory_space<hbm>>
      %dma_wait3A_171 = tpu.memref_squeeze %dma_wait3A_170 : memref<1x10000x128xf32, #tpu.memory_space<hbm>> -> memref<10000x128xf32, #tpu.memory_space<hbm>>
      %dma_wait3A_172 = arith.constant 0 : i32
      %dma_wait3A_173 = arith.constant 0 : i32
      %dma_wait3A_174 = tpu.memref_slice %dma_wait3A_171[%dma_wait3A_172, %dma_wait3A_173] : memref<10000x128xf32, #tpu.memory_space<hbm>> -> memref<10000x128xf32, #tpu.memory_space<hbm>>
      tpu.wait_indirect_dma semaphore(%arg11 : memref<!tpu.dma_semaphore, #tpu.memory_space<semaphore_mem>>) src(%dma_wait3A_174 : memref<10000x128xf32, #tpu.memory_space<hbm>>) dst(%arg10 : memref<128x128xf32, #tpu.memory_space<vmem>>)
      %run_scoped3A_175 = arith.constant 5 : i32
      "tpu.region"() ({
        %run_scoped3A_222 = tpu.sem_alloc : memref<!tpu.dma_semaphore, #tpu.memory_space<semaphore_mem>>
        %dma_start3A_223 = arith.constant 0 : i32
        %dma_start3A_224 = tpu.memref_slice %arg9[%run_scoped3A_175, %dma_start3A_223] : memref<8x128xi32, #tpu.memory_space<vmem>> -> memref<1x128xi32, #tpu.memory_space<vmem>>
        %dma_start3A_225 = tpu.memref_squeeze %dma_start3A_224 : memref<1x128xi32, #tpu.memory_space<vmem>> -> memref<128xi32, #tpu.memory_space<vmem>>
        %dma_start3A_226 = arith.constant 0 : i32
        %dma_start3A_227 = arith.constant 0 : i32
        %dma_start3A_228 = tpu.memref_slice %arg7[%dma_start3A_226, %dma_start3A_227] : memref<10112x128xf32, #tpu.memory_space<vmem_shared>> -> memref<10112x128xf32, #tpu.memory_space<vmem_shared>>
        tpu.enqueue_indirect_dma source(%arg10 : memref<128x128xf32, #tpu.memory_space<vmem>>) target(%dma_start3A_228 : memref<10112x128xf32, #tpu.memory_space<vmem_shared>>) offsets(%dma_start3A_225 : memref<128xi32, #tpu.memory_space<vmem>>) semaphore(%run_scoped3A_222 : memref<!tpu.dma_semaphore, #tpu.memory_space<semaphore_mem>>) {add = true}
        %dma_wait3A_229 = arith.constant 0 : i32
        %dma_wait3A_230 = tpu.memref_slice %arg9[%run_scoped3A_175, %dma_wait3A_229] : memref<8x128xi32, #tpu.memory_space<vmem>> -> memref<1x128xi32, #tpu.memory_space<vmem>>
        %dma_wait3A_231 = tpu.memref_squeeze %dma_wait3A_230 : memref<1x128xi32, #tpu.memory_space<vmem>> -> memref<128xi32, #tpu.memory_space<vmem>>
        %dma_wait3A_232 = arith.constant 0 : i32
        %dma_wait3A_233 = arith.constant 0 : i32
        %dma_wait3A_234 = tpu.memref_slice %arg7[%dma_wait3A_232, %dma_wait3A_233] : memref<10112x128xf32, #tpu.memory_space<vmem_shared>> -> memref<10112x128xf32, #tpu.memory_space<vmem_shared>>
        tpu.wait_indirect_dma semaphore(%run_scoped3A_222 : memref<!tpu.dma_semaphore, #tpu.memory_space<semaphore_mem>>) src(%arg10 : memref<128x128xf32, #tpu.memory_space<vmem>>) dst(%dma_wait3A_234 : memref<10112x128xf32, #tpu.memory_space<vmem_shared>>)
        tpu.yield
      }) : () -> ()
      %dma_start3A_176 = arith.constant 6 : i32
      %dma_start3A_177 = arith.constant 0 : i32
      %dma_start3A_178 = tpu.memref_slice %arg8[%dma_start3A_176, %dma_start3A_177] : memref<8x128xi32, #tpu.memory_space<vmem>> -> memref<1x128xi32, #tpu.memory_space<vmem>>
      %dma_start3A_179 = tpu.memref_squeeze %dma_start3A_178 : memref<1x128xi32, #tpu.memory_space<vmem>> -> memref<128xi32, #tpu.memory_space<vmem>>
      %dma_start3A_180 = arith.constant 0 : i32
      %dma_start3A_181 = arith.constant 0 : i32
      %dma_start3A_182 = tpu.memref_slice %arg2[%arg0, %dma_start3A_180, %dma_start3A_181] : memref<2x10000x128xf32, #tpu.memory_space<hbm>> -> memref<1x10000x128xf32, #tpu.memory_space<hbm>>
      %dma_start3A_183 = tpu.memref_squeeze %dma_start3A_182 : memref<1x10000x128xf32, #tpu.memory_space<hbm>> -> memref<10000x128xf32, #tpu.memory_space<hbm>>
      %dma_start3A_184 = arith.constant 0 : i32
      %dma_start3A_185 = arith.constant 0 : i32
      %dma_start3A_186 = tpu.memref_slice %dma_start3A_183[%dma_start3A_184, %dma_start3A_185] : memref<10000x128xf32, #tpu.memory_space<hbm>> -> memref<10000x128xf32, #tpu.memory_space<hbm>>
      tpu.enqueue_indirect_dma source(%dma_start3A_186 : memref<10000x128xf32, #tpu.memory_space<hbm>>) target(%arg10 : memref<128x128xf32, #tpu.memory_space<vmem>>) offsets(%dma_start3A_179 : memref<128xi32, #tpu.memory_space<vmem>>) semaphore(%arg11 : memref<!tpu.dma_semaphore, #tpu.memory_space<semaphore_mem>>)
      %dma_wait3A_187 = arith.constant 6 : i32
      %dma_wait3A_188 = arith.constant 0 : i32
      %dma_wait3A_189 = tpu.memref_slice %arg8[%dma_wait3A_187, %dma_wait3A_188] : memref<8x128xi32, #tpu.memory_space<vmem>> -> memref<1x128xi32, #tpu.memory_space<vmem>>
      %dma_wait3A_190 = tpu.memref_squeeze %dma_wait3A_189 : memref<1x128xi32, #tpu.memory_space<vmem>> -> memref<128xi32, #tpu.memory_space<vmem>>
      %dma_wait3A_191 = arith.constant 0 : i32
      %dma_wait3A_192 = arith.constant 0 : i32
      %dma_wait3A_193 = tpu.memref_slice %arg2[%arg0, %dma_wait3A_191, %dma_wait3A_192] : memref<2x10000x128xf32, #tpu.memory_space<hbm>> -> memref<1x10000x128xf32, #tpu.memory_space<hbm>>
      %dma_wait3A_194 = tpu.memref_squeeze %dma_wait3A_193 : memref<1x10000x128xf32, #tpu.memory_space<hbm>> -> memref<10000x128xf32, #tpu.memory_space<hbm>>
      %dma_wait3A_195 = arith.constant 0 : i32
      %dma_wait3A_196 = arith.constant 0 : i32
      %dma_wait3A_197 = tpu.memref_slice %dma_wait3A_194[%dma_wait3A_195, %dma_wait3A_196] : memref<10000x128xf32, #tpu.memory_space<hbm>> -> memref<10000x128xf32, #tpu.memory_space<hbm>>
      tpu.wait_indirect_dma semaphore(%arg11 : memref<!tpu.dma_semaphore, #tpu.memory_space<semaphore_mem>>) src(%dma_wait3A_197 : memref<10000x128xf32, #tpu.memory_space<hbm>>) dst(%arg10 : memref<128x128xf32, #tpu.memory_space<vmem>>)
      %run_scoped3A_198 = arith.constant 6 : i32
      "tpu.region"() ({
        %run_scoped3A_222 = tpu.sem_alloc : memref<!tpu.dma_semaphore, #tpu.memory_space<semaphore_mem>>
        %dma_start3A_223 = arith.constant 0 : i32
        %dma_start3A_224 = tpu.memref_slice %arg9[%run_scoped3A_198, %dma_start3A_223] : memref<8x128xi32, #tpu.memory_space<vmem>> -> memref<1x128xi32, #tpu.memory_space<vmem>>
        %dma_start3A_225 = tpu.memref_squeeze %dma_start3A_224 : memref<1x128xi32, #tpu.memory_space<vmem>> -> memref<128xi32, #tpu.memory_space<vmem>>
        %dma_start3A_226 = arith.constant 0 : i32
        %dma_start3A_227 = arith.constant 0 : i32
        %dma_start3A_228 = tpu.memref_slice %arg7[%dma_start3A_226, %dma_start3A_227] : memref<10112x128xf32, #tpu.memory_space<vmem_shared>> -> memref<10112x128xf32, #tpu.memory_space<vmem_shared>>
        tpu.enqueue_indirect_dma source(%arg10 : memref<128x128xf32, #tpu.memory_space<vmem>>) target(%dma_start3A_228 : memref<10112x128xf32, #tpu.memory_space<vmem_shared>>) offsets(%dma_start3A_225 : memref<128xi32, #tpu.memory_space<vmem>>) semaphore(%run_scoped3A_222 : memref<!tpu.dma_semaphore, #tpu.memory_space<semaphore_mem>>) {add = true}
        %dma_wait3A_229 = arith.constant 0 : i32
        %dma_wait3A_230 = tpu.memref_slice %arg9[%run_scoped3A_198, %dma_wait3A_229] : memref<8x128xi32, #tpu.memory_space<vmem>> -> memref<1x128xi32, #tpu.memory_space<vmem>>
        %dma_wait3A_231 = tpu.memref_squeeze %dma_wait3A_230 : memref<1x128xi32, #tpu.memory_space<vmem>> -> memref<128xi32, #tpu.memory_space<vmem>>
        %dma_wait3A_232 = arith.constant 0 : i32
        %dma_wait3A_233 = arith.constant 0 : i32
        %dma_wait3A_234 = tpu.memref_slice %arg7[%dma_wait3A_232, %dma_wait3A_233] : memref<10112x128xf32, #tpu.memory_space<vmem_shared>> -> memref<10112x128xf32, #tpu.memory_space<vmem_shared>>
        tpu.wait_indirect_dma semaphore(%run_scoped3A_222 : memref<!tpu.dma_semaphore, #tpu.memory_space<semaphore_mem>>) src(%arg10 : memref<128x128xf32, #tpu.memory_space<vmem>>) dst(%dma_wait3A_234 : memref<10112x128xf32, #tpu.memory_space<vmem_shared>>)
        tpu.yield
      }) : () -> ()
      %dma_start3A_199 = arith.constant 7 : i32
      %dma_start3A_200 = arith.constant 0 : i32
      %dma_start3A_201 = tpu.memref_slice %arg8[%dma_start3A_199, %dma_start3A_200] : memref<8x128xi32, #tpu.memory_space<vmem>> -> memref<1x128xi32, #tpu.memory_space<vmem>>
      %dma_start3A_202 = tpu.memref_squeeze %dma_start3A_201 : memref<1x128xi32, #tpu.memory_space<vmem>> -> memref<128xi32, #tpu.memory_space<vmem>>
      %dma_start3A_203 = arith.constant 0 : i32
      %dma_start3A_204 = arith.constant 0 : i32
      %dma_start3A_205 = tpu.memref_slice %arg2[%arg0, %dma_start3A_203, %dma_start3A_204] : memref<2x10000x128xf32, #tpu.memory_space<hbm>> -> memref<1x10000x128xf32, #tpu.memory_space<hbm>>
      %dma_start3A_206 = tpu.memref_squeeze %dma_start3A_205 : memref<1x10000x128xf32, #tpu.memory_space<hbm>> -> memref<10000x128xf32, #tpu.memory_space<hbm>>
      %dma_start3A_207 = arith.constant 0 : i32
      %dma_start3A_208 = arith.constant 0 : i32
      %dma_start3A_209 = tpu.memref_slice %dma_start3A_206[%dma_start3A_207, %dma_start3A_208] : memref<10000x128xf32, #tpu.memory_space<hbm>> -> memref<10000x128xf32, #tpu.memory_space<hbm>>
      tpu.enqueue_indirect_dma source(%dma_start3A_209 : memref<10000x128xf32, #tpu.memory_space<hbm>>) target(%arg10 : memref<128x128xf32, #tpu.memory_space<vmem>>) offsets(%dma_start3A_202 : memref<128xi32, #tpu.memory_space<vmem>>) semaphore(%arg11 : memref<!tpu.dma_semaphore, #tpu.memory_space<semaphore_mem>>)
      %dma_wait3A_210 = arith.constant 7 : i32
      %dma_wait3A_211 = arith.constant 0 : i32
      %dma_wait3A_212 = tpu.memref_slice %arg8[%dma_wait3A_210, %dma_wait3A_211] : memref<8x128xi32, #tpu.memory_space<vmem>> -> memref<1x128xi32, #tpu.memory_space<vmem>>
      %dma_wait3A_213 = tpu.memref_squeeze %dma_wait3A_212 : memref<1x128xi32, #tpu.memory_space<vmem>> -> memref<128xi32, #tpu.memory_space<vmem>>
      %dma_wait3A_214 = arith.constant 0 : i32
      %dma_wait3A_215 = arith.constant 0 : i32
      %dma_wait3A_216 = tpu.memref_slice %arg2[%arg0, %dma_wait3A_214, %dma_wait3A_215] : memref<2x10000x128xf32, #tpu.memory_space<hbm>> -> memref<1x10000x128xf32, #tpu.memory_space<hbm>>
      %dma_wait3A_217 = tpu.memref_squeeze %dma_wait3A_216 : memref<1x10000x128xf32, #tpu.memory_space<hbm>> -> memref<10000x128xf32, #tpu.memory_space<hbm>>
      %dma_wait3A_218 = arith.constant 0 : i32
      %dma_wait3A_219 = arith.constant 0 : i32
      %dma_wait3A_220 = tpu.memref_slice %dma_wait3A_217[%dma_wait3A_218, %dma_wait3A_219] : memref<10000x128xf32, #tpu.memory_space<hbm>> -> memref<10000x128xf32, #tpu.memory_space<hbm>>
      tpu.wait_indirect_dma semaphore(%arg11 : memref<!tpu.dma_semaphore, #tpu.memory_space<semaphore_mem>>) src(%dma_wait3A_220 : memref<10000x128xf32, #tpu.memory_space<hbm>>) dst(%arg10 : memref<128x128xf32, #tpu.memory_space<vmem>>)
      %run_scoped3A_221 = arith.constant 7 : i32
      "tpu.region"() ({
        %run_scoped3A_222 = tpu.sem_alloc : memref<!tpu.dma_semaphore, #tpu.memory_space<semaphore_mem>>
        %dma_start3A_223 = arith.constant 0 : i32
        %dma_start3A_224 = tpu.memref_slice %arg9[%run_scoped3A_221, %dma_start3A_223] : memref<8x128xi32, #tpu.memory_space<vmem>> -> memref<1x128xi32, #tpu.memory_space<vmem>>
        %dma_start3A_225 = tpu.memref_squeeze %dma_start3A_224 : memref<1x128xi32, #tpu.memory_space<vmem>> -> memref<128xi32, #tpu.memory_space<vmem>>
        %dma_start3A_226 = arith.constant 0 : i32
        %dma_start3A_227 = arith.constant 0 : i32
        %dma_start3A_228 = tpu.memref_slice %arg7[%dma_start3A_226, %dma_start3A_227] : memref<10112x128xf32, #tpu.memory_space<vmem_shared>> -> memref<10112x128xf32, #tpu.memory_space<vmem_shared>>
        tpu.enqueue_indirect_dma source(%arg10 : memref<128x128xf32, #tpu.memory_space<vmem>>) target(%dma_start3A_228 : memref<10112x128xf32, #tpu.memory_space<vmem_shared>>) offsets(%dma_start3A_225 : memref<128xi32, #tpu.memory_space<vmem>>) semaphore(%run_scoped3A_222 : memref<!tpu.dma_semaphore, #tpu.memory_space<semaphore_mem>>) {add = true}
        %dma_wait3A_229 = arith.constant 0 : i32
        %dma_wait3A_230 = tpu.memref_slice %arg9[%run_scoped3A_221, %dma_wait3A_229] : memref<8x128xi32, #tpu.memory_space<vmem>> -> memref<1x128xi32, #tpu.memory_space<vmem>>
        %dma_wait3A_231 = tpu.memref_squeeze %dma_wait3A_230 : memref<1x128xi32, #tpu.memory_space<vmem>> -> memref<128xi32, #tpu.memory_space<vmem>>
        %dma_wait3A_232 = arith.constant 0 : i32
        %dma_wait3A_233 = arith.constant 0 : i32
        %dma_wait3A_234 = tpu.memref_slice %arg7[%dma_wait3A_232, %dma_wait3A_233] : memref<10112x128xf32, #tpu.memory_space<vmem_shared>> -> memref<10112x128xf32, #tpu.memory_space<vmem_shared>>
        tpu.wait_indirect_dma semaphore(%run_scoped3A_222 : memref<!tpu.dma_semaphore, #tpu.memory_space<semaphore_mem>>) src(%arg10 : memref<128x128xf32, #tpu.memory_space<vmem>>) dst(%dma_wait3A_234 : memref<10112x128xf32, #tpu.memory_space<vmem_shared>>)
        tpu.yield
      }) : () -> ()
    }
    %scan3A_14 = arith.constant 20 : i32
    %barrier3A_15 = arith.constant 0 : index
    tpu.barrier barrier_id(%barrier3A_15)
    %add3A_16 = arith.constant 0 : i32
    %add3A_17 = arith.addi %mul3A_0, %add3A_16 : i32
    "tpu.region"() ({
      %run_scoped3A = tpu.sem_alloc : memref<!tpu.dma_semaphore, #tpu.memory_space<semaphore_mem>>
      %dma_start3A = arith.constant 0 : i32
      %dma_start3A_36 = arith.constant 0 : i32
      %dma_start3A_37 = tpu.memref_slice %arg10[%dma_start3A, %dma_start3A_36] : memref<128x128xf32, #tpu.memory_space<vmem>> -> memref<128x128xf32, #tpu.memory_space<vmem>>
      %dma_start3A_38 = arith.constant 0 : i32
      %dma_start3A_39 = tpu.memref_slice %arg7[%add3A_17, %dma_start3A_38] : memref<10112x128xf32, #tpu.memory_space<vmem_shared>> -> memref<128x128xf32, #tpu.memory_space<vmem_shared>>
      %dma_start3A_40 = arith.constant 0 : i32
      %dma_start3A_41 = arith.constant 0 : i32
      %dma_start3A_42 = tpu.memref_slice %arg10[%dma_start3A_40, %dma_start3A_41] : memref<128x128xf32, #tpu.memory_space<vmem>> -> memref<128x128xf32, #tpu.memory_space<vmem>>
      %dma_start3A_43 = arith.constant 0 : i32
      %dma_start3A_44 = tpu.memref_slice %arg7[%add3A_17, %dma_start3A_43] : memref<10112x128xf32, #tpu.memory_space<vmem_shared>> -> memref<128x128xf32, #tpu.memory_space<vmem_shared>>
      tpu.enqueue_dma source(%dma_start3A_44 : memref<128x128xf32, #tpu.memory_space<vmem_shared>>) target(%dma_start3A_42 : memref<128x128xf32, #tpu.memory_space<vmem>>) target_semaphore(%run_scoped3A : memref<!tpu.dma_semaphore, #tpu.memory_space<semaphore_mem>>)
      %dma_wait3A = arith.constant 0 : i32
      %dma_wait3A_45 = arith.constant 0 : i32
      %dma_wait3A_46 = tpu.memref_slice %arg10[%dma_wait3A, %dma_wait3A_45] : memref<128x128xf32, #tpu.memory_space<vmem>> -> memref<128x128xf32, #tpu.memory_space<vmem>>
      %dma_wait3A_47 = arith.constant 0 : i32
      %dma_wait3A_48 = tpu.memref_slice %arg7[%add3A_17, %dma_wait3A_47] : memref<10112x128xf32, #tpu.memory_space<vmem_shared>> -> memref<128x128xf32, #tpu.memory_space<vmem_shared>>
      %dma_wait3A_49 = arith.constant 0 : i32
      %dma_wait3A_50 = arith.constant 0 : i32
      %dma_wait3A_51 = tpu.memref_slice %arg10[%dma_wait3A_49, %dma_wait3A_50] : memref<128x128xf32, #tpu.memory_space<vmem>> -> memref<128x128xf32, #tpu.memory_space<vmem>>
      %dma_wait3A_52 = arith.constant 0 : i32
      %dma_wait3A_53 = tpu.memref_slice %arg7[%add3A_17, %dma_wait3A_52] : memref<10112x128xf32, #tpu.memory_space<vmem_shared>> -> memref<128x128xf32, #tpu.memory_space<vmem_shared>>
      tpu.wait_dma2 semaphore(%run_scoped3A : memref<!tpu.dma_semaphore, #tpu.memory_space<semaphore_mem>>) src(%dma_wait3A_53 : memref<128x128xf32, #tpu.memory_space<vmem_shared>>) dst(%dma_wait3A_51 : memref<128x128xf32, #tpu.memory_space<vmem>>)
      tpu.yield
    }) : () -> ()
    %add3A_18 = arith.constant 0 : i32
    %add3A_19 = arith.addi %mul3A_0, %add3A_18 : i32
    "tpu.region"() ({
      %run_scoped3A = tpu.sem_alloc : memref<!tpu.dma_semaphore, #tpu.memory_space<semaphore_mem>>
      %dma_start3A = arith.constant 0 : i32
      %dma_start3A_36 = arith.constant 0 : i32
      %dma_start3A_37 = tpu.memref_slice %arg10[%dma_start3A, %dma_start3A_36] : memref<128x128xf32, #tpu.memory_space<vmem>> -> memref<128x128xf32, #tpu.memory_space<vmem>>
      %dma_start3A_38 = arith.constant 0 : i32
      %dma_start3A_39 = arith.constant 0 : i32
      %dma_start3A_40 = tpu.memref_slice %arg6[%arg0, %dma_start3A_38, %dma_start3A_39] : memref<2x10112x128xf32, #tpu.memory_space<hbm>> -> memref<1x10112x128xf32, #tpu.memory_space<hbm>>
      %dma_start3A_41 = tpu.memref_squeeze %dma_start3A_40 : memref<1x10112x128xf32, #tpu.memory_space<hbm>> -> memref<10112x128xf32, #tpu.memory_space<hbm>>
      %dma_start3A_42 = arith.constant 0 : i32
      %dma_start3A_43 = tpu.memref_slice %dma_start3A_41[%add3A_19, %dma_start3A_42] : memref<10112x128xf32, #tpu.memory_space<hbm>> -> memref<128x128xf32, #tpu.memory_space<hbm>>
      %dma_start3A_44 = arith.constant 0 : i32
      %dma_start3A_45 = arith.constant 0 : i32
      %dma_start3A_46 = tpu.memref_slice %arg6[%arg0, %dma_start3A_44, %dma_start3A_45] : memref<2x10112x128xf32, #tpu.memory_space<hbm>> -> memref<1x10112x128xf32, #tpu.memory_space<hbm>>
      %dma_start3A_47 = tpu.memref_squeeze %dma_start3A_46 : memref<1x10112x128xf32, #tpu.memory_space<hbm>> -> memref<10112x128xf32, #tpu.memory_space<hbm>>
      %dma_start3A_48 = arith.constant 0 : i32
      %dma_start3A_49 = tpu.memref_slice %dma_start3A_47[%add3A_19, %dma_start3A_48] : memref<10112x128xf32, #tpu.memory_space<hbm>> -> memref<128x128xf32, #tpu.memory_space<hbm>>
      %dma_start3A_50 = arith.constant 0 : i32
      %dma_start3A_51 = arith.constant 0 : i32
      %dma_start3A_52 = tpu.memref_slice %arg10[%dma_start3A_50, %dma_start3A_51] : memref<128x128xf32, #tpu.memory_space<vmem>> -> memref<128x128xf32, #tpu.memory_space<vmem>>
      tpu.enqueue_dma source(%dma_start3A_52 : memref<128x128xf32, #tpu.memory_space<vmem>>) target(%dma_start3A_49 : memref<128x128xf32, #tpu.memory_space<hbm>>) target_semaphore(%run_scoped3A : memref<!tpu.dma_semaphore, #tpu.memory_space<semaphore_mem>>)
      %dma_wait3A = arith.constant 0 : i32
      %dma_wait3A_53 = arith.constant 0 : i32
      %dma_wait3A_54 = tpu.memref_slice %arg10[%dma_wait3A, %dma_wait3A_53] : memref<128x128xf32, #tpu.memory_space<vmem>> -> memref<128x128xf32, #tpu.memory_space<vmem>>
      %dma_wait3A_55 = arith.constant 0 : i32
      %dma_wait3A_56 = arith.constant 0 : i32
      %dma_wait3A_57 = tpu.memref_slice %arg6[%arg0, %dma_wait3A_55, %dma_wait3A_56] : memref<2x10112x128xf32, #tpu.memory_space<hbm>> -> memref<1x10112x128xf32, #tpu.memory_space<hbm>>
      %dma_wait3A_58 = tpu.memref_squeeze %dma_wait3A_57 : memref<1x10112x128xf32, #tpu.memory_space<hbm>> -> memref<10112x128xf32, #tpu.memory_space<hbm>>
      %dma_wait3A_59 = arith.constant 0 : i32
      %dma_wait3A_60 = tpu.memref_slice %dma_wait3A_58[%add3A_19, %dma_wait3A_59] : memref<10112x128xf32, #tpu.memory_space<hbm>> -> memref<128x128xf32, #tpu.memory_space<hbm>>
      %dma_wait3A_61 = arith.constant 0 : i32
      %dma_wait3A_62 = arith.constant 0 : i32
      %dma_wait3A_63 = tpu.memref_slice %arg6[%arg0, %dma_wait3A_61, %dma_wait3A_62] : memref<2x10112x128xf32, #tpu.memory_space<hbm>> -> memref<1x10112x128xf32, #tpu.memory_space<hbm>>
      %dma_wait3A_64 = tpu.memref_squeeze %dma_wait3A_63 : memref<1x10112x128xf32, #tpu.memory_space<hbm>> -> memref<10112x128xf32, #tpu.memory_space<hbm>>
      %dma_wait3A_65 = arith.constant 0 : i32
      %dma_wait3A_66 = tpu.memref_slice %dma_wait3A_64[%add3A_19, %dma_wait3A_65] : memref<10112x128xf32, #tpu.memory_space<hbm>> -> memref<128x128xf32, #tpu.memory_space<hbm>>
      %dma_wait3A_67 = arith.constant 0 : i32
      %dma_wait3A_68 = arith.constant 0 : i32
      %dma_wait3A_69 = tpu.memref_slice %arg10[%dma_wait3A_67, %dma_wait3A_68] : memref<128x128xf32, #tpu.memory_space<vmem>> -> memref<128x128xf32, #tpu.memory_space<vmem>>
      tpu.wait_dma2 semaphore(%run_scoped3A : memref<!tpu.dma_semaphore, #tpu.memory_space<semaphore_mem>>) src(%dma_wait3A_69 : memref<128x128xf32, #tpu.memory_space<vmem>>) dst(%dma_wait3A_66 : memref<128x128xf32, #tpu.memory_space<hbm>>)
      tpu.yield
    }) : () -> ()
    %add3A_20 = arith.constant 128 : i32
    %add3A_21 = arith.addi %mul3A_0, %add3A_20 : i32
    "tpu.region"() ({
      %run_scoped3A = tpu.sem_alloc : memref<!tpu.dma_semaphore, #tpu.memory_space<semaphore_mem>>
      %dma_start3A = arith.constant 0 : i32
      %dma_start3A_36 = arith.constant 0 : i32
      %dma_start3A_37 = tpu.memref_slice %arg10[%dma_start3A, %dma_start3A_36] : memref<128x128xf32, #tpu.memory_space<vmem>> -> memref<128x128xf32, #tpu.memory_space<vmem>>
      %dma_start3A_38 = arith.constant 0 : i32
      %dma_start3A_39 = tpu.memref_slice %arg7[%add3A_21, %dma_start3A_38] : memref<10112x128xf32, #tpu.memory_space<vmem_shared>> -> memref<128x128xf32, #tpu.memory_space<vmem_shared>>
      %dma_start3A_40 = arith.constant 0 : i32
      %dma_start3A_41 = arith.constant 0 : i32
      %dma_start3A_42 = tpu.memref_slice %arg10[%dma_start3A_40, %dma_start3A_41] : memref<128x128xf32, #tpu.memory_space<vmem>> -> memref<128x128xf32, #tpu.memory_space<vmem>>
      %dma_start3A_43 = arith.constant 0 : i32
      %dma_start3A_44 = tpu.memref_slice %arg7[%add3A_21, %dma_start3A_43] : memref<10112x128xf32, #tpu.memory_space<vmem_shared>> -> memref<128x128xf32, #tpu.memory_space<vmem_shared>>
      tpu.enqueue_dma source(%dma_start3A_44 : memref<128x128xf32, #tpu.memory_space<vmem_shared>>) target(%dma_start3A_42 : memref<128x128xf32, #tpu.memory_space<vmem>>) target_semaphore(%run_scoped3A : memref<!tpu.dma_semaphore, #tpu.memory_space<semaphore_mem>>)
      %dma_wait3A = arith.constant 0 : i32
      %dma_wait3A_45 = arith.constant 0 : i32
      %dma_wait3A_46 = tpu.memref_slice %arg10[%dma_wait3A, %dma_wait3A_45] : memref<128x128xf32, #tpu.memory_space<vmem>> -> memref<128x128xf32, #tpu.memory_space<vmem>>
      %dma_wait3A_47 = arith.constant 0 : i32
      %dma_wait3A_48 = tpu.memref_slice %arg7[%add3A_21, %dma_wait3A_47] : memref<10112x128xf32, #tpu.memory_space<vmem_shared>> -> memref<128x128xf32, #tpu.memory_space<vmem_shared>>
      %dma_wait3A_49 = arith.constant 0 : i32
      %dma_wait3A_50 = arith.constant 0 : i32
      %dma_wait3A_51 = tpu.memref_slice %arg10[%dma_wait3A_49, %dma_wait3A_50] : memref<128x128xf32, #tpu.memory_space<vmem>> -> memref<128x128xf32, #tpu.memory_space<vmem>>
      %dma_wait3A_52 = arith.constant 0 : i32
      %dma_wait3A_53 = tpu.memref_slice %arg7[%add3A_21, %dma_wait3A_52] : memref<10112x128xf32, #tpu.memory_space<vmem_shared>> -> memref<128x128xf32, #tpu.memory_space<vmem_shared>>
      tpu.wait_dma2 semaphore(%run_scoped3A : memref<!tpu.dma_semaphore, #tpu.memory_space<semaphore_mem>>) src(%dma_wait3A_53 : memref<128x128xf32, #tpu.memory_space<vmem_shared>>) dst(%dma_wait3A_51 : memref<128x128xf32, #tpu.memory_space<vmem>>)
      tpu.yield
    }) : () -> ()
    %add3A_22 = arith.constant 128 : i32
    %add3A_23 = arith.addi %mul3A_0, %add3A_22 : i32
    "tpu.region"() ({
      %run_scoped3A = tpu.sem_alloc : memref<!tpu.dma_semaphore, #tpu.memory_space<semaphore_mem>>
      %dma_start3A = arith.constant 0 : i32
      %dma_start3A_36 = arith.constant 0 : i32
      %dma_start3A_37 = tpu.memref_slice %arg10[%dma_start3A, %dma_start3A_36] : memref<128x128xf32, #tpu.memory_space<vmem>> -> memref<128x128xf32, #tpu.memory_space<vmem>>
      %dma_start3A_38 = arith.constant 0 : i32
      %dma_start3A_39 = arith.constant 0 : i32
      %dma_start3A_40 = tpu.memref_slice %arg6[%arg0, %dma_start3A_38, %dma_start3A_39] : memref<2x10112x128xf32, #tpu.memory_space<hbm>> -> memref<1x10112x128xf32, #tpu.memory_space<hbm>>
      %dma_start3A_41 = tpu.memref_squeeze %dma_start3A_40 : memref<1x10112x128xf32, #tpu.memory_space<hbm>> -> memref<10112x128xf32, #tpu.memory_space<hbm>>
      %dma_start3A_42 = arith.constant 0 : i32
      %dma_start3A_43 = tpu.memref_slice %dma_start3A_41[%add3A_23, %dma_start3A_42] : memref<10112x128xf32, #tpu.memory_space<hbm>> -> memref<128x128xf32, #tpu.memory_space<hbm>>
      %dma_start3A_44 = arith.constant 0 : i32
      %dma_start3A_45 = arith.constant 0 : i32
      %dma_start3A_46 = tpu.memref_slice %arg6[%arg0, %dma_start3A_44, %dma_start3A_45] : memref<2x10112x128xf32, #tpu.memory_space<hbm>> -> memref<1x10112x128xf32, #tpu.memory_space<hbm>>
      %dma_start3A_47 = tpu.memref_squeeze %dma_start3A_46 : memref<1x10112x128xf32, #tpu.memory_space<hbm>> -> memref<10112x128xf32, #tpu.memory_space<hbm>>
      %dma_start3A_48 = arith.constant 0 : i32
      %dma_start3A_49 = tpu.memref_slice %dma_start3A_47[%add3A_23, %dma_start3A_48] : memref<10112x128xf32, #tpu.memory_space<hbm>> -> memref<128x128xf32, #tpu.memory_space<hbm>>
      %dma_start3A_50 = arith.constant 0 : i32
      %dma_start3A_51 = arith.constant 0 : i32
      %dma_start3A_52 = tpu.memref_slice %arg10[%dma_start3A_50, %dma_start3A_51] : memref<128x128xf32, #tpu.memory_space<vmem>> -> memref<128x128xf32, #tpu.memory_space<vmem>>
      tpu.enqueue_dma source(%dma_start3A_52 : memref<128x128xf32, #tpu.memory_space<vmem>>) target(%dma_start3A_49 : memref<128x128xf32, #tpu.memory_space<hbm>>) target_semaphore(%run_scoped3A : memref<!tpu.dma_semaphore, #tpu.memory_space<semaphore_mem>>)
      %dma_wait3A = arith.constant 0 : i32
      %dma_wait3A_53 = arith.constant 0 : i32
      %dma_wait3A_54 = tpu.memref_slice %arg10[%dma_wait3A, %dma_wait3A_53] : memref<128x128xf32, #tpu.memory_space<vmem>> -> memref<128x128xf32, #tpu.memory_space<vmem>>
      %dma_wait3A_55 = arith.constant 0 : i32
      %dma_wait3A_56 = arith.constant 0 : i32
      %dma_wait3A_57 = tpu.memref_slice %arg6[%arg0, %dma_wait3A_55, %dma_wait3A_56] : memref<2x10112x128xf32, #tpu.memory_space<hbm>> -> memref<1x10112x128xf32, #tpu.memory_space<hbm>>
      %dma_wait3A_58 = tpu.memref_squeeze %dma_wait3A_57 : memref<1x10112x128xf32, #tpu.memory_space<hbm>> -> memref<10112x128xf32, #tpu.memory_space<hbm>>
      %dma_wait3A_59 = arith.constant 0 : i32
      %dma_wait3A_60 = tpu.memref_slice %dma_wait3A_58[%add3A_23, %dma_wait3A_59] : memref<10112x128xf32, #tpu.memory_space<hbm>> -> memref<128x128xf32, #tpu.memory_space<hbm>>
      %dma_wait3A_61 = arith.constant 0 : i32
      %dma_wait3A_62 = arith.constant 0 : i32
      %dma_wait3A_63 = tpu.memref_slice %arg6[%arg0, %dma_wait3A_61, %dma_wait3A_62] : memref<2x10112x128xf32, #tpu.memory_space<hbm>> -> memref<1x10112x128xf32, #tpu.memory_space<hbm>>
      %dma_wait3A_64 = tpu.memref_squeeze %dma_wait3A_63 : memref<1x10112x128xf32, #tpu.memory_space<hbm>> -> memref<10112x128xf32, #tpu.memory_space<hbm>>
      %dma_wait3A_65 = arith.constant 0 : i32
      %dma_wait3A_66 = tpu.memref_slice %dma_wait3A_64[%add3A_23, %dma_wait3A_65] : memref<10112x128xf32, #tpu.memory_space<hbm>> -> memref<128x128xf32, #tpu.memory_space<hbm>>
      %dma_wait3A_67 = arith.constant 0 : i32
      %dma_wait3A_68 = arith.constant 0 : i32
      %dma_wait3A_69 = tpu.memref_slice %arg10[%dma_wait3A_67, %dma_wait3A_68] : memref<128x128xf32, #tpu.memory_space<vmem>> -> memref<128x128xf32, #tpu.memory_space<vmem>>
      tpu.wait_dma2 semaphore(%run_scoped3A : memref<!tpu.dma_semaphore, #tpu.memory_space<semaphore_mem>>) src(%dma_wait3A_69 : memref<128x128xf32, #tpu.memory_space<vmem>>) dst(%dma_wait3A_66 : memref<128x128xf32, #tpu.memory_space<hbm>>)
      tpu.yield
    }) : () -> ()
    %add3A_24 = arith.constant 256 : i32
    %add3A_25 = arith.addi %mul3A_0, %add3A_24 : i32
    "tpu.region"() ({
      %run_scoped3A = tpu.sem_alloc : memref<!tpu.dma_semaphore, #tpu.memory_space<semaphore_mem>>
      %dma_start3A = arith.constant 0 : i32
      %dma_start3A_36 = arith.constant 0 : i32
      %dma_start3A_37 = tpu.memref_slice %arg10[%dma_start3A, %dma_start3A_36] : memref<128x128xf32, #tpu.memory_space<vmem>> -> memref<128x128xf32, #tpu.memory_space<vmem>>
      %dma_start3A_38 = arith.constant 0 : i32
      %dma_start3A_39 = tpu.memref_slice %arg7[%add3A_25, %dma_start3A_38] : memref<10112x128xf32, #tpu.memory_space<vmem_shared>> -> memref<128x128xf32, #tpu.memory_space<vmem_shared>>
      %dma_start3A_40 = arith.constant 0 : i32
      %dma_start3A_41 = arith.constant 0 : i32
      %dma_start3A_42 = tpu.memref_slice %arg10[%dma_start3A_40, %dma_start3A_41] : memref<128x128xf32, #tpu.memory_space<vmem>> -> memref<128x128xf32, #tpu.memory_space<vmem>>
      %dma_start3A_43 = arith.constant 0 : i32
      %dma_start3A_44 = tpu.memref_slice %arg7[%add3A_25, %dma_start3A_43] : memref<10112x128xf32, #tpu.memory_space<vmem_shared>> -> memref<128x128xf32, #tpu.memory_space<vmem_shared>>
      tpu.enqueue_dma source(%dma_start3A_44 : memref<128x128xf32, #tpu.memory_space<vmem_shared>>) target(%dma_start3A_42 : memref<128x128xf32, #tpu.memory_space<vmem>>) target_semaphore(%run_scoped3A : memref<!tpu.dma_semaphore, #tpu.memory_space<semaphore_mem>>)
      %dma_wait3A = arith.constant 0 : i32
      %dma_wait3A_45 = arith.constant 0 : i32
      %dma_wait3A_46 = tpu.memref_slice %arg10[%dma_wait3A, %dma_wait3A_45] : memref<128x128xf32, #tpu.memory_space<vmem>> -> memref<128x128xf32, #tpu.memory_space<vmem>>
      %dma_wait3A_47 = arith.constant 0 : i32
      %dma_wait3A_48 = tpu.memref_slice %arg7[%add3A_25, %dma_wait3A_47] : memref<10112x128xf32, #tpu.memory_space<vmem_shared>> -> memref<128x128xf32, #tpu.memory_space<vmem_shared>>
      %dma_wait3A_49 = arith.constant 0 : i32
      %dma_wait3A_50 = arith.constant 0 : i32
      %dma_wait3A_51 = tpu.memref_slice %arg10[%dma_wait3A_49, %dma_wait3A_50] : memref<128x128xf32, #tpu.memory_space<vmem>> -> memref<128x128xf32, #tpu.memory_space<vmem>>
      %dma_wait3A_52 = arith.constant 0 : i32
      %dma_wait3A_53 = tpu.memref_slice %arg7[%add3A_25, %dma_wait3A_52] : memref<10112x128xf32, #tpu.memory_space<vmem_shared>> -> memref<128x128xf32, #tpu.memory_space<vmem_shared>>
      tpu.wait_dma2 semaphore(%run_scoped3A : memref<!tpu.dma_semaphore, #tpu.memory_space<semaphore_mem>>) src(%dma_wait3A_53 : memref<128x128xf32, #tpu.memory_space<vmem_shared>>) dst(%dma_wait3A_51 : memref<128x128xf32, #tpu.memory_space<vmem>>)
      tpu.yield
    }) : () -> ()
    %add3A_26 = arith.constant 256 : i32
    %add3A_27 = arith.addi %mul3A_0, %add3A_26 : i32
    "tpu.region"() ({
      %run_scoped3A = tpu.sem_alloc : memref<!tpu.dma_semaphore, #tpu.memory_space<semaphore_mem>>
      %dma_start3A = arith.constant 0 : i32
      %dma_start3A_36 = arith.constant 0 : i32
      %dma_start3A_37 = tpu.memref_slice %arg10[%dma_start3A, %dma_start3A_36] : memref<128x128xf32, #tpu.memory_space<vmem>> -> memref<128x128xf32, #tpu.memory_space<vmem>>
      %dma_start3A_38 = arith.constant 0 : i32
      %dma_start3A_39 = arith.constant 0 : i32
      %dma_start3A_40 = tpu.memref_slice %arg6[%arg0, %dma_start3A_38, %dma_start3A_39] : memref<2x10112x128xf32, #tpu.memory_space<hbm>> -> memref<1x10112x128xf32, #tpu.memory_space<hbm>>
      %dma_start3A_41 = tpu.memref_squeeze %dma_start3A_40 : memref<1x10112x128xf32, #tpu.memory_space<hbm>> -> memref<10112x128xf32, #tpu.memory_space<hbm>>
      %dma_start3A_42 = arith.constant 0 : i32
      %dma_start3A_43 = tpu.memref_slice %dma_start3A_41[%add3A_27, %dma_start3A_42] : memref<10112x128xf32, #tpu.memory_space<hbm>> -> memref<128x128xf32, #tpu.memory_space<hbm>>
      %dma_start3A_44 = arith.constant 0 : i32
      %dma_start3A_45 = arith.constant 0 : i32
      %dma_start3A_46 = tpu.memref_slice %arg6[%arg0, %dma_start3A_44, %dma_start3A_45] : memref<2x10112x128xf32, #tpu.memory_space<hbm>> -> memref<1x10112x128xf32, #tpu.memory_space<hbm>>
      %dma_start3A_47 = tpu.memref_squeeze %dma_start3A_46 : memref<1x10112x128xf32, #tpu.memory_space<hbm>> -> memref<10112x128xf32, #tpu.memory_space<hbm>>
      %dma_start3A_48 = arith.constant 0 : i32
      %dma_start3A_49 = tpu.memref_slice %dma_start3A_47[%add3A_27, %dma_start3A_48] : memref<10112x128xf32, #tpu.memory_space<hbm>> -> memref<128x128xf32, #tpu.memory_space<hbm>>
      %dma_start3A_50 = arith.constant 0 : i32
      %dma_start3A_51 = arith.constant 0 : i32
      %dma_start3A_52 = tpu.memref_slice %arg10[%dma_start3A_50, %dma_start3A_51] : memref<128x128xf32, #tpu.memory_space<vmem>> -> memref<128x128xf32, #tpu.memory_space<vmem>>
      tpu.enqueue_dma source(%dma_start3A_52 : memref<128x128xf32, #tpu.memory_space<vmem>>) target(%dma_start3A_49 : memref<128x128xf32, #tpu.memory_space<hbm>>) target_semaphore(%run_scoped3A : memref<!tpu.dma_semaphore, #tpu.memory_space<semaphore_mem>>)
      %dma_wait3A = arith.constant 0 : i32
      %dma_wait3A_53 = arith.constant 0 : i32
      %dma_wait3A_54 = tpu.memref_slice %arg10[%dma_wait3A, %dma_wait3A_53] : memref<128x128xf32, #tpu.memory_space<vmem>> -> memref<128x128xf32, #tpu.memory_space<vmem>>
      %dma_wait3A_55 = arith.constant 0 : i32
      %dma_wait3A_56 = arith.constant 0 : i32
      %dma_wait3A_57 = tpu.memref_slice %arg6[%arg0, %dma_wait3A_55, %dma_wait3A_56] : memref<2x10112x128xf32, #tpu.memory_space<hbm>> -> memref<1x10112x128xf32, #tpu.memory_space<hbm>>
      %dma_wait3A_58 = tpu.memref_squeeze %dma_wait3A_57 : memref<1x10112x128xf32, #tpu.memory_space<hbm>> -> memref<10112x128xf32, #tpu.memory_space<hbm>>
      %dma_wait3A_59 = arith.constant 0 : i32
      %dma_wait3A_60 = tpu.memref_slice %dma_wait3A_58[%add3A_27, %dma_wait3A_59] : memref<10112x128xf32, #tpu.memory_space<hbm>> -> memref<128x128xf32, #tpu.memory_space<hbm>>
      %dma_wait3A_61 = arith.constant 0 : i32
      %dma_wait3A_62 = arith.constant 0 : i32
      %dma_wait3A_63 = tpu.memref_slice %arg6[%arg0, %dma_wait3A_61, %dma_wait3A_62] : memref<2x10112x128xf32, #tpu.memory_space<hbm>> -> memref<1x10112x128xf32, #tpu.memory_space<hbm>>
      %dma_wait3A_64 = tpu.memref_squeeze %dma_wait3A_63 : memref<1x10112x128xf32, #tpu.memory_space<hbm>> -> memref<10112x128xf32, #tpu.memory_space<hbm>>
      %dma_wait3A_65 = arith.constant 0 : i32
      %dma_wait3A_66 = tpu.memref_slice %dma_wait3A_64[%add3A_27, %dma_wait3A_65] : memref<10112x128xf32, #tpu.memory_space<hbm>> -> memref<128x128xf32, #tpu.memory_space<hbm>>
      %dma_wait3A_67 = arith.constant 0 : i32
      %dma_wait3A_68 = arith.constant 0 : i32
      %dma_wait3A_69 = tpu.memref_slice %arg10[%dma_wait3A_67, %dma_wait3A_68] : memref<128x128xf32, #tpu.memory_space<vmem>> -> memref<128x128xf32, #tpu.memory_space<vmem>>
      tpu.wait_dma2 semaphore(%run_scoped3A : memref<!tpu.dma_semaphore, #tpu.memory_space<semaphore_mem>>) src(%dma_wait3A_69 : memref<128x128xf32, #tpu.memory_space<vmem>>) dst(%dma_wait3A_66 : memref<128x128xf32, #tpu.memory_space<hbm>>)
      tpu.yield
    }) : () -> ()
    %add3A_28 = arith.constant 384 : i32
    %add3A_29 = arith.addi %mul3A_0, %add3A_28 : i32
    "tpu.region"() ({
      %run_scoped3A = tpu.sem_alloc : memref<!tpu.dma_semaphore, #tpu.memory_space<semaphore_mem>>
      %dma_start3A = arith.constant 0 : i32
      %dma_start3A_36 = arith.constant 0 : i32
      %dma_start3A_37 = tpu.memref_slice %arg10[%dma_start3A, %dma_start3A_36] : memref<128x128xf32, #tpu.memory_space<vmem>> -> memref<128x128xf32, #tpu.memory_space<vmem>>
      %dma_start3A_38 = arith.constant 0 : i32
      %dma_start3A_39 = tpu.memref_slice %arg7[%add3A_29, %dma_start3A_38] : memref<10112x128xf32, #tpu.memory_space<vmem_shared>> -> memref<128x128xf32, #tpu.memory_space<vmem_shared>>
      %dma_start3A_40 = arith.constant 0 : i32
      %dma_start3A_41 = arith.constant 0 : i32
      %dma_start3A_42 = tpu.memref_slice %arg10[%dma_start3A_40, %dma_start3A_41] : memref<128x128xf32, #tpu.memory_space<vmem>> -> memref<128x128xf32, #tpu.memory_space<vmem>>
      %dma_start3A_43 = arith.constant 0 : i32
      %dma_start3A_44 = tpu.memref_slice %arg7[%add3A_29, %dma_start3A_43] : memref<10112x128xf32, #tpu.memory_space<vmem_shared>> -> memref<128x128xf32, #tpu.memory_space<vmem_shared>>
      tpu.enqueue_dma source(%dma_start3A_44 : memref<128x128xf32, #tpu.memory_space<vmem_shared>>) target(%dma_start3A_42 : memref<128x128xf32, #tpu.memory_space<vmem>>) target_semaphore(%run_scoped3A : memref<!tpu.dma_semaphore, #tpu.memory_space<semaphore_mem>>)
      %dma_wait3A = arith.constant 0 : i32
      %dma_wait3A_45 = arith.constant 0 : i32
      %dma_wait3A_46 = tpu.memref_slice %arg10[%dma_wait3A, %dma_wait3A_45] : memref<128x128xf32, #tpu.memory_space<vmem>> -> memref<128x128xf32, #tpu.memory_space<vmem>>
      %dma_wait3A_47 = arith.constant 0 : i32
      %dma_wait3A_48 = tpu.memref_slice %arg7[%add3A_29, %dma_wait3A_47] : memref<10112x128xf32, #tpu.memory_space<vmem_shared>> -> memref<128x128xf32, #tpu.memory_space<vmem_shared>>
      %dma_wait3A_49 = arith.constant 0 : i32
      %dma_wait3A_50 = arith.constant 0 : i32
      %dma_wait3A_51 = tpu.memref_slice %arg10[%dma_wait3A_49, %dma_wait3A_50] : memref<128x128xf32, #tpu.memory_space<vmem>> -> memref<128x128xf32, #tpu.memory_space<vmem>>
      %dma_wait3A_52 = arith.constant 0 : i32
      %dma_wait3A_53 = tpu.memref_slice %arg7[%add3A_29, %dma_wait3A_52] : memref<10112x128xf32, #tpu.memory_space<vmem_shared>> -> memref<128x128xf32, #tpu.memory_space<vmem_shared>>
      tpu.wait_dma2 semaphore(%run_scoped3A : memref<!tpu.dma_semaphore, #tpu.memory_space<semaphore_mem>>) src(%dma_wait3A_53 : memref<128x128xf32, #tpu.memory_space<vmem_shared>>) dst(%dma_wait3A_51 : memref<128x128xf32, #tpu.memory_space<vmem>>)
      tpu.yield
    }) : () -> ()
    %add3A_30 = arith.constant 384 : i32
    %add3A_31 = arith.addi %mul3A_0, %add3A_30 : i32
    "tpu.region"() ({
      %run_scoped3A = tpu.sem_alloc : memref<!tpu.dma_semaphore, #tpu.memory_space<semaphore_mem>>
      %dma_start3A = arith.constant 0 : i32
      %dma_start3A_36 = arith.constant 0 : i32
      %dma_start3A_37 = tpu.memref_slice %arg10[%dma_start3A, %dma_start3A_36] : memref<128x128xf32, #tpu.memory_space<vmem>> -> memref<128x128xf32, #tpu.memory_space<vmem>>
      %dma_start3A_38 = arith.constant 0 : i32
      %dma_start3A_39 = arith.constant 0 : i32
      %dma_start3A_40 = tpu.memref_slice %arg6[%arg0, %dma_start3A_38, %dma_start3A_39] : memref<2x10112x128xf32, #tpu.memory_space<hbm>> -> memref<1x10112x128xf32, #tpu.memory_space<hbm>>
      %dma_start3A_41 = tpu.memref_squeeze %dma_start3A_40 : memref<1x10112x128xf32, #tpu.memory_space<hbm>> -> memref<10112x128xf32, #tpu.memory_space<hbm>>
      %dma_start3A_42 = arith.constant 0 : i32
      %dma_start3A_43 = tpu.memref_slice %dma_start3A_41[%add3A_31, %dma_start3A_42] : memref<10112x128xf32, #tpu.memory_space<hbm>> -> memref<128x128xf32, #tpu.memory_space<hbm>>
      %dma_start3A_44 = arith.constant 0 : i32
      %dma_start3A_45 = arith.constant 0 : i32
      %dma_start3A_46 = tpu.memref_slice %arg6[%arg0, %dma_start3A_44, %dma_start3A_45] : memref<2x10112x128xf32, #tpu.memory_space<hbm>> -> memref<1x10112x128xf32, #tpu.memory_space<hbm>>
      %dma_start3A_47 = tpu.memref_squeeze %dma_start3A_46 : memref<1x10112x128xf32, #tpu.memory_space<hbm>> -> memref<10112x128xf32, #tpu.memory_space<hbm>>
      %dma_start3A_48 = arith.constant 0 : i32
      %dma_start3A_49 = tpu.memref_slice %dma_start3A_47[%add3A_31, %dma_start3A_48] : memref<10112x128xf32, #tpu.memory_space<hbm>> -> memref<128x128xf32, #tpu.memory_space<hbm>>
      %dma_start3A_50 = arith.constant 0 : i32
      %dma_start3A_51 = arith.constant 0 : i32
      %dma_start3A_52 = tpu.memref_slice %arg10[%dma_start3A_50, %dma_start3A_51] : memref<128x128xf32, #tpu.memory_space<vmem>> -> memref<128x128xf32, #tpu.memory_space<vmem>>
      tpu.enqueue_dma source(%dma_start3A_52 : memref<128x128xf32, #tpu.memory_space<vmem>>) target(%dma_start3A_49 : memref<128x128xf32, #tpu.memory_space<hbm>>) target_semaphore(%run_scoped3A : memref<!tpu.dma_semaphore, #tpu.memory_space<semaphore_mem>>)
      %dma_wait3A = arith.constant 0 : i32
      %dma_wait3A_53 = arith.constant 0 : i32
      %dma_wait3A_54 = tpu.memref_slice %arg10[%dma_wait3A, %dma_wait3A_53] : memref<128x128xf32, #tpu.memory_space<vmem>> -> memref<128x128xf32, #tpu.memory_space<vmem>>
      %dma_wait3A_55 = arith.constant 0 : i32
      %dma_wait3A_56 = arith.constant 0 : i32
      %dma_wait3A_57 = tpu.memref_slice %arg6[%arg0, %dma_wait3A_55, %dma_wait3A_56] : memref<2x10112x128xf32, #tpu.memory_space<hbm>> -> memref<1x10112x128xf32, #tpu.memory_space<hbm>>
      %dma_wait3A_58 = tpu.memref_squeeze %dma_wait3A_57 : memref<1x10112x128xf32, #tpu.memory_space<hbm>> -> memref<10112x128xf32, #tpu.memory_space<hbm>>
      %dma_wait3A_59 = arith.constant 0 : i32
      %dma_wait3A_60 = tpu.memref_slice %dma_wait3A_58[%add3A_31, %dma_wait3A_59] : memref<10112x128xf32, #tpu.memory_space<hbm>> -> memref<128x128xf32, #tpu.memory_space<hbm>>
      %dma_wait3A_61 = arith.constant 0 : i32
      %dma_wait3A_62 = arith.constant 0 : i32
      %dma_wait3A_63 = tpu.memref_slice %arg6[%arg0, %dma_wait3A_61, %dma_wait3A_62] : memref<2x10112x128xf32, #tpu.memory_space<hbm>> -> memref<1x10112x128xf32, #tpu.memory_space<hbm>>
      %dma_wait3A_64 = tpu.memref_squeeze %dma_wait3A_63 : memref<1x10112x128xf32, #tpu.memory_space<hbm>> -> memref<10112x128xf32, #tpu.memory_space<hbm>>
      %dma_wait3A_65 = arith.constant 0 : i32
      %dma_wait3A_66 = tpu.memref_slice %dma_wait3A_64[%add3A_31, %dma_wait3A_65] : memref<10112x128xf32, #tpu.memory_space<hbm>> -> memref<128x128xf32, #tpu.memory_space<hbm>>
      %dma_wait3A_67 = arith.constant 0 : i32
      %dma_wait3A_68 = arith.constant 0 : i32
      %dma_wait3A_69 = tpu.memref_slice %arg10[%dma_wait3A_67, %dma_wait3A_68] : memref<128x128xf32, #tpu.memory_space<vmem>> -> memref<128x128xf32, #tpu.memory_space<vmem>>
      tpu.wait_dma2 semaphore(%run_scoped3A : memref<!tpu.dma_semaphore, #tpu.memory_space<semaphore_mem>>) src(%dma_wait3A_69 : memref<128x128xf32, #tpu.memory_space<vmem>>) dst(%dma_wait3A_66 : memref<128x128xf32, #tpu.memory_space<hbm>>)
      tpu.yield
    }) : () -> ()
    %add3A_32 = arith.constant 512 : i32
    %add3A_33 = arith.addi %mul3A_0, %add3A_32 : i32
    "tpu.region"() ({
      %run_scoped3A = tpu.sem_alloc : memref<!tpu.dma_semaphore, #tpu.memory_space<semaphore_mem>>
      %dma_start3A = arith.constant 0 : i32
      %dma_start3A_36 = arith.constant 0 : i32
      %dma_start3A_37 = tpu.memref_slice %arg10[%dma_start3A, %dma_start3A_36] : memref<128x128xf32, #tpu.memory_space<vmem>> -> memref<120x128xf32, #tpu.memory_space<vmem>>
      %dma_start3A_38 = arith.constant 0 : i32
      %dma_start3A_39 = tpu.memref_slice %arg7[%add3A_33, %dma_start3A_38] : memref<10112x128xf32, #tpu.memory_space<vmem_shared>> -> memref<120x128xf32, #tpu.memory_space<vmem_shared>>
      %dma_start3A_40 = arith.constant 0 : i32
      %dma_start3A_41 = arith.constant 0 : i32
      %dma_start3A_42 = tpu.memref_slice %arg10[%dma_start3A_40, %dma_start3A_41] : memref<128x128xf32, #tpu.memory_space<vmem>> -> memref<120x128xf32, #tpu.memory_space<vmem>>
      %dma_start3A_43 = arith.constant 0 : i32
      %dma_start3A_44 = tpu.memref_slice %arg7[%add3A_33, %dma_start3A_43] : memref<10112x128xf32, #tpu.memory_space<vmem_shared>> -> memref<120x128xf32, #tpu.memory_space<vmem_shared>>
      tpu.enqueue_dma source(%dma_start3A_44 : memref<120x128xf32, #tpu.memory_space<vmem_shared>>) target(%dma_start3A_42 : memref<120x128xf32, #tpu.memory_space<vmem>>) target_semaphore(%run_scoped3A : memref<!tpu.dma_semaphore, #tpu.memory_space<semaphore_mem>>)
      %dma_wait3A = arith.constant 0 : i32
      %dma_wait3A_45 = arith.constant 0 : i32
      %dma_wait3A_46 = tpu.memref_slice %arg10[%dma_wait3A, %dma_wait3A_45] : memref<128x128xf32, #tpu.memory_space<vmem>> -> memref<120x128xf32, #tpu.memory_space<vmem>>
      %dma_wait3A_47 = arith.constant 0 : i32
      %dma_wait3A_48 = tpu.memref_slice %arg7[%add3A_33, %dma_wait3A_47] : memref<10112x128xf32, #tpu.memory_space<vmem_shared>> -> memref<120x128xf32, #tpu.memory_space<vmem_shared>>
      %dma_wait3A_49 = arith.constant 0 : i32
      %dma_wait3A_50 = arith.constant 0 : i32
      %dma_wait3A_51 = tpu.memref_slice %arg10[%dma_wait3A_49, %dma_wait3A_50] : memref<128x128xf32, #tpu.memory_space<vmem>> -> memref<120x128xf32, #tpu.memory_space<vmem>>
      %dma_wait3A_52 = arith.constant 0 : i32
      %dma_wait3A_53 = tpu.memref_slice %arg7[%add3A_33, %dma_wait3A_52] : memref<10112x128xf32, #tpu.memory_space<vmem_shared>> -> memref<120x128xf32, #tpu.memory_space<vmem_shared>>
      tpu.wait_dma2 semaphore(%run_scoped3A : memref<!tpu.dma_semaphore, #tpu.memory_space<semaphore_mem>>) src(%dma_wait3A_53 : memref<120x128xf32, #tpu.memory_space<vmem_shared>>) dst(%dma_wait3A_51 : memref<120x128xf32, #tpu.memory_space<vmem>>)
      tpu.yield
    }) : () -> ()
    %add3A_34 = arith.constant 512 : i32
    %add3A_35 = arith.addi %mul3A_0, %add3A_34 : i32
    "tpu.region"() ({
      %run_scoped3A = tpu.sem_alloc : memref<!tpu.dma_semaphore, #tpu.memory_space<semaphore_mem>>
      %dma_start3A = arith.constant 0 : i32
      %dma_start3A_36 = arith.constant 0 : i32
      %dma_start3A_37 = tpu.memref_slice %arg10[%dma_start3A, %dma_start3A_36] : memref<128x128xf32, #tpu.memory_space<vmem>> -> memref<120x128xf32, #tpu.memory_space<vmem>>
      %dma_start3A_38 = arith.constant 0 : i32
      %dma_start3A_39 = arith.constant 0 : i32
      %dma_start3A_40 = tpu.memref_slice %arg6[%arg0, %dma_start3A_38, %dma_start3A_39] : memref<2x10112x128xf32, #tpu.memory_space<hbm>> -> memref<1x10112x128xf32, #tpu.memory_space<hbm>>
      %dma_start3A_41 = tpu.memref_squeeze %dma_start3A_40 : memref<1x10112x128xf32, #tpu.memory_space<hbm>> -> memref<10112x128xf32, #tpu.memory_space<hbm>>
      %dma_start3A_42 = arith.constant 0 : i32
      %dma_start3A_43 = tpu.memref_slice %dma_start3A_41[%add3A_35, %dma_start3A_42] : memref<10112x128xf32, #tpu.memory_space<hbm>> -> memref<120x128xf32, #tpu.memory_space<hbm>>
      %dma_start3A_44 = arith.constant 0 : i32
      %dma_start3A_45 = arith.constant 0 : i32
      %dma_start3A_46 = tpu.memref_slice %arg6[%arg0, %dma_start3A_44, %dma_start3A_45] : memref<2x10112x128xf32, #tpu.memory_space<hbm>> -> memref<1x10112x128xf32, #tpu.memory_space<hbm>>
      %dma_start3A_47 = tpu.memref_squeeze %dma_start3A_46 : memref<1x10112x128xf32, #tpu.memory_space<hbm>> -> memref<10112x128xf32, #tpu.memory_space<hbm>>
      %dma_start3A_48 = arith.constant 0 : i32
      %dma_start3A_49 = tpu.memref_slice %dma_start3A_47[%add3A_35, %dma_start3A_48] : memref<10112x128xf32, #tpu.memory_space<hbm>> -> memref<120x128xf32, #tpu.memory_space<hbm>>
      %dma_start3A_50 = arith.constant 0 : i32
      %dma_start3A_51 = arith.constant 0 : i32
      %dma_start3A_52 = tpu.memref_slice %arg10[%dma_start3A_50, %dma_start3A_51] : memref<128x128xf32, #tpu.memory_space<vmem>> -> memref<120x128xf32, #tpu.memory_space<vmem>>
      tpu.enqueue_dma source(%dma_start3A_52 : memref<120x128xf32, #tpu.memory_space<vmem>>) target(%dma_start3A_49 : memref<120x128xf32, #tpu.memory_space<hbm>>) target_semaphore(%run_scoped3A : memref<!tpu.dma_semaphore, #tpu.memory_space<semaphore_mem>>)
      %dma_wait3A = arith.constant 0 : i32
      %dma_wait3A_53 = arith.constant 0 : i32
      %dma_wait3A_54 = tpu.memref_slice %arg10[%dma_wait3A, %dma_wait3A_53] : memref<128x128xf32, #tpu.memory_space<vmem>> -> memref<120x128xf32, #tpu.memory_space<vmem>>
      %dma_wait3A_55 = arith.constant 0 : i32
      %dma_wait3A_56 = arith.constant 0 : i32
      %dma_wait3A_57 = tpu.memref_slice %arg6[%arg0, %dma_wait3A_55, %dma_wait3A_56] : memref<2x10112x128xf32, #tpu.memory_space<hbm>> -> memref<1x10112x128xf32, #tpu.memory_space<hbm>>
      %dma_wait3A_58 = tpu.memref_squeeze %dma_wait3A_57 : memref<1x10112x128xf32, #tpu.memory_space<hbm>> -> memref<10112x128xf32, #tpu.memory_space<hbm>>
      %dma_wait3A_59 = arith.constant 0 : i32
      %dma_wait3A_60 = tpu.memref_slice %dma_wait3A_58[%add3A_35, %dma_wait3A_59] : memref<10112x128xf32, #tpu.memory_space<hbm>> -> memref<120x128xf32, #tpu.memory_space<hbm>>
      %dma_wait3A_61 = arith.constant 0 : i32
      %dma_wait3A_62 = arith.constant 0 : i32
      %dma_wait3A_63 = tpu.memref_slice %arg6[%arg0, %dma_wait3A_61, %dma_wait3A_62] : memref<2x10112x128xf32, #tpu.memory_space<hbm>> -> memref<1x10112x128xf32, #tpu.memory_space<hbm>>
      %dma_wait3A_64 = tpu.memref_squeeze %dma_wait3A_63 : memref<1x10112x128xf32, #tpu.memory_space<hbm>> -> memref<10112x128xf32, #tpu.memory_space<hbm>>
      %dma_wait3A_65 = arith.constant 0 : i32
      %dma_wait3A_66 = tpu.memref_slice %dma_wait3A_64[%add3A_35, %dma_wait3A_65] : memref<10112x128xf32, #tpu.memory_space<hbm>> -> memref<120x128xf32, #tpu.memory_space<hbm>>
      %dma_wait3A_67 = arith.constant 0 : i32
      %dma_wait3A_68 = arith.constant 0 : i32
      %dma_wait3A_69 = tpu.memref_slice %arg10[%dma_wait3A_67, %dma_wait3A_68] : memref<128x128xf32, #tpu.memory_space<vmem>> -> memref<120x128xf32, #tpu.memory_space<vmem>>
      tpu.wait_dma2 semaphore(%run_scoped3A : memref<!tpu.dma_semaphore, #tpu.memory_space<semaphore_mem>>) src(%dma_wait3A_69 : memref<120x128xf32, #tpu.memory_space<vmem>>) dst(%dma_wait3A_66 : memref<120x128xf32, #tpu.memory_space<hbm>>)
      tpu.yield
    }) : () -> ()
    return
  }
}

module attributes {stable_mosaic.version = 14 : i64} {
  func.func @_k_first(%arg0: i32, %arg1: memref<1000x128xf32, #tpu.memory_space<vmem>>, %arg2: memref<128x256xf32, #tpu.memory_space<vmem>>, %arg3: memref<2x1000x128xf32, #tpu.memory_space<vmem>>, %arg4: memref<2x1000x128xf32, #tpu.memory_space<vmem>>) attributes {dimension_semantics = [#tpu.dimension_semantics<arbitrary>], iteration_bounds = array<i64: 10>, scalar_prefetch = 0 : i64, scratch_operands = 0 : i64, tpu.core_type = #tpu.core_type<tc>, window_params = [{transform_indices = @transform_0, window_bounds = array<i64: 1000, 128>}, {pipeline_mode = #tpu.pipeline_mode<synchronous>, transform_indices = @transform_1, window_bounds = array<i64: 128, 256>}, {transform_indices = @transform_2, window_bounds = array<i64: 2, 1000, 128>}, {transform_indices = @transform_3, window_bounds = array<i64: 2, 1000, 128>}]} {
    %get3A = arith.constant 0 : index
    %get3A_0 = arith.constant 0 : index
    %get3A_1 = arith.constant 0 : index
    %get3A_2 = vector.load %arg3[%get3A, %get3A_0, %get3A_1] : memref<2x1000x128xf32, #tpu.memory_space<vmem>>, vector<1x1000x1xf32>
    %get3A_3 = vector.shape_cast %get3A_2 : vector<1x1000x1xf32> to vector<1000xf32>
    %add3A = arith.constant 1.000000e+00 : f32
    %add3A_4 = vector.broadcast %add3A : f32 to vector<1000xf32>
    %add3A_5 = arith.addf %add3A_4, %get3A_3 : vector<1000xf32>
    %get3A_6 = arith.constant 1 : index
    %get3A_7 = arith.constant 0 : index
    %get3A_8 = arith.constant 0 : index
    %get3A_9 = vector.load %arg3[%get3A_6, %get3A_7, %get3A_8] : memref<2x1000x128xf32, #tpu.memory_space<vmem>>, vector<1x1000x1xf32>
    %get3A_10 = vector.shape_cast %get3A_9 : vector<1x1000x1xf32> to vector<1000xf32>
    %add3A_11 = arith.addf %add3A_5, %get3A_10 : vector<1000xf32>
    %rsqrt3A = math.rsqrt %add3A_11 : vector<1000xf32>
    %broadcast_in_dim3A = vector.shape_cast %rsqrt3A : vector<1000xf32> to vector<1000x1xf32>
    %get3A_12 = arith.constant 0 : index
    %get3A_13 = arith.constant 0 : index
    %get3A_14 = vector.load %arg1[%get3A_12, %get3A_13] : memref<1000x128xf32, #tpu.memory_space<vmem>>, vector<1000x128xf32>
    %get3A_15 = arith.constant 0 : index
    %get3A_16 = arith.constant 0 : index
    %get3A_17 = vector.load %arg2[%get3A_15, %get3A_16] : memref<128x256xf32, #tpu.memory_space<vmem>>, vector<128x256xf32>
    %dot_general3A = arith.constant dense<0.000000e+00> : vector<1000x256xf32>
    %dot_general3A_18 = tpu.matmul %get3A_14, %get3A_17, %dot_general3A {dimension_numbers = #tpu.dot_dimension_numbers<[1], [0], [0], [1], [0, 0, 1, 1], [], []>, transpose_lhs_hint = false} : vector<1000x128xf32>, vector<128x256xf32>, vector<1000x256xf32> -> vector<1000x256xf32>
    %mul3A = vector.broadcast %broadcast_in_dim3A : vector<1000x1xf32> to vector<1000x256xf32>
    %mul3A_19 = arith.mulf %dot_general3A_18, %mul3A : vector<1000x256xf32>
    %slice3A = vector.extract_strided_slice %mul3A_19 {offsets = [0, 0], sizes = [1000, 128], strides = [1, 1]} : vector<1000x256xf32> to vector<1000x128xf32>
    %swap3A = arith.constant 0 : index
    %swap3A_20 = arith.constant 0 : index
    %swap3A_21 = arith.constant 0 : index
    %swap3A_22 = vector.load %arg4[%swap3A, %swap3A_20, %swap3A_21] : memref<2x1000x128xf32, #tpu.memory_space<vmem>>, vector<1x1000x128xf32>
    %swap3A_23 = vector.shape_cast %swap3A_22 : vector<1x1000x128xf32> to vector<1000x128xf32>
    %swap3A_24 = vector.shape_cast %slice3A : vector<1000x128xf32> to vector<1x1000x128xf32>
    tpu.vector_store %arg4[%swap3A, %swap3A_20, %swap3A_21], %swap3A_24 {strides = array<i32>} : memref<2x1000x128xf32, #tpu.memory_space<vmem>>, vector<1x1000x128xf32>,
    %slice3A_25 = vector.extract_strided_slice %mul3A_19 {offsets = [0, 128], sizes = [1000, 128], strides = [1, 1]} : vector<1000x256xf32> to vector<1000x128xf32>
    %swap3A_26 = arith.constant 1 : index
    %swap3A_27 = arith.constant 0 : index
    %swap3A_28 = arith.constant 0 : index
    %swap3A_29 = vector.load %arg4[%swap3A_26, %swap3A_27, %swap3A_28] : memref<2x1000x128xf32, #tpu.memory_space<vmem>>, vector<1x1000x128xf32>
    %swap3A_30 = vector.shape_cast %swap3A_29 : vector<1x1000x128xf32> to vector<1000x128xf32>
    %swap3A_31 = vector.shape_cast %slice3A_25 : vector<1000x128xf32> to vector<1x1000x128xf32>
    tpu.vector_store %arg4[%swap3A_26, %swap3A_27, %swap3A_28], %swap3A_31 {strides = array<i32>} : memref<2x1000x128xf32, #tpu.memory_space<vmem>>, vector<1x1000x128xf32>,
    return
  }
  func.func @transform_0(%arg0: i32) -> (i32, i32) {
    %c0_i32 = arith.constant 0 : i32
    %c0_i32_0 = arith.constant 0 : i32
    return %arg0, %c0_i32 : i32, i32
  }
  func.func @transform_1(%arg0: i32) -> (i32, i32) {
    %c0_i32 = arith.constant 0 : i32
    %c0_i32_0 = arith.constant 0 : i32
    %c0_i32_1 = arith.constant 0 : i32
    return %c0_i32, %c0_i32_0 : i32, i32
  }
  func.func @transform_2(%arg0: i32) -> (i32, i32, i32) {
    %c0_i32 = arith.constant 0 : i32
    %c0_i32_0 = arith.constant 0 : i32
    %c0_i32_1 = arith.constant 0 : i32
    return %c0_i32, %arg0, %c0_i32_0 : i32, i32, i32
  }
  func.func @transform_3(%arg0: i32) -> (i32, i32, i32) {
    %c0_i32 = arith.constant 0 : i32
    %c0_i32_0 = arith.constant 0 : i32
    %c0_i32_1 = arith.constant 0 : i32
    return %c0_i32, %arg0, %c0_i32_0 : i32, i32, i32
  }
}

module attributes {stable_mosaic.version = 14 : i64} {
  func.func @_k_mid(%arg0: i32, %arg1: memref<2x1000x128xf32, #tpu.memory_space<vmem>>, %arg2: memref<2x1000x128xf32, #tpu.memory_space<vmem>>, %arg3: memref<2x1000x128xf32, #tpu.memory_space<vmem>>, %arg4: memref<1x256xf32, #tpu.memory_space<vmem>>, %arg5: memref<256x256xf32, #tpu.memory_space<vmem>>, %arg6: memref<2x1000x128xf32, #tpu.memory_space<vmem>>) attributes {dimension_semantics = [#tpu.dimension_semantics<arbitrary>], iteration_bounds = array<i64: 10>, scalar_prefetch = 0 : i64, scratch_operands = 0 : i64, tpu.core_type = #tpu.core_type<tc>, window_params = [{transform_indices = @transform_0, window_bounds = array<i64: 2, 1000, 128>}, {transform_indices = @transform_1, window_bounds = array<i64: 2, 1000, 128>}, {transform_indices = @transform_2, window_bounds = array<i64: 2, 1000, 128>}, {pipeline_mode = #tpu.pipeline_mode<synchronous>, transform_indices = @transform_3, window_bounds = array<i64: 1, 256>}, {pipeline_mode = #tpu.pipeline_mode<synchronous>, transform_indices = @transform_4, window_bounds = array<i64: 256, 256>}, {transform_indices = @transform_5, window_bounds = array<i64: 2, 1000, 128>}]} {
    %get3A = arith.constant 0 : index
    %get3A_0 = arith.constant 0 : index
    %get3A_1 = arith.constant 0 : index
    %get3A_2 = vector.load %arg3[%get3A, %get3A_0, %get3A_1] : memref<2x1000x128xf32, #tpu.memory_space<vmem>>, vector<1x1000x1xf32>
    %get3A_3 = vector.shape_cast %get3A_2 : vector<1x1000x1xf32> to vector<1000xf32>
    %add3A = arith.constant 1.000000e+00 : f32
    %add3A_4 = vector.broadcast %add3A : f32 to vector<1000xf32>
    %add3A_5 = arith.addf %add3A_4, %get3A_3 : vector<1000xf32>
    %get3A_6 = arith.constant 1 : index
    %get3A_7 = arith.constant 0 : index
    %get3A_8 = arith.constant 0 : index
    %get3A_9 = vector.load %arg3[%get3A_6, %get3A_7, %get3A_8] : memref<2x1000x128xf32, #tpu.memory_space<vmem>>, vector<1x1000x1xf32>
    %get3A_10 = vector.shape_cast %get3A_9 : vector<1x1000x1xf32> to vector<1000xf32>
    %add3A_11 = arith.addf %add3A_5, %get3A_10 : vector<1000xf32>
    %rsqrt3A = math.rsqrt %add3A_11 : vector<1000xf32>
    %broadcast_in_dim3A = vector.shape_cast %rsqrt3A : vector<1000xf32> to vector<1000x1xf32>
    %get3A_12 = arith.constant 0 : index
    %get3A_13 = arith.constant 0 : index
    %get3A_14 = arith.constant 0 : index
    %get3A_15 = vector.load %arg1[%get3A_12, %get3A_13, %get3A_14] : memref<2x1000x128xf32, #tpu.memory_space<vmem>>, vector<1x1000x128xf32>
    %get3A_16 = vector.shape_cast %get3A_15 : vector<1x1000x128xf32> to vector<1000x128xf32>
    %get3A_17 = arith.constant 0 : index
    %get3A_18 = arith.constant 0 : index
    %get3A_19 = arith.constant 0 : index
    %get3A_20 = vector.load %arg2[%get3A_17, %get3A_18, %get3A_19] : memref<2x1000x128xf32, #tpu.memory_space<vmem>>, vector<1x1000x128xf32>
    %get3A_21 = vector.shape_cast %get3A_20 : vector<1x1000x128xf32> to vector<1000x128xf32>
    %add3A_22 = arith.addf %get3A_16, %get3A_21 : vector<1000x128xf32>
    %get3A_23 = arith.constant 1 : index
    %get3A_24 = arith.constant 0 : index
    %get3A_25 = arith.constant 0 : index
    %get3A_26 = vector.load %arg1[%get3A_23, %get3A_24, %get3A_25] : memref<2x1000x128xf32, #tpu.memory_space<vmem>>, vector<1x1000x128xf32>
    %get3A_27 = vector.shape_cast %get3A_26 : vector<1x1000x128xf32> to vector<1000x128xf32>
    %get3A_28 = arith.constant 1 : index
    %get3A_29 = arith.constant 0 : index
    %get3A_30 = arith.constant 0 : index
    %get3A_31 = vector.load %arg2[%get3A_28, %get3A_29, %get3A_30] : memref<2x1000x128xf32, #tpu.memory_space<vmem>>, vector<1x1000x128xf32>
    %get3A_32 = vector.shape_cast %get3A_31 : vector<1x1000x128xf32> to vector<1000x128xf32>
    %add3A_33 = arith.addf %get3A_27, %get3A_32 : vector<1000x128xf32>
    %concatenate3A = tpu.concatenate %add3A_22, %add3A_33 in 1 : vector<1000x128xf32>, vector<1000x128xf32> -> vector<1000x256xf32>
    %mul3A = vector.broadcast %broadcast_in_dim3A : vector<1000x1xf32> to vector<1000x256xf32>
    %mul3A_34 = arith.mulf %concatenate3A, %mul3A : vector<1000x256xf32>
    %get3A_35 = arith.constant 0 : index
    %get3A_36 = arith.constant 0 : index
    %get3A_37 = vector.load %arg4[%get3A_35, %get3A_36] : memref<1x256xf32, #tpu.memory_space<vmem>>, vector<1x256xf32>
    %get3A_38 = vector.shape_cast %get3A_37 : vector<1x256xf32> to vector<256xf32>
    %broadcast_in_dim3A_39 = vector.shape_cast %get3A_38 : vector<256xf32> to vector<1x256xf32>
    %add3A_40 = vector.broadcast %broadcast_in_dim3A_39 : vector<1x256xf32> to vector<1000x256xf32>
    %add3A_41 = arith.addf %mul3A_34, %add3A_40 : vector<1000x256xf32>
    %max3A = arith.constant 0.000000e+00 : f32
    %max3A_42 = vector.broadcast %max3A : f32 to vector<1000x256xf32>
    %max3A_43 = arith.maximumf %add3A_41, %max3A_42 : vector<1000x256xf32>
    %get3A_44 = arith.constant 0 : index
    %get3A_45 = arith.constant 0 : index
    %get3A_46 = vector.load %arg5[%get3A_44, %get3A_45] : memref<256x256xf32, #tpu.memory_space<vmem>>, vector<256x256xf32>
    %dot_general3A = arith.constant dense<0.000000e+00> : vector<1000x256xf32>
    %dot_general3A_47 = tpu.matmul %max3A_43, %get3A_46, %dot_general3A {dimension_numbers = #tpu.dot_dimension_numbers<[1], [0], [0], [1], [0, 0, 1, 1], [], []>, transpose_lhs_hint = false} : vector<1000x256xf32>, vector<256x256xf32>, vector<1000x256xf32> -> vector<1000x256xf32>
    %mul3A_48 = vector.broadcast %broadcast_in_dim3A : vector<1000x1xf32> to vector<1000x256xf32>
    %mul3A_49 = arith.mulf %dot_general3A_47, %mul3A_48 : vector<1000x256xf32>
    %slice3A = vector.extract_strided_slice %mul3A_49 {offsets = [0, 0], sizes = [1000, 128], strides = [1, 1]} : vector<1000x256xf32> to vector<1000x128xf32>
    %swap3A = arith.constant 0 : index
    %swap3A_50 = arith.constant 0 : index
    %swap3A_51 = arith.constant 0 : index
    %swap3A_52 = vector.load %arg6[%swap3A, %swap3A_50, %swap3A_51] : memref<2x1000x128xf32, #tpu.memory_space<vmem>>, vector<1x1000x128xf32>
    %swap3A_53 = vector.shape_cast %swap3A_52 : vector<1x1000x128xf32> to vector<1000x128xf32>
    %swap3A_54 = vector.shape_cast %slice3A : vector<1000x128xf32> to vector<1x1000x128xf32>
    tpu.vector_store %arg6[%swap3A, %swap3A_50, %swap3A_51], %swap3A_54 {strides = array<i32>} : memref<2x1000x128xf32, #tpu.memory_space<vmem>>, vector<1x1000x128xf32>,
    %slice3A_55 = vector.extract_strided_slice %mul3A_49 {offsets = [0, 128], sizes = [1000, 128], strides = [1, 1]} : vector<1000x256xf32> to vector<1000x128xf32>
    %swap3A_56 = arith.constant 1 : index
    %swap3A_57 = arith.constant 0 : index
    %swap3A_58 = arith.constant 0 : index
    %swap3A_59 = vector.load %arg6[%swap3A_56, %swap3A_57, %swap3A_58] : memref<2x1000x128xf32, #tpu.memory_space<vmem>>, vector<1x1000x128xf32>
    %swap3A_60 = vector.shape_cast %swap3A_59 : vector<1x1000x128xf32> to vector<1000x128xf32>
    %swap3A_61 = vector.shape_cast %slice3A_55 : vector<1000x128xf32> to vector<1x1000x128xf32>
    tpu.vector_store %arg6[%swap3A_56, %swap3A_57, %swap3A_58], %swap3A_61 {strides = array<i32>} : memref<2x1000x128xf32, #tpu.memory_space<vmem>>, vector<1x1000x128xf32>,
    return
  }
  func.func @transform_0(%arg0: i32) -> (i32, i32, i32) {
    %c0_i32 = arith.constant 0 : i32
    %c0_i32_0 = arith.constant 0 : i32
    %c0_i32_1 = arith.constant 0 : i32
    return %c0_i32, %arg0, %c0_i32_0 : i32, i32, i32
  }
  func.func @transform_1(%arg0: i32) -> (i32, i32, i32) {
    %c0_i32 = arith.constant 0 : i32
    %c0_i32_0 = arith.constant 0 : i32
    %c0_i32_1 = arith.constant 0 : i32
    return %c0_i32, %arg0, %c0_i32_0 : i32, i32, i32
  }
  func.func @transform_2(%arg0: i32) -> (i32, i32, i32) {
    %c0_i32 = arith.constant 0 : i32
    %c0_i32_0 = arith.constant 0 : i32
    %c0_i32_1 = arith.constant 0 : i32
    return %c0_i32, %arg0, %c0_i32_0 : i32, i32, i32
  }
  func.func @transform_3(%arg0: i32) -> (i32, i32) {
    %c0_i32 = arith.constant 0 : i32
    %c0_i32_0 = arith.constant 0 : i32
    %c0_i32_1 = arith.constant 0 : i32
    return %c0_i32, %c0_i32_0 : i32, i32
  }
  func.func @transform_4(%arg0: i32) -> (i32, i32) {
    %c0_i32 = arith.constant 0 : i32
    %c0_i32_0 = arith.constant 0 : i32
    %c0_i32_1 = arith.constant 0 : i32
    return %c0_i32, %c0_i32_0 : i32, i32
  }
  func.func @transform_5(%arg0: i32) -> (i32, i32, i32) {
    %c0_i32 = arith.constant 0 : i32
    %c0_i32_0 = arith.constant 0 : i32
    %c0_i32_1 = arith.constant 0 : i32
    return %c0_i32, %arg0, %c0_i32_0 : i32, i32, i32
  }
}

module attributes {stable_mosaic.version = 14 : i64} {
  func.func @_k_last(%arg0: i32, %arg1: memref<2x1000x128xf32, #tpu.memory_space<vmem>>, %arg2: memref<2x1000x128xf32, #tpu.memory_space<vmem>>, %arg3: memref<2x1000x128xf32, #tpu.memory_space<vmem>>, %arg4: memref<1x256xf32, #tpu.memory_space<vmem>>, %arg5: memref<1000x256xf32, #tpu.memory_space<vmem>>) attributes {dimension_semantics = [#tpu.dimension_semantics<arbitrary>], iteration_bounds = array<i64: 10>, scalar_prefetch = 0 : i64, scratch_operands = 0 : i64, tpu.core_type = #tpu.core_type<tc>, window_params = [{transform_indices = @transform_0, window_bounds = array<i64: 2, 1000, 128>}, {transform_indices = @transform_1, window_bounds = array<i64: 2, 1000, 128>}, {transform_indices = @transform_2, window_bounds = array<i64: 2, 1000, 128>}, {pipeline_mode = #tpu.pipeline_mode<synchronous>, transform_indices = @transform_3, window_bounds = array<i64: 1, 256>}, {transform_indices = @transform_4, window_bounds = array<i64: 1000, 256>}]} {
    %get3A = arith.constant 0 : index
    %get3A_0 = arith.constant 0 : index
    %get3A_1 = arith.constant 0 : index
    %get3A_2 = vector.load %arg3[%get3A, %get3A_0, %get3A_1] : memref<2x1000x128xf32, #tpu.memory_space<vmem>>, vector<1x1000x1xf32>
    %get3A_3 = vector.shape_cast %get3A_2 : vector<1x1000x1xf32> to vector<1000xf32>
    %add3A = arith.constant 1.000000e+00 : f32
    %add3A_4 = vector.broadcast %add3A : f32 to vector<1000xf32>
    %add3A_5 = arith.addf %add3A_4, %get3A_3 : vector<1000xf32>
    %get3A_6 = arith.constant 1 : index
    %get3A_7 = arith.constant 0 : index
    %get3A_8 = arith.constant 0 : index
    %get3A_9 = vector.load %arg3[%get3A_6, %get3A_7, %get3A_8] : memref<2x1000x128xf32, #tpu.memory_space<vmem>>, vector<1x1000x1xf32>
    %get3A_10 = vector.shape_cast %get3A_9 : vector<1x1000x1xf32> to vector<1000xf32>
    %add3A_11 = arith.addf %add3A_5, %get3A_10 : vector<1000xf32>
    %rsqrt3A = math.rsqrt %add3A_11 : vector<1000xf32>
    %broadcast_in_dim3A = vector.shape_cast %rsqrt3A : vector<1000xf32> to vector<1000x1xf32>
    %get3A_12 = arith.constant 0 : index
    %get3A_13 = arith.constant 0 : index
    %get3A_14 = arith.constant 0 : index
    %get3A_15 = vector.load %arg1[%get3A_12, %get3A_13, %get3A_14] : memref<2x1000x128xf32, #tpu.memory_space<vmem>>, vector<1x1000x128xf32>
    %get3A_16 = vector.shape_cast %get3A_15 : vector<1x1000x128xf32> to vector<1000x128xf32>
    %get3A_17 = arith.constant 0 : index
    %get3A_18 = arith.constant 0 : index
    %get3A_19 = arith.constant 0 : index
    %get3A_20 = vector.load %arg2[%get3A_17, %get3A_18, %get3A_19] : memref<2x1000x128xf32, #tpu.memory_space<vmem>>, vector<1x1000x128xf32>
    %get3A_21 = vector.shape_cast %get3A_20 : vector<1x1000x128xf32> to vector<1000x128xf32>
    %add3A_22 = arith.addf %get3A_16, %get3A_21 : vector<1000x128xf32>
    %get3A_23 = arith.constant 1 : index
    %get3A_24 = arith.constant 0 : index
    %get3A_25 = arith.constant 0 : index
    %get3A_26 = vector.load %arg1[%get3A_23, %get3A_24, %get3A_25] : memref<2x1000x128xf32, #tpu.memory_space<vmem>>, vector<1x1000x128xf32>
    %get3A_27 = vector.shape_cast %get3A_26 : vector<1x1000x128xf32> to vector<1000x128xf32>
    %get3A_28 = arith.constant 1 : index
    %get3A_29 = arith.constant 0 : index
    %get3A_30 = arith.constant 0 : index
    %get3A_31 = vector.load %arg2[%get3A_28, %get3A_29, %get3A_30] : memref<2x1000x128xf32, #tpu.memory_space<vmem>>, vector<1x1000x128xf32>
    %get3A_32 = vector.shape_cast %get3A_31 : vector<1x1000x128xf32> to vector<1000x128xf32>
    %add3A_33 = arith.addf %get3A_27, %get3A_32 : vector<1000x128xf32>
    %concatenate3A = tpu.concatenate %add3A_22, %add3A_33 in 1 : vector<1000x128xf32>, vector<1000x128xf32> -> vector<1000x256xf32>
    %mul3A = vector.broadcast %broadcast_in_dim3A : vector<1000x1xf32> to vector<1000x256xf32>
    %mul3A_34 = arith.mulf %concatenate3A, %mul3A : vector<1000x256xf32>
    %get3A_35 = arith.constant 0 : index
    %get3A_36 = arith.constant 0 : index
    %get3A_37 = vector.load %arg4[%get3A_35, %get3A_36] : memref<1x256xf32, #tpu.memory_space<vmem>>, vector<1x256xf32>
    %get3A_38 = vector.shape_cast %get3A_37 : vector<1x256xf32> to vector<256xf32>
    %broadcast_in_dim3A_39 = vector.shape_cast %get3A_38 : vector<256xf32> to vector<1x256xf32>
    %add3A_40 = vector.broadcast %broadcast_in_dim3A_39 : vector<1x256xf32> to vector<1000x256xf32>
    %add3A_41 = arith.addf %mul3A_34, %add3A_40 : vector<1000x256xf32>
    %swap3A = arith.constant 0 : index
    %swap3A_42 = arith.constant 0 : index
    %swap3A_43 = vector.load %arg5[%swap3A, %swap3A_42] : memref<1000x256xf32, #tpu.memory_space<vmem>>, vector<1000x256xf32>
    tpu.vector_store %arg5[%swap3A, %swap3A_42], %add3A_41 {strides = array<i32>} : memref<1000x256xf32, #tpu.memory_space<vmem>>, vector<1000x256xf32>,
    return
  }
  func.func @transform_0(%arg0: i32) -> (i32, i32, i32) {
    %c0_i32 = arith.constant 0 : i32
    %c0_i32_0 = arith.constant 0 : i32
    %c0_i32_1 = arith.constant 0 : i32
    return %c0_i32, %arg0, %c0_i32_0 : i32, i32, i32
  }
  func.func @transform_1(%arg0: i32) -> (i32, i32, i32) {
    %c0_i32 = arith.constant 0 : i32
    %c0_i32_0 = arith.constant 0 : i32
    %c0_i32_1 = arith.constant 0 : i32
    return %c0_i32, %arg0, %c0_i32_0 : i32, i32, i32
  }
  func.func @transform_2(%arg0: i32) -> (i32, i32, i32) {
    %c0_i32 = arith.constant 0 : i32
    %c0_i32_0 = arith.constant 0 : i32
    %c0_i32_1 = arith.constant 0 : i32
    return %c0_i32, %arg0, %c0_i32_0 : i32, i32, i32
  }
  func.func @transform_3(%arg0: i32) -> (i32, i32) {
    %c0_i32 = arith.constant 0 : i32
    %c0_i32_0 = arith.constant 0 : i32
    %c0_i32_1 = arith.constant 0 : i32
    return %c0_i32, %c0_i32_0 : i32, i32
  }
  func.func @transform_4(%arg0: i32) -> (i32, i32) {
    %c0_i32 = arith.constant 0 : i32
    %c0_i32_0 = arith.constant 0 : i32
    return %arg0, %c0_i32 : i32, i32
  }
}

</mosaic_0001>

<sc_bundles>
// kernel: kernel.10.cloned.1.call-start
scs
__scs_entry_jumppad:
0x0: {  	(pc) =	sbr.rel $0x88, $3  }
0x1: {  	(tag) =	ssettag $0x0;
	lr =	simm.s32 $0x1  }
0x2: {  	[smem:$0x3F99] =	sst lr;
	_ =	strace $0xD0000000  }
0x3: {  	_ = 	snop  }
0x4: {  	_ = 	snop  }
0x5: {  	_ = 	snop  }
0x6: {  	_ = 	snop  }
0x7: {  	_ = 	snop  }
__scs_overlays_trampoline_lowered:
0x8: {  	[smem:$0x3FA8] =	sst s0  }
0x9: {  	[smem:$0x3FA9] =	sst s1  }
0xa: {  	[smem:$0x3FAA] =	sst s2  }
0xb: {  	[smem:$0x3FAB] =	sst s3  }
0xc: {  	[smem:$0x3FAC] =	sst s4  }
0xd: {  	[smem:$0x3FAD] =	sst s5  }
0xe: {  	[smem:$0x3FAE] =	sst s6  }
0xf: {  	[smem:$0x3FAF] =	sst s7  }
0x10: {  	[smem:$0x3FB0] =	sst s8  }
0x11: {  	[smem:$0x3FB1] =	sst s9;
	s0 =	simm.s32 @!p0 $0x0  }
0x12: {  	s1 =	sld [smem:$0x3F97];
	s0 =	simm.s32 @p0 $0x1  }
0x13: {  	[smem:$0x3FB2] =	sst s0;
	s0 =	simm.s32 @!p1 $0x0  }
0x14: {  	s2 =	sld [smem:$0x3F96];
	s0 =	simm.s32 @p1 $0x1  }
0x15: {  	[smem:$0x3FB3] =	sst s0;
	s0 =	simm.s32 @!p2 $0x0  }
0x16: {  	s3 =	sld [smem:$0x3FDB];
	s0 =	simm.s32 @p2 $0x1  }
0x17: {  	s4 =	simm.s32 $0x1BF5;
	[smem:$0x3FB5] =	sst s0  }
0x18: {  	s0 =	sld [smem:$0x3F98];
	_ =	swait.ge [sflag:s4], $0x0  }
0x19: {  	s7 =	sld [smem:$0x3F99]  }
0x1a: {  	s8 =	sadd.s32 $0xFFFFE003, lr  }
0x1b: {  	s9 =	sadd.s32 $0xFFFFFEF7, lr;
	s5 =	simm.s32 $0xFFFFFFFF;
	p2 =	slt.u32 s8, $0xFFFFF086  }
0x1c: {  	p1 =	slt.u32 s9, $0xF7A;
	s5 =	simm.s32 @!p2 $0x0  }
0x1d: {  	s5 =	simm.s32 @p1 $0x1;
	p0 =	seq.s32 s7, s2  }
0x1e: {  	s7 =	smul.u32 @!p0 $0xF7A, s2;
	p2 =	seq.s32 @!p0 s5, $0x0  }
0x1f: {  	s9 =	smul.u32 $0xF7A, s1;
	s8 =	simm.s32 @!p0 $0x1BF5;
	p2 =	por !p2, p0  }
0x20: {  	[sflag:s8] =	ssyncset.s32 @!p0 $0xFFFFF086;
	s6 =	sadd.s32 @!p0 s3, s7;
	s7 =	simm.s32 @!p0 $0x108  }
0x21: {  	s3 =	sadd.s32 s3, s9;
	s6 =	sadd.s32 @!p0 $0x88, s6;
	s7 =	simm.s32 @p2 $0x1082  }
0x22: {  	[simem:s7], [sflag:s8] =	dma.local @!p0 [hbm:s6], $0xF7A  }
0x23: {  	s9 =	sor.u32 $0xD0000000, s2;
	s6 =	simm.s32 $0x108;
	_ =	swait.ge @!p0 [sflag:s8], $0x0  }
0x24: {  	s3 =	sadd.s32 $0x88, s3;
	s6 =	simm.s32 @!p1 $0x1082;
	[sflag:s4] =	ssyncset.s32 $0xFFFFF086  }
0x25: {  	[simem:s6], [sflag:s4] =	dma.local [hbm:s3], $0xF7A  }
0x26: {  	[smem:$0x3F99] =	sst s1;
	(tag) =	ssettag s2;
	_ =	strace s9  }
0x27: {  	s1 =	sld [smem:$0x3FA9]  }
0x28: {  	s2 =	sld [smem:$0x3FAA]  }
0x29: {  	s4 =	sld [smem:$0x3FAC]  }
0x2a: {  	p0 =	seq.s32 s5, $0x0;
	s5 =	sld [smem:$0x3FAD]  }
0x2b: {  	s6 =	sld [smem:$0x3FAE]  }
0x2c: {  	s7 =	sld [smem:$0x3FAF]  }
0x2d: {  	s3 =	simm.s32 $0x108;
	s8 =	sld [smem:$0x3FB0]  }
0x2e: {  	s3 =	simm.s32 @!p0 $0x1082;
	s9 =	sld [smem:$0x3FB1]  }
0x2f: {  	lr =	sadd.s32 s0, s3;
	s0 =	sld [smem:$0x3FA8]  }
0x30: {  	s3 =	sld [smem:$0x3FAB]  }
0x31: {  	[smem:$0x3FB4] =	sst s10  }
0x32: {  	s10 =	sld [smem:$0x3FB2];
	_ =	sdelay $0x3  }
0x33: {  	p0 =	seq.s32 s10, $0x1;
	s10 =	sld [smem:$0x3FB4];
	_ =	sdelay $0x3  }
0x34: {  	[smem:$0x3FB4] =	sst s10  }
0x35: {  	s10 =	sld [smem:$0x3FB3];
	_ =	sdelay $0x3  }
0x36: {  	p1 =	seq.s32 s10, $0x1;
	s10 =	sld [smem:$0x3FB4];
	_ =	sdelay $0x3  }
0x37: {  	[smem:$0x3FB4] =	sst s10  }
0x38: {  	s10 =	sld [smem:$0x3FB5]  }
0x39: {  	_ = 	snop;
	(pc) =	sbr.ind lr, $3  }
0x3a: {  	_ = 	snop  }
0x3b: {  	_ = 	snop  }
0x3c: {  	p2 =	seq.s32 s10, $0x1;
	s10 =	sld [smem:$0x3FB4]  }
0x3d: {  	_ =	shalt  }
0x3e: {  	_ =	shalt  }
0x3f: {  	_ =	shalt  }
0x40: {  	_ =	shalt  }
0x41: {  	_ =	shalt  }
0x42: {  	_ =	shalt  }
0x43: {  	_ =	shalt  }
0x44: {  	_ =	shalt  }
0x45: {  	_ =	shalt  }
0x46: {  	_ =	shalt  }
0x47: {  	_ =	shalt  }
0x48: {  	_ =	shalt  }
0x49: {  	_ =	shalt  }
0x4a: {  	_ =	shalt  }
0x4b: {  	_ =	shalt  }
0x4c: {  	_ =	shalt  }
0x4d: {  	_ =	shalt  }
0x4e: {  	_ =	shalt  }
0x4f: {  	_ =	shalt  }
0x50: {  	_ =	shalt  }
0x51: {  	_ =	shalt  }
0x52: {  	_ =	shalt  }
0x53: {  	_ =	shalt  }
0x54: {  	_ =	shalt  }
0x55: {  	_ =	shalt  }
0x56: {  	_ =	shalt  }
0x57: {  	_ =	shalt  }
0x58: {  	_ =	shalt  }
0x59: {  	_ =	shalt  }
0x5a: {  	_ =	shalt  }
0x5b: {  	_ =	shalt  }
0x5c: {  	_ =	shalt  }
0x5d: {  	_ =	shalt  }
0x5e: {  	_ =	shalt  }
0x5f: {  	_ =	shalt  }
0x60: {  	_ =	shalt  }
0x61: {  	_ =	shalt  }
0x62: {  	_ =	shalt  }
0x63: {  	_ =	shalt  }
0x64: {  	_ =	shalt  }
0x65: {  	_ =	shalt  }
0x66: {  	_ =	shalt  }
0x67: {  	_ =	shalt  }
0x68: {  	_ =	shalt  }
0x69: {  	_ =	shalt  }
0x6a: {  	_ =	shalt  }
0x6b: {  	_ =	shalt  }
0x6c: {  	_ =	shalt  }
0x6d: {  	_ =	shalt  }
0x6e: {  	_ =	shalt  }
0x6f: {  	_ =	shalt  }
0x70: {  	_ =	shalt  }
0x71: {  	_ =	shalt  }
0x72: {  	_ =	shalt  }
0x73: {  	_ =	shalt  }
0x74: {  	_ =	shalt  }
0x75: {  	_ =	shalt  }
0x76: {  	_ =	shalt  }
0x77: {  	_ =	shalt  }
0x78: {  	_ =	shalt  }
0x79: {  	_ =	shalt  }
0x7a: {  	_ =	shalt  }
0x7b: {  	_ =	shalt  }
0x7c: {  	_ =	shalt  }
0x7d: {  	_ =	shalt  }
0x7e: {  	_ =	shalt  }
0x7f: {  	_ =	shalt  }
0x80: {  	_ =	shalt  }
0x81: {  	_ =	shalt  }
0x82: {  	_ =	shalt  }
0x83: {  	_ =	shalt  }
0x84: {  	_ =	shalt  }
0x85: {  	_ =	shalt  }
0x86: {  	_ =	shalt  }
0x87: {  	_ =	shalt  }
.Lfunc_end0:
.L_simem_size_0:
called_computation_lowered:
.L_overlay_start_0:
0x88: {  	s2 =	sld [smem:$0x3FD9]  }
0x89: {  	s3 =	sld [smem:$0x3FFE];
	_ =	sdelay $0x1  }
0x8a: {  	s1 =	srdreg.scid  }
0x8b: {  	s0 =	sand.u32 $0x1, s1  }
0x8c: {  	s17 =	sshll.u32 s0, $0xA;
	s2 =	sadd.s32 s3, s2  }
0x8d: {  	s2 =	sadd.s32 s2, s17  }
0x8e: {  	[smem:$0x3FC0] =	sst s2  }
0x8f: {  	_ = 	snop  }
0x90: {  	s2 =	sld [smem:$0x3FD0];
	(tm) =	ssettm $0x1  }
0x91: {  	s18 =	sld [smem:$0x3FFB];
	_ =	sdelay $0x3  }
0x92: {  	_ =	strace s18  }
0x93: {  	s3 =	sld [smem:$0x3FFC];
	_ =	sdelay $0x3  }
0x94: {  	_ =	strace s3  }
0x95: {  	s3 =	sld [smem:$0x3FFD];
	_ =	sdelay $0x3  }
0x96: {  	_ =	strace s3  }
0x97: {  	_ =	strace $0x8FFFFFFF  }
0x98: {  	s19 =	sld [smem:$0x3FDB];
	_ =	sdelay $0x1  }
0x99: {  	s4 =	simm.s32 $_scs_section_size  }
0x9a: {  	s5 =	simm.s32 $_size__tile_overlayer_lowered;
	s6 =	simm.s32 $_tile_overlayer_lowered  }
0x9b: {  	s22 =	simm.s32 $0x1BFF;
	s21 =	sshll.u32 s6, $0x1;
	s3 =	sadd.s32 s4, s19  }
0x9c: {  	s7 =	simm.s32 $0x0;
	s20 =	sshll.u32 s5, $0x1;
	s5 =	sadd.s32 s21, s3  }
0x9d: {  	[timem:s7], [sflag:s22] =	dma.local [hbm:s5], s20  }
0x9e: {  	_ =	swait.ge [sflag:s22], s20  }
0x9f: {  	s4 =	ssub.s32 $0x0, s20;
	[sflag:s22] =	ssyncset.done $0x0  }
0xa0: {  	[sflag:s22] =	ssyncadd.s32 s4;
	_ =	sdelay $0x1  }
0xa1: {  	s23 =	simm.s32 $0x1B8B  }
0xa2: {  	_ =	swait.ge [sflag:s23], $0x1  }
0xa3: {  	[sflag:s23] =	ssyncset.done $0x0  }
0xa4: {  	s25 =	simm.s32 $0x1B8E;
	s24 =	sld [smem:$0x3FFE];
	[sflag:s23] =	ssyncadd.s32 $0xFFFFFFFF  }
0xa5: {  	s26 =	simm.s32 $execute0_lowered;
	[smem:$0x3FD2] =	sst s25  }
0xa6: {  	s5 =	sshll.u32 s26, $0x1;
	_ =	strace $0x80000046;
	[dreg:$0x1] =	wrdreg $0xFFFFFFFF  }
0xa7: {  	s28 =	simm.s32 $_size_execute0_lowered;
	s3 =	sadd.s32 s3, s5;
	[dreg:$0x0] =	wrdreg $0x0  }
0xa8: {  	s5 =	sshll.u32 s28, $0x1;
	[dreg:$0x2] =	wrdreg s3  }
0xa9: {  	[dreg:$0x3] =	wrdreg s5  }
0xaa: {  	[dreg:$0x4] =	wrdreg $0xC0  }
0xab: {  	_ =	task [dreg:s7], $0x5FFFF  }
0xac: {  	[dreg:$0x1] =	wrdreg $0xFFFFFFFF  }
0xad: {  	[dreg:$0x0] =	wrdreg $0x60  }
0xae: {  	[dreg:$0x2] =	wrdreg s24  }
0xaf: {  	[dreg:$0x3] =	wrdreg s2  }
0xb0: {  	[dreg:$0x4] =	wrdreg $0x0  }
0xb1: {  	[dreg:$0x5] =	wrdreg $0x9  }
0xb2: {  	_ =	task.clear_ibuf [dreg:s7], $0x6FFFF;
	_ =	strace $0x90000046  }
0xb3: {  	s29 =	simm.s32 $0x9;
	_ =	strace $0x80000048  }
0xb4: {  	_ =	swait.ge [sflag:s29], $0x1  }
0xb5: {  	[sflag:s29] =	ssyncadd.s32 $0xFFFFFFFF  }
0xb6: {  	_ =	strace $0x90000048  }
0xb7: {  	_ =	sfence  }
0xb8: {  	s30 =	sld [smem:$0x0];
	_ =	sdelay $0x2  }
0xb9: {  	s31 =	sshll.u32 s1, $0xD;
	s1 =	sshrl.u32 s1, $0x2  }
0xba: {  	s3 =	sand.u32 $0x4000, s31;
	s1 =	sadd.s32 s1, s30  }
0xbb: {  	s0 =	sor.u32 s3, s0;
	s1 =	sshll.u32 s1, $0x11  }
0xbc: {  	s0 =	sor.u32 s1, s0  }
0xbd: {  	s0 =	sadd.s32 $0x8F2B, s0  }
0xbe: {  	[sflag:s0] =	ssyncadd.remote.s32 $0x1  }
0xbf: {  	_ =	sfence.sel $0xFFFF  }
0xc0: {  	[dreg:$0x0] =	wrdreg $0xFFFFFFFF;
	(pc) =	sbr.abs _section_cstart, $3  }
0xc1: {  	[dreg:$0x1] =	wrdreg $0xFFFFFFFF  }
0xc2: {  	_ =	task.clear_ibuf [dreg:s7], $0x2FFFF;
	_ =	strace $0x9FFFFFFF  }
0xc3: {  	(tm) =	ssettm $0x7FFFFFFF  }
tec
execute0_lowered:
.L_overlay_start_1:
0x0: {  	(tag) =	ssettag $0x1  }
0x1: {  	s0 =	srdreg.scid;
	s1 =	rddreg [dreg:$0x0]  }
0x2: {  	s2 =	stileid.u32;
	s3 =	rddreg [dreg:$0x2];
	s16 =	simm.s32 $0x80  }
0x3: {  	s17 =	simm.s32 $0x13C80;
	s18 =	simm.s32 $0x13D00;
	s8 =	smul.u32 $0x278, s2  }
0x4: {  	s19 =	simm.s32 $0x13D80;
	s28 =	simm.s32 $0x13F00;
	s7 =	smul.u32 $0x4F000, s2  }
0x5: {  	s29 =	simm.s32 $0x13F80;
	s0 =	sand.u32 $0x1, s0;
	s20 =	smul.u32 $0x2780, s2  }
0x6: {  	s30 =	simm.s32 $0x0;
	s4 =	sshll.u32 s0, $0x4;
	s6 =	smul.u32 $0x27800, s0  }
0x7: {  	s0 =	ssub.s32 $0x2, s0;
	s5 =	sor.u32 s2, s4;
	s4 =	simm.s32 $0x0  }
0x8: {  	s24 =	sshrl.u32 s0, $0x1;
	s12 =	sadd.s32 $0x80, s8;
	s25 =	sshrl.u32 s7, $0x2  }
0x9: {  	s13 =	sadd.s32 $0x100, s8;
	s14 =	sadd.s32 $0x180, s8;
	s15 =	sadd.s32 $0x200, s8  }
0xa: {  	s5 =	smul.u32 $0x500, s5;
	[smem:$0x7FF] =	sst s4;
	s0 =	ssub.s32 s0, s24  }
0xb: {  	s26 =	sshll.u32 s12, $0x7;
	s9 =	sshll.u32 s13, $0x7;
	s31 =	sshll.u32 s14, $0x7  }
0xc: {  	s10 =	sshll.u32 s15, $0x7;
	s21 =	sshll.u32 s12, $0x4;
	s22 =	sshll.u32 s13, $0x4  }
0xd: {  	s23 =	sshll.u32 s14, $0x4;
	s24 =	sshll.u32 s15, $0x4;
	s13 =	simm.s32 $0x14000  }
0xe: {  	s14 =	simm.s32 $0x1;
	s15 =	simm.s32 $0x13C00;
	_ =	strace $0x80000047  }
0xf: {  	s7 =	sadd.s32 s26, s3;
	s8 =	sadd.s32 s9, s3;
	s9 =	sadd.s32 s31, s3  }
0x10: {  	s10 =	sadd.s32 s10, s3;
	s12 =	smax.u32 s0, $0x1;
	s26 =	simm.s32 $0x13E80  }
0x11: {  	s11 =	sadd.s32 s5, s1;
	s5 =	sadd.s32 $0xD400, s1;
	s1 =	sadd.s32 s6, s1  }
0x12: {  	s6 =	sadd.s32 s25, s3;
	s25 =	simm.s32 $0x13E00;
	s1 =	sadd.s32 $0xDC00, s1  }
0x13: {  	s11 =	sadd.s32 $0x3400, s11;
	s20 =	sadd.s32 s20, s1;
	s21 =	sadd.s32 s21, s1  }
0x14: {  	s22 =	sadd.s32 s22, s1;
	s23 =	sadd.s32 s23, s1;
	s24 =	sadd.s32 s24, s1  }
.LBB2_1:
0x15: {  	[tilespmem:s13], [sflag:$0x1] =	stream.linear.gather [hbm4b:s5+s4], $0x4000, $0x38;
	[tilespmem:$0x18000] =	vst v63  }
0x16: {  	_ =	swait.ge [sflag:s14], $0x4000  }
0x17: {  	[sflag:s14] =	ssyncset.done $0x0  }
0x18: {  	[sflag:s14] =	ssyncadd.s32 $0xFFFFC000  }
0x19: {  	[spmem:s6] =	stream.linear.scatter [tilespmem:s13], [sflag:$0x1], $0x4000, $0x38;
	[tilespmem:$0x18000] =	vst v63  }
0x1a: {  	_ =	swait.ge [sflag:s14], $0x4000  }
0x1b: {  	[sflag:s14] =	ssyncset.done $0x0  }
0x1c: {  	[sflag:s14] =	ssyncadd.s32 $0xFFFFC000  }
0x1d: {  	[spmem:s7] =	stream.linear.scatter [tilespmem:s13], [sflag:$0x1], $0x4000, $0x38;
	[tilespmem:$0x18000] =	vst v63  }
0x1e: {  	_ =	swait.ge [sflag:s14], $0x4000  }
0x1f: {  	[sflag:s14] =	ssyncset.done $0x0  }
0x20: {  	[sflag:s14] =	ssyncadd.s32 $0xFFFFC000  }
0x21: {  	[spmem:s8] =	stream.linear.scatter [tilespmem:s13], [sflag:$0x1], $0x4000, $0x38;
	[tilespmem:$0x18000] =	vst v63  }
0x22: {  	_ =	swait.ge [sflag:s14], $0x4000  }
0x23: {  	[sflag:s14] =	ssyncset.done $0x0  }
0x24: {  	[sflag:s14] =	ssyncadd.s32 $0xFFFFC000  }
0x25: {  	[spmem:s9] =	stream.linear.scatter [tilespmem:s13], [sflag:$0x1], $0x4000, $0x38;
	[tilespmem:$0x18000] =	vst v63  }
0x26: {  	_ =	swait.ge [sflag:s14], $0x4000  }
0x27: {  	[sflag:s14] =	ssyncset.done $0x0  }
0x28: {  	[sflag:s14] =	ssyncadd.s32 $0xFFFFC000  }
0x29: {  	[spmem:s10] =	stream.linear.scatter [tilespmem:s13], [sflag:$0x1], $0x3C00, $0x38;
	[tilespmem:$0x18000] =	vst v63  }
0x2a: {  	_ =	swait.ge [sflag:s14], $0x3C00  }
0x2b: {  	[sflag:s14] =	ssyncset.done $0x0  }
0x2c: {  	[sflag:s14] =	ssyncadd.s32 $0xFFFFC400  }
0x2d: {  	[bflag:$0x0] =	sbarrier.arrive $0xFFFF  }
0x2e: {  	s0 =	rddreg [dreg:$0x1]  }
0x2f: {  	[tilespmem:s13], [sflag:$0x1] =	stream.linear.gather [hbm4b:s0+s4], $0x4000, $0x38;
	[tilespmem:$0x18000] =	vst v63  }
0x30: {  	_ =	swait.ge [sflag:s14], $0x4000  }
0x31: {  	[sflag:s14] =	ssyncset.done $0x0  }
0x32: {  	s2 =	sadd.s32 $0x0, s11;
	[sflag:s14] =	ssyncadd.s32 $0xFFFFC000  }
0x33: {  	[tilespmem:s15], [sflag:$0x1] =	stream.linear.gather [hbm4b:s2+s4], $0x400, $0x38;
	[tilespmem:$0x18000] =	vst v63  }
0x34: {  	_ =	swait.ge [sflag:s14], $0x400  }
0x35: {  	[sflag:s14] =	ssyncset.done $0x0  }
0x36: {  	[sflag:s14] =	ssyncadd.s32 $0xFFFFFC00  }
0x37: {  	[spmem:s3] =	stream.indirect.scatter.add.f32 [tilespmem:s13], [sflag:$0x1], $0x80, s15, s16, $0xb8;
	[tilespmem:$0x18000] =	vst v63  }
0x38: {  	_ =	swait.ge [sflag:s14], $0x4000  }
0x39: {  	[sflag:s14] =	ssyncset.done $0x0  }
0x3a: {  	[sflag:s14] =	ssyncadd.s32 $0xFFFFC000  }
0x3b: {  	[spmem:s3] =	stream.indirect.scatter.add.f32 [tilespmem:s13], [sflag:$0x1], $0x80, s17, s16, $0xb8;
	[tilespmem:$0x18000] =	vst v63  }
0x3c: {  	_ =	swait.ge [sflag:s14], $0x4000  }
0x3d: {  	[sflag:s14] =	ssyncset.done $0x0  }
0x3e: {  	[sflag:s14] =	ssyncadd.s32 $0xFFFFC000  }
0x3f: {  	[spmem:s3] =	stream.indirect.scatter.add.f32 [tilespmem:s13], [sflag:$0x1], $0x80, s18, s16, $0xb8;
	[tilespmem:$0x18000] =	vst v63  }
0x40: {  	_ =	swait.ge [sflag:s14], $0x4000  }
0x41: {  	[sflag:s14] =	ssyncset.done $0x0  }
0x42: {  	[sflag:s14] =	ssyncadd.s32 $0xFFFFC000  }
0x43: {  	[spmem:s3] =	stream.indirect.scatter.add.f32 [tilespmem:s13], [sflag:$0x1], $0x80, s19, s16, $0xb8;
	[tilespmem:$0x18000] =	vst v63  }
0x44: {  	_ =	swait.ge [sflag:s14], $0x4000  }
0x45: {  	[sflag:s14] =	ssyncset.done $0x0  }
0x46: {  	[sflag:s14] =	ssyncadd.s32 $0xFFFFC000  }
0x47: {  	[spmem:s3] =	stream.indirect.scatter.add.f32 [tilespmem:s13], [sflag:$0x1], $0x80, s25, s16, $0xb8;
	[tilespmem:$0x18000] =	vst v63  }
0x48: {  	_ =	swait.ge [sflag:s14], $0x4000  }
0x49: {  	[sflag:s14] =	ssyncset.done $0x0  }
0x4a: {  	[sflag:s14] =	ssyncadd.s32 $0xFFFFC000  }
0x4b: {  	[spmem:s3] =	stream.indirect.scatter.add.f32 [tilespmem:s13], [sflag:$0x1], $0x80, s26, s16, $0xb8;
	[tilespmem:$0x18000] =	vst v63  }
0x4c: {  	_ =	swait.ge [sflag:s14], $0x4000  }
0x4d: {  	[sflag:s14] =	ssyncset.done $0x0  }
0x4e: {  	[sflag:s14] =	ssyncadd.s32 $0xFFFFC000  }
0x4f: {  	[spmem:s3] =	stream.indirect.scatter.add.f32 [tilespmem:s13], [sflag:$0x1], $0x80, s28, s16, $0xb8;
	[tilespmem:$0x18000] =	vst v63  }
0x50: {  	_ =	swait.ge [sflag:s14], $0x4000  }
0x51: {  	[sflag:s14] =	ssyncset.done $0x0  }
0x52: {  	[sflag:s14] =	ssyncadd.s32 $0xFFFFC000  }
0x53: {  	[spmem:s3] =	stream.indirect.scatter.add.f32 [tilespmem:s13], [sflag:$0x1], $0x80, s29, s16, $0xb8;
	[tilespmem:$0x18000] =	vst v63  }
0x54: {  	_ =	swait.ge [sflag:s14], $0x4000  }
0x55: {  	s31 =	simm.s32 $0x80;
	s1 =	simm.s32 $0x100;
	[sflag:s14] =	ssyncset.done $0x0  }
.LBB2_2:
0x56: {  	s2 =	sadd.s32 s31, s11  }
0x57: {  	[sflag:s14] =	ssyncadd.s32 $0xFFFFC000;
	s31 =	smov.u32 s1;
	s0 =	sadd.s32 $0x80, s1  }
0x58: {  	[tilespmem:s15], [sflag:$0x1] =	stream.linear.gather [hbm4b:s2+s4], $0x400, $0x38;
	[tilespmem:$0x18000] =	vst v63  }
0x59: {  	p0 =	sne.s32 s1, $0x480;
	_ =	swait.ge [sflag:s14], $0x400  }
0x5a: {  	[sflag:s14] =	ssyncset.done $0x0  }
0x5b: {  	[sflag:s14] =	ssyncadd.s32 $0xFFFFFC00  }
0x5c: {  	[spmem:s3] =	stream.indirect.scatter.add.f32 [tilespmem:s13], [sflag:$0x1], $0x80, s15, s16, $0xb8;
	[tilespmem:$0x18000] =	vst v63  }
0x5d: {  	_ =	swait.ge [sflag:s14], $0x4000  }
0x5e: {  	[sflag:s14] =	ssyncset.done $0x0  }
0x5f: {  	[sflag:s14] =	ssyncadd.s32 $0xFFFFC000  }
0x60: {  	[spmem:s3] =	stream.indirect.scatter.add.f32 [tilespmem:s13], [sflag:$0x1], $0x80, s17, s16, $0xb8;
	[tilespmem:$0x18000] =	vst v63  }
0x61: {  	_ =	swait.ge [sflag:s14], $0x4000  }
0x62: {  	[sflag:s14] =	ssyncset.done $0x0  }
0x63: {  	[sflag:s14] =	ssyncadd.s32 $0xFFFFC000  }
0x64: {  	[spmem:s3] =	stream.indirect.scatter.add.f32 [tilespmem:s13], [sflag:$0x1], $0x80, s18, s16, $0xb8;
	[tilespmem:$0x18000] =	vst v63  }
0x65: {  	_ =	swait.ge [sflag:s14], $0x4000  }
0x66: {  	[sflag:s14] =	ssyncset.done $0x0  }
0x67: {  	[sflag:s14] =	ssyncadd.s32 $0xFFFFC000  }
0x68: {  	[spmem:s3] =	stream.indirect.scatter.add.f32 [tilespmem:s13], [sflag:$0x1], $0x80, s19, s16, $0xb8;
	[tilespmem:$0x18000] =	vst v63  }
0x69: {  	_ =	swait.ge [sflag:s14], $0x4000  }
0x6a: {  	[sflag:s14] =	ssyncset.done $0x0  }
0x6b: {  	[sflag:s14] =	ssyncadd.s32 $0xFFFFC000  }
0x6c: {  	[spmem:s3] =	stream.indirect.scatter.add.f32 [tilespmem:s13], [sflag:$0x1], $0x80, s25, s16, $0xb8;
	[tilespmem:$0x18000] =	vst v63  }
0x6d: {  	_ =	swait.ge [sflag:s14], $0x4000  }
0x6e: {  	[sflag:s14] =	ssyncset.done $0x0  }
0x6f: {  	[sflag:s14] =	ssyncadd.s32 $0xFFFFC000  }
0x70: {  	[spmem:s3] =	stream.indirect.scatter.add.f32 [tilespmem:s13], [sflag:$0x1], $0x80, s26, s16, $0xb8;
	[tilespmem:$0x18000] =	vst v63  }
0x71: {  	_ =	swait.ge [sflag:s14], $0x4000  }
0x72: {  	[sflag:s14] =	ssyncset.done $0x0  }
0x73: {  	[sflag:s14] =	ssyncadd.s32 $0xFFFFC000  }
0x74: {  	[spmem:s3] =	stream.indirect.scatter.add.f32 [tilespmem:s13], [sflag:$0x1], $0x80, s28, s16, $0xb8;
	[tilespmem:$0x18000] =	vst v63  }
0x75: {  	_ =	swait.ge [sflag:s14], $0x4000  }
.Ltmp0:
0x76: {  	[sflag:s14] =	ssyncset.done $0x0;
	(pc) =	sbr.rel @p0 .LBB2_2-.Ltmp0, $4  }
0x77: {  	[sflag:s14] =	ssyncadd.s32 $0xFFFFC000  }
0x78: {  	[spmem:s3] =	stream.indirect.scatter.add.f32 [tilespmem:s13], [sflag:$0x1], $0x80, s29, s16, $0xb8;
	[tilespmem:$0x18000] =	vst v63  }
0x79: {  	_ =	swait.ge [sflag:s14], $0x4000  }
0x7a: {  	s1 =	smov.u32 s0;
	[sflag:s14] =	ssyncset.done $0x0  }
0x7b: {  	s0 =	sadd.s32 s31, s11;
	[sflag:s14] =	ssyncadd.s32 $0xFFFFC000  }
0x7c: {  	[tilespmem:s15], [sflag:$0x1] =	stream.linear.gather [hbm4b:s0+s4], $0x400, $0x38;
	[tilespmem:$0x18000] =	vst v63  }
0x7d: {  	_ =	swait.ge [sflag:s14], $0x400  }
0x7e: {  	[sflag:s14] =	ssyncset.done $0x0  }
0x7f: {  	[sflag:s14] =	ssyncadd.s32 $0xFFFFFC00  }
0x80: {  	[spmem:s3] =	stream.indirect.scatter.add.f32 [tilespmem:s13], [sflag:$0x1], $0x80, s15, s16, $0xb8;
	[tilespmem:$0x18000] =	vst v63  }
0x81: {  	_ =	swait.ge [sflag:s14], $0x4000  }
0x82: {  	[sflag:s14] =	ssyncset.done $0x0  }
0x83: {  	[sflag:s14] =	ssyncadd.s32 $0xFFFFC000  }
0x84: {  	[spmem:s3] =	stream.indirect.scatter.add.f32 [tilespmem:s13], [sflag:$0x1], $0x80, s17, s16, $0xb8;
	[tilespmem:$0x18000] =	vst v63  }
0x85: {  	_ =	swait.ge [sflag:s14], $0x4000  }
0x86: {  	[sflag:s14] =	ssyncset.done $0x0  }
0x87: {  	[sflag:s14] =	ssyncadd.s32 $0xFFFFC000  }
0x88: {  	[spmem:s3] =	stream.indirect.scatter.add.f32 [tilespmem:s13], [sflag:$0x1], $0x80, s18, s16, $0xb8;
	[tilespmem:$0x18000] =	vst v63  }
0x89: {  	_ =	swait.ge [sflag:s14], $0x4000  }
0x8a: {  	[sflag:s14] =	ssyncset.done $0x0  }
0x8b: {  	[sflag:s14] =	ssyncadd.s32 $0xFFFFC000  }
0x8c: {  	[spmem:s3] =	stream.indirect.scatter.add.f32 [tilespmem:s13], [sflag:$0x1], $0x80, s19, s16, $0xb8;
	[tilespmem:$0x18000] =	vst v63  }
0x8d: {  	_ =	swait.ge [sflag:s14], $0x4000  }
0x8e: {  	[sflag:s14] =	ssyncset.done $0x0  }
0x8f: {  	[sflag:s14] =	ssyncadd.s32 $0xFFFFC000  }
0x90: {  	[spmem:s3] =	stream.indirect.scatter.add.f32 [tilespmem:s13], [sflag:$0x1], $0x80, s25, s16, $0xb8;
	[tilespmem:$0x18000] =	vst v63  }
0x91: {  	_ =	swait.ge [sflag:s14], $0x4000  }
0x92: {  	[sflag:s14] =	ssyncset.done $0x0  }
0x93: {  	[sflag:s14] =	ssyncadd.s32 $0xFFFFC000  }
0x94: {  	[spmem:s3] =	stream.indirect.scatter.add.f32 [tilespmem:s13], [sflag:$0x1], $0x80, s26, s16, $0xb8;
	[tilespmem:$0x18000] =	vst v63  }
0x95: {  	_ =	swait.ge [sflag:s14], $0x4000  }
0x96: {  	[sflag:s14] =	ssyncset.done $0x0  }
0x97: {  	[sflag:s14] =	ssyncadd.s32 $0xFFFFC000  }
0x98: {  	[spmem:s3] =	stream.indirect.scatter.add.f32 [tilespmem:s13], [sflag:$0x1], $0x80, s28, s16, $0xb8;
	[tilespmem:$0x18000] =	vst v63  }
0x99: {  	_ =	swait.ge [sflag:s14], $0x4000  }
0x9a: {  	[sflag:s14] =	ssyncset.done $0x0  }
0x9b: {  	[sflag:s14] =	ssyncadd.s32 $0xFFFFC000  }
0x9c: {  	[spmem:s3] =	stream.indirect.scatter.add.f32 [tilespmem:s13], [sflag:$0x1], $0x80, s29, s16, $0xb8;
	[tilespmem:$0x18000] =	vst v63  }
0x9d: {  	_ =	swait.ge [sflag:s14], $0x4000  }
0x9e: {  	[sflag:s14] =	ssyncset.done $0x0  }
0x9f: {  	[sflag:s14] =	ssyncadd.s32 $0xFFFFC000  }
0xa0: {  	[bflag:$0x0] =	sbarrier.arrive $0xFFFF  }
0xa1: {  	[tilespmem:s13], [sflag:$0x1] =	stream.linear.gather [spmem:s6], $0x4000, $0x38;
	[tilespmem:$0x18000] =	vst v63  }
0xa2: {  	_ =	swait.ge [sflag:s14], $0x4000  }
0xa3: {  	[sflag:s14] =	ssyncset.done $0x0  }
0xa4: {  	[sflag:s14] =	ssyncadd.s32 $0xFFFFC000  }
0xa5: {  	[hbm4b:s20+s4] =	stream.linear.scatter [tilespmem:s13], [sflag:$0x1], $0x4000, $0x38;
	[tilespmem:$0x18000] =	vst v63  }
0xa6: {  	_ =	swait.ge [sflag:s14], $0x4000  }
0xa7: {  	[sflag:s14] =	ssyncset.done $0x0  }
0xa8: {  	[sflag:s14] =	ssyncadd.s32 $0xFFFFC000  }
0xa9: {  	[tilespmem:s13], [sflag:$0x1] =	stream.linear.gather [spmem:s7], $0x4000, $0x38;
	[tilespmem:$0x18000] =	vst v63  }
0xaa: {  	_ =	swait.ge [sflag:s14], $0x4000  }
0xab: {  	[sflag:s14] =	ssyncset.done $0x0  }
0xac: {  	[sflag:s14] =	ssyncadd.s32 $0xFFFFC000  }
0xad: {  	[hbm4b:s21+s4] =	stream.linear.scatter [tilespmem:s13], [sflag:$0x1], $0x4000, $0x38;
	[tilespmem:$0x18000] =	vst v63  }
0xae: {  	_ =	swait.ge [sflag:s14], $0x4000  }
0xaf: {  	[sflag:s14] =	ssyncset.done $0x0  }
0xb0: {  	[sflag:s14] =	ssyncadd.s32 $0xFFFFC000  }
0xb1: {  	[tilespmem:s13], [sflag:$0x1] =	stream.linear.gather [spmem:s8], $0x4000, $0x38;
	[tilespmem:$0x18000] =	vst v63  }
0xb2: {  	_ =	swait.ge [sflag:s14], $0x4000  }
0xb3: {  	[sflag:s14] =	ssyncset.done $0x0  }
0xb4: {  	[sflag:s14] =	ssyncadd.s32 $0xFFFFC000  }
0xb5: {  	[hbm4b:s22+s4] =	stream.linear.scatter [tilespmem:s13], [sflag:$0x1], $0x4000, $0x38;
	[tilespmem:$0x18000] =	vst v63  }
0xb6: {  	_ =	swait.ge [sflag:s14], $0x4000  }
0xb7: {  	[sflag:s14] =	ssyncset.done $0x0  }
0xb8: {  	[sflag:s14] =	ssyncadd.s32 $0xFFFFC000  }
0xb9: {  	[tilespmem:s13], [sflag:$0x1] =	stream.linear.gather [spmem:s9], $0x4000, $0x38;
	[tilespmem:$0x18000] =	vst v63  }
0xba: {  	_ =	swait.ge [sflag:s14], $0x4000  }
0xbb: {  	[sflag:s14] =	ssyncset.done $0x0  }
0xbc: {  	[sflag:s14] =	ssyncadd.s32 $0xFFFFC000  }
0xbd: {  	[hbm4b:s23+s4] =	stream.linear.scatter [tilespmem:s13], [sflag:$0x1], $0x4000, $0x38;
	[tilespmem:$0x18000] =	vst v63  }
0xbe: {  	_ =	swait.ge [sflag:s14], $0x4000  }
0xbf: {  	[sflag:s14] =	ssyncset.done $0x0  }
0xc0: {  	[sflag:s14] =	ssyncadd.s32 $0xFFFFC000  }
0xc1: {  	[tilespmem:s13], [sflag:$0x1] =	stream.linear.gather [spmem:s10], $0x3C00, $0x38;
	[tilespmem:$0x18000] =	vst v63  }
0xc2: {  	s30 =	sadd.s32 $0x1, s30;
	_ =	swait.ge [sflag:s14], $0x3C00  }
0xc3: {  	p0 =	sne.s32 s30, s12;
	[sflag:s14] =	ssyncset.done $0x0  }
.Ltmp1:
0xc4: {  	[sflag:s14] =	ssyncadd.s32 $0xFFFFC400;
	(pc) =	sbr.rel @p0 .LBB2_1-.Ltmp1, $4  }
0xc5: {  	[hbm4b:s24+s4] =	stream.linear.scatter [tilespmem:s13], [sflag:$0x1], $0x3C00, $0x38;
	[tilespmem:$0x18000] =	vst v63  }
0xc6: {  	_ =	swait.ge [sflag:s14], $0x3C00  }
0xc7: {  	[sflag:s14] =	ssyncset.done $0x0  }
0xc8: {  	[sflag:s14] =	ssyncadd.s32 $0xFFFFC400  }
0xc9: {  	_ =	sfence.sel $0x180000  }
0xca: {  	[bflag:$0x0] =	sbarrier.arrive $0xFFFF  }
0xcb: {  	_ =	strace $0x90000047  }
0xcc: {  	s0 =	stileid.u32;
	[bflag:$0x2] =	sbarrier.arrive $0xFFFF  }
0xcd: {  	p0 =	sne.s32 s0, $0x0;
	s0 =	rddreg [dreg:$0x3]  }
0xce: {  	s0 =	sadd.s32 @!p0 $0x100000, s0  }
0xcf: {  	[sflag:s0] =	ssyncadd.tile.s32 @!p0 $0x1;
	_ =	shalt  }
.Lfunc_end2:
_tile_overlayer_lowered:
.L_overlay_start_2:
0xd0: {  	(tag) =	ssettag $0x2  }
0xd1: {  	s0 =	rddreg [dreg:$0x0];
	s2 =	stileid.u32  }
0xd2: {  	s1 =	rddreg [dreg:$0x1];
	p0 =	sne.s32 s2, $0x0  }
0xd3: {  	s3 =	rddreg [dreg:$0x2];
	[bflag:$0x3] =	sbarrier.arrive $0xFFFF;
	s2 =	simm.s32 @!p0 $0x1C01  }
0xd4: {  	[timem:s3], [sflag:s2] =	dma.local @!p0 [hbm:s0], s1  }
0xd5: {  	s0 =	simm.s32 @!p0 $0x1  }
0xd6: {  	_ =	swait.ge @!p0 [sflag:s0], s1  }
0xd7: {  	s1 =	ssub.s32 @!p0 $0x0, s1;
	[sflag:s0] =	ssyncset.done @!p0 $0x0  }
0xd8: {  	[sflag:s0] =	ssyncadd.s32 @!p0 s1  }
0xd9: {  	[bflag:$0x3] =	sbarrier.arrive $0xFFFF  }
0xda: {  	_ =	shalt  }

// kernel: kernel.13.cloned.1.call-start
scs
__scs_entry_jumppad:
0x0: {  	(pc) =	sbr.rel $0x88, $3  }
0x1: {  	(tag) =	ssettag $0x0;
	lr =	simm.s32 $0x1  }
0x2: {  	[smem:$0x3F99] =	sst lr;
	_ =	strace $0xD0000000  }
0x3: {  	_ = 	snop  }
0x4: {  	_ = 	snop  }
0x5: {  	_ = 	snop  }
0x6: {  	_ = 	snop  }
0x7: {  	_ = 	snop  }
__scs_overlays_trampoline_lowered:
0x8: {  	[smem:$0x3FA8] =	sst s0  }
0x9: {  	[smem:$0x3FA9] =	sst s1  }
0xa: {  	[smem:$0x3FAA] =	sst s2  }
0xb: {  	[smem:$0x3FAB] =	sst s3  }
0xc: {  	[smem:$0x3FAC] =	sst s4  }
0xd: {  	[smem:$0x3FAD] =	sst s5  }
0xe: {  	[smem:$0x3FAE] =	sst s6  }
0xf: {  	[smem:$0x3FAF] =	sst s7  }
0x10: {  	[smem:$0x3FB0] =	sst s8  }
0x11: {  	[smem:$0x3FB1] =	sst s9;
	s0 =	simm.s32 @!p0 $0x0  }
0x12: {  	s1 =	sld [smem:$0x3F97];
	s0 =	simm.s32 @p0 $0x1  }
0x13: {  	[smem:$0x3FB2] =	sst s0;
	s0 =	simm.s32 @!p1 $0x0  }
0x14: {  	s2 =	sld [smem:$0x3F96];
	s0 =	simm.s32 @p1 $0x1  }
0x15: {  	[smem:$0x3FB3] =	sst s0;
	s0 =	simm.s32 @!p2 $0x0  }
0x16: {  	s3 =	sld [smem:$0x3FDB];
	s0 =	simm.s32 @p2 $0x1  }
0x17: {  	s4 =	simm.s32 $0x1BF5;
	[smem:$0x3FB5] =	sst s0  }
0x18: {  	s0 =	sld [smem:$0x3F98];
	_ =	swait.ge [sflag:s4], $0x0  }
0x19: {  	s7 =	sld [smem:$0x3F99]  }
0x1a: {  	s8 =	sadd.s32 $0xFFFFE003, lr  }
0x1b: {  	s9 =	sadd.s32 $0xFFFFFEF7, lr;
	s5 =	simm.s32 $0xFFFFFFFF;
	p2 =	slt.u32 s8, $0xFFFFF086  }
0x1c: {  	p1 =	slt.u32 s9, $0xF7A;
	s5 =	simm.s32 @!p2 $0x0  }
0x1d: {  	s5 =	simm.s32 @p1 $0x1;
	p0 =	seq.s32 s7, s2  }
0x1e: {  	s7 =	smul.u32 @!p0 $0xF7A, s2;
	p2 =	seq.s32 @!p0 s5, $0x0  }
0x1f: {  	s9 =	smul.u32 $0xF7A, s1;
	s8 =	simm.s32 @!p0 $0x1BF5;
	p2 =	por !p2, p0  }
0x20: {  	[sflag:s8] =	ssyncset.s32 @!p0 $0xFFFFF086;
	s6 =	sadd.s32 @!p0 s3, s7;
	s7 =	simm.s32 @!p0 $0x108  }
0x21: {  	s3 =	sadd.s32 s3, s9;
	s6 =	sadd.s32 @!p0 $0x88, s6;
	s7 =	simm.s32 @p2 $0x1082  }
0x22: {  	[simem:s7], [sflag:s8] =	dma.local @!p0 [hbm:s6], $0xF7A  }
0x23: {  	s9 =	sor.u32 $0xD0000000, s2;
	s6 =	simm.s32 $0x108;
	_ =	swait.ge @!p0 [sflag:s8], $0x0  }
0x24: {  	s3 =	sadd.s32 $0x88, s3;
	s6 =	simm.s32 @!p1 $0x1082;
	[sflag:s4] =	ssyncset.s32 $0xFFFFF086  }
0x25: {  	[simem:s6], [sflag:s4] =	dma.local [hbm:s3], $0xF7A  }
0x26: {  	[smem:$0x3F99] =	sst s1;
	(tag) =	ssettag s2;
	_ =	strace s9  }
0x27: {  	s1 =	sld [smem:$0x3FA9]  }
0x28: {  	s2 =	sld [smem:$0x3FAA]  }
0x29: {  	s4 =	sld [smem:$0x3FAC]  }
0x2a: {  	p0 =	seq.s32 s5, $0x0;
	s5 =	sld [smem:$0x3FAD]  }
0x2b: {  	s6 =	sld [smem:$0x3FAE]  }
0x2c: {  	s7 =	sld [smem:$0x3FAF]  }
0x2d: {  	s3 =	simm.s32 $0x108;
	s8 =	sld [smem:$0x3FB0]  }
0x2e: {  	s3 =	simm.s32 @!p0 $0x1082;
	s9 =	sld [smem:$0x3FB1]  }
0x2f: {  	lr =	sadd.s32 s0, s3;
	s0 =	sld [smem:$0x3FA8]  }
0x30: {  	s3 =	sld [smem:$0x3FAB]  }
0x31: {  	[smem:$0x3FB4] =	sst s10  }
0x32: {  	s10 =	sld [smem:$0x3FB2];
	_ =	sdelay $0x3  }
0x33: {  	p0 =	seq.s32 s10, $0x1;
	s10 =	sld [smem:$0x3FB4];
	_ =	sdelay $0x3  }
0x34: {  	[smem:$0x3FB4] =	sst s10  }
0x35: {  	s10 =	sld [smem:$0x3FB3];
	_ =	sdelay $0x3  }
0x36: {  	p1 =	seq.s32 s10, $0x1;
	s10 =	sld [smem:$0x3FB4];
	_ =	sdelay $0x3  }
0x37: {  	[smem:$0x3FB4] =	sst s10  }
0x38: {  	s10 =	sld [smem:$0x3FB5]  }
0x39: {  	_ = 	snop;
	(pc) =	sbr.ind lr, $3  }
0x3a: {  	_ = 	snop  }
0x3b: {  	_ = 	snop  }
0x3c: {  	p2 =	seq.s32 s10, $0x1;
	s10 =	sld [smem:$0x3FB4]  }
0x3d: {  	_ =	shalt  }
0x3e: {  	_ =	shalt  }
0x3f: {  	_ =	shalt  }
0x40: {  	_ =	shalt  }
0x41: {  	_ =	shalt  }
0x42: {  	_ =	shalt  }
0x43: {  	_ =	shalt  }
0x44: {  	_ =	shalt  }
0x45: {  	_ =	shalt  }
0x46: {  	_ =	shalt  }
0x47: {  	_ =	shalt  }
0x48: {  	_ =	shalt  }
0x49: {  	_ =	shalt  }
0x4a: {  	_ =	shalt  }
0x4b: {  	_ =	shalt  }
0x4c: {  	_ =	shalt  }
0x4d: {  	_ =	shalt  }
0x4e: {  	_ =	shalt  }
0x4f: {  	_ =	shalt  }
0x50: {  	_ =	shalt  }
0x51: {  	_ =	shalt  }
0x52: {  	_ =	shalt  }
0x53: {  	_ =	shalt  }
0x54: {  	_ =	shalt  }
0x55: {  	_ =	shalt  }
0x56: {  	_ =	shalt  }
0x57: {  	_ =	shalt  }
0x58: {  	_ =	shalt  }
0x59: {  	_ =	shalt  }
0x5a: {  	_ =	shalt  }
0x5b: {  	_ =	shalt  }
0x5c: {  	_ =	shalt  }
0x5d: {  	_ =	shalt  }
0x5e: {  	_ =	shalt  }
0x5f: {  	_ =	shalt  }
0x60: {  	_ =	shalt  }
0x61: {  	_ =	shalt  }
0x62: {  	_ =	shalt  }
0x63: {  	_ =	shalt  }
0x64: {  	_ =	shalt  }
0x65: {  	_ =	shalt  }
0x66: {  	_ =	shalt  }
0x67: {  	_ =	shalt  }
0x68: {  	_ =	shalt  }
0x69: {  	_ =	shalt  }
0x6a: {  	_ =	shalt  }
0x6b: {  	_ =	shalt  }
0x6c: {  	_ =	shalt  }
0x6d: {  	_ =	shalt  }
0x6e: {  	_ =	shalt  }
0x6f: {  	_ =	shalt  }
0x70: {  	_ =	shalt  }
0x71: {  	_ =	shalt  }
0x72: {  	_ =	shalt  }
0x73: {  	_ =	shalt  }
0x74: {  	_ =	shalt  }
0x75: {  	_ =	shalt  }
0x76: {  	_ =	shalt  }
0x77: {  	_ =	shalt  }
0x78: {  	_ =	shalt  }
0x79: {  	_ =	shalt  }
0x7a: {  	_ =	shalt  }
0x7b: {  	_ =	shalt  }
0x7c: {  	_ =	shalt  }
0x7d: {  	_ =	shalt  }
0x7e: {  	_ =	shalt  }
0x7f: {  	_ =	shalt  }
0x80: {  	_ =	shalt  }
0x81: {  	_ =	shalt  }
0x82: {  	_ =	shalt  }
0x83: {  	_ =	shalt  }
0x84: {  	_ =	shalt  }
0x85: {  	_ =	shalt  }
0x86: {  	_ =	shalt  }
0x87: {  	_ =	shalt  }
.Lfunc_end0:
.L_simem_size_0:
called_computation.1_lowered:
.L_overlay_start_0:
0x88: {  	s2 =	sld [smem:$0x3FD9]  }
0x89: {  	s3 =	sld [smem:$0x3FFE];
	_ =	sdelay $0x1  }
0x8a: {  	s1 =	srdreg.scid  }
0x8b: {  	s0 =	sand.u32 $0x1, s1  }
0x8c: {  	s17 =	sshll.u32 s0, $0xA;
	s2 =	sadd.s32 s3, s2  }
0x8d: {  	s2 =	sadd.s32 s2, s17  }
0x8e: {  	[smem:$0x3FC0] =	sst s2  }
0x8f: {  	_ = 	snop  }
0x90: {  	s2 =	sld [smem:$0x3FD0];
	(tm) =	ssettm $0x1  }
0x91: {  	s18 =	sld [smem:$0x3FFB];
	_ =	sdelay $0x3  }
0x92: {  	_ =	strace s18  }
0x93: {  	s3 =	sld [smem:$0x3FFC];
	_ =	sdelay $0x3  }
0x94: {  	_ =	strace s3  }
0x95: {  	s3 =	sld [smem:$0x3FFD];
	_ =	sdelay $0x3  }
0x96: {  	_ =	strace s3  }
0x97: {  	_ =	strace $0x8FFFFFFF  }
0x98: {  	s19 =	sld [smem:$0x3FDB];
	_ =	sdelay $0x1  }
0x99: {  	s4 =	simm.s32 $_scs_section_size  }
0x9a: {  	s5 =	simm.s32 $_size__tile_overlayer_lowered;
	s6 =	simm.s32 $_tile_overlayer_lowered  }
0x9b: {  	s22 =	simm.s32 $0x1BFF;
	s21 =	sshll.u32 s6, $0x1;
	s3 =	sadd.s32 s4, s19  }
0x9c: {  	s7 =	simm.s32 $0x0;
	s20 =	sshll.u32 s5, $0x1;
	s5 =	sadd.s32 s21, s3  }
0x9d: {  	[timem:s7], [sflag:s22] =	dma.local [hbm:s5], s20  }
0x9e: {  	_ =	swait.ge [sflag:s22], s20  }
0x9f: {  	s4 =	ssub.s32 $0x0, s20;
	[sflag:s22] =	ssyncset.done $0x0  }
0xa0: {  	[sflag:s22] =	ssyncadd.s32 s4;
	_ =	sdelay $0x1  }
0xa1: {  	s23 =	simm.s32 $0x1B8B  }
0xa2: {  	_ =	swait.ge [sflag:s23], $0x1  }
0xa3: {  	[sflag:s23] =	ssyncset.done $0x0  }
0xa4: {  	s25 =	simm.s32 $0x1B8E;
	s24 =	sld [smem:$0x3FFE];
	[sflag:s23] =	ssyncadd.s32 $0xFFFFFFFF  }
0xa5: {  	s26 =	simm.s32 $execute0_lowered;
	[smem:$0x3FD2] =	sst s25  }
0xa6: {  	s5 =	sshll.u32 s26, $0x1;
	_ =	strace $0x80000049;
	[dreg:$0x1] =	wrdreg $0xFFFFFFFF  }
0xa7: {  	s28 =	simm.s32 $_size_execute0_lowered;
	s3 =	sadd.s32 s3, s5;
	[dreg:$0x0] =	wrdreg $0x0  }
0xa8: {  	s5 =	sshll.u32 s28, $0x1;
	[dreg:$0x2] =	wrdreg s3  }
0xa9: {  	[dreg:$0x3] =	wrdreg s5  }
0xaa: {  	[dreg:$0x4] =	wrdreg $0xC0  }
0xab: {  	_ =	task [dreg:s7], $0x5FFFF  }
0xac: {  	[dreg:$0x1] =	wrdreg $0xFFFFFFFF  }
0xad: {  	[dreg:$0x0] =	wrdreg $0x60  }
0xae: {  	[dreg:$0x2] =	wrdreg s2  }
0xaf: {  	[dreg:$0x3] =	wrdreg s24  }
0xb0: {  	[dreg:$0x4] =	wrdreg $0x0  }
0xb1: {  	[dreg:$0x5] =	wrdreg $0x9  }
0xb2: {  	_ =	task.clear_ibuf [dreg:s7], $0x6FFFF;
	_ =	strace $0x90000049  }
0xb3: {  	s29 =	simm.s32 $0x9;
	_ =	strace $0x8000004B  }
0xb4: {  	_ =	swait.ge [sflag:s29], $0x1  }
0xb5: {  	[sflag:s29] =	ssyncadd.s32 $0xFFFFFFFF  }
0xb6: {  	_ =	strace $0x9000004B  }
0xb7: {  	_ =	sfence  }
0xb8: {  	s30 =	sld [smem:$0x0];
	_ =	sdelay $0x2  }
0xb9: {  	s31 =	sshll.u32 s1, $0xD;
	s1 =	sshrl.u32 s1, $0x2  }
0xba: {  	s3 =	sand.u32 $0x4000, s31;
	s1 =	sadd.s32 s1, s30  }
0xbb: {  	s0 =	sor.u32 s3, s0;
	s1 =	sshll.u32 s1, $0x11  }
0xbc: {  	s0 =	sor.u32 s1, s0  }
0xbd: {  	s0 =	sadd.s32 $0x8F2B, s0  }
0xbe: {  	[sflag:s0] =	ssyncadd.remote.s32 $0x1  }
0xbf: {  	_ =	sfence.sel $0xFFFF  }
0xc0: {  	[dreg:$0x0] =	wrdreg $0xFFFFFFFF;
	(pc) =	sbr.abs _section_cstart, $3  }
0xc1: {  	[dreg:$0x1] =	wrdreg $0xFFFFFFFF  }
0xc2: {  	_ =	task.clear_ibuf [dreg:s7], $0x2FFFF;
	_ =	strace $0x9FFFFFFF  }
0xc3: {  	(tm) =	ssettm $0x7FFFFFFF  }
tec
execute0_lowered:
.L_overlay_start_1:
0x0: {  	(tag) =	ssettag $0x1  }
0x1: {  	s0 =	rddreg [dreg:$0x0]  }
0x2: {  	s1 =	rddreg [dreg:$0x1]  }
0x3: {  	s2 =	rddreg [dreg:$0x2];
	s16 =	stileid.u32  }
0x4: {  	s4 =	srdreg.scid;
	s3 =	simm.s32 $0x0;
	s18 =	simm.s32 $0x80  }
0x5: {  	s19 =	simm.s32 $0x1;
	s28 =	simm.s32 $0x13D00;
	s5 =	smul.u32 $0xA00, s16  }
0x6: {  	s29 =	simm.s32 $0x14100;
	s30 =	simm.s32 $0x13D80;
	s7 =	smul.u32 $0x278, s16  }
0x7: {  	s31 =	simm.s32 $0x14180;
	s4 =	sand.u32 $0x1, s4;
	s9 =	smul.u32 $0x4F000, s16  }
0x8: {  	[smem:$0x7FF] =	sst s3;
	s8 =	sadd.s32 $0xD400, s1;
	s6 =	smul.u32 $0x27800, s4  }
0x9: {  	_ =	strace $0x8000004A;
	[dreg:$0x4] =	wrdreg s8;
	s21 =	ssub.s32 $0x2, s4  }
0xa: {  	s4 =	smul.u32 $0x27100, s4;
	s5 =	sadd.s32 s5, s1;
	s22 =	sshrl.u32 s21, $0x1  }
0xb: {  	s13 =	sadd.s32 $0x80, s7;
	s23 =	sshrl.u32 s9, $0x2;
	s14 =	sadd.s32 $0x100, s7  }
0xc: {  	s15 =	sadd.s32 $0x180, s7;
	s7 =	sadd.s32 $0x200, s7;
	s1 =	sadd.s32 s6, s1  }
0xd: {  	s6 =	ssub.s32 s21, s22;
	s24 =	sshll.u32 s13, $0x7;
	s17 =	sadd.s32 s23, s2  }
0xe: {  	s25 =	sshll.u32 s14, $0x7;
	s26 =	sshll.u32 s15, $0x7;
	s10 =	sshll.u32 s7, $0x7  }
0xf: {  	s11 =	sadd.s32 $0x3400, s5;
	s12 =	sadd.s32 s0, s4;
	s13 =	sshll.u32 s13, $0x4  }
0x10: {  	s21 =	sshll.u32 s14, $0x4;
	s22 =	sshll.u32 s15, $0x4;
	s7 =	sshll.u32 s7, $0x4  }
0x11: {  	s14 =	simm.s32 $0x14400;
	s15 =	simm.s32 $0x2;
	s4 =	simm.s32 $0x13E80  }
0x12: {  	s20 =	sadd.s32 s24, s2;
	s8 =	sadd.s32 s25, s2;
	s6 =	smax.u32 s6, $0x1  }
0x13: {  	s9 =	sadd.s32 s26, s2;
	s24 =	sadd.s32 s10, s2;
	[dreg:$0xa] =	wrdreg s6  }
0x14: {  	s10 =	sadd.s32 $0x5CC00, s5;
	s0 =	sadd.s32 $0x66C00, s1;
	[dreg:$0x7] =	wrdreg s8  }
0x15: {  	s5 =	smul.u32 $0x2780, s16;
	s16 =	simm.s32 $0x13C00;
	[dreg:$0x8] =	wrdreg s9  }
0x16: {  	s6 =	smov.u32 s17;
	s23 =	sadd.s32 s13, s0;
	[dreg:$0x9] =	wrdreg s24  }
0x17: {  	s17 =	simm.s32 $0x14000;
	s25 =	sadd.s32 s21, s0;
	[dreg:$0xc] =	wrdreg s23  }
0x18: {  	s26 =	sadd.s32 s22, s0;
	s13 =	simm.s32 $0x14280;
	[dreg:$0xd] =	wrdreg s25  }
0x19: {  	s21 =	simm.s32 $0x14300;
	s22 =	simm.s32 $0x13F80;
	[dreg:$0xe] =	wrdreg s26  }
0x1a: {  	s1 =	sadd.s32 s5, s0;
	s0 =	sadd.s32 s7, s0;
	[dreg:$0x5] =	wrdreg s6  }
0x1b: {  	s7 =	smov.u32 s20;
	s25 =	simm.s32 $0x13C80;
	[dreg:$0xb] =	wrdreg s1  }
0x1c: {  	s26 =	simm.s32 $0x14080;
	s5 =	simm.s32 $0x0;
	[dreg:$0xf] =	wrdreg s0  }
0x1d: {  	s20 =	simm.s32 $0x13F00;
	s23 =	simm.s32 $0x14380;
	[dreg:$0x10] =	wrdreg s5  }
0x1e: {  	s0 =	simm.s32 $0x13E00;
	s1 =	simm.s32 $0x14200;
	[dreg:$0x6] =	wrdreg s7  }
.LBB2_1:
0x1f: {  	s5 =	rddreg [dreg:$0x4]  }
0x20: {  	[tilespmem:s14], [sflag:$0x2] =	stream.linear.gather [hbm4b:s5+s3], $0x4000, $0x38;
	[tilespmem:$0x18400] =	vst v63  }
0x21: {  	_ =	swait.ge [sflag:s15], $0x4000  }
0x22: {  	[sflag:s15] =	ssyncset.done $0x0  }
0x23: {  	[sflag:s15] =	ssyncadd.s32 $0xFFFFC000  }
0x24: {  	[spmem:s6] =	stream.linear.scatter [tilespmem:s14], [sflag:$0x2], $0x4000, $0x38;
	[tilespmem:$0x18400] =	vst v63  }
0x25: {  	_ =	swait.ge [sflag:s15], $0x4000  }
0x26: {  	[sflag:s15] =	ssyncset.done $0x0  }
0x27: {  	[sflag:s15] =	ssyncadd.s32 $0xFFFFC000  }
0x28: {  	[spmem:s7] =	stream.linear.scatter [tilespmem:s14], [sflag:$0x2], $0x4000, $0x38;
	[tilespmem:$0x18400] =	vst v63  }
0x29: {  	_ =	swait.ge [sflag:s15], $0x4000  }
0x2a: {  	[sflag:s15] =	ssyncset.done $0x0  }
0x2b: {  	[sflag:s15] =	ssyncadd.s32 $0xFFFFC000  }
0x2c: {  	[spmem:s8] =	stream.linear.scatter [tilespmem:s14], [sflag:$0x2], $0x4000, $0x38;
	[tilespmem:$0x18400] =	vst v63  }
0x2d: {  	_ =	swait.ge [sflag:s15], $0x4000  }
0x2e: {  	[sflag:s15] =	ssyncset.done $0x0  }
0x2f: {  	[sflag:s15] =	ssyncadd.s32 $0xFFFFC000  }
0x30: {  	[spmem:s9] =	stream.linear.scatter [tilespmem:s14], [sflag:$0x2], $0x4000, $0x38;
	[tilespmem:$0x18400] =	vst v63  }
0x31: {  	_ =	swait.ge [sflag:s15], $0x4000  }
0x32: {  	[sflag:s15] =	ssyncset.done $0x0  }
0x33: {  	[sflag:s15] =	ssyncadd.s32 $0xFFFFC000  }
0x34: {  	[spmem:s24] =	stream.linear.scatter [tilespmem:s14], [sflag:$0x2], $0x3C00, $0x38;
	[tilespmem:$0x18400] =	vst v63  }
0x35: {  	_ =	swait.ge [sflag:s15], $0x3C00  }
0x36: {  	[sflag:s15] =	ssyncset.done $0x0  }
0x37: {  	[sflag:s15] =	ssyncadd.s32 $0xFFFFC400  }
0x38: {  	s9 =	sadd.s32 $0x0, s10;
	[bflag:$0x0] =	sbarrier.arrive $0xFFFF  }
0x39: {  	[tilespmem:s16], [sflag:$0x2] =	stream.linear.gather [hbm4b:s9+s3], $0x400, $0x38;
	[tilespmem:$0x18400] =	vst v63  }
0x3a: {  	_ =	swait.ge [sflag:s15], $0x400  }
0x3b: {  	[sflag:s15] =	ssyncset.done $0x0  }
0x3c: {  	s24 =	sadd.s32 $0x0, s11;
	[sflag:s15] =	ssyncadd.s32 $0xFFFFFC00  }
0x3d: {  	[tilespmem:s17], [sflag:$0x2] =	stream.linear.gather [hbm4b:s24+s3], $0x400, $0x38;
	[tilespmem:$0x18400] =	vst v63  }
0x3e: {  	_ =	swait.ge [sflag:s15], $0x400  }
0x3f: {  	[sflag:s15] =	ssyncset.done $0x0  }
0x40: {  	[sflag:s15] =	ssyncadd.s32 $0xFFFFFC00  }
0x41: {  	[tilespmem:s14], [sflag:$0x1] =	stream.indirect.gather [hbm4b:s12+s18], $0x80, s16, s18, $0xb8;
	[tilespmem:$0x18400] =	vst v63  }
0x42: {  	_ =	swait.ge [sflag:s19], $0x4000  }
0x43: {  	[sflag:s19] =	ssyncset.done $0x0  }
0x44: {  	[sflag:s19] =	ssyncadd.s32 $0xFFFFC000  }
0x45: {  	[spmem:s2] =	stream.indirect.scatter.add.f32 [tilespmem:s14], [sflag:$0x2], $0x80, s17, s18, $0xb8;
	[tilespmem:$0x18400] =	vst v63  }
0x46: {  	_ =	swait.ge [sflag:s15], $0x4000  }
0x47: {  	[sflag:s15] =	ssyncset.done $0x0  }
0x48: {  	[sflag:s15] =	ssyncadd.s32 $0xFFFFC000  }
0x49: {  	[tilespmem:s14], [sflag:$0x1] =	stream.indirect.gather [hbm4b:s12+s18], $0x80, s25, s18, $0xb8;
	[tilespmem:$0x18400] =	vst v63  }
0x4a: {  	_ =	swait.ge [sflag:s19], $0x4000  }
0x4b: {  	[sflag:s19] =	ssyncset.done $0x0  }
0x4c: {  	[sflag:s19] =	ssyncadd.s32 $0xFFFFC000  }
0x4d: {  	[spmem:s2] =	stream.indirect.scatter.add.f32 [tilespmem:s14], [sflag:$0x2], $0x80, s26, s18, $0xb8;
	[tilespmem:$0x18400] =	vst v63  }
0x4e: {  	_ =	swait.ge [sflag:s15], $0x4000  }
0x4f: {  	[sflag:s15] =	ssyncset.done $0x0  }
0x50: {  	[sflag:s15] =	ssyncadd.s32 $0xFFFFC000  }
0x51: {  	[tilespmem:s14], [sflag:$0x1] =	stream.indirect.gather [hbm4b:s12+s18], $0x80, s28, s18, $0xb8;
	[tilespmem:$0x18400] =	vst v63  }
0x52: {  	_ =	swait.ge [sflag:s19], $0x4000  }
0x53: {  	[sflag:s19] =	ssyncset.done $0x0  }
0x54: {  	[sflag:s19] =	ssyncadd.s32 $0xFFFFC000  }
0x55: {  	[spmem:s2] =	stream.indirect.scatter.add.f32 [tilespmem:s14], [sflag:$0x2], $0x80, s29, s18, $0xb8;
	[tilespmem:$0x18400] =	vst v63  }
0x56: {  	_ =	swait.ge [sflag:s15], $0x4000  }
0x57: {  	[sflag:s15] =	ssyncset.done $0x0  }
0x58: {  	[sflag:s15] =	ssyncadd.s32 $0xFFFFC000  }
0x59: {  	[tilespmem:s14], [sflag:$0x1] =	stream.indirect.gather [hbm4b:s12+s18], $0x80, s30, s18, $0xb8;
	[tilespmem:$0x18400] =	vst v63  }
0x5a: {  	_ =	swait.ge [sflag:s19], $0x4000  }
0x5b: {  	[sflag:s19] =	ssyncset.done $0x0  }
0x5c: {  	[sflag:s19] =	ssyncadd.s32 $0xFFFFC000  }
0x5d: {  	[spmem:s2] =	stream.indirect.scatter.add.f32 [tilespmem:s14], [sflag:$0x2], $0x80, s31, s18, $0xb8;
	[tilespmem:$0x18400] =	vst v63  }
0x5e: {  	_ =	swait.ge [sflag:s15], $0x4000  }
0x5f: {  	[sflag:s15] =	ssyncset.done $0x0  }
0x60: {  	[sflag:s15] =	ssyncadd.s32 $0xFFFFC000  }
0x61: {  	[tilespmem:s14], [sflag:$0x1] =	stream.indirect.gather [hbm4b:s12+s18], $0x80, s0, s18, $0xb8;
	[tilespmem:$0x18400] =	vst v63  }
0x62: {  	_ =	swait.ge [sflag:s19], $0x4000  }
0x63: {  	[sflag:s19] =	ssyncset.done $0x0  }
0x64: {  	[sflag:s19] =	ssyncadd.s32 $0xFFFFC000  }
0x65: {  	[spmem:s2] =	stream.indirect.scatter.add.f32 [tilespmem:s14], [sflag:$0x2], $0x80, s1, s18, $0xb8;
	[tilespmem:$0x18400] =	vst v63  }
0x66: {  	_ =	swait.ge [sflag:s15], $0x4000  }
0x67: {  	[sflag:s15] =	ssyncset.done $0x0  }
0x68: {  	[sflag:s15] =	ssyncadd.s32 $0xFFFFC000  }
0x69: {  	[tilespmem:s14], [sflag:$0x1] =	stream.indirect.gather [hbm4b:s12+s18], $0x80, s4, s18, $0xb8;
	[tilespmem:$0x18400] =	vst v63  }
0x6a: {  	_ =	swait.ge [sflag:s19], $0x4000  }
0x6b: {  	[sflag:s19] =	ssyncset.done $0x0  }
0x6c: {  	[sflag:s19] =	ssyncadd.s32 $0xFFFFC000  }
0x6d: {  	[spmem:s2] =	stream.indirect.scatter.add.f32 [tilespmem:s14], [sflag:$0x2], $0x80, s13, s18, $0xb8;
	[tilespmem:$0x18400] =	vst v63  }
0x6e: {  	_ =	swait.ge [sflag:s15], $0x4000  }
0x6f: {  	[sflag:s15] =	ssyncset.done $0x0  }
0x70: {  	[sflag:s15] =	ssyncadd.s32 $0xFFFFC000  }
0x71: {  	[tilespmem:s14], [sflag:$0x1] =	stream.indirect.gather [hbm4b:s12+s18], $0x80, s20, s18, $0xb8;
	[tilespmem:$0x18400] =	vst v63  }
0x72: {  	_ =	swait.ge [sflag:s19], $0x4000  }
0x73: {  	[sflag:s19] =	ssyncset.done $0x0  }
0x74: {  	[sflag:s19] =	ssyncadd.s32 $0xFFFFC000  }
0x75: {  	[spmem:s2] =	stream.indirect.scatter.add.f32 [tilespmem:s14], [sflag:$0x2], $0x80, s21, s18, $0xb8;
	[tilespmem:$0x18400] =	vst v63  }
0x76: {  	_ =	swait.ge [sflag:s15], $0x4000  }
0x77: {  	[sflag:s15] =	ssyncset.done $0x0  }
0x78: {  	[sflag:s15] =	ssyncadd.s32 $0xFFFFC000  }
0x79: {  	[tilespmem:s14], [sflag:$0x1] =	stream.indirect.gather [hbm4b:s12+s18], $0x80, s22, s18, $0xb8;
	[tilespmem:$0x18400] =	vst v63  }
0x7a: {  	_ =	swait.ge [sflag:s19], $0x4000  }
0x7b: {  	[sflag:s19] =	ssyncset.done $0x0  }
0x7c: {  	[sflag:s19] =	ssyncadd.s32 $0xFFFFC000  }
0x7d: {  	[spmem:s2] =	stream.indirect.scatter.add.f32 [tilespmem:s14], [sflag:$0x2], $0x80, s23, s18, $0xb8;
	[tilespmem:$0x18400] =	vst v63  }
0x7e: {  	_ =	swait.ge [sflag:s15], $0x4000  }
0x7f: {  	s5 =	simm.s32 $0x80;
	s6 =	simm.s32 $0x100;
	[sflag:s15] =	ssyncset.done $0x0  }
.LBB2_2:
0x80: {  	s8 =	sadd.s32 s5, s10  }
0x81: {  	[sflag:s15] =	ssyncadd.s32 $0xFFFFC000;
	s9 =	smov.u32 s6;
	s7 =	sadd.s32 $0x80, s6  }
0x82: {  	[tilespmem:s16], [sflag:$0x2] =	stream.linear.gather [hbm4b:s8+s3], $0x400, $0x38;
	[tilespmem:$0x18400] =	vst v63  }
0x83: {  	p0 =	sne.s32 s6, $0x980;
	_ =	swait.ge [sflag:s15], $0x400  }
0x84: {  	[sflag:s15] =	ssyncset.done $0x0  }
0x85: {  	s6 =	sadd.s32 s5, s11;
	s5 =	smov.u32 s9;
	[sflag:s15] =	ssyncadd.s32 $0xFFFFFC00  }
0x86: {  	[tilespmem:s17], [sflag:$0x2] =	stream.linear.gather [hbm4b:s6+s3], $0x400, $0x38;
	[tilespmem:$0x18400] =	vst v63  }
0x87: {  	_ =	swait.ge [sflag:s15], $0x400  }
0x88: {  	[sflag:s15] =	ssyncset.done $0x0  }
0x89: {  	[sflag:s15] =	ssyncadd.s32 $0xFFFFFC00  }
0x8a: {  	[tilespmem:s14], [sflag:$0x1] =	stream.indirect.gather [hbm4b:s12+s18], $0x80, s16, s18, $0xb8;
	[tilespmem:$0x18400] =	vst v63  }
0x8b: {  	_ =	swait.ge [sflag:s19], $0x4000  }
0x8c: {  	[sflag:s19] =	ssyncset.done $0x0  }
0x8d: {  	[sflag:s19] =	ssyncadd.s32 $0xFFFFC000  }
0x8e: {  	[spmem:s2] =	stream.indirect.scatter.add.f32 [tilespmem:s14], [sflag:$0x2], $0x80, s17, s18, $0xb8;
	[tilespmem:$0x18400] =	vst v63  }
0x8f: {  	_ =	swait.ge [sflag:s15], $0x4000  }
0x90: {  	[sflag:s15] =	ssyncset.done $0x0  }
0x91: {  	[sflag:s15] =	ssyncadd.s32 $0xFFFFC000  }
0x92: {  	[tilespmem:s14], [sflag:$0x1] =	stream.indirect.gather [hbm4b:s12+s18], $0x80, s25, s18, $0xb8;
	[tilespmem:$0x18400] =	vst v63  }
0x93: {  	_ =	swait.ge [sflag:s19], $0x4000  }
0x94: {  	[sflag:s19] =	ssyncset.done $0x0  }
0x95: {  	[sflag:s19] =	ssyncadd.s32 $0xFFFFC000  }
0x96: {  	[spmem:s2] =	stream.indirect.scatter.add.f32 [tilespmem:s14], [sflag:$0x2], $0x80, s26, s18, $0xb8;
	[tilespmem:$0x18400] =	vst v63  }
0x97: {  	_ =	swait.ge [sflag:s15], $0x4000  }
0x98: {  	[sflag:s15] =	ssyncset.done $0x0  }
0x99: {  	[sflag:s15] =	ssyncadd.s32 $0xFFFFC000  }
0x9a: {  	[tilespmem:s14], [sflag:$0x1] =	stream.indirect.gather [hbm4b:s12+s18], $0x80, s28, s18, $0xb8;
	[tilespmem:$0x18400] =	vst v63  }
0x9b: {  	_ =	swait.ge [sflag:s19], $0x4000  }
0x9c: {  	[sflag:s19] =	ssyncset.done $0x0  }
0x9d: {  	[sflag:s19] =	ssyncadd.s32 $0xFFFFC000  }
0x9e: {  	[spmem:s2] =	stream.indirect.scatter.add.f32 [tilespmem:s14], [sflag:$0x2], $0x80, s29, s18, $0xb8;
	[tilespmem:$0x18400] =	vst v63  }
0x9f: {  	_ =	swait.ge [sflag:s15], $0x4000  }
0xa0: {  	[sflag:s15] =	ssyncset.done $0x0  }
0xa1: {  	[sflag:s15] =	ssyncadd.s32 $0xFFFFC000  }
0xa2: {  	[tilespmem:s14], [sflag:$0x1] =	stream.indirect.gather [hbm4b:s12+s18], $0x80, s30, s18, $0xb8;
	[tilespmem:$0x18400] =	vst v63  }
0xa3: {  	_ =	swait.ge [sflag:s19], $0x4000  }
0xa4: {  	[sflag:s19] =	ssyncset.done $0x0  }
0xa5: {  	[sflag:s19] =	ssyncadd.s32 $0xFFFFC000  }
0xa6: {  	[spmem:s2] =	stream.indirect.scatter.add.f32 [tilespmem:s14], [sflag:$0x2], $0x80, s31, s18, $0xb8;
	[tilespmem:$0x18400] =	vst v63  }
0xa7: {  	_ =	swait.ge [sflag:s15], $0x4000  }
0xa8: {  	[sflag:s15] =	ssyncset.done $0x0  }
0xa9: {  	[sflag:s15] =	ssyncadd.s32 $0xFFFFC000  }
0xaa: {  	[tilespmem:s14], [sflag:$0x1] =	stream.indirect.gather [hbm4b:s12+s18], $0x80, s0, s18, $0xb8;
	[tilespmem:$0x18400] =	vst v63  }
0xab: {  	_ =	swait.ge [sflag:s19], $0x4000  }
0xac: {  	[sflag:s19] =	ssyncset.done $0x0  }
0xad: {  	[sflag:s19] =	ssyncadd.s32 $0xFFFFC000  }
0xae: {  	[spmem:s2] =	stream.indirect.scatter.add.f32 [tilespmem:s14], [sflag:$0x2], $0x80, s1, s18, $0xb8;
	[tilespmem:$0x18400] =	vst v63  }
0xaf: {  	_ =	swait.ge [sflag:s15], $0x4000  }
0xb0: {  	[sflag:s15] =	ssyncset.done $0x0  }
0xb1: {  	[sflag:s15] =	ssyncadd.s32 $0xFFFFC000  }
0xb2: {  	[tilespmem:s14], [sflag:$0x1] =	stream.indirect.gather [hbm4b:s12+s18], $0x80, s4, s18, $0xb8;
	[tilespmem:$0x18400] =	vst v63  }
0xb3: {  	_ =	swait.ge [sflag:s19], $0x4000  }
0xb4: {  	[sflag:s19] =	ssyncset.done $0x0  }
0xb5: {  	[sflag:s19] =	ssyncadd.s32 $0xFFFFC000  }
0xb6: {  	[spmem:s2] =	stream.indirect.scatter.add.f32 [tilespmem:s14], [sflag:$0x2], $0x80, s13, s18, $0xb8;
	[tilespmem:$0x18400] =	vst v63  }
0xb7: {  	_ =	swait.ge [sflag:s15], $0x4000  }
0xb8: {  	[sflag:s15] =	ssyncset.done $0x0  }
0xb9: {  	[sflag:s15] =	ssyncadd.s32 $0xFFFFC000  }
0xba: {  	[tilespmem:s14], [sflag:$0x1] =	stream.indirect.gather [hbm4b:s12+s18], $0x80, s20, s18, $0xb8;
	[tilespmem:$0x18400] =	vst v63  }
0xbb: {  	_ =	swait.ge [sflag:s19], $0x4000  }
0xbc: {  	[sflag:s19] =	ssyncset.done $0x0  }
0xbd: {  	[sflag:s19] =	ssyncadd.s32 $0xFFFFC000  }
0xbe: {  	[spmem:s2] =	stream.indirect.scatter.add.f32 [tilespmem:s14], [sflag:$0x2], $0x80, s21, s18, $0xb8;
	[tilespmem:$0x18400] =	vst v63  }
0xbf: {  	_ =	swait.ge [sflag:s15], $0x4000  }
0xc0: {  	[sflag:s15] =	ssyncset.done $0x0  }
0xc1: {  	[sflag:s15] =	ssyncadd.s32 $0xFFFFC000  }
0xc2: {  	[tilespmem:s14], [sflag:$0x1] =	stream.indirect.gather [hbm4b:s12+s18], $0x80, s22, s18, $0xb8;
	[tilespmem:$0x18400] =	vst v63  }
0xc3: {  	_ =	swait.ge [sflag:s19], $0x4000  }
.Ltmp0:
0xc4: {  	[sflag:s19] =	ssyncset.done $0x0;
	(pc) =	sbr.rel @p0 .LBB2_2-.Ltmp0, $4  }
0xc5: {  	[sflag:s19] =	ssyncadd.s32 $0xFFFFC000  }
0xc6: {  	[spmem:s2] =	stream.indirect.scatter.add.f32 [tilespmem:s14], [sflag:$0x2], $0x80, s23, s18, $0xb8;
	[tilespmem:$0x18400] =	vst v63  }
0xc7: {  	_ =	swait.ge [sflag:s15], $0x4000  }
0xc8: {  	s6 =	smov.u32 s7;
	[sflag:s15] =	ssyncset.done $0x0  }
0xc9: {  	s6 =	sadd.s32 s5, s10;
	[sflag:s15] =	ssyncadd.s32 $0xFFFFC000  }
0xca: {  	[tilespmem:s16], [sflag:$0x2] =	stream.linear.gather [hbm4b:s6+s3], $0x400, $0x38;
	[tilespmem:$0x18400] =	vst v63  }
0xcb: {  	_ =	swait.ge [sflag:s15], $0x400  }
0xcc: {  	[sflag:s15] =	ssyncset.done $0x0  }
0xcd: {  	s24 =	sadd.s32 s5, s11;
	[sflag:s15] =	ssyncadd.s32 $0xFFFFFC00  }
0xce: {  	[tilespmem:s17], [sflag:$0x2] =	stream.linear.gather [hbm4b:s24+s3], $0x400, $0x38;
	[tilespmem:$0x18400] =	vst v63  }
0xcf: {  	_ =	swait.ge [sflag:s15], $0x400  }
0xd0: {  	[sflag:s15] =	ssyncset.done $0x0  }
0xd1: {  	[sflag:s15] =	ssyncadd.s32 $0xFFFFFC00  }
0xd2: {  	[tilespmem:s14], [sflag:$0x1] =	stream.indirect.gather [hbm4b:s12+s18], $0x80, s16, s18, $0xb8;
	[tilespmem:$0x18400] =	vst v63  }
0xd3: {  	_ =	swait.ge [sflag:s19], $0x4000  }
0xd4: {  	[sflag:s19] =	ssyncset.done $0x0  }
0xd5: {  	[sflag:s19] =	ssyncadd.s32 $0xFFFFC000  }
0xd6: {  	[spmem:s2] =	stream.indirect.scatter.add.f32 [tilespmem:s14], [sflag:$0x2], $0x80, s17, s18, $0xb8;
	[tilespmem:$0x18400] =	vst v63  }
0xd7: {  	_ =	swait.ge [sflag:s15], $0x4000  }
0xd8: {  	[sflag:s15] =	ssyncset.done $0x0  }
0xd9: {  	[sflag:s15] =	ssyncadd.s32 $0xFFFFC000  }
0xda: {  	[tilespmem:s14], [sflag:$0x1] =	stream.indirect.gather [hbm4b:s12+s18], $0x80, s25, s18, $0xb8;
	[tilespmem:$0x18400] =	vst v63  }
0xdb: {  	_ =	swait.ge [sflag:s19], $0x4000  }
0xdc: {  	[sflag:s19] =	ssyncset.done $0x0  }
0xdd: {  	[sflag:s19] =	ssyncadd.s32 $0xFFFFC000  }
0xde: {  	[spmem:s2] =	stream.indirect.scatter.add.f32 [tilespmem:s14], [sflag:$0x2], $0x80, s26, s18, $0xb8;
	[tilespmem:$0x18400] =	vst v63  }
0xdf: {  	_ =	swait.ge [sflag:s15], $0x4000  }
0xe0: {  	[sflag:s15] =	ssyncset.done $0x0  }
0xe1: {  	[sflag:s15] =	ssyncadd.s32 $0xFFFFC000  }
0xe2: {  	[tilespmem:s14], [sflag:$0x1] =	stream.indirect.gather [hbm4b:s12+s18], $0x80, s28, s18, $0xb8;
	[tilespmem:$0x18400] =	vst v63  }
0xe3: {  	_ =	swait.ge [sflag:s19], $0x4000  }
0xe4: {  	[sflag:s19] =	ssyncset.done $0x0  }
0xe5: {  	[sflag:s19] =	ssyncadd.s32 $0xFFFFC000  }
0xe6: {  	[spmem:s2] =	stream.indirect.scatter.add.f32 [tilespmem:s14], [sflag:$0x2], $0x80, s29, s18, $0xb8;
	[tilespmem:$0x18400] =	vst v63  }
0xe7: {  	_ =	swait.ge [sflag:s15], $0x4000  }
0xe8: {  	[sflag:s15] =	ssyncset.done $0x0  }
0xe9: {  	[sflag:s15] =	ssyncadd.s32 $0xFFFFC000  }
0xea: {  	[tilespmem:s14], [sflag:$0x1] =	stream.indirect.gather [hbm4b:s12+s18], $0x80, s30, s18, $0xb8;
	[tilespmem:$0x18400] =	vst v63  }
0xeb: {  	_ =	swait.ge [sflag:s19], $0x4000  }
0xec: {  	[sflag:s19] =	ssyncset.done $0x0  }
0xed: {  	[sflag:s19] =	ssyncadd.s32 $0xFFFFC000  }
0xee: {  	[spmem:s2] =	stream.indirect.scatter.add.f32 [tilespmem:s14], [sflag:$0x2], $0x80, s31, s18, $0xb8;
	[tilespmem:$0x18400] =	vst v63  }
0xef: {  	_ =	swait.ge [sflag:s15], $0x4000  }
0xf0: {  	[sflag:s15] =	ssyncset.done $0x0  }
0xf1: {  	[sflag:s15] =	ssyncadd.s32 $0xFFFFC000  }
0xf2: {  	[tilespmem:s14], [sflag:$0x1] =	stream.indirect.gather [hbm4b:s12+s18], $0x80, s0, s18, $0xb8;
	[tilespmem:$0x18400] =	vst v63  }
0xf3: {  	_ =	swait.ge [sflag:s19], $0x4000  }
0xf4: {  	[sflag:s19] =	ssyncset.done $0x0  }
0xf5: {  	[sflag:s19] =	ssyncadd.s32 $0xFFFFC000  }
0xf6: {  	[spmem:s2] =	stream.indirect.scatter.add.f32 [tilespmem:s14], [sflag:$0x2], $0x80, s1, s18, $0xb8;
	[tilespmem:$0x18400] =	vst v63  }
0xf7: {  	_ =	swait.ge [sflag:s15], $0x4000  }
0xf8: {  	[sflag:s15] =	ssyncset.done $0x0  }
0xf9: {  	[sflag:s15] =	ssyncadd.s32 $0xFFFFC000  }
0xfa: {  	[tilespmem:s14], [sflag:$0x1] =	stream.indirect.gather [hbm4b:s12+s18], $0x80, s4, s18, $0xb8;
	[tilespmem:$0x18400] =	vst v63  }
0xfb: {  	_ =	swait.ge [sflag:s19], $0x4000  }
0xfc: {  	[sflag:s19] =	ssyncset.done $0x0  }
0xfd: {  	[sflag:s19] =	ssyncadd.s32 $0xFFFFC000  }
0xfe: {  	[spmem:s2] =	stream.indirect.scatter.add.f32 [tilespmem:s14], [sflag:$0x2], $0x80, s13, s18, $0xb8;
	[tilespmem:$0x18400] =	vst v63  }
0xff: {  	_ =	swait.ge [sflag:s15], $0x4000  }
0x100: {  	[sflag:s15] =	ssyncset.done $0x0  }
0x101: {  	[sflag:s15] =	ssyncadd.s32 $0xFFFFC000  }
0x102: {  	[tilespmem:s14], [sflag:$0x1] =	stream.indirect.gather [hbm4b:s12+s18], $0x80, s20, s18, $0xb8;
	[tilespmem:$0x18400] =	vst v63  }
0x103: {  	_ =	swait.ge [sflag:s19], $0x4000  }
0x104: {  	[sflag:s19] =	ssyncset.done $0x0  }
0x105: {  	[sflag:s19] =	ssyncadd.s32 $0xFFFFC000  }
0x106: {  	[spmem:s2] =	stream.indirect.scatter.add.f32 [tilespmem:s14], [sflag:$0x2], $0x80, s21, s18, $0xb8;
	[tilespmem:$0x18400] =	vst v63  }
0x107: {  	_ =	swait.ge [sflag:s15], $0x4000  }
0x108: {  	[sflag:s15] =	ssyncset.done $0x0  }
0x109: {  	[sflag:s15] =	ssyncadd.s32 $0xFFFFC000  }
0x10a: {  	[tilespmem:s14], [sflag:$0x1] =	stream.indirect.gather [hbm4b:s12+s18], $0x80, s22, s18, $0xb8;
	[tilespmem:$0x18400] =	vst v63  }
0x10b: {  	_ =	swait.ge [sflag:s19], $0x4000  }
0x10c: {  	[sflag:s19] =	ssyncset.done $0x0  }
0x10d: {  	[sflag:s19] =	ssyncadd.s32 $0xFFFFC000  }
0x10e: {  	[spmem:s2] =	stream.indirect.scatter.add.f32 [tilespmem:s14], [sflag:$0x2], $0x80, s23, s18, $0xb8;
	[tilespmem:$0x18400] =	vst v63  }
0x10f: {  	_ =	swait.ge [sflag:s15], $0x4000  }
0x110: {  	[sflag:s15] =	ssyncset.done $0x0  }
0x111: {  	[sflag:s15] =	ssyncadd.s32 $0xFFFFC000  }
0x112: {  	[bflag:$0x0] =	sbarrier.arrive $0xFFFF  }
0x113: {  	s6 =	rddreg [dreg:$0x5]  }
0x114: {  	[tilespmem:s14], [sflag:$0x2] =	stream.linear.gather [spmem:s6], $0x4000, $0x38;
	[tilespmem:$0x18400] =	vst v63  }
0x115: {  	_ =	swait.ge [sflag:s15], $0x4000  }
0x116: {  	[sflag:s15] =	ssyncset.done $0x0  }
0x117: {  	s7 =	rddreg [dreg:$0xb];
	[sflag:s15] =	ssyncadd.s32 $0xFFFFC000  }
0x118: {  	[hbm4b:s7+s3] =	stream.linear.scatter [tilespmem:s14], [sflag:$0x2], $0x4000, $0x38;
	[tilespmem:$0x18400] =	vst v63  }
0x119: {  	_ =	swait.ge [sflag:s15], $0x4000  }
0x11a: {  	[sflag:s15] =	ssyncset.done $0x0  }
0x11b: {  	s7 =	rddreg [dreg:$0x6];
	[sflag:s15] =	ssyncadd.s32 $0xFFFFC000  }
0x11c: {  	[tilespmem:s14], [sflag:$0x2] =	stream.linear.gather [spmem:s7], $0x4000, $0x38;
	[tilespmem:$0x18400] =	vst v63  }
0x11d: {  	_ =	swait.ge [sflag:s15], $0x4000  }
0x11e: {  	[sflag:s15] =	ssyncset.done $0x0  }
0x11f: {  	s8 =	rddreg [dreg:$0xc];
	[sflag:s15] =	ssyncadd.s32 $0xFFFFC000  }
0x120: {  	[hbm4b:s8+s3] =	stream.linear.scatter [tilespmem:s14], [sflag:$0x2], $0x4000, $0x38;
	[tilespmem:$0x18400] =	vst v63  }
0x121: {  	_ =	swait.ge [sflag:s15], $0x4000  }
0x122: {  	[sflag:s15] =	ssyncset.done $0x0  }
0x123: {  	s6 =	rddreg [dreg:$0x7];
	[sflag:s15] =	ssyncadd.s32 $0xFFFFC000  }
0x124: {  	[tilespmem:s14], [sflag:$0x2] =	stream.linear.gather [spmem:s6], $0x4000, $0x38;
	[tilespmem:$0x18400] =	vst v63  }
0x125: {  	_ =	swait.ge [sflag:s15], $0x4000  }
0x126: {  	[sflag:s15] =	ssyncset.done $0x0  }
0x127: {  	s9 =	rddreg [dreg:$0xd];
	[sflag:s15] =	ssyncadd.s32 $0xFFFFC000  }
0x128: {  	[hbm4b:s9+s3] =	stream.linear.scatter [tilespmem:s14], [sflag:$0x2], $0x4000, $0x38;
	[tilespmem:$0x18400] =	vst v63  }
0x129: {  	_ =	swait.ge [sflag:s15], $0x4000  }
0x12a: {  	[sflag:s15] =	ssyncset.done $0x0  }
0x12b: {  	s9 =	rddreg [dreg:$0x8];
	[sflag:s15] =	ssyncadd.s32 $0xFFFFC000  }
0x12c: {  	[tilespmem:s14], [sflag:$0x2] =	stream.linear.gather [spmem:s9], $0x4000, $0x38;
	[tilespmem:$0x18400] =	vst v63  }
0x12d: {  	_ =	swait.ge [sflag:s15], $0x4000  }
0x12e: {  	[sflag:s15] =	ssyncset.done $0x0  }
0x12f: {  	s24 =	rddreg [dreg:$0xe];
	[sflag:s15] =	ssyncadd.s32 $0xFFFFC000  }
0x130: {  	[hbm4b:s24+s3] =	stream.linear.scatter [tilespmem:s14], [sflag:$0x2], $0x4000, $0x38;
	[tilespmem:$0x18400] =	vst v63  }
0x131: {  	_ =	swait.ge [sflag:s15], $0x4000  }
0x132: {  	[sflag:s15] =	ssyncset.done $0x0  }
0x133: {  	s24 =	rddreg [dreg:$0x9];
	[sflag:s15] =	ssyncadd.s32 $0xFFFFC000  }
0x134: {  	[tilespmem:s14], [sflag:$0x2] =	stream.linear.gather [spmem:s24], $0x3C00, $0x38;
	[tilespmem:$0x18400] =	vst v63  }
0x135: {  	_ =	swait.ge [sflag:s15], $0x3C00  }
0x136: {  	[sflag:s15] =	ssyncset.done $0x0  }
0x137: {  	s8 =	rddreg [dreg:$0xf];
	[sflag:s15] =	ssyncadd.s32 $0xFFFFC400  }
0x138: {  	[hbm4b:s8+s3] =	stream.linear.scatter [tilespmem:s14], [sflag:$0x2], $0x3C00, $0x38;
	[tilespmem:$0x18400] =	vst v63  }
0x139: {  	_ =	swait.ge [sflag:s15], $0x3C00  }
0x13a: {  	s8 =	rddreg [dreg:$0x10]  }
0x13b: {  	s5 =	rddreg [dreg:$0xa];
	s8 =	sadd.s32 $0x1, s8  }
0x13c: {  	p0 =	sne.s32 s8, s5  }
.Ltmp1:
0x13d: {  	_ = 	snop;
	(pc) =	sbr.rel @p0 .LBB2_1-.Ltmp1, $3  }
0x13e: {  	_ =	sdelay $0x1  }
0x13f: {  	[sflag:s15] =	ssyncset.done $0x0;
	[dreg:$0x10] =	wrdreg s8  }
0x140: {  	[sflag:s15] =	ssyncadd.s32 $0xFFFFC400;
	s8 =	smov.u32 s6;
	s6 =	rddreg [dreg:$0x5]  }
0x141: {  	_ =	sfence.sel $0x180000  }
0x142: {  	[bflag:$0x0] =	sbarrier.arrive $0xFFFF  }
0x143: {  	_ =	strace $0x9000004A  }
0x144: {  	s0 =	stileid.u32;
	[bflag:$0x2] =	sbarrier.arrive $0xFFFF  }
0x145: {  	p0 =	sne.s32 s0, $0x0;
	s0 =	rddreg [dreg:$0x3]  }
0x146: {  	s0 =	sadd.s32 @!p0 $0x100000, s0  }
0x147: {  	[sflag:s0] =	ssyncadd.tile.s32 @!p0 $0x1;
	_ =	shalt  }
.Lfunc_end2:
_tile_overlayer_lowered:
.L_overlay_start_2:
0x148: {  	(tag) =	ssettag $0x2  }
0x149: {  	s0 =	rddreg [dreg:$0x0];
	s2 =	stileid.u32  }
0x14a: {  	s1 =	rddreg [dreg:$0x1];
	p0 =	sne.s32 s2, $0x0  }
0x14b: {  	s3 =	rddreg [dreg:$0x2];
	[bflag:$0x3] =	sbarrier.arrive $0xFFFF;
	s2 =	simm.s32 @!p0 $0x1C02  }
0x14c: {  	[timem:s3], [sflag:s2] =	dma.local @!p0 [hbm:s0], s1  }
0x14d: {  	s0 =	simm.s32 @!p0 $0x2  }
0x14e: {  	_ =	swait.ge @!p0 [sflag:s0], s1  }
0x14f: {  	s1 =	ssub.s32 @!p0 $0x0, s1;
	[sflag:s0] =	ssyncset.done @!p0 $0x0  }
0x150: {  	[sflag:s0] =	ssyncadd.s32 @!p0 s1  }
0x151: {  	[bflag:$0x3] =	sbarrier.arrive $0xFFFF  }
0x152: {  	_ =	shalt  }

// kernel: kernel.16.cloned.1.call-start
scs
__scs_entry_jumppad:
0x0: {  	(pc) =	sbr.rel $0x88, $3  }
0x1: {  	(tag) =	ssettag $0x0;
	lr =	simm.s32 $0x1  }
0x2: {  	[smem:$0x3F99] =	sst lr;
	_ =	strace $0xD0000000  }
0x3: {  	_ = 	snop  }
0x4: {  	_ = 	snop  }
0x5: {  	_ = 	snop  }
0x6: {  	_ = 	snop  }
0x7: {  	_ = 	snop  }
__scs_overlays_trampoline_lowered:
0x8: {  	[smem:$0x3FA8] =	sst s0  }
0x9: {  	[smem:$0x3FA9] =	sst s1  }
0xa: {  	[smem:$0x3FAA] =	sst s2  }
0xb: {  	[smem:$0x3FAB] =	sst s3  }
0xc: {  	[smem:$0x3FAC] =	sst s4  }
0xd: {  	[smem:$0x3FAD] =	sst s5  }
0xe: {  	[smem:$0x3FAE] =	sst s6  }
0xf: {  	[smem:$0x3FAF] =	sst s7  }
0x10: {  	[smem:$0x3FB0] =	sst s8  }
0x11: {  	[smem:$0x3FB1] =	sst s9;
	s0 =	simm.s32 @!p0 $0x0  }
0x12: {  	s1 =	sld [smem:$0x3F97];
	s0 =	simm.s32 @p0 $0x1  }
0x13: {  	[smem:$0x3FB2] =	sst s0;
	s0 =	simm.s32 @!p1 $0x0  }
0x14: {  	s2 =	sld [smem:$0x3F96];
	s0 =	simm.s32 @p1 $0x1  }
0x15: {  	[smem:$0x3FB3] =	sst s0;
	s0 =	simm.s32 @!p2 $0x0  }
0x16: {  	s3 =	sld [smem:$0x3FDB];
	s0 =	simm.s32 @p2 $0x1  }
0x17: {  	s4 =	simm.s32 $0x1BF5;
	[smem:$0x3FB5] =	sst s0  }
0x18: {  	s0 =	sld [smem:$0x3F98];
	_ =	swait.ge [sflag:s4], $0x0  }
0x19: {  	s7 =	sld [smem:$0x3F99]  }
0x1a: {  	s8 =	sadd.s32 $0xFFFFE003, lr  }
0x1b: {  	s9 =	sadd.s32 $0xFFFFFEF7, lr;
	s5 =	simm.s32 $0xFFFFFFFF;
	p2 =	slt.u32 s8, $0xFFFFF086  }
0x1c: {  	p1 =	slt.u32 s9, $0xF7A;
	s5 =	simm.s32 @!p2 $0x0  }
0x1d: {  	s5 =	simm.s32 @p1 $0x1;
	p0 =	seq.s32 s7, s2  }
0x1e: {  	s7 =	smul.u32 @!p0 $0xF7A, s2;
	p2 =	seq.s32 @!p0 s5, $0x0  }
0x1f: {  	s9 =	smul.u32 $0xF7A, s1;
	s8 =	simm.s32 @!p0 $0x1BF5;
	p2 =	por !p2, p0  }
0x20: {  	[sflag:s8] =	ssyncset.s32 @!p0 $0xFFFFF086;
	s6 =	sadd.s32 @!p0 s3, s7;
	s7 =	simm.s32 @!p0 $0x108  }
0x21: {  	s3 =	sadd.s32 s3, s9;
	s6 =	sadd.s32 @!p0 $0x88, s6;
	s7 =	simm.s32 @p2 $0x1082  }
0x22: {  	[simem:s7], [sflag:s8] =	dma.local @!p0 [hbm:s6], $0xF7A  }
0x23: {  	s9 =	sor.u32 $0xD0000000, s2;
	s6 =	simm.s32 $0x108;
	_ =	swait.ge @!p0 [sflag:s8], $0x0  }
0x24: {  	s3 =	sadd.s32 $0x88, s3;
	s6 =	simm.s32 @!p1 $0x1082;
	[sflag:s4] =	ssyncset.s32 $0xFFFFF086  }
0x25: {  	[simem:s6], [sflag:s4] =	dma.local [hbm:s3], $0xF7A  }
0x26: {  	[smem:$0x3F99] =	sst s1;
	(tag) =	ssettag s2;
	_ =	strace s9  }
0x27: {  	s1 =	sld [smem:$0x3FA9]  }
0x28: {  	s2 =	sld [smem:$0x3FAA]  }
0x29: {  	s4 =	sld [smem:$0x3FAC]  }
0x2a: {  	p0 =	seq.s32 s5, $0x0;
	s5 =	sld [smem:$0x3FAD]  }
0x2b: {  	s6 =	sld [smem:$0x3FAE]  }
0x2c: {  	s7 =	sld [smem:$0x3FAF]  }
0x2d: {  	s3 =	simm.s32 $0x108;
	s8 =	sld [smem:$0x3FB0]  }
0x2e: {  	s3 =	simm.s32 @!p0 $0x1082;
	s9 =	sld [smem:$0x3FB1]  }
0x2f: {  	lr =	sadd.s32 s0, s3;
	s0 =	sld [smem:$0x3FA8]  }
0x30: {  	s3 =	sld [smem:$0x3FAB]  }
0x31: {  	[smem:$0x3FB4] =	sst s10  }
0x32: {  	s10 =	sld [smem:$0x3FB2];
	_ =	sdelay $0x3  }
0x33: {  	p0 =	seq.s32 s10, $0x1;
	s10 =	sld [smem:$0x3FB4];
	_ =	sdelay $0x3  }
0x34: {  	[smem:$0x3FB4] =	sst s10  }
0x35: {  	s10 =	sld [smem:$0x3FB3];
	_ =	sdelay $0x3  }
0x36: {  	p1 =	seq.s32 s10, $0x1;
	s10 =	sld [smem:$0x3FB4];
	_ =	sdelay $0x3  }
0x37: {  	[smem:$0x3FB4] =	sst s10  }
0x38: {  	s10 =	sld [smem:$0x3FB5]  }
0x39: {  	_ = 	snop;
	(pc) =	sbr.ind lr, $3  }
0x3a: {  	_ = 	snop  }
0x3b: {  	_ = 	snop  }
0x3c: {  	p2 =	seq.s32 s10, $0x1;
	s10 =	sld [smem:$0x3FB4]  }
0x3d: {  	_ =	shalt  }
0x3e: {  	_ =	shalt  }
0x3f: {  	_ =	shalt  }
0x40: {  	_ =	shalt  }
0x41: {  	_ =	shalt  }
0x42: {  	_ =	shalt  }
0x43: {  	_ =	shalt  }
0x44: {  	_ =	shalt  }
0x45: {  	_ =	shalt  }
0x46: {  	_ =	shalt  }
0x47: {  	_ =	shalt  }
0x48: {  	_ =	shalt  }
0x49: {  	_ =	shalt  }
0x4a: {  	_ =	shalt  }
0x4b: {  	_ =	shalt  }
0x4c: {  	_ =	shalt  }
0x4d: {  	_ =	shalt  }
0x4e: {  	_ =	shalt  }
0x4f: {  	_ =	shalt  }
0x50: {  	_ =	shalt  }
0x51: {  	_ =	shalt  }
0x52: {  	_ =	shalt  }
0x53: {  	_ =	shalt  }
0x54: {  	_ =	shalt  }
0x55: {  	_ =	shalt  }
0x56: {  	_ =	shalt  }
0x57: {  	_ =	shalt  }
0x58: {  	_ =	shalt  }
0x59: {  	_ =	shalt  }
0x5a: {  	_ =	shalt  }
0x5b: {  	_ =	shalt  }
0x5c: {  	_ =	shalt  }
0x5d: {  	_ =	shalt  }
0x5e: {  	_ =	shalt  }
0x5f: {  	_ =	shalt  }
0x60: {  	_ =	shalt  }
0x61: {  	_ =	shalt  }
0x62: {  	_ =	shalt  }
0x63: {  	_ =	shalt  }
0x64: {  	_ =	shalt  }
0x65: {  	_ =	shalt  }
0x66: {  	_ =	shalt  }
0x67: {  	_ =	shalt  }
0x68: {  	_ =	shalt  }
0x69: {  	_ =	shalt  }
0x6a: {  	_ =	shalt  }
0x6b: {  	_ =	shalt  }
0x6c: {  	_ =	shalt  }
0x6d: {  	_ =	shalt  }
0x6e: {  	_ =	shalt  }
0x6f: {  	_ =	shalt  }
0x70: {  	_ =	shalt  }
0x71: {  	_ =	shalt  }
0x72: {  	_ =	shalt  }
0x73: {  	_ =	shalt  }
0x74: {  	_ =	shalt  }
0x75: {  	_ =	shalt  }
0x76: {  	_ =	shalt  }
0x77: {  	_ =	shalt  }
0x78: {  	_ =	shalt  }
0x79: {  	_ =	shalt  }
0x7a: {  	_ =	shalt  }
0x7b: {  	_ =	shalt  }
0x7c: {  	_ =	shalt  }
0x7d: {  	_ =	shalt  }
0x7e: {  	_ =	shalt  }
0x7f: {  	_ =	shalt  }
0x80: {  	_ =	shalt  }
0x81: {  	_ =	shalt  }
0x82: {  	_ =	shalt  }
0x83: {  	_ =	shalt  }
0x84: {  	_ =	shalt  }
0x85: {  	_ =	shalt  }
0x86: {  	_ =	shalt  }
0x87: {  	_ =	shalt  }
.Lfunc_end0:
.L_simem_size_0:
called_computation.2_lowered:
.L_overlay_start_0:
0x88: {  	s2 =	sld [smem:$0x3FD9]  }
0x89: {  	s3 =	sld [smem:$0x3FFE];
	_ =	sdelay $0x1  }
0x8a: {  	s1 =	srdreg.scid  }
0x8b: {  	s0 =	sand.u32 $0x1, s1  }
0x8c: {  	s17 =	sshll.u32 s0, $0xA;
	s2 =	sadd.s32 s3, s2  }
0x8d: {  	s2 =	sadd.s32 s2, s17  }
0x8e: {  	[smem:$0x3FC0] =	sst s2  }
0x8f: {  	_ = 	snop  }
0x90: {  	s2 =	sld [smem:$0x3FD0];
	(tm) =	ssettm $0x1  }
0x91: {  	s18 =	sld [smem:$0x3FFB];
	_ =	sdelay $0x3  }
0x92: {  	_ =	strace s18  }
0x93: {  	s3 =	sld [smem:$0x3FFC];
	_ =	sdelay $0x3  }
0x94: {  	_ =	strace s3  }
0x95: {  	s3 =	sld [smem:$0x3FFD];
	_ =	sdelay $0x3  }
0x96: {  	_ =	strace s3  }
0x97: {  	_ =	strace $0x8FFFFFFF  }
0x98: {  	s19 =	sld [smem:$0x3FDB];
	_ =	sdelay $0x1  }
0x99: {  	s4 =	simm.s32 $_scs_section_size  }
0x9a: {  	s5 =	simm.s32 $_size__tile_overlayer_lowered;
	s6 =	simm.s32 $_tile_overlayer_lowered  }
0x9b: {  	s22 =	simm.s32 $0x1BFF;
	s21 =	sshll.u32 s6, $0x1;
	s3 =	sadd.s32 s4, s19  }
0x9c: {  	s7 =	simm.s32 $0x0;
	s20 =	sshll.u32 s5, $0x1;
	s5 =	sadd.s32 s21, s3  }
0x9d: {  	[timem:s7], [sflag:s22] =	dma.local [hbm:s5], s20  }
0x9e: {  	_ =	swait.ge [sflag:s22], s20  }
0x9f: {  	s4 =	ssub.s32 $0x0, s20;
	[sflag:s22] =	ssyncset.done $0x0  }
0xa0: {  	[sflag:s22] =	ssyncadd.s32 s4;
	_ =	sdelay $0x1  }
0xa1: {  	s23 =	simm.s32 $0x1B8B  }
0xa2: {  	_ =	swait.ge [sflag:s23], $0x1  }
0xa3: {  	[sflag:s23] =	ssyncset.done $0x0  }
0xa4: {  	s25 =	simm.s32 $0x1B8E;
	s24 =	sld [smem:$0x3FFE];
	[sflag:s23] =	ssyncadd.s32 $0xFFFFFFFF  }
0xa5: {  	s26 =	simm.s32 $execute0_lowered;
	[smem:$0x3FD2] =	sst s25  }
0xa6: {  	s5 =	sshll.u32 s26, $0x1;
	_ =	strace $0x8000004C;
	[dreg:$0x1] =	wrdreg $0xFFFFFFFF  }
0xa7: {  	s28 =	simm.s32 $_size_execute0_lowered;
	s3 =	sadd.s32 s3, s5;
	[dreg:$0x0] =	wrdreg $0x0  }
0xa8: {  	s5 =	sshll.u32 s28, $0x1;
	[dreg:$0x2] =	wrdreg s3  }
0xa9: {  	[dreg:$0x3] =	wrdreg s5  }
0xaa: {  	[dreg:$0x4] =	wrdreg $0xC0  }
0xab: {  	_ =	task [dreg:s7], $0x5FFFF  }
0xac: {  	[dreg:$0x1] =	wrdreg $0xFFFFFFFF  }
0xad: {  	[dreg:$0x0] =	wrdreg $0x60  }
0xae: {  	[dreg:$0x2] =	wrdreg s2  }
0xaf: {  	[dreg:$0x3] =	wrdreg s24  }
0xb0: {  	[dreg:$0x4] =	wrdreg $0x0  }
0xb1: {  	[dreg:$0x5] =	wrdreg $0x9  }
0xb2: {  	_ =	task.clear_ibuf [dreg:s7], $0x6FFFF;
	_ =	strace $0x9000004C  }
0xb3: {  	s29 =	simm.s32 $0x9;
	_ =	strace $0x8000004E  }
0xb4: {  	_ =	swait.ge [sflag:s29], $0x1  }
0xb5: {  	[sflag:s29] =	ssyncadd.s32 $0xFFFFFFFF  }
0xb6: {  	_ =	strace $0x9000004E  }
0xb7: {  	_ =	sfence  }
0xb8: {  	s30 =	sld [smem:$0x0];
	_ =	sdelay $0x2  }
0xb9: {  	s31 =	sshll.u32 s1, $0xD;
	s1 =	sshrl.u32 s1, $0x2  }
0xba: {  	s3 =	sand.u32 $0x4000, s31;
	s1 =	sadd.s32 s1, s30  }
0xbb: {  	s0 =	sor.u32 s3, s0;
	s1 =	sshll.u32 s1, $0x11  }
0xbc: {  	s0 =	sor.u32 s1, s0  }
0xbd: {  	s0 =	sadd.s32 $0x8F2B, s0  }
0xbe: {  	[sflag:s0] =	ssyncadd.remote.s32 $0x1  }
0xbf: {  	_ =	sfence.sel $0xFFFF  }
0xc0: {  	[dreg:$0x0] =	wrdreg $0xFFFFFFFF;
	(pc) =	sbr.abs _section_cstart, $3  }
0xc1: {  	[dreg:$0x1] =	wrdreg $0xFFFFFFFF  }
0xc2: {  	_ =	task.clear_ibuf [dreg:s7], $0x2FFFF;
	_ =	strace $0x9FFFFFFF  }
0xc3: {  	(tm) =	ssettm $0x7FFFFFFF  }
tec
execute0_lowered:
.L_overlay_start_1:
0x0: {  	(tag) =	ssettag $0x1  }
0x1: {  	s0 =	rddreg [dreg:$0x0]  }
0x2: {  	s1 =	rddreg [dreg:$0x1]  }
0x3: {  	s2 =	rddreg [dreg:$0x2];
	s16 =	stileid.u32  }
0x4: {  	s4 =	srdreg.scid;
	s3 =	simm.s32 $0x0;
	s18 =	simm.s32 $0x80  }
0x5: {  	s19 =	simm.s32 $0x1;
	s28 =	simm.s32 $0x13D00;
	s5 =	smul.u32 $0xA00, s16  }
0x6: {  	s29 =	simm.s32 $0x14100;
	s30 =	simm.s32 $0x13D80;
	s7 =	smul.u32 $0x278, s16  }
0x7: {  	s31 =	simm.s32 $0x14180;
	s4 =	sand.u32 $0x1, s4;
	s9 =	smul.u32 $0x4F000, s16  }
0x8: {  	[smem:$0x7FF] =	sst s3;
	s8 =	sadd.s32 $0xD400, s1;
	s6 =	smul.u32 $0x27800, s4  }
0x9: {  	_ =	strace $0x8000004D;
	[dreg:$0x4] =	wrdreg s8;
	s21 =	ssub.s32 $0x2, s4  }
0xa: {  	s4 =	smul.u32 $0x27100, s4;
	s5 =	sadd.s32 s5, s1;
	s22 =	sshrl.u32 s21, $0x1  }
0xb: {  	s13 =	sadd.s32 $0x80, s7;
	s23 =	sshrl.u32 s9, $0x2;
	s14 =	sadd.s32 $0x100, s7  }
0xc: {  	s15 =	sadd.s32 $0x180, s7;
	s7 =	sadd.s32 $0x200, s7;
	s1 =	sadd.s32 s6, s1  }
0xd: {  	s6 =	ssub.s32 s21, s22;
	s24 =	sshll.u32 s13, $0x7;
	s17 =	sadd.s32 s23, s2  }
0xe: {  	s25 =	sshll.u32 s14, $0x7;
	s26 =	sshll.u32 s15, $0x7;
	s10 =	sshll.u32 s7, $0x7  }
0xf: {  	s11 =	sadd.s32 $0x3400, s5;
	s12 =	sadd.s32 s0, s4;
	s13 =	sshll.u32 s13, $0x4  }
0x10: {  	s21 =	sshll.u32 s14, $0x4;
	s22 =	sshll.u32 s15, $0x4;
	s7 =	sshll.u32 s7, $0x4  }
0x11: {  	s14 =	simm.s32 $0x14400;
	s15 =	simm.s32 $0x2;
	s4 =	simm.s32 $0x13E80  }
0x12: {  	s20 =	sadd.s32 s24, s2;
	s8 =	sadd.s32 s25, s2;
	s6 =	smax.u32 s6, $0x1  }
0x13: {  	s9 =	sadd.s32 s26, s2;
	s24 =	sadd.s32 s10, s2;
	[dreg:$0xa] =	wrdreg s6  }
0x14: {  	s10 =	sadd.s32 $0x5CC00, s5;
	s0 =	sadd.s32 $0x66C00, s1;
	[dreg:$0x7] =	wrdreg s8  }
0x15: {  	s5 =	smul.u32 $0x2780, s16;
	s16 =	simm.s32 $0x13C00;
	[dreg:$0x8] =	wrdreg s9  }
0x16: {  	s6 =	smov.u32 s17;
	s23 =	sadd.s32 s13, s0;
	[dreg:$0x9] =	wrdreg s24  }
0x17: {  	s17 =	simm.s32 $0x14000;
	s25 =	sadd.s32 s21, s0;
	[dreg:$0xc] =	wrdreg s23  }
0x18: {  	s26 =	sadd.s32 s22, s0;
	s13 =	simm.s32 $0x14280;
	[dreg:$0xd] =	wrdreg s25  }
0x19: {  	s21 =	simm.s32 $0x14300;
	s22 =	simm.s32 $0x13F80;
	[dreg:$0xe] =	wrdreg s26  }
0x1a: {  	s1 =	sadd.s32 s5, s0;
	s0 =	sadd.s32 s7, s0;
	[dreg:$0x5] =	wrdreg s6  }
0x1b: {  	s7 =	smov.u32 s20;
	s25 =	simm.s32 $0x13C80;
	[dreg:$0xb] =	wrdreg s1  }
0x1c: {  	s26 =	simm.s32 $0x14080;
	s5 =	simm.s32 $0x0;
	[dreg:$0xf] =	wrdreg s0  }
0x1d: {  	s20 =	simm.s32 $0x13F00;
	s23 =	simm.s32 $0x14380;
	[dreg:$0x10] =	wrdreg s5  }
0x1e: {  	s0 =	simm.s32 $0x13E00;
	s1 =	simm.s32 $0x14200;
	[dreg:$0x6] =	wrdreg s7  }
.LBB2_1:
0x1f: {  	s5 =	rddreg [dreg:$0x4]  }
0x20: {  	[tilespmem:s14], [sflag:$0x2] =	stream.linear.gather [hbm4b:s5+s3], $0x4000, $0x38;
	[tilespmem:$0x18400] =	vst v63  }
0x21: {  	_ =	swait.ge [sflag:s15], $0x4000  }
0x22: {  	[sflag:s15] =	ssyncset.done $0x0  }
0x23: {  	[sflag:s15] =	ssyncadd.s32 $0xFFFFC000  }
0x24: {  	[spmem:s6] =	stream.linear.scatter [tilespmem:s14], [sflag:$0x2], $0x4000, $0x38;
	[tilespmem:$0x18400] =	vst v63  }
0x25: {  	_ =	swait.ge [sflag:s15], $0x4000  }
0x26: {  	[sflag:s15] =	ssyncset.done $0x0  }
0x27: {  	[sflag:s15] =	ssyncadd.s32 $0xFFFFC000  }
0x28: {  	[spmem:s7] =	stream.linear.scatter [tilespmem:s14], [sflag:$0x2], $0x4000, $0x38;
	[tilespmem:$0x18400] =	vst v63  }
0x29: {  	_ =	swait.ge [sflag:s15], $0x4000  }
0x2a: {  	[sflag:s15] =	ssyncset.done $0x0  }
0x2b: {  	[sflag:s15] =	ssyncadd.s32 $0xFFFFC000  }
0x2c: {  	[spmem:s8] =	stream.linear.scatter [tilespmem:s14], [sflag:$0x2], $0x4000, $0x38;
	[tilespmem:$0x18400] =	vst v63  }
0x2d: {  	_ =	swait.ge [sflag:s15], $0x4000  }
0x2e: {  	[sflag:s15] =	ssyncset.done $0x0  }
0x2f: {  	[sflag:s15] =	ssyncadd.s32 $0xFFFFC000  }
0x30: {  	[spmem:s9] =	stream.linear.scatter [tilespmem:s14], [sflag:$0x2], $0x4000, $0x38;
	[tilespmem:$0x18400] =	vst v63  }
0x31: {  	_ =	swait.ge [sflag:s15], $0x4000  }
0x32: {  	[sflag:s15] =	ssyncset.done $0x0  }
0x33: {  	[sflag:s15] =	ssyncadd.s32 $0xFFFFC000  }
0x34: {  	[spmem:s24] =	stream.linear.scatter [tilespmem:s14], [sflag:$0x2], $0x3C00, $0x38;
	[tilespmem:$0x18400] =	vst v63  }
0x35: {  	_ =	swait.ge [sflag:s15], $0x3C00  }
0x36: {  	[sflag:s15] =	ssyncset.done $0x0  }
0x37: {  	[sflag:s15] =	ssyncadd.s32 $0xFFFFC400  }
0x38: {  	s9 =	sadd.s32 $0x0, s10;
	[bflag:$0x0] =	sbarrier.arrive $0xFFFF  }
0x39: {  	[tilespmem:s16], [sflag:$0x2] =	stream.linear.gather [hbm4b:s9+s3], $0x400, $0x38;
	[tilespmem:$0x18400] =	vst v63  }
0x3a: {  	_ =	swait.ge [sflag:s15], $0x400  }
0x3b: {  	[sflag:s15] =	ssyncset.done $0x0  }
0x3c: {  	s24 =	sadd.s32 $0x0, s11;
	[sflag:s15] =	ssyncadd.s32 $0xFFFFFC00  }
0x3d: {  	[tilespmem:s17], [sflag:$0x2] =	stream.linear.gather [hbm4b:s24+s3], $0x400, $0x38;
	[tilespmem:$0x18400] =	vst v63  }
0x3e: {  	_ =	swait.ge [sflag:s15], $0x400  }
0x3f: {  	[sflag:s15] =	ssyncset.done $0x0  }
0x40: {  	[sflag:s15] =	ssyncadd.s32 $0xFFFFFC00  }
0x41: {  	[tilespmem:s14], [sflag:$0x1] =	stream.indirect.gather [hbm4b:s12+s18], $0x80, s16, s18, $0xb8;
	[tilespmem:$0x18400] =	vst v63  }
0x42: {  	_ =	swait.ge [sflag:s19], $0x4000  }
0x43: {  	[sflag:s19] =	ssyncset.done $0x0  }
0x44: {  	[sflag:s19] =	ssyncadd.s32 $0xFFFFC000  }
0x45: {  	[spmem:s2] =	stream.indirect.scatter.add.f32 [tilespmem:s14], [sflag:$0x2], $0x80, s17, s18, $0xb8;
	[tilespmem:$0x18400] =	vst v63  }
0x46: {  	_ =	swait.ge [sflag:s15], $0x4000  }
0x47: {  	[sflag:s15] =	ssyncset.done $0x0  }
0x48: {  	[sflag:s15] =	ssyncadd.s32 $0xFFFFC000  }
0x49: {  	[tilespmem:s14], [sflag:$0x1] =	stream.indirect.gather [hbm4b:s12+s18], $0x80, s25, s18, $0xb8;
	[tilespmem:$0x18400] =	vst v63  }
0x4a: {  	_ =	swait.ge [sflag:s19], $0x4000  }
0x4b: {  	[sflag:s19] =	ssyncset.done $0x0  }
0x4c: {  	[sflag:s19] =	ssyncadd.s32 $0xFFFFC000  }
0x4d: {  	[spmem:s2] =	stream.indirect.scatter.add.f32 [tilespmem:s14], [sflag:$0x2], $0x80, s26, s18, $0xb8;
	[tilespmem:$0x18400] =	vst v63  }
0x4e: {  	_ =	swait.ge [sflag:s15], $0x4000  }
0x4f: {  	[sflag:s15] =	ssyncset.done $0x0  }
0x50: {  	[sflag:s15] =	ssyncadd.s32 $0xFFFFC000  }
0x51: {  	[tilespmem:s14], [sflag:$0x1] =	stream.indirect.gather [hbm4b:s12+s18], $0x80, s28, s18, $0xb8;
	[tilespmem:$0x18400] =	vst v63  }
0x52: {  	_ =	swait.ge [sflag:s19], $0x4000  }
0x53: {  	[sflag:s19] =	ssyncset.done $0x0  }
0x54: {  	[sflag:s19] =	ssyncadd.s32 $0xFFFFC000  }
0x55: {  	[spmem:s2] =	stream.indirect.scatter.add.f32 [tilespmem:s14], [sflag:$0x2], $0x80, s29, s18, $0xb8;
	[tilespmem:$0x18400] =	vst v63  }
0x56: {  	_ =	swait.ge [sflag:s15], $0x4000  }
0x57: {  	[sflag:s15] =	ssyncset.done $0x0  }
0x58: {  	[sflag:s15] =	ssyncadd.s32 $0xFFFFC000  }
0x59: {  	[tilespmem:s14], [sflag:$0x1] =	stream.indirect.gather [hbm4b:s12+s18], $0x80, s30, s18, $0xb8;
	[tilespmem:$0x18400] =	vst v63  }
0x5a: {  	_ =	swait.ge [sflag:s19], $0x4000  }
0x5b: {  	[sflag:s19] =	ssyncset.done $0x0  }
0x5c: {  	[sflag:s19] =	ssyncadd.s32 $0xFFFFC000  }
0x5d: {  	[spmem:s2] =	stream.indirect.scatter.add.f32 [tilespmem:s14], [sflag:$0x2], $0x80, s31, s18, $0xb8;
	[tilespmem:$0x18400] =	vst v63  }
0x5e: {  	_ =	swait.ge [sflag:s15], $0x4000  }
0x5f: {  	[sflag:s15] =	ssyncset.done $0x0  }
0x60: {  	[sflag:s15] =	ssyncadd.s32 $0xFFFFC000  }
0x61: {  	[tilespmem:s14], [sflag:$0x1] =	stream.indirect.gather [hbm4b:s12+s18], $0x80, s0, s18, $0xb8;
	[tilespmem:$0x18400] =	vst v63  }
0x62: {  	_ =	swait.ge [sflag:s19], $0x4000  }
0x63: {  	[sflag:s19] =	ssyncset.done $0x0  }
0x64: {  	[sflag:s19] =	ssyncadd.s32 $0xFFFFC000  }
0x65: {  	[spmem:s2] =	stream.indirect.scatter.add.f32 [tilespmem:s14], [sflag:$0x2], $0x80, s1, s18, $0xb8;
	[tilespmem:$0x18400] =	vst v63  }
0x66: {  	_ =	swait.ge [sflag:s15], $0x4000  }
0x67: {  	[sflag:s15] =	ssyncset.done $0x0  }
0x68: {  	[sflag:s15] =	ssyncadd.s32 $0xFFFFC000  }
0x69: {  	[tilespmem:s14], [sflag:$0x1] =	stream.indirect.gather [hbm4b:s12+s18], $0x80, s4, s18, $0xb8;
	[tilespmem:$0x18400] =	vst v63  }
0x6a: {  	_ =	swait.ge [sflag:s19], $0x4000  }
0x6b: {  	[sflag:s19] =	ssyncset.done $0x0  }
0x6c: {  	[sflag:s19] =	ssyncadd.s32 $0xFFFFC000  }
0x6d: {  	[spmem:s2] =	stream.indirect.scatter.add.f32 [tilespmem:s14], [sflag:$0x2], $0x80, s13, s18, $0xb8;
	[tilespmem:$0x18400] =	vst v63  }
0x6e: {  	_ =	swait.ge [sflag:s15], $0x4000  }
0x6f: {  	[sflag:s15] =	ssyncset.done $0x0  }
0x70: {  	[sflag:s15] =	ssyncadd.s32 $0xFFFFC000  }
0x71: {  	[tilespmem:s14], [sflag:$0x1] =	stream.indirect.gather [hbm4b:s12+s18], $0x80, s20, s18, $0xb8;
	[tilespmem:$0x18400] =	vst v63  }
0x72: {  	_ =	swait.ge [sflag:s19], $0x4000  }
0x73: {  	[sflag:s19] =	ssyncset.done $0x0  }
0x74: {  	[sflag:s19] =	ssyncadd.s32 $0xFFFFC000  }
0x75: {  	[spmem:s2] =	stream.indirect.scatter.add.f32 [tilespmem:s14], [sflag:$0x2], $0x80, s21, s18, $0xb8;
	[tilespmem:$0x18400] =	vst v63  }
0x76: {  	_ =	swait.ge [sflag:s15], $0x4000  }
0x77: {  	[sflag:s15] =	ssyncset.done $0x0  }
0x78: {  	[sflag:s15] =	ssyncadd.s32 $0xFFFFC000  }
0x79: {  	[tilespmem:s14], [sflag:$0x1] =	stream.indirect.gather [hbm4b:s12+s18], $0x80, s22, s18, $0xb8;
	[tilespmem:$0x18400] =	vst v63  }
0x7a: {  	_ =	swait.ge [sflag:s19], $0x4000  }
0x7b: {  	[sflag:s19] =	ssyncset.done $0x0  }
0x7c: {  	[sflag:s19] =	ssyncadd.s32 $0xFFFFC000  }
0x7d: {  	[spmem:s2] =	stream.indirect.scatter.add.f32 [tilespmem:s14], [sflag:$0x2], $0x80, s23, s18, $0xb8;
	[tilespmem:$0x18400] =	vst v63  }
0x7e: {  	_ =	swait.ge [sflag:s15], $0x4000  }
0x7f: {  	s5 =	simm.s32 $0x80;
	s6 =	simm.s32 $0x100;
	[sflag:s15] =	ssyncset.done $0x0  }
.LBB2_2:
0x80: {  	s8 =	sadd.s32 s5, s10  }
0x81: {  	[sflag:s15] =	ssyncadd.s32 $0xFFFFC000;
	s9 =	smov.u32 s6;
	s7 =	sadd.s32 $0x80, s6  }
0x82: {  	[tilespmem:s16], [sflag:$0x2] =	stream.linear.gather [hbm4b:s8+s3], $0x400, $0x38;
	[tilespmem:$0x18400] =	vst v63  }
0x83: {  	p0 =	sne.s32 s6, $0x980;
	_ =	swait.ge [sflag:s15], $0x400  }
0x84: {  	[sflag:s15] =	ssyncset.done $0x0  }
0x85: {  	s6 =	sadd.s32 s5, s11;
	s5 =	smov.u32 s9;
	[sflag:s15] =	ssyncadd.s32 $0xFFFFFC00  }
0x86: {  	[tilespmem:s17], [sflag:$0x2] =	stream.linear.gather [hbm4b:s6+s3], $0x400, $0x38;
	[tilespmem:$0x18400] =	vst v63  }
0x87: {  	_ =	swait.ge [sflag:s15], $0x400  }
0x88: {  	[sflag:s15] =	ssyncset.done $0x0  }
0x89: {  	[sflag:s15] =	ssyncadd.s32 $0xFFFFFC00  }
0x8a: {  	[tilespmem:s14], [sflag:$0x1] =	stream.indirect.gather [hbm4b:s12+s18], $0x80, s16, s18, $0xb8;
	[tilespmem:$0x18400] =	vst v63  }
0x8b: {  	_ =	swait.ge [sflag:s19], $0x4000  }
0x8c: {  	[sflag:s19] =	ssyncset.done $0x0  }
0x8d: {  	[sflag:s19] =	ssyncadd.s32 $0xFFFFC000  }
0x8e: {  	[spmem:s2] =	stream.indirect.scatter.add.f32 [tilespmem:s14], [sflag:$0x2], $0x80, s17, s18, $0xb8;
	[tilespmem:$0x18400] =	vst v63  }
0x8f: {  	_ =	swait.ge [sflag:s15], $0x4000  }
0x90: {  	[sflag:s15] =	ssyncset.done $0x0  }
0x91: {  	[sflag:s15] =	ssyncadd.s32 $0xFFFFC000  }
0x92: {  	[tilespmem:s14], [sflag:$0x1] =	stream.indirect.gather [hbm4b:s12+s18], $0x80, s25, s18, $0xb8;
	[tilespmem:$0x18400] =	vst v63  }
0x93: {  	_ =	swait.ge [sflag:s19], $0x4000  }
0x94: {  	[sflag:s19] =	ssyncset.done $0x0  }
0x95: {  	[sflag:s19] =	ssyncadd.s32 $0xFFFFC000  }
0x96: {  	[spmem:s2] =	stream.indirect.scatter.add.f32 [tilespmem:s14], [sflag:$0x2], $0x80, s26, s18, $0xb8;
	[tilespmem:$0x18400] =	vst v63  }
0x97: {  	_ =	swait.ge [sflag:s15], $0x4000  }
0x98: {  	[sflag:s15] =	ssyncset.done $0x0  }
0x99: {  	[sflag:s15] =	ssyncadd.s32 $0xFFFFC000  }
0x9a: {  	[tilespmem:s14], [sflag:$0x1] =	stream.indirect.gather [hbm4b:s12+s18], $0x80, s28, s18, $0xb8;
	[tilespmem:$0x18400] =	vst v63  }
0x9b: {  	_ =	swait.ge [sflag:s19], $0x4000  }
0x9c: {  	[sflag:s19] =	ssyncset.done $0x0  }
0x9d: {  	[sflag:s19] =	ssyncadd.s32 $0xFFFFC000  }
0x9e: {  	[spmem:s2] =	stream.indirect.scatter.add.f32 [tilespmem:s14], [sflag:$0x2], $0x80, s29, s18, $0xb8;
	[tilespmem:$0x18400] =	vst v63  }
0x9f: {  	_ =	swait.ge [sflag:s15], $0x4000  }
0xa0: {  	[sflag:s15] =	ssyncset.done $0x0  }
0xa1: {  	[sflag:s15] =	ssyncadd.s32 $0xFFFFC000  }
0xa2: {  	[tilespmem:s14], [sflag:$0x1] =	stream.indirect.gather [hbm4b:s12+s18], $0x80, s30, s18, $0xb8;
	[tilespmem:$0x18400] =	vst v63  }
0xa3: {  	_ =	swait.ge [sflag:s19], $0x4000  }
0xa4: {  	[sflag:s19] =	ssyncset.done $0x0  }
0xa5: {  	[sflag:s19] =	ssyncadd.s32 $0xFFFFC000  }
0xa6: {  	[spmem:s2] =	stream.indirect.scatter.add.f32 [tilespmem:s14], [sflag:$0x2], $0x80, s31, s18, $0xb8;
	[tilespmem:$0x18400] =	vst v63  }
0xa7: {  	_ =	swait.ge [sflag:s15], $0x4000  }
0xa8: {  	[sflag:s15] =	ssyncset.done $0x0  }
0xa9: {  	[sflag:s15] =	ssyncadd.s32 $0xFFFFC000  }
0xaa: {  	[tilespmem:s14], [sflag:$0x1] =	stream.indirect.gather [hbm4b:s12+s18], $0x80, s0, s18, $0xb8;
	[tilespmem:$0x18400] =	vst v63  }
0xab: {  	_ =	swait.ge [sflag:s19], $0x4000  }
0xac: {  	[sflag:s19] =	ssyncset.done $0x0  }
0xad: {  	[sflag:s19] =	ssyncadd.s32 $0xFFFFC000  }
0xae: {  	[spmem:s2] =	stream.indirect.scatter.add.f32 [tilespmem:s14], [sflag:$0x2], $0x80, s1, s18, $0xb8;
	[tilespmem:$0x18400] =	vst v63  }
0xaf: {  	_ =	swait.ge [sflag:s15], $0x4000  }
0xb0: {  	[sflag:s15] =	ssyncset.done $0x0  }
0xb1: {  	[sflag:s15] =	ssyncadd.s32 $0xFFFFC000  }
0xb2: {  	[tilespmem:s14], [sflag:$0x1] =	stream.indirect.gather [hbm4b:s12+s18], $0x80, s4, s18, $0xb8;
	[tilespmem:$0x18400] =	vst v63  }
0xb3: {  	_ =	swait.ge [sflag:s19], $0x4000  }
0xb4: {  	[sflag:s19] =	ssyncset.done $0x0  }
0xb5: {  	[sflag:s19] =	ssyncadd.s32 $0xFFFFC000  }
0xb6: {  	[spmem:s2] =	stream.indirect.scatter.add.f32 [tilespmem:s14], [sflag:$0x2], $0x80, s13, s18, $0xb8;
	[tilespmem:$0x18400] =	vst v63  }
0xb7: {  	_ =	swait.ge [sflag:s15], $0x4000  }
0xb8: {  	[sflag:s15] =	ssyncset.done $0x0  }
0xb9: {  	[sflag:s15] =	ssyncadd.s32 $0xFFFFC000  }
0xba: {  	[tilespmem:s14], [sflag:$0x1] =	stream.indirect.gather [hbm4b:s12+s18], $0x80, s20, s18, $0xb8;
	[tilespmem:$0x18400] =	vst v63  }
0xbb: {  	_ =	swait.ge [sflag:s19], $0x4000  }
0xbc: {  	[sflag:s19] =	ssyncset.done $0x0  }
0xbd: {  	[sflag:s19] =	ssyncadd.s32 $0xFFFFC000  }
0xbe: {  	[spmem:s2] =	stream.indirect.scatter.add.f32 [tilespmem:s14], [sflag:$0x2], $0x80, s21, s18, $0xb8;
	[tilespmem:$0x18400] =	vst v63  }
0xbf: {  	_ =	swait.ge [sflag:s15], $0x4000  }
0xc0: {  	[sflag:s15] =	ssyncset.done $0x0  }
0xc1: {  	[sflag:s15] =	ssyncadd.s32 $0xFFFFC000  }
0xc2: {  	[tilespmem:s14], [sflag:$0x1] =	stream.indirect.gather [hbm4b:s12+s18], $0x80, s22, s18, $0xb8;
	[tilespmem:$0x18400] =	vst v63  }
0xc3: {  	_ =	swait.ge [sflag:s19], $0x4000  }
.Ltmp0:
0xc4: {  	[sflag:s19] =	ssyncset.done $0x0;
	(pc) =	sbr.rel @p0 .LBB2_2-.Ltmp0, $4  }
0xc5: {  	[sflag:s19] =	ssyncadd.s32 $0xFFFFC000  }
0xc6: {  	[spmem:s2] =	stream.indirect.scatter.add.f32 [tilespmem:s14], [sflag:$0x2], $0x80, s23, s18, $0xb8;
	[tilespmem:$0x18400] =	vst v63  }
0xc7: {  	_ =	swait.ge [sflag:s15], $0x4000  }
0xc8: {  	s6 =	smov.u32 s7;
	[sflag:s15] =	ssyncset.done $0x0  }
0xc9: {  	s6 =	sadd.s32 s5, s10;
	[sflag:s15] =	ssyncadd.s32 $0xFFFFC000  }
0xca: {  	[tilespmem:s16], [sflag:$0x2] =	stream.linear.gather [hbm4b:s6+s3], $0x400, $0x38;
	[tilespmem:$0x18400] =	vst v63  }
0xcb: {  	_ =	swait.ge [sflag:s15], $0x400  }
0xcc: {  	[sflag:s15] =	ssyncset.done $0x0  }
0xcd: {  	s24 =	sadd.s32 s5, s11;
	[sflag:s15] =	ssyncadd.s32 $0xFFFFFC00  }
0xce: {  	[tilespmem:s17], [sflag:$0x2] =	stream.linear.gather [hbm4b:s24+s3], $0x400, $0x38;
	[tilespmem:$0x18400] =	vst v63  }
0xcf: {  	_ =	swait.ge [sflag:s15], $0x400  }
0xd0: {  	[sflag:s15] =	ssyncset.done $0x0  }
0xd1: {  	[sflag:s15] =	ssyncadd.s32 $0xFFFFFC00  }
0xd2: {  	[tilespmem:s14], [sflag:$0x1] =	stream.indirect.gather [hbm4b:s12+s18], $0x80, s16, s18, $0xb8;
	[tilespmem:$0x18400] =	vst v63  }
0xd3: {  	_ =	swait.ge [sflag:s19], $0x4000  }
0xd4: {  	[sflag:s19] =	ssyncset.done $0x0  }
0xd5: {  	[sflag:s19] =	ssyncadd.s32 $0xFFFFC000  }
0xd6: {  	[spmem:s2] =	stream.indirect.scatter.add.f32 [tilespmem:s14], [sflag:$0x2], $0x80, s17, s18, $0xb8;
	[tilespmem:$0x18400] =	vst v63  }
0xd7: {  	_ =	swait.ge [sflag:s15], $0x4000  }
0xd8: {  	[sflag:s15] =	ssyncset.done $0x0  }
0xd9: {  	[sflag:s15] =	ssyncadd.s32 $0xFFFFC000  }
0xda: {  	[tilespmem:s14], [sflag:$0x1] =	stream.indirect.gather [hbm4b:s12+s18], $0x80, s25, s18, $0xb8;
	[tilespmem:$0x18400] =	vst v63  }
0xdb: {  	_ =	swait.ge [sflag:s19], $0x4000  }
0xdc: {  	[sflag:s19] =	ssyncset.done $0x0  }
0xdd: {  	[sflag:s19] =	ssyncadd.s32 $0xFFFFC000  }
0xde: {  	[spmem:s2] =	stream.indirect.scatter.add.f32 [tilespmem:s14], [sflag:$0x2], $0x80, s26, s18, $0xb8;
	[tilespmem:$0x18400] =	vst v63  }
0xdf: {  	_ =	swait.ge [sflag:s15], $0x4000  }
0xe0: {  	[sflag:s15] =	ssyncset.done $0x0  }
0xe1: {  	[sflag:s15] =	ssyncadd.s32 $0xFFFFC000  }
0xe2: {  	[tilespmem:s14], [sflag:$0x1] =	stream.indirect.gather [hbm4b:s12+s18], $0x80, s28, s18, $0xb8;
	[tilespmem:$0x18400] =	vst v63  }
0xe3: {  	_ =	swait.ge [sflag:s19], $0x4000  }
0xe4: {  	[sflag:s19] =	ssyncset.done $0x0  }
0xe5: {  	[sflag:s19] =	ssyncadd.s32 $0xFFFFC000  }
0xe6: {  	[spmem:s2] =	stream.indirect.scatter.add.f32 [tilespmem:s14], [sflag:$0x2], $0x80, s29, s18, $0xb8;
	[tilespmem:$0x18400] =	vst v63  }
0xe7: {  	_ =	swait.ge [sflag:s15], $0x4000  }
0xe8: {  	[sflag:s15] =	ssyncset.done $0x0  }
0xe9: {  	[sflag:s15] =	ssyncadd.s32 $0xFFFFC000  }
0xea: {  	[tilespmem:s14], [sflag:$0x1] =	stream.indirect.gather [hbm4b:s12+s18], $0x80, s30, s18, $0xb8;
	[tilespmem:$0x18400] =	vst v63  }
0xeb: {  	_ =	swait.ge [sflag:s19], $0x4000  }
0xec: {  	[sflag:s19] =	ssyncset.done $0x0  }
0xed: {  	[sflag:s19] =	ssyncadd.s32 $0xFFFFC000  }
0xee: {  	[spmem:s2] =	stream.indirect.scatter.add.f32 [tilespmem:s14], [sflag:$0x2], $0x80, s31, s18, $0xb8;
	[tilespmem:$0x18400] =	vst v63  }
0xef: {  	_ =	swait.ge [sflag:s15], $0x4000  }
0xf0: {  	[sflag:s15] =	ssyncset.done $0x0  }
0xf1: {  	[sflag:s15] =	ssyncadd.s32 $0xFFFFC000  }
0xf2: {  	[tilespmem:s14], [sflag:$0x1] =	stream.indirect.gather [hbm4b:s12+s18], $0x80, s0, s18, $0xb8;
	[tilespmem:$0x18400] =	vst v63  }
0xf3: {  	_ =	swait.ge [sflag:s19], $0x4000  }
0xf4: {  	[sflag:s19] =	ssyncset.done $0x0  }
0xf5: {  	[sflag:s19] =	ssyncadd.s32 $0xFFFFC000  }
0xf6: {  	[spmem:s2] =	stream.indirect.scatter.add.f32 [tilespmem:s14], [sflag:$0x2], $0x80, s1, s18, $0xb8;
	[tilespmem:$0x18400] =	vst v63  }
0xf7: {  	_ =	swait.ge [sflag:s15], $0x4000  }
0xf8: {  	[sflag:s15] =	ssyncset.done $0x0  }
0xf9: {  	[sflag:s15] =	ssyncadd.s32 $0xFFFFC000  }
0xfa: {  	[tilespmem:s14], [sflag:$0x1] =	stream.indirect.gather [hbm4b:s12+s18], $0x80, s4, s18, $0xb8;
	[tilespmem:$0x18400] =	vst v63  }
0xfb: {  	_ =	swait.ge [sflag:s19], $0x4000  }
0xfc: {  	[sflag:s19] =	ssyncset.done $0x0  }
0xfd: {  	[sflag:s19] =	ssyncadd.s32 $0xFFFFC000  }
0xfe: {  	[spmem:s2] =	stream.indirect.scatter.add.f32 [tilespmem:s14], [sflag:$0x2], $0x80, s13, s18, $0xb8;
	[tilespmem:$0x18400] =	vst v63  }
0xff: {  	_ =	swait.ge [sflag:s15], $0x4000  }
0x100: {  	[sflag:s15] =	ssyncset.done $0x0  }
0x101: {  	[sflag:s15] =	ssyncadd.s32 $0xFFFFC000  }
0x102: {  	[tilespmem:s14], [sflag:$0x1] =	stream.indirect.gather [hbm4b:s12+s18], $0x80, s20, s18, $0xb8;
	[tilespmem:$0x18400] =	vst v63  }
0x103: {  	_ =	swait.ge [sflag:s19], $0x4000  }
0x104: {  	[sflag:s19] =	ssyncset.done $0x0  }
0x105: {  	[sflag:s19] =	ssyncadd.s32 $0xFFFFC000  }
0x106: {  	[spmem:s2] =	stream.indirect.scatter.add.f32 [tilespmem:s14], [sflag:$0x2], $0x80, s21, s18, $0xb8;
	[tilespmem:$0x18400] =	vst v63  }
0x107: {  	_ =	swait.ge [sflag:s15], $0x4000  }
0x108: {  	[sflag:s15] =	ssyncset.done $0x0  }
0x109: {  	[sflag:s15] =	ssyncadd.s32 $0xFFFFC000  }
0x10a: {  	[tilespmem:s14], [sflag:$0x1] =	stream.indirect.gather [hbm4b:s12+s18], $0x80, s22, s18, $0xb8;
	[tilespmem:$0x18400] =	vst v63  }
0x10b: {  	_ =	swait.ge [sflag:s19], $0x4000  }
0x10c: {  	[sflag:s19] =	ssyncset.done $0x0  }
0x10d: {  	[sflag:s19] =	ssyncadd.s32 $0xFFFFC000  }
0x10e: {  	[spmem:s2] =	stream.indirect.scatter.add.f32 [tilespmem:s14], [sflag:$0x2], $0x80, s23, s18, $0xb8;
	[tilespmem:$0x18400] =	vst v63  }
0x10f: {  	_ =	swait.ge [sflag:s15], $0x4000  }
0x110: {  	[sflag:s15] =	ssyncset.done $0x0  }
0x111: {  	[sflag:s15] =	ssyncadd.s32 $0xFFFFC000  }
0x112: {  	[bflag:$0x0] =	sbarrier.arrive $0xFFFF  }
0x113: {  	s6 =	rddreg [dreg:$0x5]  }
0x114: {  	[tilespmem:s14], [sflag:$0x2] =	stream.linear.gather [spmem:s6], $0x4000, $0x38;
	[tilespmem:$0x18400] =	vst v63  }
0x115: {  	_ =	swait.ge [sflag:s15], $0x4000  }
0x116: {  	[sflag:s15] =	ssyncset.done $0x0  }
0x117: {  	s7 =	rddreg [dreg:$0xb];
	[sflag:s15] =	ssyncadd.s32 $0xFFFFC000  }
0x118: {  	[hbm4b:s7+s3] =	stream.linear.scatter [tilespmem:s14], [sflag:$0x2], $0x4000, $0x38;
	[tilespmem:$0x18400] =	vst v63  }
0x119: {  	_ =	swait.ge [sflag:s15], $0x4000  }
0x11a: {  	[sflag:s15] =	ssyncset.done $0x0  }
0x11b: {  	s7 =	rddreg [dreg:$0x6];
	[sflag:s15] =	ssyncadd.s32 $0xFFFFC000  }
0x11c: {  	[tilespmem:s14], [sflag:$0x2] =	stream.linear.gather [spmem:s7], $0x4000, $0x38;
	[tilespmem:$0x18400] =	vst v63  }
0x11d: {  	_ =	swait.ge [sflag:s15], $0x4000  }
0x11e: {  	[sflag:s15] =	ssyncset.done $0x0  }
0x11f: {  	s8 =	rddreg [dreg:$0xc];
	[sflag:s15] =	ssyncadd.s32 $0xFFFFC000  }
0x120: {  	[hbm4b:s8+s3] =	stream.linear.scatter [tilespmem:s14], [sflag:$0x2], $0x4000, $0x38;
	[tilespmem:$0x18400] =	vst v63  }
0x121: {  	_ =	swait.ge [sflag:s15], $0x4000  }
0x122: {  	[sflag:s15] =	ssyncset.done $0x0  }
0x123: {  	s6 =	rddreg [dreg:$0x7];
	[sflag:s15] =	ssyncadd.s32 $0xFFFFC000  }
0x124: {  	[tilespmem:s14], [sflag:$0x2] =	stream.linear.gather [spmem:s6], $0x4000, $0x38;
	[tilespmem:$0x18400] =	vst v63  }
0x125: {  	_ =	swait.ge [sflag:s15], $0x4000  }
0x126: {  	[sflag:s15] =	ssyncset.done $0x0  }
0x127: {  	s9 =	rddreg [dreg:$0xd];
	[sflag:s15] =	ssyncadd.s32 $0xFFFFC000  }
0x128: {  	[hbm4b:s9+s3] =	stream.linear.scatter [tilespmem:s14], [sflag:$0x2], $0x4000, $0x38;
	[tilespmem:$0x18400] =	vst v63  }
0x129: {  	_ =	swait.ge [sflag:s15], $0x4000  }
0x12a: {  	[sflag:s15] =	ssyncset.done $0x0  }
0x12b: {  	s9 =	rddreg [dreg:$0x8];
	[sflag:s15] =	ssyncadd.s32 $0xFFFFC000  }
0x12c: {  	[tilespmem:s14], [sflag:$0x2] =	stream.linear.gather [spmem:s9], $0x4000, $0x38;
	[tilespmem:$0x18400] =	vst v63  }
0x12d: {  	_ =	swait.ge [sflag:s15], $0x4000  }
0x12e: {  	[sflag:s15] =	ssyncset.done $0x0  }
0x12f: {  	s24 =	rddreg [dreg:$0xe];
	[sflag:s15] =	ssyncadd.s32 $0xFFFFC000  }
0x130: {  	[hbm4b:s24+s3] =	stream.linear.scatter [tilespmem:s14], [sflag:$0x2], $0x4000, $0x38;
	[tilespmem:$0x18400] =	vst v63  }
0x131: {  	_ =	swait.ge [sflag:s15], $0x4000  }
0x132: {  	[sflag:s15] =	ssyncset.done $0x0  }
0x133: {  	s24 =	rddreg [dreg:$0x9];
	[sflag:s15] =	ssyncadd.s32 $0xFFFFC000  }
0x134: {  	[tilespmem:s14], [sflag:$0x2] =	stream.linear.gather [spmem:s24], $0x3C00, $0x38;
	[tilespmem:$0x18400] =	vst v63  }
0x135: {  	_ =	swait.ge [sflag:s15], $0x3C00  }
0x136: {  	[sflag:s15] =	ssyncset.done $0x0  }
0x137: {  	s8 =	rddreg [dreg:$0xf];
	[sflag:s15] =	ssyncadd.s32 $0xFFFFC400  }
0x138: {  	[hbm4b:s8+s3] =	stream.linear.scatter [tilespmem:s14], [sflag:$0x2], $0x3C00, $0x38;
	[tilespmem:$0x18400] =	vst v63  }
0x139: {  	_ =	swait.ge [sflag:s15], $0x3C00  }
0x13a: {  	s8 =	rddreg [dreg:$0x10]  }
0x13b: {  	s5 =	rddreg [dreg:$0xa];
	s8 =	sadd.s32 $0x1, s8  }
0x13c: {  	p0 =	sne.s32 s8, s5  }
.Ltmp1:
0x13d: {  	_ = 	snop;
	(pc) =	sbr.rel @p0 .LBB2_1-.Ltmp1, $3  }
0x13e: {  	_ =	sdelay $0x1  }
0x13f: {  	[sflag:s15] =	ssyncset.done $0x0;
	[dreg:$0x10] =	wrdreg s8  }
0x140: {  	[sflag:s15] =	ssyncadd.s32 $0xFFFFC400;
	s8 =	smov.u32 s6;
	s6 =	rddreg [dreg:$0x5]  }
0x141: {  	_ =	sfence.sel $0x180000  }
0x142: {  	[bflag:$0x0] =	sbarrier.arrive $0xFFFF  }
0x143: {  	_ =	strace $0x9000004D  }
0x144: {  	s0 =	stileid.u32;
	[bflag:$0x2] =	sbarrier.arrive $0xFFFF  }
0x145: {  	p0 =	sne.s32 s0, $0x0;
	s0 =	rddreg [dreg:$0x3]  }
0x146: {  	s0 =	sadd.s32 @!p0 $0x100000, s0  }
0x147: {  	[sflag:s0] =	ssyncadd.tile.s32 @!p0 $0x1;
	_ =	shalt  }
.Lfunc_end2:
_tile_overlayer_lowered:
.L_overlay_start_2:
0x148: {  	(tag) =	ssettag $0x2  }
0x149: {  	s0 =	rddreg [dreg:$0x0];
	s2 =	stileid.u32  }
0x14a: {  	s1 =	rddreg [dreg:$0x1];
	p0 =	sne.s32 s2, $0x0  }
0x14b: {  	s3 =	rddreg [dreg:$0x2];
	[bflag:$0x3] =	sbarrier.arrive $0xFFFF;
	s2 =	simm.s32 @!p0 $0x1C02  }
0x14c: {  	[timem:s3], [sflag:s2] =	dma.local @!p0 [hbm:s0], s1  }
0x14d: {  	s0 =	simm.s32 @!p0 $0x2  }
0x14e: {  	_ =	swait.ge @!p0 [sflag:s0], s1  }
0x14f: {  	s1 =	ssub.s32 @!p0 $0x0, s1;
	[sflag:s0] =	ssyncset.done @!p0 $0x0  }
0x150: {  	[sflag:s0] =	ssyncadd.s32 @!p0 s1  }
0x151: {  	[bflag:$0x3] =	sbarrier.arrive $0xFFFF  }
0x152: {  	_ =	shalt  }

// kernel: kernel.19.cloned.1.call-start
scs
__scs_entry_jumppad:
0x0: {  	(pc) =	sbr.rel $0x88, $3  }
0x1: {  	(tag) =	ssettag $0x0;
	lr =	simm.s32 $0x1  }
0x2: {  	[smem:$0x3F99] =	sst lr;
	_ =	strace $0xD0000000  }
0x3: {  	_ = 	snop  }
0x4: {  	_ = 	snop  }
0x5: {  	_ = 	snop  }
0x6: {  	_ = 	snop  }
0x7: {  	_ = 	snop  }
__scs_overlays_trampoline_lowered:
0x8: {  	[smem:$0x3FA8] =	sst s0  }
0x9: {  	[smem:$0x3FA9] =	sst s1  }
0xa: {  	[smem:$0x3FAA] =	sst s2  }
0xb: {  	[smem:$0x3FAB] =	sst s3  }
0xc: {  	[smem:$0x3FAC] =	sst s4  }
0xd: {  	[smem:$0x3FAD] =	sst s5  }
0xe: {  	[smem:$0x3FAE] =	sst s6  }
0xf: {  	[smem:$0x3FAF] =	sst s7  }
0x10: {  	[smem:$0x3FB0] =	sst s8  }
0x11: {  	[smem:$0x3FB1] =	sst s9;
	s0 =	simm.s32 @!p0 $0x0  }
0x12: {  	s1 =	sld [smem:$0x3F97];
	s0 =	simm.s32 @p0 $0x1  }
0x13: {  	[smem:$0x3FB2] =	sst s0;
	s0 =	simm.s32 @!p1 $0x0  }
0x14: {  	s2 =	sld [smem:$0x3F96];
	s0 =	simm.s32 @p1 $0x1  }
0x15: {  	[smem:$0x3FB3] =	sst s0;
	s0 =	simm.s32 @!p2 $0x0  }
0x16: {  	s3 =	sld [smem:$0x3FDB];
	s0 =	simm.s32 @p2 $0x1  }
0x17: {  	s4 =	simm.s32 $0x1BF5;
	[smem:$0x3FB5] =	sst s0  }
0x18: {  	s0 =	sld [smem:$0x3F98];
	_ =	swait.ge [sflag:s4], $0x0  }
0x19: {  	s7 =	sld [smem:$0x3F99]  }
0x1a: {  	s8 =	sadd.s32 $0xFFFFE003, lr  }
0x1b: {  	s9 =	sadd.s32 $0xFFFFFEF7, lr;
	s5 =	simm.s32 $0xFFFFFFFF;
	p2 =	slt.u32 s8, $0xFFFFF086  }
0x1c: {  	p1 =	slt.u32 s9, $0xF7A;
	s5 =	simm.s32 @!p2 $0x0  }
0x1d: {  	s5 =	simm.s32 @p1 $0x1;
	p0 =	seq.s32 s7, s2  }
0x1e: {  	s7 =	smul.u32 @!p0 $0xF7A, s2;
	p2 =	seq.s32 @!p0 s5, $0x0  }
0x1f: {  	s9 =	smul.u32 $0xF7A, s1;
	s8 =	simm.s32 @!p0 $0x1BF5;
	p2 =	por !p2, p0  }
0x20: {  	[sflag:s8] =	ssyncset.s32 @!p0 $0xFFFFF086;
	s6 =	sadd.s32 @!p0 s3, s7;
	s7 =	simm.s32 @!p0 $0x108  }
0x21: {  	s3 =	sadd.s32 s3, s9;
	s6 =	sadd.s32 @!p0 $0x88, s6;
	s7 =	simm.s32 @p2 $0x1082  }
0x22: {  	[simem:s7], [sflag:s8] =	dma.local @!p0 [hbm:s6], $0xF7A  }
0x23: {  	s9 =	sor.u32 $0xD0000000, s2;
	s6 =	simm.s32 $0x108;
	_ =	swait.ge @!p0 [sflag:s8], $0x0  }
0x24: {  	s3 =	sadd.s32 $0x88, s3;
	s6 =	simm.s32 @!p1 $0x1082;
	[sflag:s4] =	ssyncset.s32 $0xFFFFF086  }
0x25: {  	[simem:s6], [sflag:s4] =	dma.local [hbm:s3], $0xF7A  }
0x26: {  	[smem:$0x3F99] =	sst s1;
	(tag) =	ssettag s2;
	_ =	strace s9  }
0x27: {  	s1 =	sld [smem:$0x3FA9]  }
0x28: {  	s2 =	sld [smem:$0x3FAA]  }
0x29: {  	s4 =	sld [smem:$0x3FAC]  }
0x2a: {  	p0 =	seq.s32 s5, $0x0;
	s5 =	sld [smem:$0x3FAD]  }
0x2b: {  	s6 =	sld [smem:$0x3FAE]  }
0x2c: {  	s7 =	sld [smem:$0x3FAF]  }
0x2d: {  	s3 =	simm.s32 $0x108;
	s8 =	sld [smem:$0x3FB0]  }
0x2e: {  	s3 =	simm.s32 @!p0 $0x1082;
	s9 =	sld [smem:$0x3FB1]  }
0x2f: {  	lr =	sadd.s32 s0, s3;
	s0 =	sld [smem:$0x3FA8]  }
0x30: {  	s3 =	sld [smem:$0x3FAB]  }
0x31: {  	[smem:$0x3FB4] =	sst s10  }
0x32: {  	s10 =	sld [smem:$0x3FB2];
	_ =	sdelay $0x3  }
0x33: {  	p0 =	seq.s32 s10, $0x1;
	s10 =	sld [smem:$0x3FB4];
	_ =	sdelay $0x3  }
0x34: {  	[smem:$0x3FB4] =	sst s10  }
0x35: {  	s10 =	sld [smem:$0x3FB3];
	_ =	sdelay $0x3  }
0x36: {  	p1 =	seq.s32 s10, $0x1;
	s10 =	sld [smem:$0x3FB4];
	_ =	sdelay $0x3  }
0x37: {  	[smem:$0x3FB4] =	sst s10  }
0x38: {  	s10 =	sld [smem:$0x3FB5]  }
0x39: {  	_ = 	snop;
	(pc) =	sbr.ind lr, $3  }
0x3a: {  	_ = 	snop  }
0x3b: {  	_ = 	snop  }
0x3c: {  	p2 =	seq.s32 s10, $0x1;
	s10 =	sld [smem:$0x3FB4]  }
0x3d: {  	_ =	shalt  }
0x3e: {  	_ =	shalt  }
0x3f: {  	_ =	shalt  }
0x40: {  	_ =	shalt  }
0x41: {  	_ =	shalt  }
0x42: {  	_ =	shalt  }
0x43: {  	_ =	shalt  }
0x44: {  	_ =	shalt  }
0x45: {  	_ =	shalt  }
0x46: {  	_ =	shalt  }
0x47: {  	_ =	shalt  }
0x48: {  	_ =	shalt  }
0x49: {  	_ =	shalt  }
0x4a: {  	_ =	shalt  }
0x4b: {  	_ =	shalt  }
0x4c: {  	_ =	shalt  }
0x4d: {  	_ =	shalt  }
0x4e: {  	_ =	shalt  }
0x4f: {  	_ =	shalt  }
0x50: {  	_ =	shalt  }
0x51: {  	_ =	shalt  }
0x52: {  	_ =	shalt  }
0x53: {  	_ =	shalt  }
0x54: {  	_ =	shalt  }
0x55: {  	_ =	shalt  }
0x56: {  	_ =	shalt  }
0x57: {  	_ =	shalt  }
0x58: {  	_ =	shalt  }
0x59: {  	_ =	shalt  }
0x5a: {  	_ =	shalt  }
0x5b: {  	_ =	shalt  }
0x5c: {  	_ =	shalt  }
0x5d: {  	_ =	shalt  }
0x5e: {  	_ =	shalt  }
0x5f: {  	_ =	shalt  }
0x60: {  	_ =	shalt  }
0x61: {  	_ =	shalt  }
0x62: {  	_ =	shalt  }
0x63: {  	_ =	shalt  }
0x64: {  	_ =	shalt  }
0x65: {  	_ =	shalt  }
0x66: {  	_ =	shalt  }
0x67: {  	_ =	shalt  }
0x68: {  	_ =	shalt  }
0x69: {  	_ =	shalt  }
0x6a: {  	_ =	shalt  }
0x6b: {  	_ =	shalt  }
0x6c: {  	_ =	shalt  }
0x6d: {  	_ =	shalt  }
0x6e: {  	_ =	shalt  }
0x6f: {  	_ =	shalt  }
0x70: {  	_ =	shalt  }
0x71: {  	_ =	shalt  }
0x72: {  	_ =	shalt  }
0x73: {  	_ =	shalt  }
0x74: {  	_ =	shalt  }
0x75: {  	_ =	shalt  }
0x76: {  	_ =	shalt  }
0x77: {  	_ =	shalt  }
0x78: {  	_ =	shalt  }
0x79: {  	_ =	shalt  }
0x7a: {  	_ =	shalt  }
0x7b: {  	_ =	shalt  }
0x7c: {  	_ =	shalt  }
0x7d: {  	_ =	shalt  }
0x7e: {  	_ =	shalt  }
0x7f: {  	_ =	shalt  }
0x80: {  	_ =	shalt  }
0x81: {  	_ =	shalt  }
0x82: {  	_ =	shalt  }
0x83: {  	_ =	shalt  }
0x84: {  	_ =	shalt  }
0x85: {  	_ =	shalt  }
0x86: {  	_ =	shalt  }
0x87: {  	_ =	shalt  }
.Lfunc_end0:
.L_simem_size_0:
called_computation.3_lowered:
.L_overlay_start_0:
0x88: {  	s2 =	sld [smem:$0x3FD9]  }
0x89: {  	s3 =	sld [smem:$0x3FFE];
	_ =	sdelay $0x1  }
0x8a: {  	s1 =	srdreg.scid  }
0x8b: {  	s0 =	sand.u32 $0x1, s1  }
0x8c: {  	s17 =	sshll.u32 s0, $0xA;
	s2 =	sadd.s32 s3, s2  }
0x8d: {  	s2 =	sadd.s32 s2, s17  }
0x8e: {  	[smem:$0x3FC0] =	sst s2  }
0x8f: {  	_ = 	snop  }
0x90: {  	s2 =	sld [smem:$0x3FD0];
	(tm) =	ssettm $0x1  }
0x91: {  	s18 =	sld [smem:$0x3FFB];
	_ =	sdelay $0x3  }
0x92: {  	_ =	strace s18  }
0x93: {  	s3 =	sld [smem:$0x3FFC];
	_ =	sdelay $0x3  }
0x94: {  	_ =	strace s3  }
0x95: {  	s3 =	sld [smem:$0x3FFD];
	_ =	sdelay $0x3  }
0x96: {  	_ =	strace s3  }
0x97: {  	_ =	strace $0x8FFFFFFF  }
0x98: {  	s19 =	sld [smem:$0x3FDB];
	_ =	sdelay $0x1  }
0x99: {  	s4 =	simm.s32 $_scs_section_size  }
0x9a: {  	s5 =	simm.s32 $_size__tile_overlayer_lowered;
	s6 =	simm.s32 $_tile_overlayer_lowered  }
0x9b: {  	s22 =	simm.s32 $0x1BFF;
	s21 =	sshll.u32 s6, $0x1;
	s3 =	sadd.s32 s4, s19  }
0x9c: {  	s7 =	simm.s32 $0x0;
	s20 =	sshll.u32 s5, $0x1;
	s5 =	sadd.s32 s21, s3  }
0x9d: {  	[timem:s7], [sflag:s22] =	dma.local [hbm:s5], s20  }
0x9e: {  	_ =	swait.ge [sflag:s22], s20  }
0x9f: {  	s4 =	ssub.s32 $0x0, s20;
	[sflag:s22] =	ssyncset.done $0x0  }
0xa0: {  	[sflag:s22] =	ssyncadd.s32 s4;
	_ =	sdelay $0x1  }
0xa1: {  	s23 =	simm.s32 $0x1B8B  }
0xa2: {  	_ =	swait.ge [sflag:s23], $0x1  }
0xa3: {  	[sflag:s23] =	ssyncset.done $0x0  }
0xa4: {  	s25 =	simm.s32 $0x1B8E;
	s24 =	sld [smem:$0x3FFE];
	[sflag:s23] =	ssyncadd.s32 $0xFFFFFFFF  }
0xa5: {  	s26 =	simm.s32 $execute0_lowered;
	[smem:$0x3FD2] =	sst s25  }
0xa6: {  	s5 =	sshll.u32 s26, $0x1;
	_ =	strace $0x8000004F;
	[dreg:$0x1] =	wrdreg $0xFFFFFFFF  }
0xa7: {  	s28 =	simm.s32 $_size_execute0_lowered;
	s3 =	sadd.s32 s3, s5;
	[dreg:$0x0] =	wrdreg $0x0  }
0xa8: {  	s5 =	sshll.u32 s28, $0x1;
	[dreg:$0x2] =	wrdreg s3  }
0xa9: {  	[dreg:$0x3] =	wrdreg s5  }
0xaa: {  	[dreg:$0x4] =	wrdreg $0xC0  }
0xab: {  	_ =	task [dreg:s7], $0x5FFFF  }
0xac: {  	[dreg:$0x1] =	wrdreg $0xFFFFFFFF  }
0xad: {  	[dreg:$0x0] =	wrdreg $0x60  }
0xae: {  	[dreg:$0x2] =	wrdreg s2  }
0xaf: {  	[dreg:$0x3] =	wrdreg s24  }
0xb0: {  	[dreg:$0x4] =	wrdreg $0x0  }
0xb1: {  	[dreg:$0x5] =	wrdreg $0x9  }
0xb2: {  	_ =	task.clear_ibuf [dreg:s7], $0x6FFFF;
	_ =	strace $0x9000004F  }
0xb3: {  	s29 =	simm.s32 $0x9;
	_ =	strace $0x80000051  }
0xb4: {  	_ =	swait.ge [sflag:s29], $0x1  }
0xb5: {  	[sflag:s29] =	ssyncadd.s32 $0xFFFFFFFF  }
0xb6: {  	_ =	strace $0x90000051  }
0xb7: {  	_ =	sfence  }
0xb8: {  	s30 =	sld [smem:$0x0];
	_ =	sdelay $0x2  }
0xb9: {  	s31 =	sshll.u32 s1, $0xD;
	s1 =	sshrl.u32 s1, $0x2  }
0xba: {  	s3 =	sand.u32 $0x4000, s31;
	s1 =	sadd.s32 s1, s30  }
0xbb: {  	s0 =	sor.u32 s3, s0;
	s1 =	sshll.u32 s1, $0x11  }
0xbc: {  	s0 =	sor.u32 s1, s0  }
0xbd: {  	s0 =	sadd.s32 $0x8F2B, s0  }
0xbe: {  	[sflag:s0] =	ssyncadd.remote.s32 $0x1  }
0xbf: {  	_ =	sfence.sel $0xFFFF  }
0xc0: {  	[dreg:$0x0] =	wrdreg $0xFFFFFFFF;
	(pc) =	sbr.abs _section_cstart, $3  }
0xc1: {  	[dreg:$0x1] =	wrdreg $0xFFFFFFFF  }
0xc2: {  	_ =	task.clear_ibuf [dreg:s7], $0x2FFFF;
	_ =	strace $0x9FFFFFFF  }
0xc3: {  	(tm) =	ssettm $0x7FFFFFFF  }
tec
execute0_lowered:
.L_overlay_start_1:
0x0: {  	(tag) =	ssettag $0x1  }
0x1: {  	s0 =	rddreg [dreg:$0x0]  }
0x2: {  	s1 =	rddreg [dreg:$0x1]  }
0x3: {  	s2 =	rddreg [dreg:$0x2];
	s16 =	stileid.u32  }
0x4: {  	s4 =	srdreg.scid;
	s3 =	simm.s32 $0x0;
	s18 =	simm.s32 $0x80  }
0x5: {  	s19 =	simm.s32 $0x1;
	s28 =	simm.s32 $0x13D00;
	s5 =	smul.u32 $0xA00, s16  }
0x6: {  	s29 =	simm.s32 $0x14100;
	s30 =	simm.s32 $0x13D80;
	s7 =	smul.u32 $0x278, s16  }
0x7: {  	s31 =	simm.s32 $0x14180;
	s4 =	sand.u32 $0x1, s4;
	s9 =	smul.u32 $0x4F000, s16  }
0x8: {  	[smem:$0x7FF] =	sst s3;
	s8 =	sadd.s32 $0xD400, s1;
	s6 =	smul.u32 $0x27800, s4  }
0x9: {  	_ =	strace $0x80000050;
	[dreg:$0x4] =	wrdreg s8;
	s21 =	ssub.s32 $0x2, s4  }
0xa: {  	s4 =	smul.u32 $0x27100, s4;
	s5 =	sadd.s32 s5, s1;
	s22 =	sshrl.u32 s21, $0x1  }
0xb: {  	s13 =	sadd.s32 $0x80, s7;
	s23 =	sshrl.u32 s9, $0x2;
	s14 =	sadd.s32 $0x100, s7  }
0xc: {  	s15 =	sadd.s32 $0x180, s7;
	s7 =	sadd.s32 $0x200, s7;
	s1 =	sadd.s32 s6, s1  }
0xd: {  	s6 =	ssub.s32 s21, s22;
	s24 =	sshll.u32 s13, $0x7;
	s17 =	sadd.s32 s23, s2  }
0xe: {  	s25 =	sshll.u32 s14, $0x7;
	s26 =	sshll.u32 s15, $0x7;
	s10 =	sshll.u32 s7, $0x7  }
0xf: {  	s11 =	sadd.s32 $0x3400, s5;
	s12 =	sadd.s32 s0, s4;
	s13 =	sshll.u32 s13, $0x4  }
0x10: {  	s21 =	sshll.u32 s14, $0x4;
	s22 =	sshll.u32 s15, $0x4;
	s7 =	sshll.u32 s7, $0x4  }
0x11: {  	s14 =	simm.s32 $0x14400;
	s15 =	simm.s32 $0x2;
	s4 =	simm.s32 $0x13E80  }
0x12: {  	s20 =	sadd.s32 s24, s2;
	s8 =	sadd.s32 s25, s2;
	s6 =	smax.u32 s6, $0x1  }
0x13: {  	s9 =	sadd.s32 s26, s2;
	s24 =	sadd.s32 s10, s2;
	[dreg:$0xa] =	wrdreg s6  }
0x14: {  	s10 =	sadd.s32 $0x5CC00, s5;
	s0 =	sadd.s32 $0x66C00, s1;
	[dreg:$0x7] =	wrdreg s8  }
0x15: {  	s5 =	smul.u32 $0x2780, s16;
	s16 =	simm.s32 $0x13C00;
	[dreg:$0x8] =	wrdreg s9  }
0x16: {  	s6 =	smov.u32 s17;
	s23 =	sadd.s32 s13, s0;
	[dreg:$0x9] =	wrdreg s24  }
0x17: {  	s17 =	simm.s32 $0x14000;
	s25 =	sadd.s32 s21, s0;
	[dreg:$0xc] =	wrdreg s23  }
0x18: {  	s26 =	sadd.s32 s22, s0;
	s13 =	simm.s32 $0x14280;
	[dreg:$0xd] =	wrdreg s25  }
0x19: {  	s21 =	simm.s32 $0x14300;
	s22 =	simm.s32 $0x13F80;
	[dreg:$0xe] =	wrdreg s26  }
0x1a: {  	s1 =	sadd.s32 s5, s0;
	s0 =	sadd.s32 s7, s0;
	[dreg:$0x5] =	wrdreg s6  }
0x1b: {  	s7 =	smov.u32 s20;
	s25 =	simm.s32 $0x13C80;
	[dreg:$0xb] =	wrdreg s1  }
0x1c: {  	s26 =	simm.s32 $0x14080;
	s5 =	simm.s32 $0x0;
	[dreg:$0xf] =	wrdreg s0  }
0x1d: {  	s20 =	simm.s32 $0x13F00;
	s23 =	simm.s32 $0x14380;
	[dreg:$0x10] =	wrdreg s5  }
0x1e: {  	s0 =	simm.s32 $0x13E00;
	s1 =	simm.s32 $0x14200;
	[dreg:$0x6] =	wrdreg s7  }
.LBB2_1:
0x1f: {  	s5 =	rddreg [dreg:$0x4]  }
0x20: {  	[tilespmem:s14], [sflag:$0x2] =	stream.linear.gather [hbm4b:s5+s3], $0x4000, $0x38;
	[tilespmem:$0x18400] =	vst v63  }
0x21: {  	_ =	swait.ge [sflag:s15], $0x4000  }
0x22: {  	[sflag:s15] =	ssyncset.done $0x0  }
0x23: {  	[sflag:s15] =	ssyncadd.s32 $0xFFFFC000  }
0x24: {  	[spmem:s6] =	stream.linear.scatter [tilespmem:s14], [sflag:$0x2], $0x4000, $0x38;
	[tilespmem:$0x18400] =	vst v63  }
0x25: {  	_ =	swait.ge [sflag:s15], $0x4000  }
0x26: {  	[sflag:s15] =	ssyncset.done $0x0  }
0x27: {  	[sflag:s15] =	ssyncadd.s32 $0xFFFFC000  }
0x28: {  	[spmem:s7] =	stream.linear.scatter [tilespmem:s14], [sflag:$0x2], $0x4000, $0x38;
	[tilespmem:$0x18400] =	vst v63  }
0x29: {  	_ =	swait.ge [sflag:s15], $0x4000  }
0x2a: {  	[sflag:s15] =	ssyncset.done $0x0  }
0x2b: {  	[sflag:s15] =	ssyncadd.s32 $0xFFFFC000  }
0x2c: {  	[spmem:s8] =	stream.linear.scatter [tilespmem:s14], [sflag:$0x2], $0x4000, $0x38;
	[tilespmem:$0x18400] =	vst v63  }
0x2d: {  	_ =	swait.ge [sflag:s15], $0x4000  }
0x2e: {  	[sflag:s15] =	ssyncset.done $0x0  }
0x2f: {  	[sflag:s15] =	ssyncadd.s32 $0xFFFFC000  }
0x30: {  	[spmem:s9] =	stream.linear.scatter [tilespmem:s14], [sflag:$0x2], $0x4000, $0x38;
	[tilespmem:$0x18400] =	vst v63  }
0x31: {  	_ =	swait.ge [sflag:s15], $0x4000  }
0x32: {  	[sflag:s15] =	ssyncset.done $0x0  }
0x33: {  	[sflag:s15] =	ssyncadd.s32 $0xFFFFC000  }
0x34: {  	[spmem:s24] =	stream.linear.scatter [tilespmem:s14], [sflag:$0x2], $0x3C00, $0x38;
	[tilespmem:$0x18400] =	vst v63  }
0x35: {  	_ =	swait.ge [sflag:s15], $0x3C00  }
0x36: {  	[sflag:s15] =	ssyncset.done $0x0  }
0x37: {  	[sflag:s15] =	ssyncadd.s32 $0xFFFFC400  }
0x38: {  	s9 =	sadd.s32 $0x0, s10;
	[bflag:$0x0] =	sbarrier.arrive $0xFFFF  }
0x39: {  	[tilespmem:s16], [sflag:$0x2] =	stream.linear.gather [hbm4b:s9+s3], $0x400, $0x38;
	[tilespmem:$0x18400] =	vst v63  }
0x3a: {  	_ =	swait.ge [sflag:s15], $0x400  }
0x3b: {  	[sflag:s15] =	ssyncset.done $0x0  }
0x3c: {  	s24 =	sadd.s32 $0x0, s11;
	[sflag:s15] =	ssyncadd.s32 $0xFFFFFC00  }
0x3d: {  	[tilespmem:s17], [sflag:$0x2] =	stream.linear.gather [hbm4b:s24+s3], $0x400, $0x38;
	[tilespmem:$0x18400] =	vst v63  }
0x3e: {  	_ =	swait.ge [sflag:s15], $0x400  }
0x3f: {  	[sflag:s15] =	ssyncset.done $0x0  }
0x40: {  	[sflag:s15] =	ssyncadd.s32 $0xFFFFFC00  }
0x41: {  	[tilespmem:s14], [sflag:$0x1] =	stream.indirect.gather [hbm4b:s12+s18], $0x80, s16, s18, $0xb8;
	[tilespmem:$0x18400] =	vst v63  }
0x42: {  	_ =	swait.ge [sflag:s19], $0x4000  }
0x43: {  	[sflag:s19] =	ssyncset.done $0x0  }
0x44: {  	[sflag:s19] =	ssyncadd.s32 $0xFFFFC000  }
0x45: {  	[spmem:s2] =	stream.indirect.scatter.add.f32 [tilespmem:s14], [sflag:$0x2], $0x80, s17, s18, $0xb8;
	[tilespmem:$0x18400] =	vst v63  }
0x46: {  	_ =	swait.ge [sflag:s15], $0x4000  }
0x47: {  	[sflag:s15] =	ssyncset.done $0x0  }
0x48: {  	[sflag:s15] =	ssyncadd.s32 $0xFFFFC000  }
0x49: {  	[tilespmem:s14], [sflag:$0x1] =	stream.indirect.gather [hbm4b:s12+s18], $0x80, s25, s18, $0xb8;
	[tilespmem:$0x18400] =	vst v63  }
0x4a: {  	_ =	swait.ge [sflag:s19], $0x4000  }
0x4b: {  	[sflag:s19] =	ssyncset.done $0x0  }
0x4c: {  	[sflag:s19] =	ssyncadd.s32 $0xFFFFC000  }
0x4d: {  	[spmem:s2] =	stream.indirect.scatter.add.f32 [tilespmem:s14], [sflag:$0x2], $0x80, s26, s18, $0xb8;
	[tilespmem:$0x18400] =	vst v63  }
0x4e: {  	_ =	swait.ge [sflag:s15], $0x4000  }
0x4f: {  	[sflag:s15] =	ssyncset.done $0x0  }
0x50: {  	[sflag:s15] =	ssyncadd.s32 $0xFFFFC000  }
0x51: {  	[tilespmem:s14], [sflag:$0x1] =	stream.indirect.gather [hbm4b:s12+s18], $0x80, s28, s18, $0xb8;
	[tilespmem:$0x18400] =	vst v63  }
0x52: {  	_ =	swait.ge [sflag:s19], $0x4000  }
0x53: {  	[sflag:s19] =	ssyncset.done $0x0  }
0x54: {  	[sflag:s19] =	ssyncadd.s32 $0xFFFFC000  }
0x55: {  	[spmem:s2] =	stream.indirect.scatter.add.f32 [tilespmem:s14], [sflag:$0x2], $0x80, s29, s18, $0xb8;
	[tilespmem:$0x18400] =	vst v63  }
0x56: {  	_ =	swait.ge [sflag:s15], $0x4000  }
0x57: {  	[sflag:s15] =	ssyncset.done $0x0  }
0x58: {  	[sflag:s15] =	ssyncadd.s32 $0xFFFFC000  }
0x59: {  	[tilespmem:s14], [sflag:$0x1] =	stream.indirect.gather [hbm4b:s12+s18], $0x80, s30, s18, $0xb8;
	[tilespmem:$0x18400] =	vst v63  }
0x5a: {  	_ =	swait.ge [sflag:s19], $0x4000  }
0x5b: {  	[sflag:s19] =	ssyncset.done $0x0  }
0x5c: {  	[sflag:s19] =	ssyncadd.s32 $0xFFFFC000  }
0x5d: {  	[spmem:s2] =	stream.indirect.scatter.add.f32 [tilespmem:s14], [sflag:$0x2], $0x80, s31, s18, $0xb8;
	[tilespmem:$0x18400] =	vst v63  }
0x5e: {  	_ =	swait.ge [sflag:s15], $0x4000  }
0x5f: {  	[sflag:s15] =	ssyncset.done $0x0  }
0x60: {  	[sflag:s15] =	ssyncadd.s32 $0xFFFFC000  }
0x61: {  	[tilespmem:s14], [sflag:$0x1] =	stream.indirect.gather [hbm4b:s12+s18], $0x80, s0, s18, $0xb8;
	[tilespmem:$0x18400] =	vst v63  }
0x62: {  	_ =	swait.ge [sflag:s19], $0x4000  }
0x63: {  	[sflag:s19] =	ssyncset.done $0x0  }
0x64: {  	[sflag:s19] =	ssyncadd.s32 $0xFFFFC000  }
0x65: {  	[spmem:s2] =	stream.indirect.scatter.add.f32 [tilespmem:s14], [sflag:$0x2], $0x80, s1, s18, $0xb8;
	[tilespmem:$0x18400] =	vst v63  }
0x66: {  	_ =	swait.ge [sflag:s15], $0x4000  }
0x67: {  	[sflag:s15] =	ssyncset.done $0x0  }
0x68: {  	[sflag:s15] =	ssyncadd.s32 $0xFFFFC000  }
0x69: {  	[tilespmem:s14], [sflag:$0x1] =	stream.indirect.gather [hbm4b:s12+s18], $0x80, s4, s18, $0xb8;
	[tilespmem:$0x18400] =	vst v63  }
0x6a: {  	_ =	swait.ge [sflag:s19], $0x4000  }
0x6b: {  	[sflag:s19] =	ssyncset.done $0x0  }
0x6c: {  	[sflag:s19] =	ssyncadd.s32 $0xFFFFC000  }
0x6d: {  	[spmem:s2] =	stream.indirect.scatter.add.f32 [tilespmem:s14], [sflag:$0x2], $0x80, s13, s18, $0xb8;
	[tilespmem:$0x18400] =	vst v63  }
0x6e: {  	_ =	swait.ge [sflag:s15], $0x4000  }
0x6f: {  	[sflag:s15] =	ssyncset.done $0x0  }
0x70: {  	[sflag:s15] =	ssyncadd.s32 $0xFFFFC000  }
0x71: {  	[tilespmem:s14], [sflag:$0x1] =	stream.indirect.gather [hbm4b:s12+s18], $0x80, s20, s18, $0xb8;
	[tilespmem:$0x18400] =	vst v63  }
0x72: {  	_ =	swait.ge [sflag:s19], $0x4000  }
0x73: {  	[sflag:s19] =	ssyncset.done $0x0  }
0x74: {  	[sflag:s19] =	ssyncadd.s32 $0xFFFFC000  }
0x75: {  	[spmem:s2] =	stream.indirect.scatter.add.f32 [tilespmem:s14], [sflag:$0x2], $0x80, s21, s18, $0xb8;
	[tilespmem:$0x18400] =	vst v63  }
0x76: {  	_ =	swait.ge [sflag:s15], $0x4000  }
0x77: {  	[sflag:s15] =	ssyncset.done $0x0  }
0x78: {  	[sflag:s15] =	ssyncadd.s32 $0xFFFFC000  }
0x79: {  	[tilespmem:s14], [sflag:$0x1] =	stream.indirect.gather [hbm4b:s12+s18], $0x80, s22, s18, $0xb8;
	[tilespmem:$0x18400] =	vst v63  }
0x7a: {  	_ =	swait.ge [sflag:s19], $0x4000  }
0x7b: {  	[sflag:s19] =	ssyncset.done $0x0  }
0x7c: {  	[sflag:s19] =	ssyncadd.s32 $0xFFFFC000  }
0x7d: {  	[spmem:s2] =	stream.indirect.scatter.add.f32 [tilespmem:s14], [sflag:$0x2], $0x80, s23, s18, $0xb8;
	[tilespmem:$0x18400] =	vst v63  }
0x7e: {  	_ =	swait.ge [sflag:s15], $0x4000  }
0x7f: {  	s5 =	simm.s32 $0x80;
	s6 =	simm.s32 $0x100;
	[sflag:s15] =	ssyncset.done $0x0  }
.LBB2_2:
0x80: {  	s8 =	sadd.s32 s5, s10  }
0x81: {  	[sflag:s15] =	ssyncadd.s32 $0xFFFFC000;
	s9 =	smov.u32 s6;
	s7 =	sadd.s32 $0x80, s6  }
0x82: {  	[tilespmem:s16], [sflag:$0x2] =	stream.linear.gather [hbm4b:s8+s3], $0x400, $0x38;
	[tilespmem:$0x18400] =	vst v63  }
0x83: {  	p0 =	sne.s32 s6, $0x980;
	_ =	swait.ge [sflag:s15], $0x400  }
0x84: {  	[sflag:s15] =	ssyncset.done $0x0  }
0x85: {  	s6 =	sadd.s32 s5, s11;
	s5 =	smov.u32 s9;
	[sflag:s15] =	ssyncadd.s32 $0xFFFFFC00  }
0x86: {  	[tilespmem:s17], [sflag:$0x2] =	stream.linear.gather [hbm4b:s6+s3], $0x400, $0x38;
	[tilespmem:$0x18400] =	vst v63  }
0x87: {  	_ =	swait.ge [sflag:s15], $0x400  }
0x88: {  	[sflag:s15] =	ssyncset.done $0x0  }
0x89: {  	[sflag:s15] =	ssyncadd.s32 $0xFFFFFC00  }
0x8a: {  	[tilespmem:s14], [sflag:$0x1] =	stream.indirect.gather [hbm4b:s12+s18], $0x80, s16, s18, $0xb8;
	[tilespmem:$0x18400] =	vst v63  }
0x8b: {  	_ =	swait.ge [sflag:s19], $0x4000  }
0x8c: {  	[sflag:s19] =	ssyncset.done $0x0  }
0x8d: {  	[sflag:s19] =	ssyncadd.s32 $0xFFFFC000  }
0x8e: {  	[spmem:s2] =	stream.indirect.scatter.add.f32 [tilespmem:s14], [sflag:$0x2], $0x80, s17, s18, $0xb8;
	[tilespmem:$0x18400] =	vst v63  }
0x8f: {  	_ =	swait.ge [sflag:s15], $0x4000  }
0x90: {  	[sflag:s15] =	ssyncset.done $0x0  }
0x91: {  	[sflag:s15] =	ssyncadd.s32 $0xFFFFC000  }
0x92: {  	[tilespmem:s14], [sflag:$0x1] =	stream.indirect.gather [hbm4b:s12+s18], $0x80, s25, s18, $0xb8;
	[tilespmem:$0x18400] =	vst v63  }
0x93: {  	_ =	swait.ge [sflag:s19], $0x4000  }
0x94: {  	[sflag:s19] =	ssyncset.done $0x0  }
0x95: {  	[sflag:s19] =	ssyncadd.s32 $0xFFFFC000  }
0x96: {  	[spmem:s2] =	stream.indirect.scatter.add.f32 [tilespmem:s14], [sflag:$0x2], $0x80, s26, s18, $0xb8;
	[tilespmem:$0x18400] =	vst v63  }
0x97: {  	_ =	swait.ge [sflag:s15], $0x4000  }
0x98: {  	[sflag:s15] =	ssyncset.done $0x0  }
0x99: {  	[sflag:s15] =	ssyncadd.s32 $0xFFFFC000  }
0x9a: {  	[tilespmem:s14], [sflag:$0x1] =	stream.indirect.gather [hbm4b:s12+s18], $0x80, s28, s18, $0xb8;
	[tilespmem:$0x18400] =	vst v63  }
0x9b: {  	_ =	swait.ge [sflag:s19], $0x4000  }
0x9c: {  	[sflag:s19] =	ssyncset.done $0x0  }
0x9d: {  	[sflag:s19] =	ssyncadd.s32 $0xFFFFC000  }
0x9e: {  	[spmem:s2] =	stream.indirect.scatter.add.f32 [tilespmem:s14], [sflag:$0x2], $0x80, s29, s18, $0xb8;
	[tilespmem:$0x18400] =	vst v63  }
0x9f: {  	_ =	swait.ge [sflag:s15], $0x4000  }
0xa0: {  	[sflag:s15] =	ssyncset.done $0x0  }
0xa1: {  	[sflag:s15] =	ssyncadd.s32 $0xFFFFC000  }
0xa2: {  	[tilespmem:s14], [sflag:$0x1] =	stream.indirect.gather [hbm4b:s12+s18], $0x80, s30, s18, $0xb8;
	[tilespmem:$0x18400] =	vst v63  }
0xa3: {  	_ =	swait.ge [sflag:s19], $0x4000  }
0xa4: {  	[sflag:s19] =	ssyncset.done $0x0  }
0xa5: {  	[sflag:s19] =	ssyncadd.s32 $0xFFFFC000  }
0xa6: {  	[spmem:s2] =	stream.indirect.scatter.add.f32 [tilespmem:s14], [sflag:$0x2], $0x80, s31, s18, $0xb8;
	[tilespmem:$0x18400] =	vst v63  }
0xa7: {  	_ =	swait.ge [sflag:s15], $0x4000  }
0xa8: {  	[sflag:s15] =	ssyncset.done $0x0  }
0xa9: {  	[sflag:s15] =	ssyncadd.s32 $0xFFFFC000  }
0xaa: {  	[tilespmem:s14], [sflag:$0x1] =	stream.indirect.gather [hbm4b:s12+s18], $0x80, s0, s18, $0xb8;
	[tilespmem:$0x18400] =	vst v63  }
0xab: {  	_ =	swait.ge [sflag:s19], $0x4000  }
0xac: {  	[sflag:s19] =	ssyncset.done $0x0  }
0xad: {  	[sflag:s19] =	ssyncadd.s32 $0xFFFFC000  }
0xae: {  	[spmem:s2] =	stream.indirect.scatter.add.f32 [tilespmem:s14], [sflag:$0x2], $0x80, s1, s18, $0xb8;
	[tilespmem:$0x18400] =	vst v63  }
0xaf: {  	_ =	swait.ge [sflag:s15], $0x4000  }
0xb0: {  	[sflag:s15] =	ssyncset.done $0x0  }
0xb1: {  	[sflag:s15] =	ssyncadd.s32 $0xFFFFC000  }
0xb2: {  	[tilespmem:s14], [sflag:$0x1] =	stream.indirect.gather [hbm4b:s12+s18], $0x80, s4, s18, $0xb8;
	[tilespmem:$0x18400] =	vst v63  }
0xb3: {  	_ =	swait.ge [sflag:s19], $0x4000  }
0xb4: {  	[sflag:s19] =	ssyncset.done $0x0  }
0xb5: {  	[sflag:s19] =	ssyncadd.s32 $0xFFFFC000  }
0xb6: {  	[spmem:s2] =	stream.indirect.scatter.add.f32 [tilespmem:s14], [sflag:$0x2], $0x80, s13, s18, $0xb8;
	[tilespmem:$0x18400] =	vst v63  }
0xb7: {  	_ =	swait.ge [sflag:s15], $0x4000  }
0xb8: {  	[sflag:s15] =	ssyncset.done $0x0  }
0xb9: {  	[sflag:s15] =	ssyncadd.s32 $0xFFFFC000  }
0xba: {  	[tilespmem:s14], [sflag:$0x1] =	stream.indirect.gather [hbm4b:s12+s18], $0x80, s20, s18, $0xb8;
	[tilespmem:$0x18400] =	vst v63  }
0xbb: {  	_ =	swait.ge [sflag:s19], $0x4000  }
0xbc: {  	[sflag:s19] =	ssyncset.done $0x0  }
0xbd: {  	[sflag:s19] =	ssyncadd.s32 $0xFFFFC000  }
0xbe: {  	[spmem:s2] =	stream.indirect.scatter.add.f32 [tilespmem:s14], [sflag:$0x2], $0x80, s21, s18, $0xb8;
	[tilespmem:$0x18400] =	vst v63  }
0xbf: {  	_ =	swait.ge [sflag:s15], $0x4000  }
0xc0: {  	[sflag:s15] =	ssyncset.done $0x0  }
0xc1: {  	[sflag:s15] =	ssyncadd.s32 $0xFFFFC000  }
0xc2: {  	[tilespmem:s14], [sflag:$0x1] =	stream.indirect.gather [hbm4b:s12+s18], $0x80, s22, s18, $0xb8;
	[tilespmem:$0x18400] =	vst v63  }
0xc3: {  	_ =	swait.ge [sflag:s19], $0x4000  }
.Ltmp0:
0xc4: {  	[sflag:s19] =	ssyncset.done $0x0;
	(pc) =	sbr.rel @p0 .LBB2_2-.Ltmp0, $4  }
0xc5: {  	[sflag:s19] =	ssyncadd.s32 $0xFFFFC000  }
0xc6: {  	[spmem:s2] =	stream.indirect.scatter.add.f32 [tilespmem:s14], [sflag:$0x2], $0x80, s23, s18, $0xb8;
	[tilespmem:$0x18400] =	vst v63  }
0xc7: {  	_ =	swait.ge [sflag:s15], $0x4000  }
0xc8: {  	s6 =	smov.u32 s7;
	[sflag:s15] =	ssyncset.done $0x0  }
0xc9: {  	s6 =	sadd.s32 s5, s10;
	[sflag:s15] =	ssyncadd.s32 $0xFFFFC000  }
0xca: {  	[tilespmem:s16], [sflag:$0x2] =	stream.linear.gather [hbm4b:s6+s3], $0x400, $0x38;
	[tilespmem:$0x18400] =	vst v63  }
0xcb: {  	_ =	swait.ge [sflag:s15], $0x400  }
0xcc: {  	[sflag:s15] =	ssyncset.done $0x0  }
0xcd: {  	s24 =	sadd.s32 s5, s11;
	[sflag:s15] =	ssyncadd.s32 $0xFFFFFC00  }
0xce: {  	[tilespmem:s17], [sflag:$0x2] =	stream.linear.gather [hbm4b:s24+s3], $0x400, $0x38;
	[tilespmem:$0x18400] =	vst v63  }
0xcf: {  	_ =	swait.ge [sflag:s15], $0x400  }
0xd0: {  	[sflag:s15] =	ssyncset.done $0x0  }
0xd1: {  	[sflag:s15] =	ssyncadd.s32 $0xFFFFFC00  }
0xd2: {  	[tilespmem:s14], [sflag:$0x1] =	stream.indirect.gather [hbm4b:s12+s18], $0x80, s16, s18, $0xb8;
	[tilespmem:$0x18400] =	vst v63  }
0xd3: {  	_ =	swait.ge [sflag:s19], $0x4000  }
0xd4: {  	[sflag:s19] =	ssyncset.done $0x0  }
0xd5: {  	[sflag:s19] =	ssyncadd.s32 $0xFFFFC000  }
0xd6: {  	[spmem:s2] =	stream.indirect.scatter.add.f32 [tilespmem:s14], [sflag:$0x2], $0x80, s17, s18, $0xb8;
	[tilespmem:$0x18400] =	vst v63  }
0xd7: {  	_ =	swait.ge [sflag:s15], $0x4000  }
0xd8: {  	[sflag:s15] =	ssyncset.done $0x0  }
0xd9: {  	[sflag:s15] =	ssyncadd.s32 $0xFFFFC000  }
0xda: {  	[tilespmem:s14], [sflag:$0x1] =	stream.indirect.gather [hbm4b:s12+s18], $0x80, s25, s18, $0xb8;
	[tilespmem:$0x18400] =	vst v63  }
0xdb: {  	_ =	swait.ge [sflag:s19], $0x4000  }
0xdc: {  	[sflag:s19] =	ssyncset.done $0x0  }
0xdd: {  	[sflag:s19] =	ssyncadd.s32 $0xFFFFC000  }
0xde: {  	[spmem:s2] =	stream.indirect.scatter.add.f32 [tilespmem:s14], [sflag:$0x2], $0x80, s26, s18, $0xb8;
	[tilespmem:$0x18400] =	vst v63  }
0xdf: {  	_ =	swait.ge [sflag:s15], $0x4000  }
0xe0: {  	[sflag:s15] =	ssyncset.done $0x0  }
0xe1: {  	[sflag:s15] =	ssyncadd.s32 $0xFFFFC000  }
0xe2: {  	[tilespmem:s14], [sflag:$0x1] =	stream.indirect.gather [hbm4b:s12+s18], $0x80, s28, s18, $0xb8;
	[tilespmem:$0x18400] =	vst v63  }
0xe3: {  	_ =	swait.ge [sflag:s19], $0x4000  }
0xe4: {  	[sflag:s19] =	ssyncset.done $0x0  }
0xe5: {  	[sflag:s19] =	ssyncadd.s32 $0xFFFFC000  }
0xe6: {  	[spmem:s2] =	stream.indirect.scatter.add.f32 [tilespmem:s14], [sflag:$0x2], $0x80, s29, s18, $0xb8;
	[tilespmem:$0x18400] =	vst v63  }
0xe7: {  	_ =	swait.ge [sflag:s15], $0x4000  }
0xe8: {  	[sflag:s15] =	ssyncset.done $0x0  }
0xe9: {  	[sflag:s15] =	ssyncadd.s32 $0xFFFFC000  }
0xea: {  	[tilespmem:s14], [sflag:$0x1] =	stream.indirect.gather [hbm4b:s12+s18], $0x80, s30, s18, $0xb8;
	[tilespmem:$0x18400] =	vst v63  }
0xeb: {  	_ =	swait.ge [sflag:s19], $0x4000  }
0xec: {  	[sflag:s19] =	ssyncset.done $0x0  }
0xed: {  	[sflag:s19] =	ssyncadd.s32 $0xFFFFC000  }
0xee: {  	[spmem:s2] =	stream.indirect.scatter.add.f32 [tilespmem:s14], [sflag:$0x2], $0x80, s31, s18, $0xb8;
	[tilespmem:$0x18400] =	vst v63  }
0xef: {  	_ =	swait.ge [sflag:s15], $0x4000  }
0xf0: {  	[sflag:s15] =	ssyncset.done $0x0  }
0xf1: {  	[sflag:s15] =	ssyncadd.s32 $0xFFFFC000  }
0xf2: {  	[tilespmem:s14], [sflag:$0x1] =	stream.indirect.gather [hbm4b:s12+s18], $0x80, s0, s18, $0xb8;
	[tilespmem:$0x18400] =	vst v63  }
0xf3: {  	_ =	swait.ge [sflag:s19], $0x4000  }
0xf4: {  	[sflag:s19] =	ssyncset.done $0x0  }
0xf5: {  	[sflag:s19] =	ssyncadd.s32 $0xFFFFC000  }
0xf6: {  	[spmem:s2] =	stream.indirect.scatter.add.f32 [tilespmem:s14], [sflag:$0x2], $0x80, s1, s18, $0xb8;
	[tilespmem:$0x18400] =	vst v63  }
0xf7: {  	_ =	swait.ge [sflag:s15], $0x4000  }
0xf8: {  	[sflag:s15] =	ssyncset.done $0x0  }
0xf9: {  	[sflag:s15] =	ssyncadd.s32 $0xFFFFC000  }
0xfa: {  	[tilespmem:s14], [sflag:$0x1] =	stream.indirect.gather [hbm4b:s12+s18], $0x80, s4, s18, $0xb8;
	[tilespmem:$0x18400] =	vst v63  }
0xfb: {  	_ =	swait.ge [sflag:s19], $0x4000  }
0xfc: {  	[sflag:s19] =	ssyncset.done $0x0  }
0xfd: {  	[sflag:s19] =	ssyncadd.s32 $0xFFFFC000  }
0xfe: {  	[spmem:s2] =	stream.indirect.scatter.add.f32 [tilespmem:s14], [sflag:$0x2], $0x80, s13, s18, $0xb8;
	[tilespmem:$0x18400] =	vst v63  }
0xff: {  	_ =	swait.ge [sflag:s15], $0x4000  }
0x100: {  	[sflag:s15] =	ssyncset.done $0x0  }
0x101: {  	[sflag:s15] =	ssyncadd.s32 $0xFFFFC000  }
0x102: {  	[tilespmem:s14], [sflag:$0x1] =	stream.indirect.gather [hbm4b:s12+s18], $0x80, s20, s18, $0xb8;
	[tilespmem:$0x18400] =	vst v63  }
0x103: {  	_ =	swait.ge [sflag:s19], $0x4000  }
0x104: {  	[sflag:s19] =	ssyncset.done $0x0  }
0x105: {  	[sflag:s19] =	ssyncadd.s32 $0xFFFFC000  }
0x106: {  	[spmem:s2] =	stream.indirect.scatter.add.f32 [tilespmem:s14], [sflag:$0x2], $0x80, s21, s18, $0xb8;
	[tilespmem:$0x18400] =	vst v63  }
0x107: {  	_ =	swait.ge [sflag:s15], $0x4000  }
0x108: {  	[sflag:s15] =	ssyncset.done $0x0  }
0x109: {  	[sflag:s15] =	ssyncadd.s32 $0xFFFFC000  }
0x10a: {  	[tilespmem:s14], [sflag:$0x1] =	stream.indirect.gather [hbm4b:s12+s18], $0x80, s22, s18, $0xb8;
	[tilespmem:$0x18400] =	vst v63  }
0x10b: {  	_ =	swait.ge [sflag:s19], $0x4000  }
0x10c: {  	[sflag:s19] =	ssyncset.done $0x0  }
0x10d: {  	[sflag:s19] =	ssyncadd.s32 $0xFFFFC000  }
0x10e: {  	[spmem:s2] =	stream.indirect.scatter.add.f32 [tilespmem:s14], [sflag:$0x2], $0x80, s23, s18, $0xb8;
	[tilespmem:$0x18400] =	vst v63  }
0x10f: {  	_ =	swait.ge [sflag:s15], $0x4000  }
0x110: {  	[sflag:s15] =	ssyncset.done $0x0  }
0x111: {  	[sflag:s15] =	ssyncadd.s32 $0xFFFFC000  }
0x112: {  	[bflag:$0x0] =	sbarrier.arrive $0xFFFF  }
0x113: {  	s6 =	rddreg [dreg:$0x5]  }
0x114: {  	[tilespmem:s14], [sflag:$0x2] =	stream.linear.gather [spmem:s6], $0x4000, $0x38;
	[tilespmem:$0x18400] =	vst v63  }
0x115: {  	_ =	swait.ge [sflag:s15], $0x4000  }
0x116: {  	[sflag:s15] =	ssyncset.done $0x0  }
0x117: {  	s7 =	rddreg [dreg:$0xb];
	[sflag:s15] =	ssyncadd.s32 $0xFFFFC000  }
0x118: {  	[hbm4b:s7+s3] =	stream.linear.scatter [tilespmem:s14], [sflag:$0x2], $0x4000, $0x38;
	[tilespmem:$0x18400] =	vst v63  }
0x119: {  	_ =	swait.ge [sflag:s15], $0x4000  }
0x11a: {  	[sflag:s15] =	ssyncset.done $0x0  }
0x11b: {  	s7 =	rddreg [dreg:$0x6];
	[sflag:s15] =	ssyncadd.s32 $0xFFFFC000  }
0x11c: {  	[tilespmem:s14], [sflag:$0x2] =	stream.linear.gather [spmem:s7], $0x4000, $0x38;
	[tilespmem:$0x18400] =	vst v63  }
0x11d: {  	_ =	swait.ge [sflag:s15], $0x4000  }
0x11e: {  	[sflag:s15] =	ssyncset.done $0x0  }
0x11f: {  	s8 =	rddreg [dreg:$0xc];
	[sflag:s15] =	ssyncadd.s32 $0xFFFFC000  }
0x120: {  	[hbm4b:s8+s3] =	stream.linear.scatter [tilespmem:s14], [sflag:$0x2], $0x4000, $0x38;
	[tilespmem:$0x18400] =	vst v63  }
0x121: {  	_ =	swait.ge [sflag:s15], $0x4000  }
0x122: {  	[sflag:s15] =	ssyncset.done $0x0  }
0x123: {  	s6 =	rddreg [dreg:$0x7];
	[sflag:s15] =	ssyncadd.s32 $0xFFFFC000  }
0x124: {  	[tilespmem:s14], [sflag:$0x2] =	stream.linear.gather [spmem:s6], $0x4000, $0x38;
	[tilespmem:$0x18400] =	vst v63  }
0x125: {  	_ =	swait.ge [sflag:s15], $0x4000  }
0x126: {  	[sflag:s15] =	ssyncset.done $0x0  }
0x127: {  	s9 =	rddreg [dreg:$0xd];
	[sflag:s15] =	ssyncadd.s32 $0xFFFFC000  }
0x128: {  	[hbm4b:s9+s3] =	stream.linear.scatter [tilespmem:s14], [sflag:$0x2], $0x4000, $0x38;
	[tilespmem:$0x18400] =	vst v63  }
0x129: {  	_ =	swait.ge [sflag:s15], $0x4000  }
0x12a: {  	[sflag:s15] =	ssyncset.done $0x0  }
0x12b: {  	s9 =	rddreg [dreg:$0x8];
	[sflag:s15] =	ssyncadd.s32 $0xFFFFC000  }
0x12c: {  	[tilespmem:s14], [sflag:$0x2] =	stream.linear.gather [spmem:s9], $0x4000, $0x38;
	[tilespmem:$0x18400] =	vst v63  }
0x12d: {  	_ =	swait.ge [sflag:s15], $0x4000  }
0x12e: {  	[sflag:s15] =	ssyncset.done $0x0  }
0x12f: {  	s24 =	rddreg [dreg:$0xe];
	[sflag:s15] =	ssyncadd.s32 $0xFFFFC000  }
0x130: {  	[hbm4b:s24+s3] =	stream.linear.scatter [tilespmem:s14], [sflag:$0x2], $0x4000, $0x38;
	[tilespmem:$0x18400] =	vst v63  }
0x131: {  	_ =	swait.ge [sflag:s15], $0x4000  }
0x132: {  	[sflag:s15] =	ssyncset.done $0x0  }
0x133: {  	s24 =	rddreg [dreg:$0x9];
	[sflag:s15] =	ssyncadd.s32 $0xFFFFC000  }
0x134: {  	[tilespmem:s14], [sflag:$0x2] =	stream.linear.gather [spmem:s24], $0x3C00, $0x38;
	[tilespmem:$0x18400] =	vst v63  }
0x135: {  	_ =	swait.ge [sflag:s15], $0x3C00  }
0x136: {  	[sflag:s15] =	ssyncset.done $0x0  }
0x137: {  	s8 =	rddreg [dreg:$0xf];
	[sflag:s15] =	ssyncadd.s32 $0xFFFFC400  }
0x138: {  	[hbm4b:s8+s3] =	stream.linear.scatter [tilespmem:s14], [sflag:$0x2], $0x3C00, $0x38;
	[tilespmem:$0x18400] =	vst v63  }
0x139: {  	_ =	swait.ge [sflag:s15], $0x3C00  }
0x13a: {  	s8 =	rddreg [dreg:$0x10]  }
0x13b: {  	s5 =	rddreg [dreg:$0xa];
	s8 =	sadd.s32 $0x1, s8  }
0x13c: {  	p0 =	sne.s32 s8, s5  }
.Ltmp1:
0x13d: {  	_ = 	snop;
	(pc) =	sbr.rel @p0 .LBB2_1-.Ltmp1, $3  }
0x13e: {  	_ =	sdelay $0x1  }
0x13f: {  	[sflag:s15] =	ssyncset.done $0x0;
	[dreg:$0x10] =	wrdreg s8  }
0x140: {  	[sflag:s15] =	ssyncadd.s32 $0xFFFFC400;
	s8 =	smov.u32 s6;
	s6 =	rddreg [dreg:$0x5]  }
0x141: {  	_ =	sfence.sel $0x180000  }
0x142: {  	[bflag:$0x0] =	sbarrier.arrive $0xFFFF  }
0x143: {  	_ =	strace $0x90000050  }
0x144: {  	s0 =	stileid.u32;
	[bflag:$0x2] =	sbarrier.arrive $0xFFFF  }
0x145: {  	p0 =	sne.s32 s0, $0x0;
	s0 =	rddreg [dreg:$0x3]  }
0x146: {  	s0 =	sadd.s32 @!p0 $0x100000, s0  }
0x147: {  	[sflag:s0] =	ssyncadd.tile.s32 @!p0 $0x1;
	_ =	shalt  }
.Lfunc_end2:
_tile_overlayer_lowered:
.L_overlay_start_2:
0x148: {  	(tag) =	ssettag $0x2  }
0x149: {  	s0 =	rddreg [dreg:$0x0];
	s2 =	stileid.u32  }
0x14a: {  	s1 =	rddreg [dreg:$0x1];
	p0 =	sne.s32 s2, $0x0  }
0x14b: {  	s3 =	rddreg [dreg:$0x2];
	[bflag:$0x3] =	sbarrier.arrive $0xFFFF;
	s2 =	simm.s32 @!p0 $0x1C02  }
0x14c: {  	[timem:s3], [sflag:s2] =	dma.local @!p0 [hbm:s0], s1  }
0x14d: {  	s0 =	simm.s32 @!p0 $0x2  }
0x14e: {  	_ =	swait.ge @!p0 [sflag:s0], s1  }
0x14f: {  	s1 =	ssub.s32 @!p0 $0x0, s1;
	[sflag:s0] =	ssyncset.done @!p0 $0x0  }
0x150: {  	[sflag:s0] =	ssyncadd.s32 @!p0 s1  }
0x151: {  	[bflag:$0x3] =	sbarrier.arrive $0xFFFF  }
0x152: {  	_ =	shalt  }

</sc_bundles>
